<compile_context>
chip_gen: v7x
topology: tpu7x:2x2x1
jax: 0.10.2.dev20260603
libtpu: 0.0.44.dev20260713+nightly
codegen_flags: <defaults>
</compile_context>

<pallas_src>
import functools

import jax
import jax.numpy as jnp
from jax import lax
from jax.experimental import pallas as pl
from jax.experimental.pallas import tpu as pltpu
from jax.experimental.pallas import tpu_sc as plsc

B, C, N = 16, 3, 4096
K = 20
NCHUNK = N // 16
GI = 2
M = 7
ROWS_W = 2048
NEG = -3.4e38

_mesh = plsc.VectorSubcoreMesh(core_axis_name="c", subcore_axis_name="s")


@functools.partial(
    pl.kernel,
    out_type=jax.ShapeDtypeStruct((B * C * N,), jnp.float32),
    mesh=_mesh,
    scratch_types=[
        pltpu.VMEM((N,), jnp.float32),
        pltpu.VMEM((N,), jnp.float32),
        pltpu.VMEM((N,), jnp.float32),
        pltpu.VMEM((N,), jnp.float32),
        pltpu.VMEM((N,), jnp.float32),
        pltpu.VMEM((N,), jnp.float32),
        pltpu.VMEM((N,), jnp.float32),
        pltpu.VMEM((C * ROWS_W,), jnp.float32),
    ],
    compiler_params=pltpu.CompilerParams(needs_layout_passes=False),
)
def _sc_knn(x_hbm, out_hbm, x0v, x1v, x2v, rv, bx0v, bx1v, bx2v, md_stage):
    wid = lax.axis_index("c") * 16 + lax.axis_index("s")
    b = wid // 2
    half = wid % 2
    iota = lax.iota(jnp.int32, 16)
    idx15 = jnp.full((16,), 15, jnp.int32)

    for c, xcv in enumerate((x0v, x1v, x2v)):
        pltpu.sync_copy(x_hbm.at[pl.ds((3 * b + c) * N, N)], xcv)

    def rsq_body(t, _):
        o = t * 16
        a0 = x0v[pl.ds(o, 16)]
        a1 = x1v[pl.ds(o, 16)]
        a2 = x2v[pl.ds(o, 16)]
        rv[pl.ds(o, 16)] = a0 * a0 + a1 * a1 + a2 * a2

        def bf16_round(v):
            u = plsc.bitcast(v, jnp.int32)
            u = u + 0x7FFF + (lax.shift_right_logical(u, 16) & 1)
            u = u & jnp.int32(-65536)
            return plsc.bitcast(u, jnp.float32)
        bx0v[pl.ds(o, 16)] = bf16_round(a0)
        bx1v[pl.ds(o, 16)] = bf16_round(a1)
        bx2v[pl.ds(o, 16)] = bf16_round(a2)
        return 0
    lax.fori_loop(0, NCHUNK, rsq_body, 0)

    row0 = half * ROWS_W
    inf16 = jnp.full((16,), jnp.float32(3.4e38))
    neg16 = jnp.full((16,), NEG, jnp.float32)
    zero16 = jnp.zeros((16,), jnp.int32)
    k16 = jnp.full((16,), K, jnp.int32)

    def _bcast15(v):
        return v[idx15]

    def group_body(g, _):
        base = row0 + g * 16
        cx0 = x0v[pl.ds(base, 16)]
        cx1 = x1v[pl.ds(base, 16)]
        cx2 = x2v[pl.ds(base, 16)]
        cb0 = bx0v[pl.ds(base, 16)]
        cb1 = bx1v[pl.ds(base, 16)]
        cb2 = bx2v[pl.ds(base, 16)]
        crq = rv[pl.ds(base, 16)]

        mdv = [neg16, neg16, neg16]
        for sb in range(16 // GI):
            lanes = [sb * GI + r for r in range(GI)]
            a0s = [-2.0 * cb0[l] for l in lanes]
            a1s = [-2.0 * cb1[l] for l in lanes]
            a2s = [-2.0 * cb2[l] for l in lanes]
            nrqs = [-crq[l] for l in lanes]

            def a_body(t, tops, a0s=a0s, a1s=a1s, a2s=a2s, nrqs=nrqs):
                o = t * 16
                xj0 = bx0v[pl.ds(o, 16)]
                xj1 = bx1v[pl.ds(o, 16)]
                xj2 = bx2v[pl.ds(o, 16)]
                rj = rv[pl.ds(o, 16)]
                new_tops = []
                for r in range(GI):
                    inner = a0s[r] * xj0 + a1s[r] * xj1 + a2s[r] * xj2
                    d = rj - (nrqs[r] - inner)
                    d = jnp.maximum(d, 0.0)
                    cur = list(tops[r])
                    x = d
                    for m in range(M):
                        lo_ = jnp.minimum(cur[m], x)
                        x = jnp.maximum(cur[m], x)
                        cur[m] = lo_
                    new_tops.append(tuple(cur))
                return tuple(new_tops)

            tops = lax.fori_loop(
                0, NCHUNK, a_body, ((inf16,) * M,) * GI)

            topbits = [[plsc.bitcast(tops[r][m], jnp.int32)
                        for m in range(M)] for r in range(GI)]

            def c_body(_, lohi):
                los, his = lohi
                mids = [los[r] + lax.shift_right_logical(his[r] - los[r], 1)
                        for r in range(GI)]
                new_lo, new_hi = [], []
                for r in range(GI):
                    acc = zero16
                    for m in range(M):
                        acc = acc + jnp.where(topbits[r][m] <= mids[r], 1, 0)
                    tot = _bcast15(jnp.cumsum(acc))
                    ge = tot >= k16
                    new_lo.append(jnp.where(ge, los[r], mids[r] + 1))
                    new_hi.append(jnp.where(ge, mids[r], his[r]))
                return tuple(new_lo), tuple(new_hi)

            himax = jnp.full((16,), 0x7F7FFFFF, jnp.int32)
            _, his = lax.fori_loop(
                0, 31, c_body, ((zero16,) * GI, (himax,) * GI))
            v20f = [plsc.bitcast(his[r], jnp.float32) for r in range(GI)]

            def d_body(t, mxs, a0s=a0s, a1s=a1s, a2s=a2s, nrqs=nrqs,
                       v20f=v20f):
                o = t * 16
                xj0 = bx0v[pl.ds(o, 16)]
                xj1 = bx1v[pl.ds(o, 16)]
                xj2 = bx2v[pl.ds(o, 16)]
                rj = rv[pl.ds(o, 16)]
                g0 = x0v[pl.ds(o, 16)]
                g1 = x1v[pl.ds(o, 16)]
                g2 = x2v[pl.ds(o, 16)]
                new_mxs = []
                for r in range(GI):
                    inner = a0s[r] * xj0 + a1s[r] * xj1 + a2s[r] * xj2
                    d = rj - (nrqs[r] - inner)
                    mask = d <= v20f[r]
                    mx = mxs[r]
                    new_mxs.append((
                        jnp.maximum(mx[0], jnp.where(mask, g0, NEG)),
                        jnp.maximum(mx[1], jnp.where(mask, g1, NEG)),
                        jnp.maximum(mx[2], jnp.where(mask, g2, NEG))))
                return tuple(new_mxs)

            mxs = lax.fori_loop(
                0, NCHUNK, d_body, ((neg16,) * 3,) * GI)

            for r in range(GI):
                lane = lanes[r]
                sel = iota == lane
                mdv[0] = jnp.where(sel, jnp.max(mxs[r][0]) - cx0[lane],
                                   mdv[0])
                mdv[1] = jnp.where(sel, jnp.max(mxs[r][1]) - cx1[lane],
                                   mdv[1])
                mdv[2] = jnp.where(sel, jnp.max(mxs[r][2]) - cx2[lane],
                                   mdv[2])

        lo = g * 16
        md_stage[pl.ds(lo, 16)] = mdv[0]
        md_stage[pl.ds(ROWS_W + lo, 16)] = mdv[1]
        md_stage[pl.ds(2 * ROWS_W + lo, 16)] = mdv[2]
        return 0

    lax.fori_loop(0, ROWS_W // 16, group_body, 0)

    for c in range(C):
        pltpu.sync_copy(
            md_stage.at[pl.ds(c * ROWS_W, ROWS_W)],
            out_hbm.at[pl.ds((3 * b + c) * N + half * ROWS_W, ROWS_W)])


@jax.jit
def _run(x):
    md = _sc_knn(x.reshape(B * C * N)).reshape(B, C, N)
    return jnp.concatenate([x, md, x], axis=1)


def kernel(x, k):
    out = _run(x)
    k_zero = (jnp.asarray(k) - jnp.asarray(k)).astype(out.dtype)
    return out + k_zero

# --- scband reference (transcript-rebuilt; emitter-appended) ---
"""Pipeline reference for scband-lgpr-40742059770639 (READ-ONLY COPY).

The authoritative reference and input builder live on the scoring server;
editing this copy changes nothing except your own understanding.
"""

import jax, jax.numpy as jnp
import numpy as np

SPLIT_SIZE = 4

def knn(x, k):
    # x: [b, C, N]
    inner = -2.0 * jnp.matmul(jnp.transpose(x, (0, 2, 1)), x)
    xx = jnp.sum(x ** 2, axis=1, keepdims=True)  # [b, 1, N]
    pairwise_distance = -xx - inner - jnp.transpose(xx, (0, 2, 1))
    _, idx = jax.lax.top_k(pairwise_distance, k)  # [b, N, k]
    return idx

def get_graph_feature(split_x, k, split_size=SPLIT_SIZE):
    batch_size_yuan = split_x.shape[0]
    neighbors_list = []
    for i in range(0, batch_size_yuan, split_size):
        x = split_x[i:i + split_size, :, :]  # [b, C, N]
        batch_size = x.shape[0]
        num_points = x.shape[2]
        x = x.reshape(batch_size, -1, num_points)
        idx = knn(x, k=k)
        idx_base = jnp.arange(0, batch_size).reshape(-1, 1, 1) * num_points
        idx = (idx + idx_base).reshape(-1)
        num_dims = x.shape[1]
        xt = jnp.transpose(x, (0, 2, 1)).reshape(batch_size * num_points, -1)
        feature = jnp.take(xt, idx, axis=0).reshape(batch_size, num_points, k, num_dims)
        xe = xt.reshape(batch_size, num_points, 1, num_dims)
        xe = jnp.broadcast_to(xe, (batch_size, num_points, k, num_dims))
        feature = jnp.transpose(jnp.concatenate([feature - xe, xe], axis=3), (0, 3, 1, 2))
        neighbors_list.append(feature)
    neighbors = jnp.concatenate(neighbors_list, axis=0)
    return neighbors

def setup_inputs(seed: int = 0) -> dict:
    key = jax.random.key(seed)
    x = jax.random.normal(key, (16, 3, 4096), dtype=jnp.float32)
    return {"x": x, "k": 20}

def reference(x, k):
    # x: [B, C, N]
    K = 20
    x = jnp.transpose(x, (0, 2, 1))  # [B, N, C]
    yuan = x
    f = get_graph_feature(jnp.transpose(x, (0, 2, 1)), K)  # [B, 2C, N, k]
    f = jnp.max(f, axis=3)  # [B, 2C, N]
    out = jnp.concatenate([yuan, jnp.transpose(f, (0, 2, 1))], axis=-1)  # [B, N, 3C]
    k_zero = (jnp.asarray(k) - jnp.asarray(k)).astype(out.dtype)
    return jnp.transpose(out, (0, 2, 1)) + k_zero  # [B, 3C, N]

if __name__ == "__main__":
    import jax
    _d = setup_inputs()
    print(jax.jit(kernel)(*tuple(_d.values())))

</pallas_src>

<mosaic_0001>
#map = affine_map<(d0, d1) -> (0)>
module attributes {stable_mosaic.version = 14 : i64} {
  func.func @_sc_knn(%arg0: i32, %arg1: i32, %arg2: memref<196608xf32, #tpu.memory_space<hbm>>, %arg3: memref<196608xf32, #tpu.memory_space<hbm>>, %arg4: memref<4096xf32, #tpu.memory_space<vmem>>, %arg5: memref<4096xf32, #tpu.memory_space<vmem>>, %arg6: memref<4096xf32, #tpu.memory_space<vmem>>, %arg7: memref<4096xf32, #tpu.memory_space<vmem>>, %arg8: memref<4096xf32, #tpu.memory_space<vmem>>, %arg9: memref<4096xf32, #tpu.memory_space<vmem>>, %arg10: memref<4096xf32, #tpu.memory_space<vmem>>, %arg11: memref<6144xf32, #tpu.memory_space<vmem>>) attributes {dimension_semantics = [#tpu.dimension_semantics<core_parallel>, #tpu.dimension_semantics<subcore_parallel>], iteration_bounds = array<i64: 2, 16>, scalar_prefetch = 0 : i64, scratch_operands = 8 : i64, tpu.core_type = #tpu.core_type<sc_vector_subcore>, window_params = [{transform_indices = #map}, {transform_indices = #map}]} {
    %mul3A = arith.constant 16 : i32
    %mul3A_0 = arith.muli %arg0, %mul3A : i32
    %add3A = arith.addi %mul3A_0, %arg1 : i32
    %jit3A = arith.constant 2 : i32
    %div3A = arith.divsi %add3A, %jit3A : i32
    %sign3A = arith.constant 0 : i32
    %sign3A_1 = arith.cmpi sgt, %add3A, %sign3A : i32
    %sign3A_2 = arith.extui %sign3A_1 : i1 to i32
    %sign3A_3 = arith.constant 0 : i32
    %sign3A_4 = arith.cmpi slt, %add3A, %sign3A_3 : i32
    %sign3A_5 = arith.extui %sign3A_4 : i1 to i32
    %sign3A_6 = arith.subi %sign3A_2, %sign3A_5 : i32
    %sign3A_7 = arith.constant 0 : i32
    %sign3A_8 = arith.cmpi sgt, %jit3A, %sign3A_7 : i32
    %sign3A_9 = arith.extui %sign3A_8 : i1 to i32
    %sign3A_10 = arith.constant 0 : i32
    %sign3A_11 = arith.cmpi slt, %jit3A, %sign3A_10 : i32
    %sign3A_12 = arith.extui %sign3A_11 : i1 to i32
    %sign3A_13 = arith.subi %sign3A_9, %sign3A_12 : i32
    %ne3A = arith.cmpi ne, %sign3A_6, %sign3A_13 : i32
    %rem3A = arith.remsi %add3A, %jit3A : i32
    %ne3A_14 = arith.constant 0 : i32
    %ne3A_15 = arith.cmpi ne, %rem3A, %ne3A_14 : i32
    %and3A = arith.andi %ne3A, %ne3A_15 : i1
    %sub3A = arith.constant 1 : i32
    %sub3A_16 = arith.subi %div3A, %sub3A : i32
    %select_n3A = arith.select %and3A, %sub3A_16, %div3A : i32
    %jit3A_17 = arith.constant 2 : i32
    %eq3A = arith.constant 0 : i32
    %eq3A_18 = arith.cmpi eq, %jit3A_17, %eq3A : i32
    %jit3A_19 = arith.constant 1 : i32
    %select_n3A_20 = arith.select %eq3A_18, %jit3A_19, %jit3A_17 : i32
    %rem3A_21 = arith.remsi %add3A, %select_n3A_20 : i32
    %ne3A_22 = arith.constant 0 : i32
    %ne3A_23 = arith.cmpi ne, %rem3A_21, %ne3A_22 : i32
    %lt3A = arith.constant 0 : i32
    %lt3A_24 = arith.cmpi slt, %rem3A_21, %lt3A : i32
    %lt3A_25 = arith.constant 0 : i32
    %lt3A_26 = arith.cmpi slt, %select_n3A_20, %lt3A_25 : i32
    %ne3A_27 = arith.xori %lt3A_24, %lt3A_26 : i1
    %and3A_28 = arith.andi %ne3A_27, %ne3A_23 : i1
    %add3A_29 = arith.addi %rem3A_21, %select_n3A_20 : i32
    %select_n3A_30 = arith.select %and3A_28, %add3A_29, %rem3A_21 : i32
    %iota3A = tpu.iota {dimensions = array<i32: 0>} : vector<16xi32>
    %broadcast_in_dim3A = arith.constant 15 : i32
    %broadcast_in_dim3A_31 = vector.broadcast %broadcast_in_dim3A : i32 to vector<16xi32>
    %mul3A_32 = arith.constant 3 : i32
    %mul3A_33 = arith.muli %mul3A_32, %select_n3A : i32
    %add3A_34 = arith.constant 0 : i32
    %add3A_35 = arith.addi %mul3A_33, %add3A_34 : i32
    %mul3A_36 = arith.constant 4096 : i32
    %mul3A_37 = arith.muli %add3A_35, %mul3A_36 : i32
    "tpu.region"() ({
      %run_scoped3A = tpu.sem_alloc : memref<!tpu.dma_semaphore, #tpu.memory_space<semaphore_mem>>
      %dma_start3A = tpu.memref_slice %arg2[%mul3A_37] : memref<196608xf32, #tpu.memory_space<hbm>> -> memref<4096xf32, #tpu.memory_space<hbm>>
      %dma_start3A_100 = tpu.memref_slice %arg2[%mul3A_37] : memref<196608xf32, #tpu.memory_space<hbm>> -> memref<4096xf32, #tpu.memory_space<hbm>>
      tpu.enqueue_dma source(%dma_start3A_100 : memref<4096xf32, #tpu.memory_space<hbm>>) target(%arg4 : memref<4096xf32, #tpu.memory_space<vmem>>) target_semaphore(%run_scoped3A : memref<!tpu.dma_semaphore, #tpu.memory_space<semaphore_mem>>)
      %dma_wait3A = tpu.memref_slice %arg2[%mul3A_37] : memref<196608xf32, #tpu.memory_space<hbm>> -> memref<4096xf32, #tpu.memory_space<hbm>>
      %dma_wait3A_101 = tpu.memref_slice %arg2[%mul3A_37] : memref<196608xf32, #tpu.memory_space<hbm>> -> memref<4096xf32, #tpu.memory_space<hbm>>
      tpu.wait_dma2 semaphore(%run_scoped3A : memref<!tpu.dma_semaphore, #tpu.memory_space<semaphore_mem>>) src(%dma_wait3A_101 : memref<4096xf32, #tpu.memory_space<hbm>>) dst(%arg4 : memref<4096xf32, #tpu.memory_space<vmem>>)
      tpu.yield
    }) : () -> ()
    %mul3A_38 = arith.constant 3 : i32
    %mul3A_39 = arith.muli %mul3A_38, %select_n3A : i32
    %add3A_40 = arith.constant 1 : i32
    %add3A_41 = arith.addi %mul3A_39, %add3A_40 : i32
    %mul3A_42 = arith.constant 4096 : i32
    %mul3A_43 = arith.muli %add3A_41, %mul3A_42 : i32
    "tpu.region"() ({
      %run_scoped3A = tpu.sem_alloc : memref<!tpu.dma_semaphore, #tpu.memory_space<semaphore_mem>>
      %dma_start3A = tpu.memref_slice %arg2[%mul3A_43] : memref<196608xf32, #tpu.memory_space<hbm>> -> memref<4096xf32, #tpu.memory_space<hbm>>
      %dma_start3A_100 = tpu.memref_slice %arg2[%mul3A_43] : memref<196608xf32, #tpu.memory_space<hbm>> -> memref<4096xf32, #tpu.memory_space<hbm>>
      tpu.enqueue_dma source(%dma_start3A_100 : memref<4096xf32, #tpu.memory_space<hbm>>) target(%arg5 : memref<4096xf32, #tpu.memory_space<vmem>>) target_semaphore(%run_scoped3A : memref<!tpu.dma_semaphore, #tpu.memory_space<semaphore_mem>>)
      %dma_wait3A = tpu.memref_slice %arg2[%mul3A_43] : memref<196608xf32, #tpu.memory_space<hbm>> -> memref<4096xf32, #tpu.memory_space<hbm>>
      %dma_wait3A_101 = tpu.memref_slice %arg2[%mul3A_43] : memref<196608xf32, #tpu.memory_space<hbm>> -> memref<4096xf32, #tpu.memory_space<hbm>>
      tpu.wait_dma2 semaphore(%run_scoped3A : memref<!tpu.dma_semaphore, #tpu.memory_space<semaphore_mem>>) src(%dma_wait3A_101 : memref<4096xf32, #tpu.memory_space<hbm>>) dst(%arg5 : memref<4096xf32, #tpu.memory_space<vmem>>)
      tpu.yield
    }) : () -> ()
    %mul3A_44 = arith.constant 3 : i32
    %mul3A_45 = arith.muli %mul3A_44, %select_n3A : i32
    %add3A_46 = arith.constant 2 : i32
    %add3A_47 = arith.addi %mul3A_45, %add3A_46 : i32
    %mul3A_48 = arith.constant 4096 : i32
    %mul3A_49 = arith.muli %add3A_47, %mul3A_48 : i32
    "tpu.region"() ({
      %run_scoped3A = tpu.sem_alloc : memref<!tpu.dma_semaphore, #tpu.memory_space<semaphore_mem>>
      %dma_start3A = tpu.memref_slice %arg2[%mul3A_49] : memref<196608xf32, #tpu.memory_space<hbm>> -> memref<4096xf32, #tpu.memory_space<hbm>>
      %dma_start3A_100 = tpu.memref_slice %arg2[%mul3A_49] : memref<196608xf32, #tpu.memory_space<hbm>> -> memref<4096xf32, #tpu.memory_space<hbm>>
      tpu.enqueue_dma source(%dma_start3A_100 : memref<4096xf32, #tpu.memory_space<hbm>>) target(%arg6 : memref<4096xf32, #tpu.memory_space<vmem>>) target_semaphore(%run_scoped3A : memref<!tpu.dma_semaphore, #tpu.memory_space<semaphore_mem>>)
      %dma_wait3A = tpu.memref_slice %arg2[%mul3A_49] : memref<196608xf32, #tpu.memory_space<hbm>> -> memref<4096xf32, #tpu.memory_space<hbm>>
      %dma_wait3A_101 = tpu.memref_slice %arg2[%mul3A_49] : memref<196608xf32, #tpu.memory_space<hbm>> -> memref<4096xf32, #tpu.memory_space<hbm>>
      tpu.wait_dma2 semaphore(%run_scoped3A : memref<!tpu.dma_semaphore, #tpu.memory_space<semaphore_mem>>) src(%dma_wait3A_101 : memref<4096xf32, #tpu.memory_space<hbm>>) dst(%arg6 : memref<4096xf32, #tpu.memory_space<vmem>>)
      tpu.yield
    }) : () -> ()
    %scan3A = arith.constant 0 : i32
    %scan3A_50 = arith.constant 0 : i32
    %scan3A_51 = arith.constant 256 : i32
    %scan3A_52 = arith.addi %scan3A_50, %scan3A_51 : i32
    %scan3A_53 = arith.constant 1 : i32
    %scan3A_54 = scf.for %scan3A_100 = %scan3A_50 to %scan3A_52 step %scan3A_53 iter_args(%scan3A_101 = %scan3A) -> (i32)  : i32 {
      %mul3A_102 = arith.constant 16 : i32
      %mul3A_103 = arith.muli %scan3A_100, %mul3A_102 : i32
      %get3A = arith.index_cast %mul3A_103 : i32 to index
      %get3A_104 = tpu.vector_load %arg4[%get3A] {strides = array<i32>} : memref<4096xf32, #tpu.memory_space<vmem>>, vector<16xf32>,
      %get3A_105 = arith.index_cast %mul3A_103 : i32 to index
      %get3A_106 = tpu.vector_load %arg5[%get3A_105] {strides = array<i32>} : memref<4096xf32, #tpu.memory_space<vmem>>, vector<16xf32>,
      %get3A_107 = arith.index_cast %mul3A_103 : i32 to index
      %get3A_108 = tpu.vector_load %arg6[%get3A_107] {strides = array<i32>} : memref<4096xf32, #tpu.memory_space<vmem>>, vector<16xf32>,
      %mul3A_109 = arith.mulf %get3A_104, %get3A_104 : vector<16xf32>
      %mul3A_110 = arith.mulf %get3A_106, %get3A_106 : vector<16xf32>
      %add3A_111 = arith.addf %mul3A_109, %mul3A_110 : vector<16xf32>
      %mul3A_112 = arith.mulf %get3A_108, %get3A_108 : vector<16xf32>
      %add3A_113 = arith.addf %add3A_111, %mul3A_112 : vector<16xf32>
      %swap3A = arith.index_cast %mul3A_103 : i32 to index
      %swap3A_114 = tpu.vector_load %arg7[%swap3A] {strides = array<i32>} : memref<4096xf32, #tpu.memory_space<vmem>>, vector<16xf32>,
      tpu.vector_store %arg7[%swap3A], %add3A_113 {strides = array<i32>} : memref<4096xf32, #tpu.memory_space<vmem>>, vector<16xf32>,
      %bitcast3A = vector.bitcast %get3A_104 : vector<16xf32> to vector<16xi32>
      %add3A_115 = arith.constant 32767 : i32
      %add3A_116 = vector.broadcast %add3A_115 : i32 to vector<16xi32>
      %add3A_117 = arith.addi %bitcast3A, %add3A_116 : vector<16xi32>
      %shift_right_logical3A = arith.constant 16 : i32
      %shift_right_logical3A_118 = vector.broadcast %shift_right_logical3A : i32 to vector<16xi32>
      %shift_right_logical3A_119 = arith.shrui %bitcast3A, %shift_right_logical3A_118 : vector<16xi32>
      %and3A_120 = arith.constant 1 : i32
      %and3A_121 = vector.broadcast %and3A_120 : i32 to vector<16xi32>
      %and3A_122 = arith.andi %shift_right_logical3A_119, %and3A_121 : vector<16xi32>
      %add3A_123 = arith.addi %add3A_117, %and3A_122 : vector<16xi32>
      %and3A_124 = arith.constant -65536 : i32
      %and3A_125 = vector.broadcast %and3A_124 : i32 to vector<16xi32>
      %and3A_126 = arith.andi %add3A_123, %and3A_125 : vector<16xi32>
      %bitcast3A_127 = vector.bitcast %and3A_126 : vector<16xi32> to vector<16xf32>
      %swap3A_128 = arith.index_cast %mul3A_103 : i32 to index
      %swap3A_129 = tpu.vector_load %arg8[%swap3A_128] {strides = array<i32>} : memref<4096xf32, #tpu.memory_space<vmem>>, vector<16xf32>,
      tpu.vector_store %arg8[%swap3A_128], %bitcast3A_127 {strides = array<i32>} : memref<4096xf32, #tpu.memory_space<vmem>>, vector<16xf32>,
      %bitcast3A_130 = vector.bitcast %get3A_106 : vector<16xf32> to vector<16xi32>
      %add3A_131 = arith.constant 32767 : i32
      %add3A_132 = vector.broadcast %add3A_131 : i32 to vector<16xi32>
      %add3A_133 = arith.addi %bitcast3A_130, %add3A_132 : vector<16xi32>
      %shift_right_logical3A_134 = arith.constant 16 : i32
      %shift_right_logical3A_135 = vector.broadcast %shift_right_logical3A_134 : i32 to vector<16xi32>
      %shift_right_logical3A_136 = arith.shrui %bitcast3A_130, %shift_right_logical3A_135 : vector<16xi32>
      %and3A_137 = arith.constant 1 : i32
      %and3A_138 = vector.broadcast %and3A_137 : i32 to vector<16xi32>
      %and3A_139 = arith.andi %shift_right_logical3A_136, %and3A_138 : vector<16xi32>
      %add3A_140 = arith.addi %add3A_133, %and3A_139 : vector<16xi32>
      %and3A_141 = arith.constant -65536 : i32
      %and3A_142 = vector.broadcast %and3A_141 : i32 to vector<16xi32>
      %and3A_143 = arith.andi %add3A_140, %and3A_142 : vector<16xi32>
      %bitcast3A_144 = vector.bitcast %and3A_143 : vector<16xi32> to vector<16xf32>
      %swap3A_145 = arith.index_cast %mul3A_103 : i32 to index
      %swap3A_146 = tpu.vector_load %arg9[%swap3A_145] {strides = array<i32>} : memref<4096xf32, #tpu.memory_space<vmem>>, vector<16xf32>,
      tpu.vector_store %arg9[%swap3A_145], %bitcast3A_144 {strides = array<i32>} : memref<4096xf32, #tpu.memory_space<vmem>>, vector<16xf32>,
      %bitcast3A_147 = vector.bitcast %get3A_108 : vector<16xf32> to vector<16xi32>
      %add3A_148 = arith.constant 32767 : i32
      %add3A_149 = vector.broadcast %add3A_148 : i32 to vector<16xi32>
      %add3A_150 = arith.addi %bitcast3A_147, %add3A_149 : vector<16xi32>
      %shift_right_logical3A_151 = arith.constant 16 : i32
      %shift_right_logical3A_152 = vector.broadcast %shift_right_logical3A_151 : i32 to vector<16xi32>
      %shift_right_logical3A_153 = arith.shrui %bitcast3A_147, %shift_right_logical3A_152 : vector<16xi32>
      %and3A_154 = arith.constant 1 : i32
      %and3A_155 = vector.broadcast %and3A_154 : i32 to vector<16xi32>
      %and3A_156 = arith.andi %shift_right_logical3A_153, %and3A_155 : vector<16xi32>
      %add3A_157 = arith.addi %add3A_150, %and3A_156 : vector<16xi32>
      %and3A_158 = arith.constant -65536 : i32
      %and3A_159 = vector.broadcast %and3A_158 : i32 to vector<16xi32>
      %and3A_160 = arith.andi %add3A_157, %and3A_159 : vector<16xi32>
      %bitcast3A_161 = vector.bitcast %and3A_160 : vector<16xi32> to vector<16xf32>
      %swap3A_162 = arith.index_cast %mul3A_103 : i32 to index
      %swap3A_163 = tpu.vector_load %arg10[%swap3A_162] {strides = array<i32>} : memref<4096xf32, #tpu.memory_space<vmem>>, vector<16xf32>,
      tpu.vector_store %arg10[%swap3A_162], %bitcast3A_161 {strides = array<i32>} : memref<4096xf32, #tpu.memory_space<vmem>>, vector<16xf32>,
      %scan3A_164 = arith.constant 0 : i32
      scf.yield %scan3A_164 : i32
    }
    %scan3A_55 = arith.constant 256 : i32
    %mul3A_56 = arith.constant 2048 : i32
    %mul3A_57 = arith.muli %select_n3A_30, %mul3A_56 : i32
    %broadcast_in_dim3A_58 = arith.constant 3.400000e+38 : f32
    %broadcast_in_dim3A_59 = vector.broadcast %broadcast_in_dim3A_58 : f32 to vector<16xf32>
    %broadcast_in_dim3A_60 = arith.constant -3.400000e+38 : f32
    %broadcast_in_dim3A_61 = vector.broadcast %broadcast_in_dim3A_60 : f32 to vector<16xf32>
    %broadcast_in_dim3A_62 = arith.constant 0 : i32
    %broadcast_in_dim3A_63 = vector.broadcast %broadcast_in_dim3A_62 : i32 to vector<16xi32>
    %broadcast_in_dim3A_64 = arith.constant 20 : i32
    %broadcast_in_dim3A_65 = vector.broadcast %broadcast_in_dim3A_64 : i32 to vector<16xi32>
    %scan3A_66 = arith.constant 0 : i32
    %scan3A_67 = arith.constant 0 : i32
    %scan3A_68 = arith.constant 128 : i32
    %scan3A_69 = arith.addi %scan3A_67, %scan3A_68 : i32
    %scan3A_70 = arith.constant 1 : i32
    %scan3A_71 = scf.for %scan3A_100 = %scan3A_67 to %scan3A_69 step %scan3A_70 iter_args(%scan3A_101 = %scan3A_66) -> (i32)  : i32 {
      %mul3A_102 = arith.constant 16 : i32
      %mul3A_103 = arith.muli %scan3A_100, %mul3A_102 : i32
      %add3A_104 = arith.addi %mul3A_57, %mul3A_103 : i32
      %get3A = arith.index_cast %add3A_104 : i32 to index
      %get3A_105 = tpu.vector_load %arg4[%get3A] {strides = array<i32>} : memref<4096xf32, #tpu.memory_space<vmem>>, vector<16xf32>,
      %get3A_106 = arith.index_cast %add3A_104 : i32 to index
      %get3A_107 = tpu.vector_load %arg5[%get3A_106] {strides = array<i32>} : memref<4096xf32, #tpu.memory_space<vmem>>, vector<16xf32>,
      %get3A_108 = arith.index_cast %add3A_104 : i32 to index
      %get3A_109 = tpu.vector_load %arg6[%get3A_108] {strides = array<i32>} : memref<4096xf32, #tpu.memory_space<vmem>>, vector<16xf32>,
      %get3A_110 = arith.index_cast %add3A_104 : i32 to index
      %get3A_111 = tpu.vector_load %arg8[%get3A_110] {strides = array<i32>} : memref<4096xf32, #tpu.memory_space<vmem>>, vector<16xf32>,
      %get3A_112 = arith.index_cast %add3A_104 : i32 to index
      %get3A_113 = tpu.vector_load %arg9[%get3A_112] {strides = array<i32>} : memref<4096xf32, #tpu.memory_space<vmem>>, vector<16xf32>,
      %get3A_114 = arith.index_cast %add3A_104 : i32 to index
      %get3A_115 = tpu.vector_load %arg10[%get3A_114] {strides = array<i32>} : memref<4096xf32, #tpu.memory_space<vmem>>, vector<16xf32>,
      %get3A_116 = arith.index_cast %add3A_104 : i32 to index
      %get3A_117 = tpu.vector_load %arg7[%get3A_116] {strides = array<i32>} : memref<4096xf32, #tpu.memory_space<vmem>>, vector<16xf32>,
      %slice3A = vector.extract_strided_slice %get3A_111 {offsets = [0], sizes = [1], strides = [1]} : vector<16xf32> to vector<1xf32>
      %squeeze3A = vector.extract %slice3A[0] : f32 from vector<1xf32>
      %mul3A_118 = arith.constant -2.000000e+00 : f32
      %mul3A_119 = arith.mulf %mul3A_118, %squeeze3A : f32
      %slice3A_120 = vector.extract_strided_slice %get3A_111 {offsets = [1], sizes = [1], strides = [1]} : vector<16xf32> to vector<1xf32>
      %squeeze3A_121 = vector.extract %slice3A_120[0] : f32 from vector<1xf32>
      %mul3A_122 = arith.constant -2.000000e+00 : f32
      %mul3A_123 = arith.mulf %mul3A_122, %squeeze3A_121 : f32
      %slice3A_124 = vector.extract_strided_slice %get3A_113 {offsets = [0], sizes = [1], strides = [1]} : vector<16xf32> to vector<1xf32>
      %squeeze3A_125 = vector.extract %slice3A_124[0] : f32 from vector<1xf32>
      %mul3A_126 = arith.constant -2.000000e+00 : f32
      %mul3A_127 = arith.mulf %mul3A_126, %squeeze3A_125 : f32
      %slice3A_128 = vector.extract_strided_slice %get3A_113 {offsets = [1], sizes = [1], strides = [1]} : vector<16xf32> to vector<1xf32>
      %squeeze3A_129 = vector.extract %slice3A_128[0] : f32 from vector<1xf32>
      %mul3A_130 = arith.constant -2.000000e+00 : f32
      %mul3A_131 = arith.mulf %mul3A_130, %squeeze3A_129 : f32
      %slice3A_132 = vector.extract_strided_slice %get3A_115 {offsets = [0], sizes = [1], strides = [1]} : vector<16xf32> to vector<1xf32>
      %squeeze3A_133 = vector.extract %slice3A_132[0] : f32 from vector<1xf32>
      %mul3A_134 = arith.constant -2.000000e+00 : f32
      %mul3A_135 = arith.mulf %mul3A_134, %squeeze3A_133 : f32
      %slice3A_136 = vector.extract_strided_slice %get3A_115 {offsets = [1], sizes = [1], strides = [1]} : vector<16xf32> to vector<1xf32>
      %squeeze3A_137 = vector.extract %slice3A_136[0] : f32 from vector<1xf32>
      %mul3A_138 = arith.constant -2.000000e+00 : f32
      %mul3A_139 = arith.mulf %mul3A_138, %squeeze3A_137 : f32
      %slice3A_140 = vector.extract_strided_slice %get3A_117 {offsets = [0], sizes = [1], strides = [1]} : vector<16xf32> to vector<1xf32>
      %squeeze3A_141 = vector.extract %slice3A_140[0] : f32 from vector<1xf32>
      %neg3A = arith.constant 0.000000e+00 : f32
      %neg3A_142 = arith.subf %neg3A, %squeeze3A_141 : f32
      %slice3A_143 = vector.extract_strided_slice %get3A_117 {offsets = [1], sizes = [1], strides = [1]} : vector<16xf32> to vector<1xf32>
      %squeeze3A_144 = vector.extract %slice3A_143[0] : f32 from vector<1xf32>
      %neg3A_145 = arith.constant 0.000000e+00 : f32
      %neg3A_146 = arith.subf %neg3A_145, %squeeze3A_144 : f32
      %scan3A_147 = arith.constant 0 : i32
      %scan3A_148 = arith.constant 256 : i32
      %scan3A_149 = arith.addi %scan3A_147, %scan3A_148 : i32
      %scan3A_150 = arith.constant 1 : i32
      %scan3A_151:14 = scf.for %scan3A_1149 = %scan3A_147 to %scan3A_149 step %scan3A_150 iter_args(%scan3A_1150 = %broadcast_in_dim3A_59, %scan3A_1151 = %broadcast_in_dim3A_59, %scan3A_1152 = %broadcast_in_dim3A_59, %scan3A_1153 = %broadcast_in_dim3A_59, %scan3A_1154 = %broadcast_in_dim3A_59, %scan3A_1155 = %broadcast_in_dim3A_59, %scan3A_1156 = %broadcast_in_dim3A_59, %scan3A_1157 = %broadcast_in_dim3A_59, %scan3A_1158 = %broadcast_in_dim3A_59, %scan3A_1159 = %broadcast_in_dim3A_59, %scan3A_1160 = %broadcast_in_dim3A_59, %scan3A_1161 = %broadcast_in_dim3A_59, %scan3A_1162 = %broadcast_in_dim3A_59, %scan3A_1163 = %broadcast_in_dim3A_59) -> (vector<16xf32>, vector<16xf32>, vector<16xf32>, vector<16xf32>, vector<16xf32>, vector<16xf32>, vector<16xf32>, vector<16xf32>, vector<16xf32>, vector<16xf32>, vector<16xf32>, vector<16xf32>, vector<16xf32>, vector<16xf32>)  : i32 {
        %mul3A_1164 = arith.constant 16 : i32
        %mul3A_1165 = arith.muli %scan3A_1149, %mul3A_1164 : i32
        %get3A_1166 = arith.index_cast %mul3A_1165 : i32 to index
        %get3A_1167 = tpu.vector_load %arg8[%get3A_1166] {strides = array<i32>} : memref<4096xf32, #tpu.memory_space<vmem>>, vector<16xf32>,
        %get3A_1168 = arith.index_cast %mul3A_1165 : i32 to index
        %get3A_1169 = tpu.vector_load %arg9[%get3A_1168] {strides = array<i32>} : memref<4096xf32, #tpu.memory_space<vmem>>, vector<16xf32>,
        %get3A_1170 = arith.index_cast %mul3A_1165 : i32 to index
        %get3A_1171 = tpu.vector_load %arg10[%get3A_1170] {strides = array<i32>} : memref<4096xf32, #tpu.memory_space<vmem>>, vector<16xf32>,
        %get3A_1172 = arith.index_cast %mul3A_1165 : i32 to index
        %get3A_1173 = tpu.vector_load %arg7[%get3A_1172] {strides = array<i32>} : memref<4096xf32, #tpu.memory_space<vmem>>, vector<16xf32>,
        %mul3A_1174 = vector.broadcast %mul3A_119 : f32 to vector<16xf32>
        %mul3A_1175 = arith.mulf %mul3A_1174, %get3A_1167 : vector<16xf32>
        %mul3A_1176 = vector.broadcast %mul3A_127 : f32 to vector<16xf32>
        %mul3A_1177 = arith.mulf %mul3A_1176, %get3A_1169 : vector<16xf32>
        %add3A_1178 = arith.addf %mul3A_1175, %mul3A_1177 : vector<16xf32>
        %mul3A_1179 = vector.broadcast %mul3A_135 : f32 to vector<16xf32>
        %mul3A_1180 = arith.mulf %mul3A_1179, %get3A_1171 : vector<16xf32>
        %add3A_1181 = arith.addf %add3A_1178, %mul3A_1180 : vector<16xf32>
        %sub3A_1182 = vector.broadcast %neg3A_142 : f32 to vector<16xf32>
        %sub3A_1183 = arith.subf %sub3A_1182, %add3A_1181 : vector<16xf32>
        %sub3A_1184 = arith.subf %get3A_1173, %sub3A_1183 : vector<16xf32>
        %max3A = arith.constant 0.000000e+00 : f32
        %max3A_1185 = vector.broadcast %max3A : f32 to vector<16xf32>
        %max3A_1186 = arith.maximumf %sub3A_1184, %max3A_1185 : vector<16xf32>
        %min3A = arith.minimumf %scan3A_1150, %max3A_1186 : vector<16xf32>
        %max3A_1187 = arith.maximumf %scan3A_1150, %max3A_1186 : vector<16xf32>
        %min3A_1188 = arith.minimumf %scan3A_1151, %max3A_1187 : vector<16xf32>
        %max3A_1189 = arith.maximumf %scan3A_1151, %max3A_1187 : vector<16xf32>
        %min3A_1190 = arith.minimumf %scan3A_1152, %max3A_1189 : vector<16xf32>
        %max3A_1191 = arith.maximumf %scan3A_1152, %max3A_1189 : vector<16xf32>
        %min3A_1192 = arith.minimumf %scan3A_1153, %max3A_1191 : vector<16xf32>
        %max3A_1193 = arith.maximumf %scan3A_1153, %max3A_1191 : vector<16xf32>
        %min3A_1194 = arith.minimumf %scan3A_1154, %max3A_1193 : vector<16xf32>
        %max3A_1195 = arith.maximumf %scan3A_1154, %max3A_1193 : vector<16xf32>
        %min3A_1196 = arith.minimumf %scan3A_1155, %max3A_1195 : vector<16xf32>
        %max3A_1197 = arith.maximumf %scan3A_1155, %max3A_1195 : vector<16xf32>
        %min3A_1198 = arith.minimumf %scan3A_1156, %max3A_1197 : vector<16xf32>
        %max3A_1199 = arith.maximumf %scan3A_1156, %max3A_1197 : vector<16xf32>
        %mul3A_1200 = vector.broadcast %mul3A_123 : f32 to vector<16xf32>
        %mul3A_1201 = arith.mulf %mul3A_1200, %get3A_1167 : vector<16xf32>
        %mul3A_1202 = vector.broadcast %mul3A_131 : f32 to vector<16xf32>
        %mul3A_1203 = arith.mulf %mul3A_1202, %get3A_1169 : vector<16xf32>
        %add3A_1204 = arith.addf %mul3A_1201, %mul3A_1203 : vector<16xf32>
        %mul3A_1205 = vector.broadcast %mul3A_139 : f32 to vector<16xf32>
        %mul3A_1206 = arith.mulf %mul3A_1205, %get3A_1171 : vector<16xf32>
        %add3A_1207 = arith.addf %add3A_1204, %mul3A_1206 : vector<16xf32>
        %sub3A_1208 = vector.broadcast %neg3A_146 : f32 to vector<16xf32>
        %sub3A_1209 = arith.subf %sub3A_1208, %add3A_1207 : vector<16xf32>
        %sub3A_1210 = arith.subf %get3A_1173, %sub3A_1209 : vector<16xf32>
        %max3A_1211 = arith.constant 0.000000e+00 : f32
        %max3A_1212 = vector.broadcast %max3A_1211 : f32 to vector<16xf32>
        %max3A_1213 = arith.maximumf %sub3A_1210, %max3A_1212 : vector<16xf32>
        %min3A_1214 = arith.minimumf %scan3A_1157, %max3A_1213 : vector<16xf32>
        %max3A_1215 = arith.maximumf %scan3A_1157, %max3A_1213 : vector<16xf32>
        %min3A_1216 = arith.minimumf %scan3A_1158, %max3A_1215 : vector<16xf32>
        %max3A_1217 = arith.maximumf %scan3A_1158, %max3A_1215 : vector<16xf32>
        %min3A_1218 = arith.minimumf %scan3A_1159, %max3A_1217 : vector<16xf32>
        %max3A_1219 = arith.maximumf %scan3A_1159, %max3A_1217 : vector<16xf32>
        %min3A_1220 = arith.minimumf %scan3A_1160, %max3A_1219 : vector<16xf32>
        %max3A_1221 = arith.maximumf %scan3A_1160, %max3A_1219 : vector<16xf32>
        %min3A_1222 = arith.minimumf %scan3A_1161, %max3A_1221 : vector<16xf32>
        %max3A_1223 = arith.maximumf %scan3A_1161, %max3A_1221 : vector<16xf32>
        %min3A_1224 = arith.minimumf %scan3A_1162, %max3A_1223 : vector<16xf32>
        %max3A_1225 = arith.maximumf %scan3A_1162, %max3A_1223 : vector<16xf32>
        %min3A_1226 = arith.minimumf %scan3A_1163, %max3A_1225 : vector<16xf32>
        %max3A_1227 = arith.maximumf %scan3A_1163, %max3A_1225 : vector<16xf32>
        scf.yield %min3A, %min3A_1188, %min3A_1190, %min3A_1192, %min3A_1194, %min3A_1196, %min3A_1198, %min3A_1214, %min3A_1216, %min3A_1218, %min3A_1220, %min3A_1222, %min3A_1224, %min3A_1226 : vector<16xf32>, vector<16xf32>, vector<16xf32>, vector<16xf32>, vector<16xf32>, vector<16xf32>, vector<16xf32>, vector<16xf32>, vector<16xf32>, vector<16xf32>, vector<16xf32>, vector<16xf32>, vector<16xf32>, vector<16xf32>
      }
      %scan3A_152 = arith.constant 256 : i32
      %bitcast3A = vector.bitcast %scan3A_151#0 : vector<16xf32> to vector<16xi32>
      %bitcast3A_153 = vector.bitcast %scan3A_151#1 : vector<16xf32> to vector<16xi32>
      %bitcast3A_154 = vector.bitcast %scan3A_151#2 : vector<16xf32> to vector<16xi32>
      %bitcast3A_155 = vector.bitcast %scan3A_151#3 : vector<16xf32> to vector<16xi32>
      %bitcast3A_156 = vector.bitcast %scan3A_151#4 : vector<16xf32> to vector<16xi32>
      %bitcast3A_157 = vector.bitcast %scan3A_151#5 : vector<16xf32> to vector<16xi32>
      %bitcast3A_158 = vector.bitcast %scan3A_151#6 : vector<16xf32> to vector<16xi32>
      %bitcast3A_159 = vector.bitcast %scan3A_151#7 : vector<16xf32> to vector<16xi32>
      %bitcast3A_160 = vector.bitcast %scan3A_151#8 : vector<16xf32> to vector<16xi32>
      %bitcast3A_161 = vector.bitcast %scan3A_151#9 : vector<16xf32> to vector<16xi32>
      %bitcast3A_162 = vector.bitcast %scan3A_151#10 : vector<16xf32> to vector<16xi32>
      %bitcast3A_163 = vector.bitcast %scan3A_151#11 : vector<16xf32> to vector<16xi32>
      %bitcast3A_164 = vector.bitcast %scan3A_151#12 : vector<16xf32> to vector<16xi32>
      %bitcast3A_165 = vector.bitcast %scan3A_151#13 : vector<16xf32> to vector<16xi32>
      %broadcast_in_dim3A_166 = arith.constant 2139095039 : i32
      %broadcast_in_dim3A_167 = vector.broadcast %broadcast_in_dim3A_166 : i32 to vector<16xi32>
      %scan3A_168 = arith.constant 0 : i32
      %scan3A_169 = arith.constant 31 : i32
      %scan3A_170 = arith.addi %scan3A_168, %scan3A_169 : i32
      %scan3A_171 = arith.constant 1 : i32
      %scan3A_172:4 = scf.for %scan3A_1149 = %scan3A_168 to %scan3A_170 step %scan3A_171 iter_args(%scan3A_1150 = %broadcast_in_dim3A_63, %scan3A_1151 = %broadcast_in_dim3A_63, %scan3A_1152 = %broadcast_in_dim3A_167, %scan3A_1153 = %broadcast_in_dim3A_167) -> (vector<16xi32>, vector<16xi32>, vector<16xi32>, vector<16xi32>)  : i32 {
        %sub3A_1154 = arith.subi %scan3A_1152, %scan3A_1150 : vector<16xi32>
        %shift_right_logical3A = arith.constant 1 : i32
        %shift_right_logical3A_1155 = vector.broadcast %shift_right_logical3A : i32 to vector<16xi32>
        %shift_right_logical3A_1156 = arith.shrui %sub3A_1154, %shift_right_logical3A_1155 : vector<16xi32>
        %add3A_1157 = arith.addi %scan3A_1150, %shift_right_logical3A_1156 : vector<16xi32>
        %sub3A_1158 = arith.subi %scan3A_1153, %scan3A_1151 : vector<16xi32>
        %shift_right_logical3A_1159 = arith.constant 1 : i32
        %shift_right_logical3A_1160 = vector.broadcast %shift_right_logical3A_1159 : i32 to vector<16xi32>
        %shift_right_logical3A_1161 = arith.shrui %sub3A_1158, %shift_right_logical3A_1160 : vector<16xi32>
        %add3A_1162 = arith.addi %scan3A_1151, %shift_right_logical3A_1161 : vector<16xi32>
        %le3A = arith.cmpi sle, %bitcast3A, %add3A_1157 : vector<16xi32>
        %jit3A_1163 = arith.constant 1 : i32
        %jit3A_1164 = arith.constant 0 : i32
        %broadcast_in_dim3A_1165 = vector.broadcast %jit3A_1163 : i32 to vector<16xi32>
        %broadcast_in_dim3A_1166 = vector.broadcast %jit3A_1164 : i32 to vector<16xi32>
        %select_n3A_1167 = arith.select %le3A, %broadcast_in_dim3A_1165, %broadcast_in_dim3A_1166 : vector<16xi1>, vector<16xi32>
        %add3A_1168 = arith.addi %broadcast_in_dim3A_63, %select_n3A_1167 : vector<16xi32>
        %le3A_1169 = arith.cmpi sle, %bitcast3A_153, %add3A_1157 : vector<16xi32>
        %jit3A_1170 = arith.constant 1 : i32
        %jit3A_1171 = arith.constant 0 : i32
        %broadcast_in_dim3A_1172 = vector.broadcast %jit3A_1170 : i32 to vector<16xi32>
        %broadcast_in_dim3A_1173 = vector.broadcast %jit3A_1171 : i32 to vector<16xi32>
        %select_n3A_1174 = arith.select %le3A_1169, %broadcast_in_dim3A_1172, %broadcast_in_dim3A_1173 : vector<16xi1>, vector<16xi32>
        %add3A_1175 = arith.addi %add3A_1168, %select_n3A_1174 : vector<16xi32>
        %le3A_1176 = arith.cmpi sle, %bitcast3A_154, %add3A_1157 : vector<16xi32>
        %jit3A_1177 = arith.constant 1 : i32
        %jit3A_1178 = arith.constant 0 : i32
        %broadcast_in_dim3A_1179 = vector.broadcast %jit3A_1177 : i32 to vector<16xi32>
        %broadcast_in_dim3A_1180 = vector.broadcast %jit3A_1178 : i32 to vector<16xi32>
        %select_n3A_1181 = arith.select %le3A_1176, %broadcast_in_dim3A_1179, %broadcast_in_dim3A_1180 : vector<16xi1>, vector<16xi32>
        %add3A_1182 = arith.addi %add3A_1175, %select_n3A_1181 : vector<16xi32>
        %le3A_1183 = arith.cmpi sle, %bitcast3A_155, %add3A_1157 : vector<16xi32>
        %jit3A_1184 = arith.constant 1 : i32
        %jit3A_1185 = arith.constant 0 : i32
        %broadcast_in_dim3A_1186 = vector.broadcast %jit3A_1184 : i32 to vector<16xi32>
        %broadcast_in_dim3A_1187 = vector.broadcast %jit3A_1185 : i32 to vector<16xi32>
        %select_n3A_1188 = arith.select %le3A_1183, %broadcast_in_dim3A_1186, %broadcast_in_dim3A_1187 : vector<16xi1>, vector<16xi32>
        %add3A_1189 = arith.addi %add3A_1182, %select_n3A_1188 : vector<16xi32>
        %le3A_1190 = arith.cmpi sle, %bitcast3A_156, %add3A_1157 : vector<16xi32>
        %jit3A_1191 = arith.constant 1 : i32
        %jit3A_1192 = arith.constant 0 : i32
        %broadcast_in_dim3A_1193 = vector.broadcast %jit3A_1191 : i32 to vector<16xi32>
        %broadcast_in_dim3A_1194 = vector.broadcast %jit3A_1192 : i32 to vector<16xi32>
        %select_n3A_1195 = arith.select %le3A_1190, %broadcast_in_dim3A_1193, %broadcast_in_dim3A_1194 : vector<16xi1>, vector<16xi32>
        %add3A_1196 = arith.addi %add3A_1189, %select_n3A_1195 : vector<16xi32>
        %le3A_1197 = arith.cmpi sle, %bitcast3A_157, %add3A_1157 : vector<16xi32>
        %jit3A_1198 = arith.constant 1 : i32
        %jit3A_1199 = arith.constant 0 : i32
        %broadcast_in_dim3A_1200 = vector.broadcast %jit3A_1198 : i32 to vector<16xi32>
        %broadcast_in_dim3A_1201 = vector.broadcast %jit3A_1199 : i32 to vector<16xi32>
        %select_n3A_1202 = arith.select %le3A_1197, %broadcast_in_dim3A_1200, %broadcast_in_dim3A_1201 : vector<16xi1>, vector<16xi32>
        %add3A_1203 = arith.addi %add3A_1196, %select_n3A_1202 : vector<16xi32>
        %le3A_1204 = arith.cmpi sle, %bitcast3A_158, %add3A_1157 : vector<16xi32>
        %jit3A_1205 = arith.constant 1 : i32
        %jit3A_1206 = arith.constant 0 : i32
        %broadcast_in_dim3A_1207 = vector.broadcast %jit3A_1205 : i32 to vector<16xi32>
        %broadcast_in_dim3A_1208 = vector.broadcast %jit3A_1206 : i32 to vector<16xi32>
        %select_n3A_1209 = arith.select %le3A_1204, %broadcast_in_dim3A_1207, %broadcast_in_dim3A_1208 : vector<16xi1>, vector<16xi32>
        %add3A_1210 = arith.addi %add3A_1203, %select_n3A_1209 : vector<16xi32>
        %cumsum3A = arith.constant true
        %cumsum3A_1211 = vector.broadcast %cumsum3A : i1 to vector<16xi1>
        %cumsum3A_1212 = tpu.scan <sum>, %add3A_1210 masked %cumsum3A_1211 : vector<16xi32>, vector<16xi1> -> vector<16xi32>
        %lt3A_1213 = arith.constant 0 : i32
        %lt3A_1214 = vector.broadcast %lt3A_1213 : i32 to vector<16xi32>
        %lt3A_1215 = arith.cmpi slt, %broadcast_in_dim3A_31, %lt3A_1214 : vector<16xi32>
        %add3A_1216 = arith.constant 16 : i32
        %add3A_1217 = vector.broadcast %add3A_1216 : i32 to vector<16xi32>
        %add3A_1218 = arith.addi %broadcast_in_dim3A_31, %add3A_1217 : vector<16xi32>
        %select_n3A_1219 = arith.select %lt3A_1215, %add3A_1218, %broadcast_in_dim3A_31 : vector<16xi1>, vector<16xi32>
        %broadcast_in_dim3A_1220 = vector.shape_cast %select_n3A_1219 : vector<16xi32> to vector<16x1xi32>
        %gather3A = vector.shape_cast %broadcast_in_dim3A_1220 : vector<16x1xi32> to vector<16xi32>
        %gather3A_1221 = tpu.dynamic_gather %cumsum3A_1212[%gather3A] in [0] : vector<16xi32>, vector<16xi32> -> vector<16xi32>
        %ge3A = arith.cmpi sge, %gather3A_1221, %broadcast_in_dim3A_65 : vector<16xi32>
        %add3A_1222 = arith.constant 1 : i32
        %add3A_1223 = vector.broadcast %add3A_1222 : i32 to vector<16xi32>
        %add3A_1224 = arith.addi %add3A_1157, %add3A_1223 : vector<16xi32>
        %select_n3A_1225 = arith.select %ge3A, %scan3A_1150, %add3A_1224 : vector<16xi1>, vector<16xi32>
        %select_n3A_1226 = arith.select %ge3A, %add3A_1157, %scan3A_1152 : vector<16xi1>, vector<16xi32>
        %le3A_1227 = arith.cmpi sle, %bitcast3A_159, %add3A_1162 : vector<16xi32>
        %jit3A_1228 = arith.constant 1 : i32
        %jit3A_1229 = arith.constant 0 : i32
        %broadcast_in_dim3A_1230 = vector.broadcast %jit3A_1228 : i32 to vector<16xi32>
        %broadcast_in_dim3A_1231 = vector.broadcast %jit3A_1229 : i32 to vector<16xi32>
        %select_n3A_1232 = arith.select %le3A_1227, %broadcast_in_dim3A_1230, %broadcast_in_dim3A_1231 : vector<16xi1>, vector<16xi32>
        %add3A_1233 = arith.addi %broadcast_in_dim3A_63, %select_n3A_1232 : vector<16xi32>
        %le3A_1234 = arith.cmpi sle, %bitcast3A_160, %add3A_1162 : vector<16xi32>
        %jit3A_1235 = arith.constant 1 : i32
        %jit3A_1236 = arith.constant 0 : i32
        %broadcast_in_dim3A_1237 = vector.broadcast %jit3A_1235 : i32 to vector<16xi32>
        %broadcast_in_dim3A_1238 = vector.broadcast %jit3A_1236 : i32 to vector<16xi32>
        %select_n3A_1239 = arith.select %le3A_1234, %broadcast_in_dim3A_1237, %broadcast_in_dim3A_1238 : vector<16xi1>, vector<16xi32>
        %add3A_1240 = arith.addi %add3A_1233, %select_n3A_1239 : vector<16xi32>
        %le3A_1241 = arith.cmpi sle, %bitcast3A_161, %add3A_1162 : vector<16xi32>
        %jit3A_1242 = arith.constant 1 : i32
        %jit3A_1243 = arith.constant 0 : i32
        %broadcast_in_dim3A_1244 = vector.broadcast %jit3A_1242 : i32 to vector<16xi32>
        %broadcast_in_dim3A_1245 = vector.broadcast %jit3A_1243 : i32 to vector<16xi32>
        %select_n3A_1246 = arith.select %le3A_1241, %broadcast_in_dim3A_1244, %broadcast_in_dim3A_1245 : vector<16xi1>, vector<16xi32>
        %add3A_1247 = arith.addi %add3A_1240, %select_n3A_1246 : vector<16xi32>
        %le3A_1248 = arith.cmpi sle, %bitcast3A_162, %add3A_1162 : vector<16xi32>
        %jit3A_1249 = arith.constant 1 : i32
        %jit3A_1250 = arith.constant 0 : i32
        %broadcast_in_dim3A_1251 = vector.broadcast %jit3A_1249 : i32 to vector<16xi32>
        %broadcast_in_dim3A_1252 = vector.broadcast %jit3A_1250 : i32 to vector<16xi32>
        %select_n3A_1253 = arith.select %le3A_1248, %broadcast_in_dim3A_1251, %broadcast_in_dim3A_1252 : vector<16xi1>, vector<16xi32>
        %add3A_1254 = arith.addi %add3A_1247, %select_n3A_1253 : vector<16xi32>
        %le3A_1255 = arith.cmpi sle, %bitcast3A_163, %add3A_1162 : vector<16xi32>
        %jit3A_1256 = arith.constant 1 : i32
        %jit3A_1257 = arith.constant 0 : i32
        %broadcast_in_dim3A_1258 = vector.broadcast %jit3A_1256 : i32 to vector<16xi32>
        %broadcast_in_dim3A_1259 = vector.broadcast %jit3A_1257 : i32 to vector<16xi32>
        %select_n3A_1260 = arith.select %le3A_1255, %broadcast_in_dim3A_1258, %broadcast_in_dim3A_1259 : vector<16xi1>, vector<16xi32>
        %add3A_1261 = arith.addi %add3A_1254, %select_n3A_1260 : vector<16xi32>
        %le3A_1262 = arith.cmpi sle, %bitcast3A_164, %add3A_1162 : vector<16xi32>
        %jit3A_1263 = arith.constant 1 : i32
        %jit3A_1264 = arith.constant 0 : i32
        %broadcast_in_dim3A_1265 = vector.broadcast %jit3A_1263 : i32 to vector<16xi32>
        %broadcast_in_dim3A_1266 = vector.broadcast %jit3A_1264 : i32 to vector<16xi32>
        %select_n3A_1267 = arith.select %le3A_1262, %broadcast_in_dim3A_1265, %broadcast_in_dim3A_1266 : vector<16xi1>, vector<16xi32>
        %add3A_1268 = arith.addi %add3A_1261, %select_n3A_1267 : vector<16xi32>
        %le3A_1269 = arith.cmpi sle, %bitcast3A_165, %add3A_1162 : vector<16xi32>
        %jit3A_1270 = arith.constant 1 : i32
        %jit3A_1271 = arith.constant 0 : i32
        %broadcast_in_dim3A_1272 = vector.broadcast %jit3A_1270 : i32 to vector<16xi32>
        %broadcast_in_dim3A_1273 = vector.broadcast %jit3A_1271 : i32 to vector<16xi32>
        %select_n3A_1274 = arith.select %le3A_1269, %broadcast_in_dim3A_1272, %broadcast_in_dim3A_1273 : vector<16xi1>, vector<16xi32>
        %add3A_1275 = arith.addi %add3A_1268, %select_n3A_1274 : vector<16xi32>
        %cumsum3A_1276 = arith.constant true
        %cumsum3A_1277 = vector.broadcast %cumsum3A_1276 : i1 to vector<16xi1>
        %cumsum3A_1278 = tpu.scan <sum>, %add3A_1275 masked %cumsum3A_1277 : vector<16xi32>, vector<16xi1> -> vector<16xi32>
        %lt3A_1279 = arith.constant 0 : i32
        %lt3A_1280 = vector.broadcast %lt3A_1279 : i32 to vector<16xi32>
        %lt3A_1281 = arith.cmpi slt, %broadcast_in_dim3A_31, %lt3A_1280 : vector<16xi32>
        %add3A_1282 = arith.constant 16 : i32
        %add3A_1283 = vector.broadcast %add3A_1282 : i32 to vector<16xi32>
        %add3A_1284 = arith.addi %broadcast_in_dim3A_31, %add3A_1283 : vector<16xi32>
        %select_n3A_1285 = arith.select %lt3A_1281, %add3A_1284, %broadcast_in_dim3A_31 : vector<16xi1>, vector<16xi32>
        %broadcast_in_dim3A_1286 = vector.shape_cast %select_n3A_1285 : vector<16xi32> to vector<16x1xi32>
        %gather3A_1287 = vector.shape_cast %broadcast_in_dim3A_1286 : vector<16x1xi32> to vector<16xi32>
        %gather3A_1288 = tpu.dynamic_gather %cumsum3A_1278[%gather3A_1287] in [0] : vector<16xi32>, vector<16xi32> -> vector<16xi32>
        %ge3A_1289 = arith.cmpi sge, %gather3A_1288, %broadcast_in_dim3A_65 : vector<16xi32>
        %add3A_1290 = arith.constant 1 : i32
        %add3A_1291 = vector.broadcast %add3A_1290 : i32 to vector<16xi32>
        %add3A_1292 = arith.addi %add3A_1162, %add3A_1291 : vector<16xi32>
        %select_n3A_1293 = arith.select %ge3A_1289, %scan3A_1151, %add3A_1292 : vector<16xi1>, vector<16xi32>
        %select_n3A_1294 = arith.select %ge3A_1289, %add3A_1162, %scan3A_1153 : vector<16xi1>, vector<16xi32>
        scf.yield %select_n3A_1225, %select_n3A_1293, %select_n3A_1226, %select_n3A_1294 : vector<16xi32>, vector<16xi32>, vector<16xi32>, vector<16xi32>
      }
      %scan3A_173 = arith.constant 31 : i32
      %bitcast3A_174 = vector.bitcast %scan3A_172#2 : vector<16xi32> to vector<16xf32>
      %bitcast3A_175 = vector.bitcast %scan3A_172#3 : vector<16xi32> to vector<16xf32>
      %scan3A_176 = arith.constant 0 : i32
      %scan3A_177 = arith.constant 256 : i32
      %scan3A_178 = arith.addi %scan3A_176, %scan3A_177 : i32
      %scan3A_179 = arith.constant 1 : i32
      %scan3A_180:6 = scf.for %scan3A_1149 = %scan3A_176 to %scan3A_178 step %scan3A_179 iter_args(%scan3A_1150 = %broadcast_in_dim3A_61, %scan3A_1151 = %broadcast_in_dim3A_61, %scan3A_1152 = %broadcast_in_dim3A_61, %scan3A_1153 = %broadcast_in_dim3A_61, %scan3A_1154 = %broadcast_in_dim3A_61, %scan3A_1155 = %broadcast_in_dim3A_61) -> (vector<16xf32>, vector<16xf32>, vector<16xf32>, vector<16xf32>, vector<16xf32>, vector<16xf32>)  : i32 {
        %mul3A_1156 = arith.constant 16 : i32
        %mul3A_1157 = arith.muli %scan3A_1149, %mul3A_1156 : i32
        %get3A_1158 = arith.index_cast %mul3A_1157 : i32 to index
        %get3A_1159 = tpu.vector_load %arg8[%get3A_1158] {strides = array<i32>} : memref<4096xf32, #tpu.memory_space<vmem>>, vector<16xf32>,
        %get3A_1160 = arith.index_cast %mul3A_1157 : i32 to index
        %get3A_1161 = tpu.vector_load %arg9[%get3A_1160] {strides = array<i32>} : memref<4096xf32, #tpu.memory_space<vmem>>, vector<16xf32>,
        %get3A_1162 = arith.index_cast %mul3A_1157 : i32 to index
        %get3A_1163 = tpu.vector_load %arg10[%get3A_1162] {strides = array<i32>} : memref<4096xf32, #tpu.memory_space<vmem>>, vector<16xf32>,
        %get3A_1164 = arith.index_cast %mul3A_1157 : i32 to index
        %get3A_1165 = tpu.vector_load %arg7[%get3A_1164] {strides = array<i32>} : memref<4096xf32, #tpu.memory_space<vmem>>, vector<16xf32>,
        %get3A_1166 = arith.index_cast %mul3A_1157 : i32 to index
        %get3A_1167 = tpu.vector_load %arg4[%get3A_1166] {strides = array<i32>} : memref<4096xf32, #tpu.memory_space<vmem>>, vector<16xf32>,
        %get3A_1168 = arith.index_cast %mul3A_1157 : i32 to index
        %get3A_1169 = tpu.vector_load %arg5[%get3A_1168] {strides = array<i32>} : memref<4096xf32, #tpu.memory_space<vmem>>, vector<16xf32>,
        %get3A_1170 = arith.index_cast %mul3A_1157 : i32 to index
        %get3A_1171 = tpu.vector_load %arg6[%get3A_1170] {strides = array<i32>} : memref<4096xf32, #tpu.memory_space<vmem>>, vector<16xf32>,
        %mul3A_1172 = vector.broadcast %mul3A_119 : f32 to vector<16xf32>
        %mul3A_1173 = arith.mulf %mul3A_1172, %get3A_1159 : vector<16xf32>
        %mul3A_1174 = vector.broadcast %mul3A_127 : f32 to vector<16xf32>
        %mul3A_1175 = arith.mulf %mul3A_1174, %get3A_1161 : vector<16xf32>
        %add3A_1176 = arith.addf %mul3A_1173, %mul3A_1175 : vector<16xf32>
        %mul3A_1177 = vector.broadcast %mul3A_135 : f32 to vector<16xf32>
        %mul3A_1178 = arith.mulf %mul3A_1177, %get3A_1163 : vector<16xf32>
        %add3A_1179 = arith.addf %add3A_1176, %mul3A_1178 : vector<16xf32>
        %sub3A_1180 = vector.broadcast %neg3A_142 : f32 to vector<16xf32>
        %sub3A_1181 = arith.subf %sub3A_1180, %add3A_1179 : vector<16xf32>
        %sub3A_1182 = arith.subf %get3A_1165, %sub3A_1181 : vector<16xf32>
        %le3A = arith.cmpf ole, %sub3A_1182, %bitcast3A_174 : vector<16xf32>
        %jit3A_1183 = arith.constant -3.400000e+38 : f32
        %broadcast_in_dim3A_1184 = vector.broadcast %jit3A_1183 : f32 to vector<16xf32>
        %select_n3A_1185 = arith.select %le3A, %get3A_1167, %broadcast_in_dim3A_1184 : vector<16xi1>, vector<16xf32>
        %max3A = arith.maximumf %scan3A_1150, %select_n3A_1185 : vector<16xf32>
        %jit3A_1186 = arith.constant -3.400000e+38 : f32
        %broadcast_in_dim3A_1187 = vector.broadcast %jit3A_1186 : f32 to vector<16xf32>
        %select_n3A_1188 = arith.select %le3A, %get3A_1169, %broadcast_in_dim3A_1187 : vector<16xi1>, vector<16xf32>
        %max3A_1189 = arith.maximumf %scan3A_1151, %select_n3A_1188 : vector<16xf32>
        %jit3A_1190 = arith.constant -3.400000e+38 : f32
        %broadcast_in_dim3A_1191 = vector.broadcast %jit3A_1190 : f32 to vector<16xf32>
        %select_n3A_1192 = arith.select %le3A, %get3A_1171, %broadcast_in_dim3A_1191 : vector<16xi1>, vector<16xf32>
        %max3A_1193 = arith.maximumf %scan3A_1152, %select_n3A_1192 : vector<16xf32>
        %mul3A_1194 = vector.broadcast %mul3A_123 : f32 to vector<16xf32>
        %mul3A_1195 = arith.mulf %mul3A_1194, %get3A_1159 : vector<16xf32>
        %mul3A_1196 = vector.broadcast %mul3A_131 : f32 to vector<16xf32>
        %mul3A_1197 = arith.mulf %mul3A_1196, %get3A_1161 : vector<16xf32>
        %add3A_1198 = arith.addf %mul3A_1195, %mul3A_1197 : vector<16xf32>
        %mul3A_1199 = vector.broadcast %mul3A_139 : f32 to vector<16xf32>
        %mul3A_1200 = arith.mulf %mul3A_1199, %get3A_1163 : vector<16xf32>
        %add3A_1201 = arith.addf %add3A_1198, %mul3A_1200 : vector<16xf32>
        %sub3A_1202 = vector.broadcast %neg3A_146 : f32 to vector<16xf32>
        %sub3A_1203 = arith.subf %sub3A_1202, %add3A_1201 : vector<16xf32>
        %sub3A_1204 = arith.subf %get3A_1165, %sub3A_1203 : vector<16xf32>
        %le3A_1205 = arith.cmpf ole, %sub3A_1204, %bitcast3A_175 : vector<16xf32>
        %jit3A_1206 = arith.constant -3.400000e+38 : f32
        %broadcast_in_dim3A_1207 = vector.broadcast %jit3A_1206 : f32 to vector<16xf32>
        %select_n3A_1208 = arith.select %le3A_1205, %get3A_1167, %broadcast_in_dim3A_1207 : vector<16xi1>, vector<16xf32>
        %max3A_1209 = arith.maximumf %scan3A_1153, %select_n3A_1208 : vector<16xf32>
        %jit3A_1210 = arith.constant -3.400000e+38 : f32
        %broadcast_in_dim3A_1211 = vector.broadcast %jit3A_1210 : f32 to vector<16xf32>
        %select_n3A_1212 = arith.select %le3A_1205, %get3A_1169, %broadcast_in_dim3A_1211 : vector<16xi1>, vector<16xf32>
        %max3A_1213 = arith.maximumf %scan3A_1154, %select_n3A_1212 : vector<16xf32>
        %jit3A_1214 = arith.constant -3.400000e+38 : f32
        %broadcast_in_dim3A_1215 = vector.broadcast %jit3A_1214 : f32 to vector<16xf32>
        %select_n3A_1216 = arith.select %le3A_1205, %get3A_1171, %broadcast_in_dim3A_1215 : vector<16xi1>, vector<16xf32>
        %max3A_1217 = arith.maximumf %scan3A_1155, %select_n3A_1216 : vector<16xf32>
        scf.yield %max3A, %max3A_1189, %max3A_1193, %max3A_1209, %max3A_1213, %max3A_1217 : vector<16xf32>, vector<16xf32>, vector<16xf32>, vector<16xf32>, vector<16xf32>, vector<16xf32>
      }
      %scan3A_181 = arith.constant 256 : i32
      %eq3A_182 = arith.constant 0 : i32
      %eq3A_183 = vector.broadcast %eq3A_182 : i32 to vector<16xi32>
      %eq3A_184 = arith.cmpi eq, %iota3A, %eq3A_183 : vector<16xi32>
      %reduce_max3A = arith.constant true
      %reduce_max3A_185 = vector.broadcast %reduce_max3A : i1 to vector<16xi1>
      %reduce_max3A_186 = tpu.scan <max>, %scan3A_180#0 masked %reduce_max3A_185 : vector<16xf32>, vector<16xi1> -> vector<16xf32>
      %reduce_max3A_187 = vector.extract %reduce_max3A_186[15] : f32 from vector<16xf32>
      %slice3A_188 = vector.extract_strided_slice %get3A_105 {offsets = [0], sizes = [1], strides = [1]} : vector<16xf32> to vector<1xf32>
      %squeeze3A_189 = vector.extract %slice3A_188[0] : f32 from vector<1xf32>
      %sub3A_190 = arith.subf %reduce_max3A_187, %squeeze3A_189 : f32
      %broadcast_in_dim3A_191 = vector.broadcast %sub3A_190 : f32 to vector<16xf32>
      %select_n3A_192 = arith.select %eq3A_184, %broadcast_in_dim3A_191, %broadcast_in_dim3A_61 : vector<16xi1>, vector<16xf32>
      %reduce_max3A_193 = arith.constant true
      %reduce_max3A_194 = vector.broadcast %reduce_max3A_193 : i1 to vector<16xi1>
      %reduce_max3A_195 = tpu.scan <max>, %scan3A_180#1 masked %reduce_max3A_194 : vector<16xf32>, vector<16xi1> -> vector<16xf32>
      %reduce_max3A_196 = vector.extract %reduce_max3A_195[15] : f32 from vector<16xf32>
      %slice3A_197 = vector.extract_strided_slice %get3A_107 {offsets = [0], sizes = [1], strides = [1]} : vector<16xf32> to vector<1xf32>
      %squeeze3A_198 = vector.extract %slice3A_197[0] : f32 from vector<1xf32>
      %sub3A_199 = arith.subf %reduce_max3A_196, %squeeze3A_198 : f32
      %broadcast_in_dim3A_200 = vector.broadcast %sub3A_199 : f32 to vector<16xf32>
      %select_n3A_201 = arith.select %eq3A_184, %broadcast_in_dim3A_200, %broadcast_in_dim3A_61 : vector<16xi1>, vector<16xf32>
      %reduce_max3A_202 = arith.constant true
      %reduce_max3A_203 = vector.broadcast %reduce_max3A_202 : i1 to vector<16xi1>
      %reduce_max3A_204 = tpu.scan <max>, %scan3A_180#2 masked %reduce_max3A_203 : vector<16xf32>, vector<16xi1> -> vector<16xf32>
      %reduce_max3A_205 = vector.extract %reduce_max3A_204[15] : f32 from vector<16xf32>
      %slice3A_206 = vector.extract_strided_slice %get3A_109 {offsets = [0], sizes = [1], strides = [1]} : vector<16xf32> to vector<1xf32>
      %squeeze3A_207 = vector.extract %slice3A_206[0] : f32 from vector<1xf32>
      %sub3A_208 = arith.subf %reduce_max3A_205, %squeeze3A_207 : f32
      %broadcast_in_dim3A_209 = vector.broadcast %sub3A_208 : f32 to vector<16xf32>
      %select_n3A_210 = arith.select %eq3A_184, %broadcast_in_dim3A_209, %broadcast_in_dim3A_61 : vector<16xi1>, vector<16xf32>
      %eq3A_211 = arith.constant 1 : i32
      %eq3A_212 = vector.broadcast %eq3A_211 : i32 to vector<16xi32>
      %eq3A_213 = arith.cmpi eq, %iota3A, %eq3A_212 : vector<16xi32>
      %reduce_max3A_214 = arith.constant true
      %reduce_max3A_215 = vector.broadcast %reduce_max3A_214 : i1 to vector<16xi1>
      %reduce_max3A_216 = tpu.scan <max>, %scan3A_180#3 masked %reduce_max3A_215 : vector<16xf32>, vector<16xi1> -> vector<16xf32>
      %reduce_max3A_217 = vector.extract %reduce_max3A_216[15] : f32 from vector<16xf32>
      %slice3A_218 = vector.extract_strided_slice %get3A_105 {offsets = [1], sizes = [1], strides = [1]} : vector<16xf32> to vector<1xf32>
      %squeeze3A_219 = vector.extract %slice3A_218[0] : f32 from vector<1xf32>
      %sub3A_220 = arith.subf %reduce_max3A_217, %squeeze3A_219 : f32
      %broadcast_in_dim3A_221 = vector.broadcast %sub3A_220 : f32 to vector<16xf32>
      %select_n3A_222 = arith.select %eq3A_213, %broadcast_in_dim3A_221, %select_n3A_192 : vector<16xi1>, vector<16xf32>
      %reduce_max3A_223 = arith.constant true
      %reduce_max3A_224 = vector.broadcast %reduce_max3A_223 : i1 to vector<16xi1>
      %reduce_max3A_225 = tpu.scan <max>, %scan3A_180#4 masked %reduce_max3A_224 : vector<16xf32>, vector<16xi1> -> vector<16xf32>
      %reduce_max3A_226 = vector.extract %reduce_max3A_225[15] : f32 from vector<16xf32>
      %slice3A_227 = vector.extract_strided_slice %get3A_107 {offsets = [1], sizes = [1], strides = [1]} : vector<16xf32> to vector<1xf32>
      %squeeze3A_228 = vector.extract %slice3A_227[0] : f32 from vector<1xf32>
      %sub3A_229 = arith.subf %reduce_max3A_226, %squeeze3A_228 : f32
      %broadcast_in_dim3A_230 = vector.broadcast %sub3A_229 : f32 to vector<16xf32>
      %select_n3A_231 = arith.select %eq3A_213, %broadcast_in_dim3A_230, %select_n3A_201 : vector<16xi1>, vector<16xf32>
      %reduce_max3A_232 = arith.constant true
      %reduce_max3A_233 = vector.broadcast %reduce_max3A_232 : i1 to vector<16xi1>
      %reduce_max3A_234 = tpu.scan <max>, %scan3A_180#5 masked %reduce_max3A_233 : vector<16xf32>, vector<16xi1> -> vector<16xf32>
      %reduce_max3A_235 = vector.extract %reduce_max3A_234[15] : f32 from vector<16xf32>
      %slice3A_236 = vector.extract_strided_slice %get3A_109 {offsets = [1], sizes = [1], strides = [1]} : vector<16xf32> to vector<1xf32>
      %squeeze3A_237 = vector.extract %slice3A_236[0] : f32 from vector<1xf32>
      %sub3A_238 = arith.subf %reduce_max3A_235, %squeeze3A_237 : f32
      %broadcast_in_dim3A_239 = vector.broadcast %sub3A_238 : f32 to vector<16xf32>
      %select_n3A_240 = arith.select %eq3A_213, %broadcast_in_dim3A_239, %select_n3A_210 : vector<16xi1>, vector<16xf32>
      %slice3A_241 = vector.extract_strided_slice %get3A_111 {offsets = [2], sizes = [1], strides = [1]} : vector<16xf32> to vector<1xf32>
      %squeeze3A_242 = vector.extract %slice3A_241[0] : f32 from vector<1xf32>
      %mul3A_243 = arith.constant -2.000000e+00 : f32
      %mul3A_244 = arith.mulf %mul3A_243, %squeeze3A_242 : f32
      %slice3A_245 = vector.extract_strided_slice %get3A_111 {offsets = [3], sizes = [1], strides = [1]} : vector<16xf32> to vector<1xf32>
      %squeeze3A_246 = vector.extract %slice3A_245[0] : f32 from vector<1xf32>
      %mul3A_247 = arith.constant -2.000000e+00 : f32
      %mul3A_248 = arith.mulf %mul3A_247, %squeeze3A_246 : f32
      %slice3A_249 = vector.extract_strided_slice %get3A_113 {offsets = [2], sizes = [1], strides = [1]} : vector<16xf32> to vector<1xf32>
      %squeeze3A_250 = vector.extract %slice3A_249[0] : f32 from vector<1xf32>
      %mul3A_251 = arith.constant -2.000000e+00 : f32
      %mul3A_252 = arith.mulf %mul3A_251, %squeeze3A_250 : f32
      %slice3A_253 = vector.extract_strided_slice %get3A_113 {offsets = [3], sizes = [1], strides = [1]} : vector<16xf32> to vector<1xf32>
      %squeeze3A_254 = vector.extract %slice3A_253[0] : f32 from vector<1xf32>
      %mul3A_255 = arith.constant -2.000000e+00 : f32
      %mul3A_256 = arith.mulf %mul3A_255, %squeeze3A_254 : f32
      %slice3A_257 = vector.extract_strided_slice %get3A_115 {offsets = [2], sizes = [1], strides = [1]} : vector<16xf32> to vector<1xf32>
      %squeeze3A_258 = vector.extract %slice3A_257[0] : f32 from vector<1xf32>
      %mul3A_259 = arith.constant -2.000000e+00 : f32
      %mul3A_260 = arith.mulf %mul3A_259, %squeeze3A_258 : f32
      %slice3A_261 = vector.extract_strided_slice %get3A_115 {offsets = [3], sizes = [1], strides = [1]} : vector<16xf32> to vector<1xf32>
      %squeeze3A_262 = vector.extract %slice3A_261[0] : f32 from vector<1xf32>
      %mul3A_263 = arith.constant -2.000000e+00 : f32
      %mul3A_264 = arith.mulf %mul3A_263, %squeeze3A_262 : f32
      %slice3A_265 = vector.extract_strided_slice %get3A_117 {offsets = [2], sizes = [1], strides = [1]} : vector<16xf32> to vector<1xf32>
      %squeeze3A_266 = vector.extract %slice3A_265[0] : f32 from vector<1xf32>
      %neg3A_267 = arith.constant 0.000000e+00 : f32
      %neg3A_268 = arith.subf %neg3A_267, %squeeze3A_266 : f32
      %slice3A_269 = vector.extract_strided_slice %get3A_117 {offsets = [3], sizes = [1], strides = [1]} : vector<16xf32> to vector<1xf32>
      %squeeze3A_270 = vector.extract %slice3A_269[0] : f32 from vector<1xf32>
      %neg3A_271 = arith.constant 0.000000e+00 : f32
      %neg3A_272 = arith.subf %neg3A_271, %squeeze3A_270 : f32
      %scan3A_273 = arith.constant 0 : i32
      %scan3A_274 = arith.constant 256 : i32
      %scan3A_275 = arith.addi %scan3A_273, %scan3A_274 : i32
      %scan3A_276 = arith.constant 1 : i32
      %scan3A_277:14 = scf.for %scan3A_1149 = %scan3A_273 to %scan3A_275 step %scan3A_276 iter_args(%scan3A_1150 = %broadcast_in_dim3A_59, %scan3A_1151 = %broadcast_in_dim3A_59, %scan3A_1152 = %broadcast_in_dim3A_59, %scan3A_1153 = %broadcast_in_dim3A_59, %scan3A_1154 = %broadcast_in_dim3A_59, %scan3A_1155 = %broadcast_in_dim3A_59, %scan3A_1156 = %broadcast_in_dim3A_59, %scan3A_1157 = %broadcast_in_dim3A_59, %scan3A_1158 = %broadcast_in_dim3A_59, %scan3A_1159 = %broadcast_in_dim3A_59, %scan3A_1160 = %broadcast_in_dim3A_59, %scan3A_1161 = %broadcast_in_dim3A_59, %scan3A_1162 = %broadcast_in_dim3A_59, %scan3A_1163 = %broadcast_in_dim3A_59) -> (vector<16xf32>, vector<16xf32>, vector<16xf32>, vector<16xf32>, vector<16xf32>, vector<16xf32>, vector<16xf32>, vector<16xf32>, vector<16xf32>, vector<16xf32>, vector<16xf32>, vector<16xf32>, vector<16xf32>, vector<16xf32>)  : i32 {
        %mul3A_1164 = arith.constant 16 : i32
        %mul3A_1165 = arith.muli %scan3A_1149, %mul3A_1164 : i32
        %get3A_1166 = arith.index_cast %mul3A_1165 : i32 to index
        %get3A_1167 = tpu.vector_load %arg8[%get3A_1166] {strides = array<i32>} : memref<4096xf32, #tpu.memory_space<vmem>>, vector<16xf32>,
        %get3A_1168 = arith.index_cast %mul3A_1165 : i32 to index
        %get3A_1169 = tpu.vector_load %arg9[%get3A_1168] {strides = array<i32>} : memref<4096xf32, #tpu.memory_space<vmem>>, vector<16xf32>,
        %get3A_1170 = arith.index_cast %mul3A_1165 : i32 to index
        %get3A_1171 = tpu.vector_load %arg10[%get3A_1170] {strides = array<i32>} : memref<4096xf32, #tpu.memory_space<vmem>>, vector<16xf32>,
        %get3A_1172 = arith.index_cast %mul3A_1165 : i32 to index
        %get3A_1173 = tpu.vector_load %arg7[%get3A_1172] {strides = array<i32>} : memref<4096xf32, #tpu.memory_space<vmem>>, vector<16xf32>,
        %mul3A_1174 = vector.broadcast %mul3A_244 : f32 to vector<16xf32>
        %mul3A_1175 = arith.mulf %mul3A_1174, %get3A_1167 : vector<16xf32>
        %mul3A_1176 = vector.broadcast %mul3A_252 : f32 to vector<16xf32>
        %mul3A_1177 = arith.mulf %mul3A_1176, %get3A_1169 : vector<16xf32>
        %add3A_1178 = arith.addf %mul3A_1175, %mul3A_1177 : vector<16xf32>
        %mul3A_1179 = vector.broadcast %mul3A_260 : f32 to vector<16xf32>
        %mul3A_1180 = arith.mulf %mul3A_1179, %get3A_1171 : vector<16xf32>
        %add3A_1181 = arith.addf %add3A_1178, %mul3A_1180 : vector<16xf32>
        %sub3A_1182 = vector.broadcast %neg3A_268 : f32 to vector<16xf32>
        %sub3A_1183 = arith.subf %sub3A_1182, %add3A_1181 : vector<16xf32>
        %sub3A_1184 = arith.subf %get3A_1173, %sub3A_1183 : vector<16xf32>
        %max3A = arith.constant 0.000000e+00 : f32
        %max3A_1185 = vector.broadcast %max3A : f32 to vector<16xf32>
        %max3A_1186 = arith.maximumf %sub3A_1184, %max3A_1185 : vector<16xf32>
        %min3A = arith.minimumf %scan3A_1150, %max3A_1186 : vector<16xf32>
        %max3A_1187 = arith.maximumf %scan3A_1150, %max3A_1186 : vector<16xf32>
        %min3A_1188 = arith.minimumf %scan3A_1151, %max3A_1187 : vector<16xf32>
        %max3A_1189 = arith.maximumf %scan3A_1151, %max3A_1187 : vector<16xf32>
        %min3A_1190 = arith.minimumf %scan3A_1152, %max3A_1189 : vector<16xf32>
        %max3A_1191 = arith.maximumf %scan3A_1152, %max3A_1189 : vector<16xf32>
        %min3A_1192 = arith.minimumf %scan3A_1153, %max3A_1191 : vector<16xf32>
        %max3A_1193 = arith.maximumf %scan3A_1153, %max3A_1191 : vector<16xf32>
        %min3A_1194 = arith.minimumf %scan3A_1154, %max3A_1193 : vector<16xf32>
        %max3A_1195 = arith.maximumf %scan3A_1154, %max3A_1193 : vector<16xf32>
        %min3A_1196 = arith.minimumf %scan3A_1155, %max3A_1195 : vector<16xf32>
        %max3A_1197 = arith.maximumf %scan3A_1155, %max3A_1195 : vector<16xf32>
        %min3A_1198 = arith.minimumf %scan3A_1156, %max3A_1197 : vector<16xf32>
        %max3A_1199 = arith.maximumf %scan3A_1156, %max3A_1197 : vector<16xf32>
        %mul3A_1200 = vector.broadcast %mul3A_248 : f32 to vector<16xf32>
        %mul3A_1201 = arith.mulf %mul3A_1200, %get3A_1167 : vector<16xf32>
        %mul3A_1202 = vector.broadcast %mul3A_256 : f32 to vector<16xf32>
        %mul3A_1203 = arith.mulf %mul3A_1202, %get3A_1169 : vector<16xf32>
        %add3A_1204 = arith.addf %mul3A_1201, %mul3A_1203 : vector<16xf32>
        %mul3A_1205 = vector.broadcast %mul3A_264 : f32 to vector<16xf32>
        %mul3A_1206 = arith.mulf %mul3A_1205, %get3A_1171 : vector<16xf32>
        %add3A_1207 = arith.addf %add3A_1204, %mul3A_1206 : vector<16xf32>
        %sub3A_1208 = vector.broadcast %neg3A_272 : f32 to vector<16xf32>
        %sub3A_1209 = arith.subf %sub3A_1208, %add3A_1207 : vector<16xf32>
        %sub3A_1210 = arith.subf %get3A_1173, %sub3A_1209 : vector<16xf32>
        %max3A_1211 = arith.constant 0.000000e+00 : f32
        %max3A_1212 = vector.broadcast %max3A_1211 : f32 to vector<16xf32>
        %max3A_1213 = arith.maximumf %sub3A_1210, %max3A_1212 : vector<16xf32>
        %min3A_1214 = arith.minimumf %scan3A_1157, %max3A_1213 : vector<16xf32>
        %max3A_1215 = arith.maximumf %scan3A_1157, %max3A_1213 : vector<16xf32>
        %min3A_1216 = arith.minimumf %scan3A_1158, %max3A_1215 : vector<16xf32>
        %max3A_1217 = arith.maximumf %scan3A_1158, %max3A_1215 : vector<16xf32>
        %min3A_1218 = arith.minimumf %scan3A_1159, %max3A_1217 : vector<16xf32>
        %max3A_1219 = arith.maximumf %scan3A_1159, %max3A_1217 : vector<16xf32>
        %min3A_1220 = arith.minimumf %scan3A_1160, %max3A_1219 : vector<16xf32>
        %max3A_1221 = arith.maximumf %scan3A_1160, %max3A_1219 : vector<16xf32>
        %min3A_1222 = arith.minimumf %scan3A_1161, %max3A_1221 : vector<16xf32>
        %max3A_1223 = arith.maximumf %scan3A_1161, %max3A_1221 : vector<16xf32>
        %min3A_1224 = arith.minimumf %scan3A_1162, %max3A_1223 : vector<16xf32>
        %max3A_1225 = arith.maximumf %scan3A_1162, %max3A_1223 : vector<16xf32>
        %min3A_1226 = arith.minimumf %scan3A_1163, %max3A_1225 : vector<16xf32>
        %max3A_1227 = arith.maximumf %scan3A_1163, %max3A_1225 : vector<16xf32>
        scf.yield %min3A, %min3A_1188, %min3A_1190, %min3A_1192, %min3A_1194, %min3A_1196, %min3A_1198, %min3A_1214, %min3A_1216, %min3A_1218, %min3A_1220, %min3A_1222, %min3A_1224, %min3A_1226 : vector<16xf32>, vector<16xf32>, vector<16xf32>, vector<16xf32>, vector<16xf32>, vector<16xf32>, vector<16xf32>, vector<16xf32>, vector<16xf32>, vector<16xf32>, vector<16xf32>, vector<16xf32>, vector<16xf32>, vector<16xf32>
      }
      %scan3A_278 = arith.constant 256 : i32
      %bitcast3A_279 = vector.bitcast %scan3A_277#0 : vector<16xf32> to vector<16xi32>
      %bitcast3A_280 = vector.bitcast %scan3A_277#1 : vector<16xf32> to vector<16xi32>
      %bitcast3A_281 = vector.bitcast %scan3A_277#2 : vector<16xf32> to vector<16xi32>
      %bitcast3A_282 = vector.bitcast %scan3A_277#3 : vector<16xf32> to vector<16xi32>
      %bitcast3A_283 = vector.bitcast %scan3A_277#4 : vector<16xf32> to vector<16xi32>
      %bitcast3A_284 = vector.bitcast %scan3A_277#5 : vector<16xf32> to vector<16xi32>
      %bitcast3A_285 = vector.bitcast %scan3A_277#6 : vector<16xf32> to vector<16xi32>
      %bitcast3A_286 = vector.bitcast %scan3A_277#7 : vector<16xf32> to vector<16xi32>
      %bitcast3A_287 = vector.bitcast %scan3A_277#8 : vector<16xf32> to vector<16xi32>
      %bitcast3A_288 = vector.bitcast %scan3A_277#9 : vector<16xf32> to vector<16xi32>
      %bitcast3A_289 = vector.bitcast %scan3A_277#10 : vector<16xf32> to vector<16xi32>
      %bitcast3A_290 = vector.bitcast %scan3A_277#11 : vector<16xf32> to vector<16xi32>
      %bitcast3A_291 = vector.bitcast %scan3A_277#12 : vector<16xf32> to vector<16xi32>
      %bitcast3A_292 = vector.bitcast %scan3A_277#13 : vector<16xf32> to vector<16xi32>
      %broadcast_in_dim3A_293 = arith.constant 2139095039 : i32
      %broadcast_in_dim3A_294 = vector.broadcast %broadcast_in_dim3A_293 : i32 to vector<16xi32>
      %scan3A_295 = arith.constant 0 : i32
      %scan3A_296 = arith.constant 31 : i32
      %scan3A_297 = arith.addi %scan3A_295, %scan3A_296 : i32
      %scan3A_298 = arith.constant 1 : i32
      %scan3A_299:4 = scf.for %scan3A_1149 = %scan3A_295 to %scan3A_297 step %scan3A_298 iter_args(%scan3A_1150 = %broadcast_in_dim3A_63, %scan3A_1151 = %broadcast_in_dim3A_63, %scan3A_1152 = %broadcast_in_dim3A_294, %scan3A_1153 = %broadcast_in_dim3A_294) -> (vector<16xi32>, vector<16xi32>, vector<16xi32>, vector<16xi32>)  : i32 {
        %sub3A_1154 = arith.subi %scan3A_1152, %scan3A_1150 : vector<16xi32>
        %shift_right_logical3A = arith.constant 1 : i32
        %shift_right_logical3A_1155 = vector.broadcast %shift_right_logical3A : i32 to vector<16xi32>
        %shift_right_logical3A_1156 = arith.shrui %sub3A_1154, %shift_right_logical3A_1155 : vector<16xi32>
        %add3A_1157 = arith.addi %scan3A_1150, %shift_right_logical3A_1156 : vector<16xi32>
        %sub3A_1158 = arith.subi %scan3A_1153, %scan3A_1151 : vector<16xi32>
        %shift_right_logical3A_1159 = arith.constant 1 : i32
        %shift_right_logical3A_1160 = vector.broadcast %shift_right_logical3A_1159 : i32 to vector<16xi32>
        %shift_right_logical3A_1161 = arith.shrui %sub3A_1158, %shift_right_logical3A_1160 : vector<16xi32>
        %add3A_1162 = arith.addi %scan3A_1151, %shift_right_logical3A_1161 : vector<16xi32>
        %le3A = arith.cmpi sle, %bitcast3A_279, %add3A_1157 : vector<16xi32>
        %jit3A_1163 = arith.constant 1 : i32
        %jit3A_1164 = arith.constant 0 : i32
        %broadcast_in_dim3A_1165 = vector.broadcast %jit3A_1163 : i32 to vector<16xi32>
        %broadcast_in_dim3A_1166 = vector.broadcast %jit3A_1164 : i32 to vector<16xi32>
        %select_n3A_1167 = arith.select %le3A, %broadcast_in_dim3A_1165, %broadcast_in_dim3A_1166 : vector<16xi1>, vector<16xi32>
        %add3A_1168 = arith.addi %broadcast_in_dim3A_63, %select_n3A_1167 : vector<16xi32>
        %le3A_1169 = arith.cmpi sle, %bitcast3A_280, %add3A_1157 : vector<16xi32>
        %jit3A_1170 = arith.constant 1 : i32
        %jit3A_1171 = arith.constant 0 : i32
        %broadcast_in_dim3A_1172 = vector.broadcast %jit3A_1170 : i32 to vector<16xi32>
        %broadcast_in_dim3A_1173 = vector.broadcast %jit3A_1171 : i32 to vector<16xi32>
        %select_n3A_1174 = arith.select %le3A_1169, %broadcast_in_dim3A_1172, %broadcast_in_dim3A_1173 : vector<16xi1>, vector<16xi32>
        %add3A_1175 = arith.addi %add3A_1168, %select_n3A_1174 : vector<16xi32>
        %le3A_1176 = arith.cmpi sle, %bitcast3A_281, %add3A_1157 : vector<16xi32>
        %jit3A_1177 = arith.constant 1 : i32
        %jit3A_1178 = arith.constant 0 : i32
        %broadcast_in_dim3A_1179 = vector.broadcast %jit3A_1177 : i32 to vector<16xi32>
        %broadcast_in_dim3A_1180 = vector.broadcast %jit3A_1178 : i32 to vector<16xi32>
        %select_n3A_1181 = arith.select %le3A_1176, %broadcast_in_dim3A_1179, %broadcast_in_dim3A_1180 : vector<16xi1>, vector<16xi32>
        %add3A_1182 = arith.addi %add3A_1175, %select_n3A_1181 : vector<16xi32>
        %le3A_1183 = arith.cmpi sle, %bitcast3A_282, %add3A_1157 : vector<16xi32>
        %jit3A_1184 = arith.constant 1 : i32
        %jit3A_1185 = arith.constant 0 : i32
        %broadcast_in_dim3A_1186 = vector.broadcast %jit3A_1184 : i32 to vector<16xi32>
        %broadcast_in_dim3A_1187 = vector.broadcast %jit3A_1185 : i32 to vector<16xi32>
        %select_n3A_1188 = arith.select %le3A_1183, %broadcast_in_dim3A_1186, %broadcast_in_dim3A_1187 : vector<16xi1>, vector<16xi32>
        %add3A_1189 = arith.addi %add3A_1182, %select_n3A_1188 : vector<16xi32>
        %le3A_1190 = arith.cmpi sle, %bitcast3A_283, %add3A_1157 : vector<16xi32>
        %jit3A_1191 = arith.constant 1 : i32
        %jit3A_1192 = arith.constant 0 : i32
        %broadcast_in_dim3A_1193 = vector.broadcast %jit3A_1191 : i32 to vector<16xi32>
        %broadcast_in_dim3A_1194 = vector.broadcast %jit3A_1192 : i32 to vector<16xi32>
        %select_n3A_1195 = arith.select %le3A_1190, %broadcast_in_dim3A_1193, %broadcast_in_dim3A_1194 : vector<16xi1>, vector<16xi32>
        %add3A_1196 = arith.addi %add3A_1189, %select_n3A_1195 : vector<16xi32>
        %le3A_1197 = arith.cmpi sle, %bitcast3A_284, %add3A_1157 : vector<16xi32>
        %jit3A_1198 = arith.constant 1 : i32
        %jit3A_1199 = arith.constant 0 : i32
        %broadcast_in_dim3A_1200 = vector.broadcast %jit3A_1198 : i32 to vector<16xi32>
        %broadcast_in_dim3A_1201 = vector.broadcast %jit3A_1199 : i32 to vector<16xi32>
        %select_n3A_1202 = arith.select %le3A_1197, %broadcast_in_dim3A_1200, %broadcast_in_dim3A_1201 : vector<16xi1>, vector<16xi32>
        %add3A_1203 = arith.addi %add3A_1196, %select_n3A_1202 : vector<16xi32>
        %le3A_1204 = arith.cmpi sle, %bitcast3A_285, %add3A_1157 : vector<16xi32>
        %jit3A_1205 = arith.constant 1 : i32
        %jit3A_1206 = arith.constant 0 : i32
        %broadcast_in_dim3A_1207 = vector.broadcast %jit3A_1205 : i32 to vector<16xi32>
        %broadcast_in_dim3A_1208 = vector.broadcast %jit3A_1206 : i32 to vector<16xi32>
        %select_n3A_1209 = arith.select %le3A_1204, %broadcast_in_dim3A_1207, %broadcast_in_dim3A_1208 : vector<16xi1>, vector<16xi32>
        %add3A_1210 = arith.addi %add3A_1203, %select_n3A_1209 : vector<16xi32>
        %cumsum3A = arith.constant true
        %cumsum3A_1211 = vector.broadcast %cumsum3A : i1 to vector<16xi1>
        %cumsum3A_1212 = tpu.scan <sum>, %add3A_1210 masked %cumsum3A_1211 : vector<16xi32>, vector<16xi1> -> vector<16xi32>
        %lt3A_1213 = arith.constant 0 : i32
        %lt3A_1214 = vector.broadcast %lt3A_1213 : i32 to vector<16xi32>
        %lt3A_1215 = arith.cmpi slt, %broadcast_in_dim3A_31, %lt3A_1214 : vector<16xi32>
        %add3A_1216 = arith.constant 16 : i32
        %add3A_1217 = vector.broadcast %add3A_1216 : i32 to vector<16xi32>
        %add3A_1218 = arith.addi %broadcast_in_dim3A_31, %add3A_1217 : vector<16xi32>
        %select_n3A_1219 = arith.select %lt3A_1215, %add3A_1218, %broadcast_in_dim3A_31 : vector<16xi1>, vector<16xi32>
        %broadcast_in_dim3A_1220 = vector.shape_cast %select_n3A_1219 : vector<16xi32> to vector<16x1xi32>
        %gather3A = vector.shape_cast %broadcast_in_dim3A_1220 : vector<16x1xi32> to vector<16xi32>
        %gather3A_1221 = tpu.dynamic_gather %cumsum3A_1212[%gather3A] in [0] : vector<16xi32>, vector<16xi32> -> vector<16xi32>
        %ge3A = arith.cmpi sge, %gather3A_1221, %broadcast_in_dim3A_65 : vector<16xi32>
        %add3A_1222 = arith.constant 1 : i32
        %add3A_1223 = vector.broadcast %add3A_1222 : i32 to vector<16xi32>
        %add3A_1224 = arith.addi %add3A_1157, %add3A_1223 : vector<16xi32>
        %select_n3A_1225 = arith.select %ge3A, %scan3A_1150, %add3A_1224 : vector<16xi1>, vector<16xi32>
        %select_n3A_1226 = arith.select %ge3A, %add3A_1157, %scan3A_1152 : vector<16xi1>, vector<16xi32>
        %le3A_1227 = arith.cmpi sle, %bitcast3A_286, %add3A_1162 : vector<16xi32>
        %jit3A_1228 = arith.constant 1 : i32
        %jit3A_1229 = arith.constant 0 : i32
        %broadcast_in_dim3A_1230 = vector.broadcast %jit3A_1228 : i32 to vector<16xi32>
        %broadcast_in_dim3A_1231 = vector.broadcast %jit3A_1229 : i32 to vector<16xi32>
        %select_n3A_1232 = arith.select %le3A_1227, %broadcast_in_dim3A_1230, %broadcast_in_dim3A_1231 : vector<16xi1>, vector<16xi32>
        %add3A_1233 = arith.addi %broadcast_in_dim3A_63, %select_n3A_1232 : vector<16xi32>
        %le3A_1234 = arith.cmpi sle, %bitcast3A_287, %add3A_1162 : vector<16xi32>
        %jit3A_1235 = arith.constant 1 : i32
        %jit3A_1236 = arith.constant 0 : i32
        %broadcast_in_dim3A_1237 = vector.broadcast %jit3A_1235 : i32 to vector<16xi32>
        %broadcast_in_dim3A_1238 = vector.broadcast %jit3A_1236 : i32 to vector<16xi32>
        %select_n3A_1239 = arith.select %le3A_1234, %broadcast_in_dim3A_1237, %broadcast_in_dim3A_1238 : vector<16xi1>, vector<16xi32>
        %add3A_1240 = arith.addi %add3A_1233, %select_n3A_1239 : vector<16xi32>
        %le3A_1241 = arith.cmpi sle, %bitcast3A_288, %add3A_1162 : vector<16xi32>
        %jit3A_1242 = arith.constant 1 : i32
        %jit3A_1243 = arith.constant 0 : i32
        %broadcast_in_dim3A_1244 = vector.broadcast %jit3A_1242 : i32 to vector<16xi32>
        %broadcast_in_dim3A_1245 = vector.broadcast %jit3A_1243 : i32 to vector<16xi32>
        %select_n3A_1246 = arith.select %le3A_1241, %broadcast_in_dim3A_1244, %broadcast_in_dim3A_1245 : vector<16xi1>, vector<16xi32>
        %add3A_1247 = arith.addi %add3A_1240, %select_n3A_1246 : vector<16xi32>
        %le3A_1248 = arith.cmpi sle, %bitcast3A_289, %add3A_1162 : vector<16xi32>
        %jit3A_1249 = arith.constant 1 : i32
        %jit3A_1250 = arith.constant 0 : i32
        %broadcast_in_dim3A_1251 = vector.broadcast %jit3A_1249 : i32 to vector<16xi32>
        %broadcast_in_dim3A_1252 = vector.broadcast %jit3A_1250 : i32 to vector<16xi32>
        %select_n3A_1253 = arith.select %le3A_1248, %broadcast_in_dim3A_1251, %broadcast_in_dim3A_1252 : vector<16xi1>, vector<16xi32>
        %add3A_1254 = arith.addi %add3A_1247, %select_n3A_1253 : vector<16xi32>
        %le3A_1255 = arith.cmpi sle, %bitcast3A_290, %add3A_1162 : vector<16xi32>
        %jit3A_1256 = arith.constant 1 : i32
        %jit3A_1257 = arith.constant 0 : i32
        %broadcast_in_dim3A_1258 = vector.broadcast %jit3A_1256 : i32 to vector<16xi32>
        %broadcast_in_dim3A_1259 = vector.broadcast %jit3A_1257 : i32 to vector<16xi32>
        %select_n3A_1260 = arith.select %le3A_1255, %broadcast_in_dim3A_1258, %broadcast_in_dim3A_1259 : vector<16xi1>, vector<16xi32>
        %add3A_1261 = arith.addi %add3A_1254, %select_n3A_1260 : vector<16xi32>
        %le3A_1262 = arith.cmpi sle, %bitcast3A_291, %add3A_1162 : vector<16xi32>
        %jit3A_1263 = arith.constant 1 : i32
        %jit3A_1264 = arith.constant 0 : i32
        %broadcast_in_dim3A_1265 = vector.broadcast %jit3A_1263 : i32 to vector<16xi32>
        %broadcast_in_dim3A_1266 = vector.broadcast %jit3A_1264 : i32 to vector<16xi32>
        %select_n3A_1267 = arith.select %le3A_1262, %broadcast_in_dim3A_1265, %broadcast_in_dim3A_1266 : vector<16xi1>, vector<16xi32>
        %add3A_1268 = arith.addi %add3A_1261, %select_n3A_1267 : vector<16xi32>
        %le3A_1269 = arith.cmpi sle, %bitcast3A_292, %add3A_1162 : vector<16xi32>
        %jit3A_1270 = arith.constant 1 : i32
        %jit3A_1271 = arith.constant 0 : i32
        %broadcast_in_dim3A_1272 = vector.broadcast %jit3A_1270 : i32 to vector<16xi32>
        %broadcast_in_dim3A_1273 = vector.broadcast %jit3A_1271 : i32 to vector<16xi32>
        %select_n3A_1274 = arith.select %le3A_1269, %broadcast_in_dim3A_1272, %broadcast_in_dim3A_1273 : vector<16xi1>, vector<16xi32>
        %add3A_1275 = arith.addi %add3A_1268, %select_n3A_1274 : vector<16xi32>
        %cumsum3A_1276 = arith.constant true
        %cumsum3A_1277 = vector.broadcast %cumsum3A_1276 : i1 to vector<16xi1>
        %cumsum3A_1278 = tpu.scan <sum>, %add3A_1275 masked %cumsum3A_1277 : vector<16xi32>, vector<16xi1> -> vector<16xi32>
        %lt3A_1279 = arith.constant 0 : i32
        %lt3A_1280 = vector.broadcast %lt3A_1279 : i32 to vector<16xi32>
        %lt3A_1281 = arith.cmpi slt, %broadcast_in_dim3A_31, %lt3A_1280 : vector<16xi32>
        %add3A_1282 = arith.constant 16 : i32
        %add3A_1283 = vector.broadcast %add3A_1282 : i32 to vector<16xi32>
        %add3A_1284 = arith.addi %broadcast_in_dim3A_31, %add3A_1283 : vector<16xi32>
        %select_n3A_1285 = arith.select %lt3A_1281, %add3A_1284, %broadcast_in_dim3A_31 : vector<16xi1>, vector<16xi32>
        %broadcast_in_dim3A_1286 = vector.shape_cast %select_n3A_1285 : vector<16xi32> to vector<16x1xi32>
        %gather3A_1287 = vector.shape_cast %broadcast_in_dim3A_1286 : vector<16x1xi32> to vector<16xi32>
        %gather3A_1288 = tpu.dynamic_gather %cumsum3A_1278[%gather3A_1287] in [0] : vector<16xi32>, vector<16xi32> -> vector<16xi32>
        %ge3A_1289 = arith.cmpi sge, %gather3A_1288, %broadcast_in_dim3A_65 : vector<16xi32>
        %add3A_1290 = arith.constant 1 : i32
        %add3A_1291 = vector.broadcast %add3A_1290 : i32 to vector<16xi32>
        %add3A_1292 = arith.addi %add3A_1162, %add3A_1291 : vector<16xi32>
        %select_n3A_1293 = arith.select %ge3A_1289, %scan3A_1151, %add3A_1292 : vector<16xi1>, vector<16xi32>
        %select_n3A_1294 = arith.select %ge3A_1289, %add3A_1162, %scan3A_1153 : vector<16xi1>, vector<16xi32>
        scf.yield %select_n3A_1225, %select_n3A_1293, %select_n3A_1226, %select_n3A_1294 : vector<16xi32>, vector<16xi32>, vector<16xi32>, vector<16xi32>
      }
      %scan3A_300 = arith.constant 31 : i32
      %bitcast3A_301 = vector.bitcast %scan3A_299#2 : vector<16xi32> to vector<16xf32>
      %bitcast3A_302 = vector.bitcast %scan3A_299#3 : vector<16xi32> to vector<16xf32>
      %scan3A_303 = arith.constant 0 : i32
      %scan3A_304 = arith.constant 256 : i32
      %scan3A_305 = arith.addi %scan3A_303, %scan3A_304 : i32
      %scan3A_306 = arith.constant 1 : i32
      %scan3A_307:6 = scf.for %scan3A_1149 = %scan3A_303 to %scan3A_305 step %scan3A_306 iter_args(%scan3A_1150 = %broadcast_in_dim3A_61, %scan3A_1151 = %broadcast_in_dim3A_61, %scan3A_1152 = %broadcast_in_dim3A_61, %scan3A_1153 = %broadcast_in_dim3A_61, %scan3A_1154 = %broadcast_in_dim3A_61, %scan3A_1155 = %broadcast_in_dim3A_61) -> (vector<16xf32>, vector<16xf32>, vector<16xf32>, vector<16xf32>, vector<16xf32>, vector<16xf32>)  : i32 {
        %mul3A_1156 = arith.constant 16 : i32
        %mul3A_1157 = arith.muli %scan3A_1149, %mul3A_1156 : i32
        %get3A_1158 = arith.index_cast %mul3A_1157 : i32 to index
        %get3A_1159 = tpu.vector_load %arg8[%get3A_1158] {strides = array<i32>} : memref<4096xf32, #tpu.memory_space<vmem>>, vector<16xf32>,
        %get3A_1160 = arith.index_cast %mul3A_1157 : i32 to index
        %get3A_1161 = tpu.vector_load %arg9[%get3A_1160] {strides = array<i32>} : memref<4096xf32, #tpu.memory_space<vmem>>, vector<16xf32>,
        %get3A_1162 = arith.index_cast %mul3A_1157 : i32 to index
        %get3A_1163 = tpu.vector_load %arg10[%get3A_1162] {strides = array<i32>} : memref<4096xf32, #tpu.memory_space<vmem>>, vector<16xf32>,
        %get3A_1164 = arith.index_cast %mul3A_1157 : i32 to index
        %get3A_1165 = tpu.vector_load %arg7[%get3A_1164] {strides = array<i32>} : memref<4096xf32, #tpu.memory_space<vmem>>, vector<16xf32>,
        %get3A_1166 = arith.index_cast %mul3A_1157 : i32 to index
        %get3A_1167 = tpu.vector_load %arg4[%get3A_1166] {strides = array<i32>} : memref<4096xf32, #tpu.memory_space<vmem>>, vector<16xf32>,
        %get3A_1168 = arith.index_cast %mul3A_1157 : i32 to index
        %get3A_1169 = tpu.vector_load %arg5[%get3A_1168] {strides = array<i32>} : memref<4096xf32, #tpu.memory_space<vmem>>, vector<16xf32>,
        %get3A_1170 = arith.index_cast %mul3A_1157 : i32 to index
        %get3A_1171 = tpu.vector_load %arg6[%get3A_1170] {strides = array<i32>} : memref<4096xf32, #tpu.memory_space<vmem>>, vector<16xf32>,
        %mul3A_1172 = vector.broadcast %mul3A_244 : f32 to vector<16xf32>
        %mul3A_1173 = arith.mulf %mul3A_1172, %get3A_1159 : vector<16xf32>
        %mul3A_1174 = vector.broadcast %mul3A_252 : f32 to vector<16xf32>
        %mul3A_1175 = arith.mulf %mul3A_1174, %get3A_1161 : vector<16xf32>
        %add3A_1176 = arith.addf %mul3A_1173, %mul3A_1175 : vector<16xf32>
        %mul3A_1177 = vector.broadcast %mul3A_260 : f32 to vector<16xf32>
        %mul3A_1178 = arith.mulf %mul3A_1177, %get3A_1163 : vector<16xf32>
        %add3A_1179 = arith.addf %add3A_1176, %mul3A_1178 : vector<16xf32>
        %sub3A_1180 = vector.broadcast %neg3A_268 : f32 to vector<16xf32>
        %sub3A_1181 = arith.subf %sub3A_1180, %add3A_1179 : vector<16xf32>
        %sub3A_1182 = arith.subf %get3A_1165, %sub3A_1181 : vector<16xf32>
        %le3A = arith.cmpf ole, %sub3A_1182, %bitcast3A_301 : vector<16xf32>
        %jit3A_1183 = arith.constant -3.400000e+38 : f32
        %broadcast_in_dim3A_1184 = vector.broadcast %jit3A_1183 : f32 to vector<16xf32>
        %select_n3A_1185 = arith.select %le3A, %get3A_1167, %broadcast_in_dim3A_1184 : vector<16xi1>, vector<16xf32>
        %max3A = arith.maximumf %scan3A_1150, %select_n3A_1185 : vector<16xf32>
        %jit3A_1186 = arith.constant -3.400000e+38 : f32
        %broadcast_in_dim3A_1187 = vector.broadcast %jit3A_1186 : f32 to vector<16xf32>
        %select_n3A_1188 = arith.select %le3A, %get3A_1169, %broadcast_in_dim3A_1187 : vector<16xi1>, vector<16xf32>
        %max3A_1189 = arith.maximumf %scan3A_1151, %select_n3A_1188 : vector<16xf32>
        %jit3A_1190 = arith.constant -3.400000e+38 : f32
        %broadcast_in_dim3A_1191 = vector.broadcast %jit3A_1190 : f32 to vector<16xf32>
        %select_n3A_1192 = arith.select %le3A, %get3A_1171, %broadcast_in_dim3A_1191 : vector<16xi1>, vector<16xf32>
        %max3A_1193 = arith.maximumf %scan3A_1152, %select_n3A_1192 : vector<16xf32>
        %mul3A_1194 = vector.broadcast %mul3A_248 : f32 to vector<16xf32>
        %mul3A_1195 = arith.mulf %mul3A_1194, %get3A_1159 : vector<16xf32>
        %mul3A_1196 = vector.broadcast %mul3A_256 : f32 to vector<16xf32>
        %mul3A_1197 = arith.mulf %mul3A_1196, %get3A_1161 : vector<16xf32>
        %add3A_1198 = arith.addf %mul3A_1195, %mul3A_1197 : vector<16xf32>
        %mul3A_1199 = vector.broadcast %mul3A_264 : f32 to vector<16xf32>
        %mul3A_1200 = arith.mulf %mul3A_1199, %get3A_1163 : vector<16xf32>
        %add3A_1201 = arith.addf %add3A_1198, %mul3A_1200 : vector<16xf32>
        %sub3A_1202 = vector.broadcast %neg3A_272 : f32 to vector<16xf32>
        %sub3A_1203 = arith.subf %sub3A_1202, %add3A_1201 : vector<16xf32>
        %sub3A_1204 = arith.subf %get3A_1165, %sub3A_1203 : vector<16xf32>
        %le3A_1205 = arith.cmpf ole, %sub3A_1204, %bitcast3A_302 : vector<16xf32>
        %jit3A_1206 = arith.constant -3.400000e+38 : f32
        %broadcast_in_dim3A_1207 = vector.broadcast %jit3A_1206 : f32 to vector<16xf32>
        %select_n3A_1208 = arith.select %le3A_1205, %get3A_1167, %broadcast_in_dim3A_1207 : vector<16xi1>, vector<16xf32>
        %max3A_1209 = arith.maximumf %scan3A_1153, %select_n3A_1208 : vector<16xf32>
        %jit3A_1210 = arith.constant -3.400000e+38 : f32
        %broadcast_in_dim3A_1211 = vector.broadcast %jit3A_1210 : f32 to vector<16xf32>
        %select_n3A_1212 = arith.select %le3A_1205, %get3A_1169, %broadcast_in_dim3A_1211 : vector<16xi1>, vector<16xf32>
        %max3A_1213 = arith.maximumf %scan3A_1154, %select_n3A_1212 : vector<16xf32>
        %jit3A_1214 = arith.constant -3.400000e+38 : f32
        %broadcast_in_dim3A_1215 = vector.broadcast %jit3A_1214 : f32 to vector<16xf32>
        %select_n3A_1216 = arith.select %le3A_1205, %get3A_1171, %broadcast_in_dim3A_1215 : vector<16xi1>, vector<16xf32>
        %max3A_1217 = arith.maximumf %scan3A_1155, %select_n3A_1216 : vector<16xf32>
        scf.yield %max3A, %max3A_1189, %max3A_1193, %max3A_1209, %max3A_1213, %max3A_1217 : vector<16xf32>, vector<16xf32>, vector<16xf32>, vector<16xf32>, vector<16xf32>, vector<16xf32>
      }
      %scan3A_308 = arith.constant 256 : i32
      %eq3A_309 = arith.constant 2 : i32
      %eq3A_310 = vector.broadcast %eq3A_309 : i32 to vector<16xi32>
      %eq3A_311 = arith.cmpi eq, %iota3A, %eq3A_310 : vector<16xi32>
      %reduce_max3A_312 = arith.constant true
      %reduce_max3A_313 = vector.broadcast %reduce_max3A_312 : i1 to vector<16xi1>
      %reduce_max3A_314 = tpu.scan <max>, %scan3A_307#0 masked %reduce_max3A_313 : vector<16xf32>, vector<16xi1> -> vector<16xf32>
      %reduce_max3A_315 = vector.extract %reduce_max3A_314[15] : f32 from vector<16xf32>
      %slice3A_316 = vector.extract_strided_slice %get3A_105 {offsets = [2], sizes = [1], strides = [1]} : vector<16xf32> to vector<1xf32>
      %squeeze3A_317 = vector.extract %slice3A_316[0] : f32 from vector<1xf32>
      %sub3A_318 = arith.subf %reduce_max3A_315, %squeeze3A_317 : f32
      %broadcast_in_dim3A_319 = vector.broadcast %sub3A_318 : f32 to vector<16xf32>
      %select_n3A_320 = arith.select %eq3A_311, %broadcast_in_dim3A_319, %select_n3A_222 : vector<16xi1>, vector<16xf32>
      %reduce_max3A_321 = arith.constant true
      %reduce_max3A_322 = vector.broadcast %reduce_max3A_321 : i1 to vector<16xi1>
      %reduce_max3A_323 = tpu.scan <max>, %scan3A_307#1 masked %reduce_max3A_322 : vector<16xf32>, vector<16xi1> -> vector<16xf32>
      %reduce_max3A_324 = vector.extract %reduce_max3A_323[15] : f32 from vector<16xf32>
      %slice3A_325 = vector.extract_strided_slice %get3A_107 {offsets = [2], sizes = [1], strides = [1]} : vector<16xf32> to vector<1xf32>
      %squeeze3A_326 = vector.extract %slice3A_325[0] : f32 from vector<1xf32>
      %sub3A_327 = arith.subf %reduce_max3A_324, %squeeze3A_326 : f32
      %broadcast_in_dim3A_328 = vector.broadcast %sub3A_327 : f32 to vector<16xf32>
      %select_n3A_329 = arith.select %eq3A_311, %broadcast_in_dim3A_328, %select_n3A_231 : vector<16xi1>, vector<16xf32>
      %reduce_max3A_330 = arith.constant true
      %reduce_max3A_331 = vector.broadcast %reduce_max3A_330 : i1 to vector<16xi1>
      %reduce_max3A_332 = tpu.scan <max>, %scan3A_307#2 masked %reduce_max3A_331 : vector<16xf32>, vector<16xi1> -> vector<16xf32>
      %reduce_max3A_333 = vector.extract %reduce_max3A_332[15] : f32 from vector<16xf32>
      %slice3A_334 = vector.extract_strided_slice %get3A_109 {offsets = [2], sizes = [1], strides = [1]} : vector<16xf32> to vector<1xf32>
      %squeeze3A_335 = vector.extract %slice3A_334[0] : f32 from vector<1xf32>
      %sub3A_336 = arith.subf %reduce_max3A_333, %squeeze3A_335 : f32
      %broadcast_in_dim3A_337 = vector.broadcast %sub3A_336 : f32 to vector<16xf32>
      %select_n3A_338 = arith.select %eq3A_311, %broadcast_in_dim3A_337, %select_n3A_240 : vector<16xi1>, vector<16xf32>
      %eq3A_339 = arith.constant 3 : i32
      %eq3A_340 = vector.broadcast %eq3A_339 : i32 to vector<16xi32>
      %eq3A_341 = arith.cmpi eq, %iota3A, %eq3A_340 : vector<16xi32>
      %reduce_max3A_342 = arith.constant true
      %reduce_max3A_343 = vector.broadcast %reduce_max3A_342 : i1 to vector<16xi1>
      %reduce_max3A_344 = tpu.scan <max>, %scan3A_307#3 masked %reduce_max3A_343 : vector<16xf32>, vector<16xi1> -> vector<16xf32>
      %reduce_max3A_345 = vector.extract %reduce_max3A_344[15] : f32 from vector<16xf32>
      %slice3A_346 = vector.extract_strided_slice %get3A_105 {offsets = [3], sizes = [1], strides = [1]} : vector<16xf32> to vector<1xf32>
      %squeeze3A_347 = vector.extract %slice3A_346[0] : f32 from vector<1xf32>
      %sub3A_348 = arith.subf %reduce_max3A_345, %squeeze3A_347 : f32
      %broadcast_in_dim3A_349 = vector.broadcast %sub3A_348 : f32 to vector<16xf32>
      %select_n3A_350 = arith.select %eq3A_341, %broadcast_in_dim3A_349, %select_n3A_320 : vector<16xi1>, vector<16xf32>
      %reduce_max3A_351 = arith.constant true
      %reduce_max3A_352 = vector.broadcast %reduce_max3A_351 : i1 to vector<16xi1>
      %reduce_max3A_353 = tpu.scan <max>, %scan3A_307#4 masked %reduce_max3A_352 : vector<16xf32>, vector<16xi1> -> vector<16xf32>
      %reduce_max3A_354 = vector.extract %reduce_max3A_353[15] : f32 from vector<16xf32>
      %slice3A_355 = vector.extract_strided_slice %get3A_107 {offsets = [3], sizes = [1], strides = [1]} : vector<16xf32> to vector<1xf32>
      %squeeze3A_356 = vector.extract %slice3A_355[0] : f32 from vector<1xf32>
      %sub3A_357 = arith.subf %reduce_max3A_354, %squeeze3A_356 : f32
      %broadcast_in_dim3A_358 = vector.broadcast %sub3A_357 : f32 to vector<16xf32>
      %select_n3A_359 = arith.select %eq3A_341, %broadcast_in_dim3A_358, %select_n3A_329 : vector<16xi1>, vector<16xf32>
      %reduce_max3A_360 = arith.constant true
      %reduce_max3A_361 = vector.broadcast %reduce_max3A_360 : i1 to vector<16xi1>
      %reduce_max3A_362 = tpu.scan <max>, %scan3A_307#5 masked %reduce_max3A_361 : vector<16xf32>, vector<16xi1> -> vector<16xf32>
      %reduce_max3A_363 = vector.extract %reduce_max3A_362[15] : f32 from vector<16xf32>
      %slice3A_364 = vector.extract_strided_slice %get3A_109 {offsets = [3], sizes = [1], strides = [1]} : vector<16xf32> to vector<1xf32>
      %squeeze3A_365 = vector.extract %slice3A_364[0] : f32 from vector<1xf32>
      %sub3A_366 = arith.subf %reduce_max3A_363, %squeeze3A_365 : f32
      %broadcast_in_dim3A_367 = vector.broadcast %sub3A_366 : f32 to vector<16xf32>
      %select_n3A_368 = arith.select %eq3A_341, %broadcast_in_dim3A_367, %select_n3A_338 : vector<16xi1>, vector<16xf32>
      %slice3A_369 = vector.extract_strided_slice %get3A_111 {offsets = [4], sizes = [1], strides = [1]} : vector<16xf32> to vector<1xf32>
      %squeeze3A_370 = vector.extract %slice3A_369[0] : f32 from vector<1xf32>
      %mul3A_371 = arith.constant -2.000000e+00 : f32
      %mul3A_372 = arith.mulf %mul3A_371, %squeeze3A_370 : f32
      %slice3A_373 = vector.extract_strided_slice %get3A_111 {offsets = [5], sizes = [1], strides = [1]} : vector<16xf32> to vector<1xf32>
      %squeeze3A_374 = vector.extract %slice3A_373[0] : f32 from vector<1xf32>
      %mul3A_375 = arith.constant -2.000000e+00 : f32
      %mul3A_376 = arith.mulf %mul3A_375, %squeeze3A_374 : f32
      %slice3A_377 = vector.extract_strided_slice %get3A_113 {offsets = [4], sizes = [1], strides = [1]} : vector<16xf32> to vector<1xf32>
      %squeeze3A_378 = vector.extract %slice3A_377[0] : f32 from vector<1xf32>
      %mul3A_379 = arith.constant -2.000000e+00 : f32
      %mul3A_380 = arith.mulf %mul3A_379, %squeeze3A_378 : f32
      %slice3A_381 = vector.extract_strided_slice %get3A_113 {offsets = [5], sizes = [1], strides = [1]} : vector<16xf32> to vector<1xf32>
      %squeeze3A_382 = vector.extract %slice3A_381[0] : f32 from vector<1xf32>
      %mul3A_383 = arith.constant -2.000000e+00 : f32
      %mul3A_384 = arith.mulf %mul3A_383, %squeeze3A_382 : f32
      %slice3A_385 = vector.extract_strided_slice %get3A_115 {offsets = [4], sizes = [1], strides = [1]} : vector<16xf32> to vector<1xf32>
      %squeeze3A_386 = vector.extract %slice3A_385[0] : f32 from vector<1xf32>
      %mul3A_387 = arith.constant -2.000000e+00 : f32
      %mul3A_388 = arith.mulf %mul3A_387, %squeeze3A_386 : f32
      %slice3A_389 = vector.extract_strided_slice %get3A_115 {offsets = [5], sizes = [1], strides = [1]} : vector<16xf32> to vector<1xf32>
      %squeeze3A_390 = vector.extract %slice3A_389[0] : f32 from vector<1xf32>
      %mul3A_391 = arith.constant -2.000000e+00 : f32
      %mul3A_392 = arith.mulf %mul3A_391, %squeeze3A_390 : f32
      %slice3A_393 = vector.extract_strided_slice %get3A_117 {offsets = [4], sizes = [1], strides = [1]} : vector<16xf32> to vector<1xf32>
      %squeeze3A_394 = vector.extract %slice3A_393[0] : f32 from vector<1xf32>
      %neg3A_395 = arith.constant 0.000000e+00 : f32
      %neg3A_396 = arith.subf %neg3A_395, %squeeze3A_394 : f32
      %slice3A_397 = vector.extract_strided_slice %get3A_117 {offsets = [5], sizes = [1], strides = [1]} : vector<16xf32> to vector<1xf32>
      %squeeze3A_398 = vector.extract %slice3A_397[0] : f32 from vector<1xf32>
      %neg3A_399 = arith.constant 0.000000e+00 : f32
      %neg3A_400 = arith.subf %neg3A_399, %squeeze3A_398 : f32
      %scan3A_401 = arith.constant 0 : i32
      %scan3A_402 = arith.constant 256 : i32
      %scan3A_403 = arith.addi %scan3A_401, %scan3A_402 : i32
      %scan3A_404 = arith.constant 1 : i32
      %scan3A_405:14 = scf.for %scan3A_1149 = %scan3A_401 to %scan3A_403 step %scan3A_404 iter_args(%scan3A_1150 = %broadcast_in_dim3A_59, %scan3A_1151 = %broadcast_in_dim3A_59, %scan3A_1152 = %broadcast_in_dim3A_59, %scan3A_1153 = %broadcast_in_dim3A_59, %scan3A_1154 = %broadcast_in_dim3A_59, %scan3A_1155 = %broadcast_in_dim3A_59, %scan3A_1156 = %broadcast_in_dim3A_59, %scan3A_1157 = %broadcast_in_dim3A_59, %scan3A_1158 = %broadcast_in_dim3A_59, %scan3A_1159 = %broadcast_in_dim3A_59, %scan3A_1160 = %broadcast_in_dim3A_59, %scan3A_1161 = %broadcast_in_dim3A_59, %scan3A_1162 = %broadcast_in_dim3A_59, %scan3A_1163 = %broadcast_in_dim3A_59) -> (vector<16xf32>, vector<16xf32>, vector<16xf32>, vector<16xf32>, vector<16xf32>, vector<16xf32>, vector<16xf32>, vector<16xf32>, vector<16xf32>, vector<16xf32>, vector<16xf32>, vector<16xf32>, vector<16xf32>, vector<16xf32>)  : i32 {
        %mul3A_1164 = arith.constant 16 : i32
        %mul3A_1165 = arith.muli %scan3A_1149, %mul3A_1164 : i32
        %get3A_1166 = arith.index_cast %mul3A_1165 : i32 to index
        %get3A_1167 = tpu.vector_load %arg8[%get3A_1166] {strides = array<i32>} : memref<4096xf32, #tpu.memory_space<vmem>>, vector<16xf32>,
        %get3A_1168 = arith.index_cast %mul3A_1165 : i32 to index
        %get3A_1169 = tpu.vector_load %arg9[%get3A_1168] {strides = array<i32>} : memref<4096xf32, #tpu.memory_space<vmem>>, vector<16xf32>,
        %get3A_1170 = arith.index_cast %mul3A_1165 : i32 to index
        %get3A_1171 = tpu.vector_load %arg10[%get3A_1170] {strides = array<i32>} : memref<4096xf32, #tpu.memory_space<vmem>>, vector<16xf32>,
        %get3A_1172 = arith.index_cast %mul3A_1165 : i32 to index
        %get3A_1173 = tpu.vector_load %arg7[%get3A_1172] {strides = array<i32>} : memref<4096xf32, #tpu.memory_space<vmem>>, vector<16xf32>,
        %mul3A_1174 = vector.broadcast %mul3A_372 : f32 to vector<16xf32>
        %mul3A_1175 = arith.mulf %mul3A_1174, %get3A_1167 : vector<16xf32>
        %mul3A_1176 = vector.broadcast %mul3A_380 : f32 to vector<16xf32>
        %mul3A_1177 = arith.mulf %mul3A_1176, %get3A_1169 : vector<16xf32>
        %add3A_1178 = arith.addf %mul3A_1175, %mul3A_1177 : vector<16xf32>
        %mul3A_1179 = vector.broadcast %mul3A_388 : f32 to vector<16xf32>
        %mul3A_1180 = arith.mulf %mul3A_1179, %get3A_1171 : vector<16xf32>
        %add3A_1181 = arith.addf %add3A_1178, %mul3A_1180 : vector<16xf32>
        %sub3A_1182 = vector.broadcast %neg3A_396 : f32 to vector<16xf32>
        %sub3A_1183 = arith.subf %sub3A_1182, %add3A_1181 : vector<16xf32>
        %sub3A_1184 = arith.subf %get3A_1173, %sub3A_1183 : vector<16xf32>
        %max3A = arith.constant 0.000000e+00 : f32
        %max3A_1185 = vector.broadcast %max3A : f32 to vector<16xf32>
        %max3A_1186 = arith.maximumf %sub3A_1184, %max3A_1185 : vector<16xf32>
        %min3A = arith.minimumf %scan3A_1150, %max3A_1186 : vector<16xf32>
        %max3A_1187 = arith.maximumf %scan3A_1150, %max3A_1186 : vector<16xf32>
        %min3A_1188 = arith.minimumf %scan3A_1151, %max3A_1187 : vector<16xf32>
        %max3A_1189 = arith.maximumf %scan3A_1151, %max3A_1187 : vector<16xf32>
        %min3A_1190 = arith.minimumf %scan3A_1152, %max3A_1189 : vector<16xf32>
        %max3A_1191 = arith.maximumf %scan3A_1152, %max3A_1189 : vector<16xf32>
        %min3A_1192 = arith.minimumf %scan3A_1153, %max3A_1191 : vector<16xf32>
        %max3A_1193 = arith.maximumf %scan3A_1153, %max3A_1191 : vector<16xf32>
        %min3A_1194 = arith.minimumf %scan3A_1154, %max3A_1193 : vector<16xf32>
        %max3A_1195 = arith.maximumf %scan3A_1154, %max3A_1193 : vector<16xf32>
        %min3A_1196 = arith.minimumf %scan3A_1155, %max3A_1195 : vector<16xf32>
        %max3A_1197 = arith.maximumf %scan3A_1155, %max3A_1195 : vector<16xf32>
        %min3A_1198 = arith.minimumf %scan3A_1156, %max3A_1197 : vector<16xf32>
        %max3A_1199 = arith.maximumf %scan3A_1156, %max3A_1197 : vector<16xf32>
        %mul3A_1200 = vector.broadcast %mul3A_376 : f32 to vector<16xf32>
        %mul3A_1201 = arith.mulf %mul3A_1200, %get3A_1167 : vector<16xf32>
        %mul3A_1202 = vector.broadcast %mul3A_384 : f32 to vector<16xf32>
        %mul3A_1203 = arith.mulf %mul3A_1202, %get3A_1169 : vector<16xf32>
        %add3A_1204 = arith.addf %mul3A_1201, %mul3A_1203 : vector<16xf32>
        %mul3A_1205 = vector.broadcast %mul3A_392 : f32 to vector<16xf32>
        %mul3A_1206 = arith.mulf %mul3A_1205, %get3A_1171 : vector<16xf32>
        %add3A_1207 = arith.addf %add3A_1204, %mul3A_1206 : vector<16xf32>
        %sub3A_1208 = vector.broadcast %neg3A_400 : f32 to vector<16xf32>
        %sub3A_1209 = arith.subf %sub3A_1208, %add3A_1207 : vector<16xf32>
        %sub3A_1210 = arith.subf %get3A_1173, %sub3A_1209 : vector<16xf32>
        %max3A_1211 = arith.constant 0.000000e+00 : f32
        %max3A_1212 = vector.broadcast %max3A_1211 : f32 to vector<16xf32>
        %max3A_1213 = arith.maximumf %sub3A_1210, %max3A_1212 : vector<16xf32>
        %min3A_1214 = arith.minimumf %scan3A_1157, %max3A_1213 : vector<16xf32>
        %max3A_1215 = arith.maximumf %scan3A_1157, %max3A_1213 : vector<16xf32>
        %min3A_1216 = arith.minimumf %scan3A_1158, %max3A_1215 : vector<16xf32>
        %max3A_1217 = arith.maximumf %scan3A_1158, %max3A_1215 : vector<16xf32>
        %min3A_1218 = arith.minimumf %scan3A_1159, %max3A_1217 : vector<16xf32>
        %max3A_1219 = arith.maximumf %scan3A_1159, %max3A_1217 : vector<16xf32>
        %min3A_1220 = arith.minimumf %scan3A_1160, %max3A_1219 : vector<16xf32>
        %max3A_1221 = arith.maximumf %scan3A_1160, %max3A_1219 : vector<16xf32>
        %min3A_1222 = arith.minimumf %scan3A_1161, %max3A_1221 : vector<16xf32>
        %max3A_1223 = arith.maximumf %scan3A_1161, %max3A_1221 : vector<16xf32>
        %min3A_1224 = arith.minimumf %scan3A_1162, %max3A_1223 : vector<16xf32>
        %max3A_1225 = arith.maximumf %scan3A_1162, %max3A_1223 : vector<16xf32>
        %min3A_1226 = arith.minimumf %scan3A_1163, %max3A_1225 : vector<16xf32>
        %max3A_1227 = arith.maximumf %scan3A_1163, %max3A_1225 : vector<16xf32>
        scf.yield %min3A, %min3A_1188, %min3A_1190, %min3A_1192, %min3A_1194, %min3A_1196, %min3A_1198, %min3A_1214, %min3A_1216, %min3A_1218, %min3A_1220, %min3A_1222, %min3A_1224, %min3A_1226 : vector<16xf32>, vector<16xf32>, vector<16xf32>, vector<16xf32>, vector<16xf32>, vector<16xf32>, vector<16xf32>, vector<16xf32>, vector<16xf32>, vector<16xf32>, vector<16xf32>, vector<16xf32>, vector<16xf32>, vector<16xf32>
      }
      %scan3A_406 = arith.constant 256 : i32
      %bitcast3A_407 = vector.bitcast %scan3A_405#0 : vector<16xf32> to vector<16xi32>
      %bitcast3A_408 = vector.bitcast %scan3A_405#1 : vector<16xf32> to vector<16xi32>
      %bitcast3A_409 = vector.bitcast %scan3A_405#2 : vector<16xf32> to vector<16xi32>
      %bitcast3A_410 = vector.bitcast %scan3A_405#3 : vector<16xf32> to vector<16xi32>
      %bitcast3A_411 = vector.bitcast %scan3A_405#4 : vector<16xf32> to vector<16xi32>
      %bitcast3A_412 = vector.bitcast %scan3A_405#5 : vector<16xf32> to vector<16xi32>
      %bitcast3A_413 = vector.bitcast %scan3A_405#6 : vector<16xf32> to vector<16xi32>
      %bitcast3A_414 = vector.bitcast %scan3A_405#7 : vector<16xf32> to vector<16xi32>
      %bitcast3A_415 = vector.bitcast %scan3A_405#8 : vector<16xf32> to vector<16xi32>
      %bitcast3A_416 = vector.bitcast %scan3A_405#9 : vector<16xf32> to vector<16xi32>
      %bitcast3A_417 = vector.bitcast %scan3A_405#10 : vector<16xf32> to vector<16xi32>
      %bitcast3A_418 = vector.bitcast %scan3A_405#11 : vector<16xf32> to vector<16xi32>
      %bitcast3A_419 = vector.bitcast %scan3A_405#12 : vector<16xf32> to vector<16xi32>
      %bitcast3A_420 = vector.bitcast %scan3A_405#13 : vector<16xf32> to vector<16xi32>
      %broadcast_in_dim3A_421 = arith.constant 2139095039 : i32
      %broadcast_in_dim3A_422 = vector.broadcast %broadcast_in_dim3A_421 : i32 to vector<16xi32>
      %scan3A_423 = arith.constant 0 : i32
      %scan3A_424 = arith.constant 31 : i32
      %scan3A_425 = arith.addi %scan3A_423, %scan3A_424 : i32
      %scan3A_426 = arith.constant 1 : i32
      %scan3A_427:4 = scf.for %scan3A_1149 = %scan3A_423 to %scan3A_425 step %scan3A_426 iter_args(%scan3A_1150 = %broadcast_in_dim3A_63, %scan3A_1151 = %broadcast_in_dim3A_63, %scan3A_1152 = %broadcast_in_dim3A_422, %scan3A_1153 = %broadcast_in_dim3A_422) -> (vector<16xi32>, vector<16xi32>, vector<16xi32>, vector<16xi32>)  : i32 {
        %sub3A_1154 = arith.subi %scan3A_1152, %scan3A_1150 : vector<16xi32>
        %shift_right_logical3A = arith.constant 1 : i32
        %shift_right_logical3A_1155 = vector.broadcast %shift_right_logical3A : i32 to vector<16xi32>
        %shift_right_logical3A_1156 = arith.shrui %sub3A_1154, %shift_right_logical3A_1155 : vector<16xi32>
        %add3A_1157 = arith.addi %scan3A_1150, %shift_right_logical3A_1156 : vector<16xi32>
        %sub3A_1158 = arith.subi %scan3A_1153, %scan3A_1151 : vector<16xi32>
        %shift_right_logical3A_1159 = arith.constant 1 : i32
        %shift_right_logical3A_1160 = vector.broadcast %shift_right_logical3A_1159 : i32 to vector<16xi32>
        %shift_right_logical3A_1161 = arith.shrui %sub3A_1158, %shift_right_logical3A_1160 : vector<16xi32>
        %add3A_1162 = arith.addi %scan3A_1151, %shift_right_logical3A_1161 : vector<16xi32>
        %le3A = arith.cmpi sle, %bitcast3A_407, %add3A_1157 : vector<16xi32>
        %jit3A_1163 = arith.constant 1 : i32
        %jit3A_1164 = arith.constant 0 : i32
        %broadcast_in_dim3A_1165 = vector.broadcast %jit3A_1163 : i32 to vector<16xi32>
        %broadcast_in_dim3A_1166 = vector.broadcast %jit3A_1164 : i32 to vector<16xi32>
        %select_n3A_1167 = arith.select %le3A, %broadcast_in_dim3A_1165, %broadcast_in_dim3A_1166 : vector<16xi1>, vector<16xi32>
        %add3A_1168 = arith.addi %broadcast_in_dim3A_63, %select_n3A_1167 : vector<16xi32>
        %le3A_1169 = arith.cmpi sle, %bitcast3A_408, %add3A_1157 : vector<16xi32>
        %jit3A_1170 = arith.constant 1 : i32
        %jit3A_1171 = arith.constant 0 : i32
        %broadcast_in_dim3A_1172 = vector.broadcast %jit3A_1170 : i32 to vector<16xi32>
        %broadcast_in_dim3A_1173 = vector.broadcast %jit3A_1171 : i32 to vector<16xi32>
        %select_n3A_1174 = arith.select %le3A_1169, %broadcast_in_dim3A_1172, %broadcast_in_dim3A_1173 : vector<16xi1>, vector<16xi32>
        %add3A_1175 = arith.addi %add3A_1168, %select_n3A_1174 : vector<16xi32>
        %le3A_1176 = arith.cmpi sle, %bitcast3A_409, %add3A_1157 : vector<16xi32>
        %jit3A_1177 = arith.constant 1 : i32
        %jit3A_1178 = arith.constant 0 : i32
        %broadcast_in_dim3A_1179 = vector.broadcast %jit3A_1177 : i32 to vector<16xi32>
        %broadcast_in_dim3A_1180 = vector.broadcast %jit3A_1178 : i32 to vector<16xi32>
        %select_n3A_1181 = arith.select %le3A_1176, %broadcast_in_dim3A_1179, %broadcast_in_dim3A_1180 : vector<16xi1>, vector<16xi32>
        %add3A_1182 = arith.addi %add3A_1175, %select_n3A_1181 : vector<16xi32>
        %le3A_1183 = arith.cmpi sle, %bitcast3A_410, %add3A_1157 : vector<16xi32>
        %jit3A_1184 = arith.constant 1 : i32
        %jit3A_1185 = arith.constant 0 : i32
        %broadcast_in_dim3A_1186 = vector.broadcast %jit3A_1184 : i32 to vector<16xi32>
        %broadcast_in_dim3A_1187 = vector.broadcast %jit3A_1185 : i32 to vector<16xi32>
        %select_n3A_1188 = arith.select %le3A_1183, %broadcast_in_dim3A_1186, %broadcast_in_dim3A_1187 : vector<16xi1>, vector<16xi32>
        %add3A_1189 = arith.addi %add3A_1182, %select_n3A_1188 : vector<16xi32>
        %le3A_1190 = arith.cmpi sle, %bitcast3A_411, %add3A_1157 : vector<16xi32>
        %jit3A_1191 = arith.constant 1 : i32
        %jit3A_1192 = arith.constant 0 : i32
        %broadcast_in_dim3A_1193 = vector.broadcast %jit3A_1191 : i32 to vector<16xi32>
        %broadcast_in_dim3A_1194 = vector.broadcast %jit3A_1192 : i32 to vector<16xi32>
        %select_n3A_1195 = arith.select %le3A_1190, %broadcast_in_dim3A_1193, %broadcast_in_dim3A_1194 : vector<16xi1>, vector<16xi32>
        %add3A_1196 = arith.addi %add3A_1189, %select_n3A_1195 : vector<16xi32>
        %le3A_1197 = arith.cmpi sle, %bitcast3A_412, %add3A_1157 : vector<16xi32>
        %jit3A_1198 = arith.constant 1 : i32
        %jit3A_1199 = arith.constant 0 : i32
        %broadcast_in_dim3A_1200 = vector.broadcast %jit3A_1198 : i32 to vector<16xi32>
        %broadcast_in_dim3A_1201 = vector.broadcast %jit3A_1199 : i32 to vector<16xi32>
        %select_n3A_1202 = arith.select %le3A_1197, %broadcast_in_dim3A_1200, %broadcast_in_dim3A_1201 : vector<16xi1>, vector<16xi32>
        %add3A_1203 = arith.addi %add3A_1196, %select_n3A_1202 : vector<16xi32>
        %le3A_1204 = arith.cmpi sle, %bitcast3A_413, %add3A_1157 : vector<16xi32>
        %jit3A_1205 = arith.constant 1 : i32
        %jit3A_1206 = arith.constant 0 : i32
        %broadcast_in_dim3A_1207 = vector.broadcast %jit3A_1205 : i32 to vector<16xi32>
        %broadcast_in_dim3A_1208 = vector.broadcast %jit3A_1206 : i32 to vector<16xi32>
        %select_n3A_1209 = arith.select %le3A_1204, %broadcast_in_dim3A_1207, %broadcast_in_dim3A_1208 : vector<16xi1>, vector<16xi32>
        %add3A_1210 = arith.addi %add3A_1203, %select_n3A_1209 : vector<16xi32>
        %cumsum3A = arith.constant true
        %cumsum3A_1211 = vector.broadcast %cumsum3A : i1 to vector<16xi1>
        %cumsum3A_1212 = tpu.scan <sum>, %add3A_1210 masked %cumsum3A_1211 : vector<16xi32>, vector<16xi1> -> vector<16xi32>
        %lt3A_1213 = arith.constant 0 : i32
        %lt3A_1214 = vector.broadcast %lt3A_1213 : i32 to vector<16xi32>
        %lt3A_1215 = arith.cmpi slt, %broadcast_in_dim3A_31, %lt3A_1214 : vector<16xi32>
        %add3A_1216 = arith.constant 16 : i32
        %add3A_1217 = vector.broadcast %add3A_1216 : i32 to vector<16xi32>
        %add3A_1218 = arith.addi %broadcast_in_dim3A_31, %add3A_1217 : vector<16xi32>
        %select_n3A_1219 = arith.select %lt3A_1215, %add3A_1218, %broadcast_in_dim3A_31 : vector<16xi1>, vector<16xi32>
        %broadcast_in_dim3A_1220 = vector.shape_cast %select_n3A_1219 : vector<16xi32> to vector<16x1xi32>
        %gather3A = vector.shape_cast %broadcast_in_dim3A_1220 : vector<16x1xi32> to vector<16xi32>
        %gather3A_1221 = tpu.dynamic_gather %cumsum3A_1212[%gather3A] in [0] : vector<16xi32>, vector<16xi32> -> vector<16xi32>
        %ge3A = arith.cmpi sge, %gather3A_1221, %broadcast_in_dim3A_65 : vector<16xi32>
        %add3A_1222 = arith.constant 1 : i32
        %add3A_1223 = vector.broadcast %add3A_1222 : i32 to vector<16xi32>
        %add3A_1224 = arith.addi %add3A_1157, %add3A_1223 : vector<16xi32>
        %select_n3A_1225 = arith.select %ge3A, %scan3A_1150, %add3A_1224 : vector<16xi1>, vector<16xi32>
        %select_n3A_1226 = arith.select %ge3A, %add3A_1157, %scan3A_1152 : vector<16xi1>, vector<16xi32>
        %le3A_1227 = arith.cmpi sle, %bitcast3A_414, %add3A_1162 : vector<16xi32>
        %jit3A_1228 = arith.constant 1 : i32
        %jit3A_1229 = arith.constant 0 : i32
        %broadcast_in_dim3A_1230 = vector.broadcast %jit3A_1228 : i32 to vector<16xi32>
        %broadcast_in_dim3A_1231 = vector.broadcast %jit3A_1229 : i32 to vector<16xi32>
        %select_n3A_1232 = arith.select %le3A_1227, %broadcast_in_dim3A_1230, %broadcast_in_dim3A_1231 : vector<16xi1>, vector<16xi32>
        %add3A_1233 = arith.addi %broadcast_in_dim3A_63, %select_n3A_1232 : vector<16xi32>
        %le3A_1234 = arith.cmpi sle, %bitcast3A_415, %add3A_1162 : vector<16xi32>
        %jit3A_1235 = arith.constant 1 : i32
        %jit3A_1236 = arith.constant 0 : i32
        %broadcast_in_dim3A_1237 = vector.broadcast %jit3A_1235 : i32 to vector<16xi32>
        %broadcast_in_dim3A_1238 = vector.broadcast %jit3A_1236 : i32 to vector<16xi32>
        %select_n3A_1239 = arith.select %le3A_1234, %broadcast_in_dim3A_1237, %broadcast_in_dim3A_1238 : vector<16xi1>, vector<16xi32>
        %add3A_1240 = arith.addi %add3A_1233, %select_n3A_1239 : vector<16xi32>
        %le3A_1241 = arith.cmpi sle, %bitcast3A_416, %add3A_1162 : vector<16xi32>
        %jit3A_1242 = arith.constant 1 : i32
        %jit3A_1243 = arith.constant 0 : i32
        %broadcast_in_dim3A_1244 = vector.broadcast %jit3A_1242 : i32 to vector<16xi32>
        %broadcast_in_dim3A_1245 = vector.broadcast %jit3A_1243 : i32 to vector<16xi32>
        %select_n3A_1246 = arith.select %le3A_1241, %broadcast_in_dim3A_1244, %broadcast_in_dim3A_1245 : vector<16xi1>, vector<16xi32>
        %add3A_1247 = arith.addi %add3A_1240, %select_n3A_1246 : vector<16xi32>
        %le3A_1248 = arith.cmpi sle, %bitcast3A_417, %add3A_1162 : vector<16xi32>
        %jit3A_1249 = arith.constant 1 : i32
        %jit3A_1250 = arith.constant 0 : i32
        %broadcast_in_dim3A_1251 = vector.broadcast %jit3A_1249 : i32 to vector<16xi32>
        %broadcast_in_dim3A_1252 = vector.broadcast %jit3A_1250 : i32 to vector<16xi32>
        %select_n3A_1253 = arith.select %le3A_1248, %broadcast_in_dim3A_1251, %broadcast_in_dim3A_1252 : vector<16xi1>, vector<16xi32>
        %add3A_1254 = arith.addi %add3A_1247, %select_n3A_1253 : vector<16xi32>
        %le3A_1255 = arith.cmpi sle, %bitcast3A_418, %add3A_1162 : vector<16xi32>
        %jit3A_1256 = arith.constant 1 : i32
        %jit3A_1257 = arith.constant 0 : i32
        %broadcast_in_dim3A_1258 = vector.broadcast %jit3A_1256 : i32 to vector<16xi32>
        %broadcast_in_dim3A_1259 = vector.broadcast %jit3A_1257 : i32 to vector<16xi32>
        %select_n3A_1260 = arith.select %le3A_1255, %broadcast_in_dim3A_1258, %broadcast_in_dim3A_1259 : vector<16xi1>, vector<16xi32>
        %add3A_1261 = arith.addi %add3A_1254, %select_n3A_1260 : vector<16xi32>
        %le3A_1262 = arith.cmpi sle, %bitcast3A_419, %add3A_1162 : vector<16xi32>
        %jit3A_1263 = arith.constant 1 : i32
        %jit3A_1264 = arith.constant 0 : i32
        %broadcast_in_dim3A_1265 = vector.broadcast %jit3A_1263 : i32 to vector<16xi32>
        %broadcast_in_dim3A_1266 = vector.broadcast %jit3A_1264 : i32 to vector<16xi32>
        %select_n3A_1267 = arith.select %le3A_1262, %broadcast_in_dim3A_1265, %broadcast_in_dim3A_1266 : vector<16xi1>, vector<16xi32>
        %add3A_1268 = arith.addi %add3A_1261, %select_n3A_1267 : vector<16xi32>
        %le3A_1269 = arith.cmpi sle, %bitcast3A_420, %add3A_1162 : vector<16xi32>
        %jit3A_1270 = arith.constant 1 : i32
        %jit3A_1271 = arith.constant 0 : i32
        %broadcast_in_dim3A_1272 = vector.broadcast %jit3A_1270 : i32 to vector<16xi32>
        %broadcast_in_dim3A_1273 = vector.broadcast %jit3A_1271 : i32 to vector<16xi32>
        %select_n3A_1274 = arith.select %le3A_1269, %broadcast_in_dim3A_1272, %broadcast_in_dim3A_1273 : vector<16xi1>, vector<16xi32>
        %add3A_1275 = arith.addi %add3A_1268, %select_n3A_1274 : vector<16xi32>
        %cumsum3A_1276 = arith.constant true
        %cumsum3A_1277 = vector.broadcast %cumsum3A_1276 : i1 to vector<16xi1>
        %cumsum3A_1278 = tpu.scan <sum>, %add3A_1275 masked %cumsum3A_1277 : vector<16xi32>, vector<16xi1> -> vector<16xi32>
        %lt3A_1279 = arith.constant 0 : i32
        %lt3A_1280 = vector.broadcast %lt3A_1279 : i32 to vector<16xi32>
        %lt3A_1281 = arith.cmpi slt, %broadcast_in_dim3A_31, %lt3A_1280 : vector<16xi32>
        %add3A_1282 = arith.constant 16 : i32
        %add3A_1283 = vector.broadcast %add3A_1282 : i32 to vector<16xi32>
        %add3A_1284 = arith.addi %broadcast_in_dim3A_31, %add3A_1283 : vector<16xi32>
        %select_n3A_1285 = arith.select %lt3A_1281, %add3A_1284, %broadcast_in_dim3A_31 : vector<16xi1>, vector<16xi32>
        %broadcast_in_dim3A_1286 = vector.shape_cast %select_n3A_1285 : vector<16xi32> to vector<16x1xi32>
        %gather3A_1287 = vector.shape_cast %broadcast_in_dim3A_1286 : vector<16x1xi32> to vector<16xi32>
        %gather3A_1288 = tpu.dynamic_gather %cumsum3A_1278[%gather3A_1287] in [0] : vector<16xi32>, vector<16xi32> -> vector<16xi32>
        %ge3A_1289 = arith.cmpi sge, %gather3A_1288, %broadcast_in_dim3A_65 : vector<16xi32>
        %add3A_1290 = arith.constant 1 : i32
        %add3A_1291 = vector.broadcast %add3A_1290 : i32 to vector<16xi32>
        %add3A_1292 = arith.addi %add3A_1162, %add3A_1291 : vector<16xi32>
        %select_n3A_1293 = arith.select %ge3A_1289, %scan3A_1151, %add3A_1292 : vector<16xi1>, vector<16xi32>
        %select_n3A_1294 = arith.select %ge3A_1289, %add3A_1162, %scan3A_1153 : vector<16xi1>, vector<16xi32>
        scf.yield %select_n3A_1225, %select_n3A_1293, %select_n3A_1226, %select_n3A_1294 : vector<16xi32>, vector<16xi32>, vector<16xi32>, vector<16xi32>
      }
      %scan3A_428 = arith.constant 31 : i32
      %bitcast3A_429 = vector.bitcast %scan3A_427#2 : vector<16xi32> to vector<16xf32>
      %bitcast3A_430 = vector.bitcast %scan3A_427#3 : vector<16xi32> to vector<16xf32>
      %scan3A_431 = arith.constant 0 : i32
      %scan3A_432 = arith.constant 256 : i32
      %scan3A_433 = arith.addi %scan3A_431, %scan3A_432 : i32
      %scan3A_434 = arith.constant 1 : i32
      %scan3A_435:6 = scf.for %scan3A_1149 = %scan3A_431 to %scan3A_433 step %scan3A_434 iter_args(%scan3A_1150 = %broadcast_in_dim3A_61, %scan3A_1151 = %broadcast_in_dim3A_61, %scan3A_1152 = %broadcast_in_dim3A_61, %scan3A_1153 = %broadcast_in_dim3A_61, %scan3A_1154 = %broadcast_in_dim3A_61, %scan3A_1155 = %broadcast_in_dim3A_61) -> (vector<16xf32>, vector<16xf32>, vector<16xf32>, vector<16xf32>, vector<16xf32>, vector<16xf32>)  : i32 {
        %mul3A_1156 = arith.constant 16 : i32
        %mul3A_1157 = arith.muli %scan3A_1149, %mul3A_1156 : i32
        %get3A_1158 = arith.index_cast %mul3A_1157 : i32 to index
        %get3A_1159 = tpu.vector_load %arg8[%get3A_1158] {strides = array<i32>} : memref<4096xf32, #tpu.memory_space<vmem>>, vector<16xf32>,
        %get3A_1160 = arith.index_cast %mul3A_1157 : i32 to index
        %get3A_1161 = tpu.vector_load %arg9[%get3A_1160] {strides = array<i32>} : memref<4096xf32, #tpu.memory_space<vmem>>, vector<16xf32>,
        %get3A_1162 = arith.index_cast %mul3A_1157 : i32 to index
        %get3A_1163 = tpu.vector_load %arg10[%get3A_1162] {strides = array<i32>} : memref<4096xf32, #tpu.memory_space<vmem>>, vector<16xf32>,
        %get3A_1164 = arith.index_cast %mul3A_1157 : i32 to index
        %get3A_1165 = tpu.vector_load %arg7[%get3A_1164] {strides = array<i32>} : memref<4096xf32, #tpu.memory_space<vmem>>, vector<16xf32>,
        %get3A_1166 = arith.index_cast %mul3A_1157 : i32 to index
        %get3A_1167 = tpu.vector_load %arg4[%get3A_1166] {strides = array<i32>} : memref<4096xf32, #tpu.memory_space<vmem>>, vector<16xf32>,
        %get3A_1168 = arith.index_cast %mul3A_1157 : i32 to index
        %get3A_1169 = tpu.vector_load %arg5[%get3A_1168] {strides = array<i32>} : memref<4096xf32, #tpu.memory_space<vmem>>, vector<16xf32>,
        %get3A_1170 = arith.index_cast %mul3A_1157 : i32 to index
        %get3A_1171 = tpu.vector_load %arg6[%get3A_1170] {strides = array<i32>} : memref<4096xf32, #tpu.memory_space<vmem>>, vector<16xf32>,
        %mul3A_1172 = vector.broadcast %mul3A_372 : f32 to vector<16xf32>
        %mul3A_1173 = arith.mulf %mul3A_1172, %get3A_1159 : vector<16xf32>
        %mul3A_1174 = vector.broadcast %mul3A_380 : f32 to vector<16xf32>
        %mul3A_1175 = arith.mulf %mul3A_1174, %get3A_1161 : vector<16xf32>
        %add3A_1176 = arith.addf %mul3A_1173, %mul3A_1175 : vector<16xf32>
        %mul3A_1177 = vector.broadcast %mul3A_388 : f32 to vector<16xf32>
        %mul3A_1178 = arith.mulf %mul3A_1177, %get3A_1163 : vector<16xf32>
        %add3A_1179 = arith.addf %add3A_1176, %mul3A_1178 : vector<16xf32>
        %sub3A_1180 = vector.broadcast %neg3A_396 : f32 to vector<16xf32>
        %sub3A_1181 = arith.subf %sub3A_1180, %add3A_1179 : vector<16xf32>
        %sub3A_1182 = arith.subf %get3A_1165, %sub3A_1181 : vector<16xf32>
        %le3A = arith.cmpf ole, %sub3A_1182, %bitcast3A_429 : vector<16xf32>
        %jit3A_1183 = arith.constant -3.400000e+38 : f32
        %broadcast_in_dim3A_1184 = vector.broadcast %jit3A_1183 : f32 to vector<16xf32>
        %select_n3A_1185 = arith.select %le3A, %get3A_1167, %broadcast_in_dim3A_1184 : vector<16xi1>, vector<16xf32>
        %max3A = arith.maximumf %scan3A_1150, %select_n3A_1185 : vector<16xf32>
        %jit3A_1186 = arith.constant -3.400000e+38 : f32
        %broadcast_in_dim3A_1187 = vector.broadcast %jit3A_1186 : f32 to vector<16xf32>
        %select_n3A_1188 = arith.select %le3A, %get3A_1169, %broadcast_in_dim3A_1187 : vector<16xi1>, vector<16xf32>
        %max3A_1189 = arith.maximumf %scan3A_1151, %select_n3A_1188 : vector<16xf32>
        %jit3A_1190 = arith.constant -3.400000e+38 : f32
        %broadcast_in_dim3A_1191 = vector.broadcast %jit3A_1190 : f32 to vector<16xf32>
        %select_n3A_1192 = arith.select %le3A, %get3A_1171, %broadcast_in_dim3A_1191 : vector<16xi1>, vector<16xf32>
        %max3A_1193 = arith.maximumf %scan3A_1152, %select_n3A_1192 : vector<16xf32>
        %mul3A_1194 = vector.broadcast %mul3A_376 : f32 to vector<16xf32>
        %mul3A_1195 = arith.mulf %mul3A_1194, %get3A_1159 : vector<16xf32>
        %mul3A_1196 = vector.broadcast %mul3A_384 : f32 to vector<16xf32>
        %mul3A_1197 = arith.mulf %mul3A_1196, %get3A_1161 : vector<16xf32>
        %add3A_1198 = arith.addf %mul3A_1195, %mul3A_1197 : vector<16xf32>
        %mul3A_1199 = vector.broadcast %mul3A_392 : f32 to vector<16xf32>
        %mul3A_1200 = arith.mulf %mul3A_1199, %get3A_1163 : vector<16xf32>
        %add3A_1201 = arith.addf %add3A_1198, %mul3A_1200 : vector<16xf32>
        %sub3A_1202 = vector.broadcast %neg3A_400 : f32 to vector<16xf32>
        %sub3A_1203 = arith.subf %sub3A_1202, %add3A_1201 : vector<16xf32>
        %sub3A_1204 = arith.subf %get3A_1165, %sub3A_1203 : vector<16xf32>
        %le3A_1205 = arith.cmpf ole, %sub3A_1204, %bitcast3A_430 : vector<16xf32>
        %jit3A_1206 = arith.constant -3.400000e+38 : f32
        %broadcast_in_dim3A_1207 = vector.broadcast %jit3A_1206 : f32 to vector<16xf32>
        %select_n3A_1208 = arith.select %le3A_1205, %get3A_1167, %broadcast_in_dim3A_1207 : vector<16xi1>, vector<16xf32>
        %max3A_1209 = arith.maximumf %scan3A_1153, %select_n3A_1208 : vector<16xf32>
        %jit3A_1210 = arith.constant -3.400000e+38 : f32
        %broadcast_in_dim3A_1211 = vector.broadcast %jit3A_1210 : f32 to vector<16xf32>
        %select_n3A_1212 = arith.select %le3A_1205, %get3A_1169, %broadcast_in_dim3A_1211 : vector<16xi1>, vector<16xf32>
        %max3A_1213 = arith.maximumf %scan3A_1154, %select_n3A_1212 : vector<16xf32>
        %jit3A_1214 = arith.constant -3.400000e+38 : f32
        %broadcast_in_dim3A_1215 = vector.broadcast %jit3A_1214 : f32 to vector<16xf32>
        %select_n3A_1216 = arith.select %le3A_1205, %get3A_1171, %broadcast_in_dim3A_1215 : vector<16xi1>, vector<16xf32>
        %max3A_1217 = arith.maximumf %scan3A_1155, %select_n3A_1216 : vector<16xf32>
        scf.yield %max3A, %max3A_1189, %max3A_1193, %max3A_1209, %max3A_1213, %max3A_1217 : vector<16xf32>, vector<16xf32>, vector<16xf32>, vector<16xf32>, vector<16xf32>, vector<16xf32>
      }
      %scan3A_436 = arith.constant 256 : i32
      %eq3A_437 = arith.constant 4 : i32
      %eq3A_438 = vector.broadcast %eq3A_437 : i32 to vector<16xi32>
      %eq3A_439 = arith.cmpi eq, %iota3A, %eq3A_438 : vector<16xi32>
      %reduce_max3A_440 = arith.constant true
      %reduce_max3A_441 = vector.broadcast %reduce_max3A_440 : i1 to vector<16xi1>
      %reduce_max3A_442 = tpu.scan <max>, %scan3A_435#0 masked %reduce_max3A_441 : vector<16xf32>, vector<16xi1> -> vector<16xf32>
      %reduce_max3A_443 = vector.extract %reduce_max3A_442[15] : f32 from vector<16xf32>
      %slice3A_444 = vector.extract_strided_slice %get3A_105 {offsets = [4], sizes = [1], strides = [1]} : vector<16xf32> to vector<1xf32>
      %squeeze3A_445 = vector.extract %slice3A_444[0] : f32 from vector<1xf32>
      %sub3A_446 = arith.subf %reduce_max3A_443, %squeeze3A_445 : f32
      %broadcast_in_dim3A_447 = vector.broadcast %sub3A_446 : f32 to vector<16xf32>
      %select_n3A_448 = arith.select %eq3A_439, %broadcast_in_dim3A_447, %select_n3A_350 : vector<16xi1>, vector<16xf32>
      %reduce_max3A_449 = arith.constant true
      %reduce_max3A_450 = vector.broadcast %reduce_max3A_449 : i1 to vector<16xi1>
      %reduce_max3A_451 = tpu.scan <max>, %scan3A_435#1 masked %reduce_max3A_450 : vector<16xf32>, vector<16xi1> -> vector<16xf32>
      %reduce_max3A_452 = vector.extract %reduce_max3A_451[15] : f32 from vector<16xf32>
      %slice3A_453 = vector.extract_strided_slice %get3A_107 {offsets = [4], sizes = [1], strides = [1]} : vector<16xf32> to vector<1xf32>
      %squeeze3A_454 = vector.extract %slice3A_453[0] : f32 from vector<1xf32>
      %sub3A_455 = arith.subf %reduce_max3A_452, %squeeze3A_454 : f32
      %broadcast_in_dim3A_456 = vector.broadcast %sub3A_455 : f32 to vector<16xf32>
      %select_n3A_457 = arith.select %eq3A_439, %broadcast_in_dim3A_456, %select_n3A_359 : vector<16xi1>, vector<16xf32>
      %reduce_max3A_458 = arith.constant true
      %reduce_max3A_459 = vector.broadcast %reduce_max3A_458 : i1 to vector<16xi1>
      %reduce_max3A_460 = tpu.scan <max>, %scan3A_435#2 masked %reduce_max3A_459 : vector<16xf32>, vector<16xi1> -> vector<16xf32>
      %reduce_max3A_461 = vector.extract %reduce_max3A_460[15] : f32 from vector<16xf32>
      %slice3A_462 = vector.extract_strided_slice %get3A_109 {offsets = [4], sizes = [1], strides = [1]} : vector<16xf32> to vector<1xf32>
      %squeeze3A_463 = vector.extract %slice3A_462[0] : f32 from vector<1xf32>
      %sub3A_464 = arith.subf %reduce_max3A_461, %squeeze3A_463 : f32
      %broadcast_in_dim3A_465 = vector.broadcast %sub3A_464 : f32 to vector<16xf32>
      %select_n3A_466 = arith.select %eq3A_439, %broadcast_in_dim3A_465, %select_n3A_368 : vector<16xi1>, vector<16xf32>
      %eq3A_467 = arith.constant 5 : i32
      %eq3A_468 = vector.broadcast %eq3A_467 : i32 to vector<16xi32>
      %eq3A_469 = arith.cmpi eq, %iota3A, %eq3A_468 : vector<16xi32>
      %reduce_max3A_470 = arith.constant true
      %reduce_max3A_471 = vector.broadcast %reduce_max3A_470 : i1 to vector<16xi1>
      %reduce_max3A_472 = tpu.scan <max>, %scan3A_435#3 masked %reduce_max3A_471 : vector<16xf32>, vector<16xi1> -> vector<16xf32>
      %reduce_max3A_473 = vector.extract %reduce_max3A_472[15] : f32 from vector<16xf32>
      %slice3A_474 = vector.extract_strided_slice %get3A_105 {offsets = [5], sizes = [1], strides = [1]} : vector<16xf32> to vector<1xf32>
      %squeeze3A_475 = vector.extract %slice3A_474[0] : f32 from vector<1xf32>
      %sub3A_476 = arith.subf %reduce_max3A_473, %squeeze3A_475 : f32
      %broadcast_in_dim3A_477 = vector.broadcast %sub3A_476 : f32 to vector<16xf32>
      %select_n3A_478 = arith.select %eq3A_469, %broadcast_in_dim3A_477, %select_n3A_448 : vector<16xi1>, vector<16xf32>
      %reduce_max3A_479 = arith.constant true
      %reduce_max3A_480 = vector.broadcast %reduce_max3A_479 : i1 to vector<16xi1>
      %reduce_max3A_481 = tpu.scan <max>, %scan3A_435#4 masked %reduce_max3A_480 : vector<16xf32>, vector<16xi1> -> vector<16xf32>
      %reduce_max3A_482 = vector.extract %reduce_max3A_481[15] : f32 from vector<16xf32>
      %slice3A_483 = vector.extract_strided_slice %get3A_107 {offsets = [5], sizes = [1], strides = [1]} : vector<16xf32> to vector<1xf32>
      %squeeze3A_484 = vector.extract %slice3A_483[0] : f32 from vector<1xf32>
      %sub3A_485 = arith.subf %reduce_max3A_482, %squeeze3A_484 : f32
      %broadcast_in_dim3A_486 = vector.broadcast %sub3A_485 : f32 to vector<16xf32>
      %select_n3A_487 = arith.select %eq3A_469, %broadcast_in_dim3A_486, %select_n3A_457 : vector<16xi1>, vector<16xf32>
      %reduce_max3A_488 = arith.constant true
      %reduce_max3A_489 = vector.broadcast %reduce_max3A_488 : i1 to vector<16xi1>
      %reduce_max3A_490 = tpu.scan <max>, %scan3A_435#5 masked %reduce_max3A_489 : vector<16xf32>, vector<16xi1> -> vector<16xf32>
      %reduce_max3A_491 = vector.extract %reduce_max3A_490[15] : f32 from vector<16xf32>
      %slice3A_492 = vector.extract_strided_slice %get3A_109 {offsets = [5], sizes = [1], strides = [1]} : vector<16xf32> to vector<1xf32>
      %squeeze3A_493 = vector.extract %slice3A_492[0] : f32 from vector<1xf32>
      %sub3A_494 = arith.subf %reduce_max3A_491, %squeeze3A_493 : f32
      %broadcast_in_dim3A_495 = vector.broadcast %sub3A_494 : f32 to vector<16xf32>
      %select_n3A_496 = arith.select %eq3A_469, %broadcast_in_dim3A_495, %select_n3A_466 : vector<16xi1>, vector<16xf32>
      %slice3A_497 = vector.extract_strided_slice %get3A_111 {offsets = [6], sizes = [1], strides = [1]} : vector<16xf32> to vector<1xf32>
      %squeeze3A_498 = vector.extract %slice3A_497[0] : f32 from vector<1xf32>
      %mul3A_499 = arith.constant -2.000000e+00 : f32
      %mul3A_500 = arith.mulf %mul3A_499, %squeeze3A_498 : f32
      %slice3A_501 = vector.extract_strided_slice %get3A_111 {offsets = [7], sizes = [1], strides = [1]} : vector<16xf32> to vector<1xf32>
      %squeeze3A_502 = vector.extract %slice3A_501[0] : f32 from vector<1xf32>
      %mul3A_503 = arith.constant -2.000000e+00 : f32
      %mul3A_504 = arith.mulf %mul3A_503, %squeeze3A_502 : f32
      %slice3A_505 = vector.extract_strided_slice %get3A_113 {offsets = [6], sizes = [1], strides = [1]} : vector<16xf32> to vector<1xf32>
      %squeeze3A_506 = vector.extract %slice3A_505[0] : f32 from vector<1xf32>
      %mul3A_507 = arith.constant -2.000000e+00 : f32
      %mul3A_508 = arith.mulf %mul3A_507, %squeeze3A_506 : f32
      %slice3A_509 = vector.extract_strided_slice %get3A_113 {offsets = [7], sizes = [1], strides = [1]} : vector<16xf32> to vector<1xf32>
      %squeeze3A_510 = vector.extract %slice3A_509[0] : f32 from vector<1xf32>
      %mul3A_511 = arith.constant -2.000000e+00 : f32
      %mul3A_512 = arith.mulf %mul3A_511, %squeeze3A_510 : f32
      %slice3A_513 = vector.extract_strided_slice %get3A_115 {offsets = [6], sizes = [1], strides = [1]} : vector<16xf32> to vector<1xf32>
      %squeeze3A_514 = vector.extract %slice3A_513[0] : f32 from vector<1xf32>
      %mul3A_515 = arith.constant -2.000000e+00 : f32
      %mul3A_516 = arith.mulf %mul3A_515, %squeeze3A_514 : f32
      %slice3A_517 = vector.extract_strided_slice %get3A_115 {offsets = [7], sizes = [1], strides = [1]} : vector<16xf32> to vector<1xf32>
      %squeeze3A_518 = vector.extract %slice3A_517[0] : f32 from vector<1xf32>
      %mul3A_519 = arith.constant -2.000000e+00 : f32
      %mul3A_520 = arith.mulf %mul3A_519, %squeeze3A_518 : f32
      %slice3A_521 = vector.extract_strided_slice %get3A_117 {offsets = [6], sizes = [1], strides = [1]} : vector<16xf32> to vector<1xf32>
      %squeeze3A_522 = vector.extract %slice3A_521[0] : f32 from vector<1xf32>
      %neg3A_523 = arith.constant 0.000000e+00 : f32
      %neg3A_524 = arith.subf %neg3A_523, %squeeze3A_522 : f32
      %slice3A_525 = vector.extract_strided_slice %get3A_117 {offsets = [7], sizes = [1], strides = [1]} : vector<16xf32> to vector<1xf32>
      %squeeze3A_526 = vector.extract %slice3A_525[0] : f32 from vector<1xf32>
      %neg3A_527 = arith.constant 0.000000e+00 : f32
      %neg3A_528 = arith.subf %neg3A_527, %squeeze3A_526 : f32
      %scan3A_529 = arith.constant 0 : i32
      %scan3A_530 = arith.constant 256 : i32
      %scan3A_531 = arith.addi %scan3A_529, %scan3A_530 : i32
      %scan3A_532 = arith.constant 1 : i32
      %scan3A_533:14 = scf.for %scan3A_1149 = %scan3A_529 to %scan3A_531 step %scan3A_532 iter_args(%scan3A_1150 = %broadcast_in_dim3A_59, %scan3A_1151 = %broadcast_in_dim3A_59, %scan3A_1152 = %broadcast_in_dim3A_59, %scan3A_1153 = %broadcast_in_dim3A_59, %scan3A_1154 = %broadcast_in_dim3A_59, %scan3A_1155 = %broadcast_in_dim3A_59, %scan3A_1156 = %broadcast_in_dim3A_59, %scan3A_1157 = %broadcast_in_dim3A_59, %scan3A_1158 = %broadcast_in_dim3A_59, %scan3A_1159 = %broadcast_in_dim3A_59, %scan3A_1160 = %broadcast_in_dim3A_59, %scan3A_1161 = %broadcast_in_dim3A_59, %scan3A_1162 = %broadcast_in_dim3A_59, %scan3A_1163 = %broadcast_in_dim3A_59) -> (vector<16xf32>, vector<16xf32>, vector<16xf32>, vector<16xf32>, vector<16xf32>, vector<16xf32>, vector<16xf32>, vector<16xf32>, vector<16xf32>, vector<16xf32>, vector<16xf32>, vector<16xf32>, vector<16xf32>, vector<16xf32>)  : i32 {
        %mul3A_1164 = arith.constant 16 : i32
        %mul3A_1165 = arith.muli %scan3A_1149, %mul3A_1164 : i32
        %get3A_1166 = arith.index_cast %mul3A_1165 : i32 to index
        %get3A_1167 = tpu.vector_load %arg8[%get3A_1166] {strides = array<i32>} : memref<4096xf32, #tpu.memory_space<vmem>>, vector<16xf32>,
        %get3A_1168 = arith.index_cast %mul3A_1165 : i32 to index
        %get3A_1169 = tpu.vector_load %arg9[%get3A_1168] {strides = array<i32>} : memref<4096xf32, #tpu.memory_space<vmem>>, vector<16xf32>,
        %get3A_1170 = arith.index_cast %mul3A_1165 : i32 to index
        %get3A_1171 = tpu.vector_load %arg10[%get3A_1170] {strides = array<i32>} : memref<4096xf32, #tpu.memory_space<vmem>>, vector<16xf32>,
        %get3A_1172 = arith.index_cast %mul3A_1165 : i32 to index
        %get3A_1173 = tpu.vector_load %arg7[%get3A_1172] {strides = array<i32>} : memref<4096xf32, #tpu.memory_space<vmem>>, vector<16xf32>,
        %mul3A_1174 = vector.broadcast %mul3A_500 : f32 to vector<16xf32>
        %mul3A_1175 = arith.mulf %mul3A_1174, %get3A_1167 : vector<16xf32>
        %mul3A_1176 = vector.broadcast %mul3A_508 : f32 to vector<16xf32>
        %mul3A_1177 = arith.mulf %mul3A_1176, %get3A_1169 : vector<16xf32>
        %add3A_1178 = arith.addf %mul3A_1175, %mul3A_1177 : vector<16xf32>
        %mul3A_1179 = vector.broadcast %mul3A_516 : f32 to vector<16xf32>
        %mul3A_1180 = arith.mulf %mul3A_1179, %get3A_1171 : vector<16xf32>
        %add3A_1181 = arith.addf %add3A_1178, %mul3A_1180 : vector<16xf32>
        %sub3A_1182 = vector.broadcast %neg3A_524 : f32 to vector<16xf32>
        %sub3A_1183 = arith.subf %sub3A_1182, %add3A_1181 : vector<16xf32>
        %sub3A_1184 = arith.subf %get3A_1173, %sub3A_1183 : vector<16xf32>
        %max3A = arith.constant 0.000000e+00 : f32
        %max3A_1185 = vector.broadcast %max3A : f32 to vector<16xf32>
        %max3A_1186 = arith.maximumf %sub3A_1184, %max3A_1185 : vector<16xf32>
        %min3A = arith.minimumf %scan3A_1150, %max3A_1186 : vector<16xf32>
        %max3A_1187 = arith.maximumf %scan3A_1150, %max3A_1186 : vector<16xf32>
        %min3A_1188 = arith.minimumf %scan3A_1151, %max3A_1187 : vector<16xf32>
        %max3A_1189 = arith.maximumf %scan3A_1151, %max3A_1187 : vector<16xf32>
        %min3A_1190 = arith.minimumf %scan3A_1152, %max3A_1189 : vector<16xf32>
        %max3A_1191 = arith.maximumf %scan3A_1152, %max3A_1189 : vector<16xf32>
        %min3A_1192 = arith.minimumf %scan3A_1153, %max3A_1191 : vector<16xf32>
        %max3A_1193 = arith.maximumf %scan3A_1153, %max3A_1191 : vector<16xf32>
        %min3A_1194 = arith.minimumf %scan3A_1154, %max3A_1193 : vector<16xf32>
        %max3A_1195 = arith.maximumf %scan3A_1154, %max3A_1193 : vector<16xf32>
        %min3A_1196 = arith.minimumf %scan3A_1155, %max3A_1195 : vector<16xf32>
        %max3A_1197 = arith.maximumf %scan3A_1155, %max3A_1195 : vector<16xf32>
        %min3A_1198 = arith.minimumf %scan3A_1156, %max3A_1197 : vector<16xf32>
        %max3A_1199 = arith.maximumf %scan3A_1156, %max3A_1197 : vector<16xf32>
        %mul3A_1200 = vector.broadcast %mul3A_504 : f32 to vector<16xf32>
        %mul3A_1201 = arith.mulf %mul3A_1200, %get3A_1167 : vector<16xf32>
        %mul3A_1202 = vector.broadcast %mul3A_512 : f32 to vector<16xf32>
        %mul3A_1203 = arith.mulf %mul3A_1202, %get3A_1169 : vector<16xf32>
        %add3A_1204 = arith.addf %mul3A_1201, %mul3A_1203 : vector<16xf32>
        %mul3A_1205 = vector.broadcast %mul3A_520 : f32 to vector<16xf32>
        %mul3A_1206 = arith.mulf %mul3A_1205, %get3A_1171 : vector<16xf32>
        %add3A_1207 = arith.addf %add3A_1204, %mul3A_1206 : vector<16xf32>
        %sub3A_1208 = vector.broadcast %neg3A_528 : f32 to vector<16xf32>
        %sub3A_1209 = arith.subf %sub3A_1208, %add3A_1207 : vector<16xf32>
        %sub3A_1210 = arith.subf %get3A_1173, %sub3A_1209 : vector<16xf32>
        %max3A_1211 = arith.constant 0.000000e+00 : f32
        %max3A_1212 = vector.broadcast %max3A_1211 : f32 to vector<16xf32>
        %max3A_1213 = arith.maximumf %sub3A_1210, %max3A_1212 : vector<16xf32>
        %min3A_1214 = arith.minimumf %scan3A_1157, %max3A_1213 : vector<16xf32>
        %max3A_1215 = arith.maximumf %scan3A_1157, %max3A_1213 : vector<16xf32>
        %min3A_1216 = arith.minimumf %scan3A_1158, %max3A_1215 : vector<16xf32>
        %max3A_1217 = arith.maximumf %scan3A_1158, %max3A_1215 : vector<16xf32>
        %min3A_1218 = arith.minimumf %scan3A_1159, %max3A_1217 : vector<16xf32>
        %max3A_1219 = arith.maximumf %scan3A_1159, %max3A_1217 : vector<16xf32>
        %min3A_1220 = arith.minimumf %scan3A_1160, %max3A_1219 : vector<16xf32>
        %max3A_1221 = arith.maximumf %scan3A_1160, %max3A_1219 : vector<16xf32>
        %min3A_1222 = arith.minimumf %scan3A_1161, %max3A_1221 : vector<16xf32>
        %max3A_1223 = arith.maximumf %scan3A_1161, %max3A_1221 : vector<16xf32>
        %min3A_1224 = arith.minimumf %scan3A_1162, %max3A_1223 : vector<16xf32>
        %max3A_1225 = arith.maximumf %scan3A_1162, %max3A_1223 : vector<16xf32>
        %min3A_1226 = arith.minimumf %scan3A_1163, %max3A_1225 : vector<16xf32>
        %max3A_1227 = arith.maximumf %scan3A_1163, %max3A_1225 : vector<16xf32>
        scf.yield %min3A, %min3A_1188, %min3A_1190, %min3A_1192, %min3A_1194, %min3A_1196, %min3A_1198, %min3A_1214, %min3A_1216, %min3A_1218, %min3A_1220, %min3A_1222, %min3A_1224, %min3A_1226 : vector<16xf32>, vector<16xf32>, vector<16xf32>, vector<16xf32>, vector<16xf32>, vector<16xf32>, vector<16xf32>, vector<16xf32>, vector<16xf32>, vector<16xf32>, vector<16xf32>, vector<16xf32>, vector<16xf32>, vector<16xf32>
      }
      %scan3A_534 = arith.constant 256 : i32
      %bitcast3A_535 = vector.bitcast %scan3A_533#0 : vector<16xf32> to vector<16xi32>
      %bitcast3A_536 = vector.bitcast %scan3A_533#1 : vector<16xf32> to vector<16xi32>
      %bitcast3A_537 = vector.bitcast %scan3A_533#2 : vector<16xf32> to vector<16xi32>
      %bitcast3A_538 = vector.bitcast %scan3A_533#3 : vector<16xf32> to vector<16xi32>
      %bitcast3A_539 = vector.bitcast %scan3A_533#4 : vector<16xf32> to vector<16xi32>
      %bitcast3A_540 = vector.bitcast %scan3A_533#5 : vector<16xf32> to vector<16xi32>
      %bitcast3A_541 = vector.bitcast %scan3A_533#6 : vector<16xf32> to vector<16xi32>
      %bitcast3A_542 = vector.bitcast %scan3A_533#7 : vector<16xf32> to vector<16xi32>
      %bitcast3A_543 = vector.bitcast %scan3A_533#8 : vector<16xf32> to vector<16xi32>
      %bitcast3A_544 = vector.bitcast %scan3A_533#9 : vector<16xf32> to vector<16xi32>
      %bitcast3A_545 = vector.bitcast %scan3A_533#10 : vector<16xf32> to vector<16xi32>
      %bitcast3A_546 = vector.bitcast %scan3A_533#11 : vector<16xf32> to vector<16xi32>
      %bitcast3A_547 = vector.bitcast %scan3A_533#12 : vector<16xf32> to vector<16xi32>
      %bitcast3A_548 = vector.bitcast %scan3A_533#13 : vector<16xf32> to vector<16xi32>
      %broadcast_in_dim3A_549 = arith.constant 2139095039 : i32
      %broadcast_in_dim3A_550 = vector.broadcast %broadcast_in_dim3A_549 : i32 to vector<16xi32>
      %scan3A_551 = arith.constant 0 : i32
      %scan3A_552 = arith.constant 31 : i32
      %scan3A_553 = arith.addi %scan3A_551, %scan3A_552 : i32
      %scan3A_554 = arith.constant 1 : i32
      %scan3A_555:4 = scf.for %scan3A_1149 = %scan3A_551 to %scan3A_553 step %scan3A_554 iter_args(%scan3A_1150 = %broadcast_in_dim3A_63, %scan3A_1151 = %broadcast_in_dim3A_63, %scan3A_1152 = %broadcast_in_dim3A_550, %scan3A_1153 = %broadcast_in_dim3A_550) -> (vector<16xi32>, vector<16xi32>, vector<16xi32>, vector<16xi32>)  : i32 {
        %sub3A_1154 = arith.subi %scan3A_1152, %scan3A_1150 : vector<16xi32>
        %shift_right_logical3A = arith.constant 1 : i32
        %shift_right_logical3A_1155 = vector.broadcast %shift_right_logical3A : i32 to vector<16xi32>
        %shift_right_logical3A_1156 = arith.shrui %sub3A_1154, %shift_right_logical3A_1155 : vector<16xi32>
        %add3A_1157 = arith.addi %scan3A_1150, %shift_right_logical3A_1156 : vector<16xi32>
        %sub3A_1158 = arith.subi %scan3A_1153, %scan3A_1151 : vector<16xi32>
        %shift_right_logical3A_1159 = arith.constant 1 : i32
        %shift_right_logical3A_1160 = vector.broadcast %shift_right_logical3A_1159 : i32 to vector<16xi32>
        %shift_right_logical3A_1161 = arith.shrui %sub3A_1158, %shift_right_logical3A_1160 : vector<16xi32>
        %add3A_1162 = arith.addi %scan3A_1151, %shift_right_logical3A_1161 : vector<16xi32>
        %le3A = arith.cmpi sle, %bitcast3A_535, %add3A_1157 : vector<16xi32>
        %jit3A_1163 = arith.constant 1 : i32
        %jit3A_1164 = arith.constant 0 : i32
        %broadcast_in_dim3A_1165 = vector.broadcast %jit3A_1163 : i32 to vector<16xi32>
        %broadcast_in_dim3A_1166 = vector.broadcast %jit3A_1164 : i32 to vector<16xi32>
        %select_n3A_1167 = arith.select %le3A, %broadcast_in_dim3A_1165, %broadcast_in_dim3A_1166 : vector<16xi1>, vector<16xi32>
        %add3A_1168 = arith.addi %broadcast_in_dim3A_63, %select_n3A_1167 : vector<16xi32>
        %le3A_1169 = arith.cmpi sle, %bitcast3A_536, %add3A_1157 : vector<16xi32>
        %jit3A_1170 = arith.constant 1 : i32
        %jit3A_1171 = arith.constant 0 : i32
        %broadcast_in_dim3A_1172 = vector.broadcast %jit3A_1170 : i32 to vector<16xi32>
        %broadcast_in_dim3A_1173 = vector.broadcast %jit3A_1171 : i32 to vector<16xi32>
        %select_n3A_1174 = arith.select %le3A_1169, %broadcast_in_dim3A_1172, %broadcast_in_dim3A_1173 : vector<16xi1>, vector<16xi32>
        %add3A_1175 = arith.addi %add3A_1168, %select_n3A_1174 : vector<16xi32>
        %le3A_1176 = arith.cmpi sle, %bitcast3A_537, %add3A_1157 : vector<16xi32>
        %jit3A_1177 = arith.constant 1 : i32
        %jit3A_1178 = arith.constant 0 : i32
        %broadcast_in_dim3A_1179 = vector.broadcast %jit3A_1177 : i32 to vector<16xi32>
        %broadcast_in_dim3A_1180 = vector.broadcast %jit3A_1178 : i32 to vector<16xi32>
        %select_n3A_1181 = arith.select %le3A_1176, %broadcast_in_dim3A_1179, %broadcast_in_dim3A_1180 : vector<16xi1>, vector<16xi32>
        %add3A_1182 = arith.addi %add3A_1175, %select_n3A_1181 : vector<16xi32>
        %le3A_1183 = arith.cmpi sle, %bitcast3A_538, %add3A_1157 : vector<16xi32>
        %jit3A_1184 = arith.constant 1 : i32
        %jit3A_1185 = arith.constant 0 : i32
        %broadcast_in_dim3A_1186 = vector.broadcast %jit3A_1184 : i32 to vector<16xi32>
        %broadcast_in_dim3A_1187 = vector.broadcast %jit3A_1185 : i32 to vector<16xi32>
        %select_n3A_1188 = arith.select %le3A_1183, %broadcast_in_dim3A_1186, %broadcast_in_dim3A_1187 : vector<16xi1>, vector<16xi32>
        %add3A_1189 = arith.addi %add3A_1182, %select_n3A_1188 : vector<16xi32>
        %le3A_1190 = arith.cmpi sle, %bitcast3A_539, %add3A_1157 : vector<16xi32>
        %jit3A_1191 = arith.constant 1 : i32
        %jit3A_1192 = arith.constant 0 : i32
        %broadcast_in_dim3A_1193 = vector.broadcast %jit3A_1191 : i32 to vector<16xi32>
        %broadcast_in_dim3A_1194 = vector.broadcast %jit3A_1192 : i32 to vector<16xi32>
        %select_n3A_1195 = arith.select %le3A_1190, %broadcast_in_dim3A_1193, %broadcast_in_dim3A_1194 : vector<16xi1>, vector<16xi32>
        %add3A_1196 = arith.addi %add3A_1189, %select_n3A_1195 : vector<16xi32>
        %le3A_1197 = arith.cmpi sle, %bitcast3A_540, %add3A_1157 : vector<16xi32>
        %jit3A_1198 = arith.constant 1 : i32
        %jit3A_1199 = arith.constant 0 : i32
        %broadcast_in_dim3A_1200 = vector.broadcast %jit3A_1198 : i32 to vector<16xi32>
        %broadcast_in_dim3A_1201 = vector.broadcast %jit3A_1199 : i32 to vector<16xi32>
        %select_n3A_1202 = arith.select %le3A_1197, %broadcast_in_dim3A_1200, %broadcast_in_dim3A_1201 : vector<16xi1>, vector<16xi32>
        %add3A_1203 = arith.addi %add3A_1196, %select_n3A_1202 : vector<16xi32>
        %le3A_1204 = arith.cmpi sle, %bitcast3A_541, %add3A_1157 : vector<16xi32>
        %jit3A_1205 = arith.constant 1 : i32
        %jit3A_1206 = arith.constant 0 : i32
        %broadcast_in_dim3A_1207 = vector.broadcast %jit3A_1205 : i32 to vector<16xi32>
        %broadcast_in_dim3A_1208 = vector.broadcast %jit3A_1206 : i32 to vector<16xi32>
        %select_n3A_1209 = arith.select %le3A_1204, %broadcast_in_dim3A_1207, %broadcast_in_dim3A_1208 : vector<16xi1>, vector<16xi32>
        %add3A_1210 = arith.addi %add3A_1203, %select_n3A_1209 : vector<16xi32>
        %cumsum3A = arith.constant true
        %cumsum3A_1211 = vector.broadcast %cumsum3A : i1 to vector<16xi1>
        %cumsum3A_1212 = tpu.scan <sum>, %add3A_1210 masked %cumsum3A_1211 : vector<16xi32>, vector<16xi1> -> vector<16xi32>
        %lt3A_1213 = arith.constant 0 : i32
        %lt3A_1214 = vector.broadcast %lt3A_1213 : i32 to vector<16xi32>
        %lt3A_1215 = arith.cmpi slt, %broadcast_in_dim3A_31, %lt3A_1214 : vector<16xi32>
        %add3A_1216 = arith.constant 16 : i32
        %add3A_1217 = vector.broadcast %add3A_1216 : i32 to vector<16xi32>
        %add3A_1218 = arith.addi %broadcast_in_dim3A_31, %add3A_1217 : vector<16xi32>
        %select_n3A_1219 = arith.select %lt3A_1215, %add3A_1218, %broadcast_in_dim3A_31 : vector<16xi1>, vector<16xi32>
        %broadcast_in_dim3A_1220 = vector.shape_cast %select_n3A_1219 : vector<16xi32> to vector<16x1xi32>
        %gather3A = vector.shape_cast %broadcast_in_dim3A_1220 : vector<16x1xi32> to vector<16xi32>
        %gather3A_1221 = tpu.dynamic_gather %cumsum3A_1212[%gather3A] in [0] : vector<16xi32>, vector<16xi32> -> vector<16xi32>
        %ge3A = arith.cmpi sge, %gather3A_1221, %broadcast_in_dim3A_65 : vector<16xi32>
        %add3A_1222 = arith.constant 1 : i32
        %add3A_1223 = vector.broadcast %add3A_1222 : i32 to vector<16xi32>
        %add3A_1224 = arith.addi %add3A_1157, %add3A_1223 : vector<16xi32>
        %select_n3A_1225 = arith.select %ge3A, %scan3A_1150, %add3A_1224 : vector<16xi1>, vector<16xi32>
        %select_n3A_1226 = arith.select %ge3A, %add3A_1157, %scan3A_1152 : vector<16xi1>, vector<16xi32>
        %le3A_1227 = arith.cmpi sle, %bitcast3A_542, %add3A_1162 : vector<16xi32>
        %jit3A_1228 = arith.constant 1 : i32
        %jit3A_1229 = arith.constant 0 : i32
        %broadcast_in_dim3A_1230 = vector.broadcast %jit3A_1228 : i32 to vector<16xi32>
        %broadcast_in_dim3A_1231 = vector.broadcast %jit3A_1229 : i32 to vector<16xi32>
        %select_n3A_1232 = arith.select %le3A_1227, %broadcast_in_dim3A_1230, %broadcast_in_dim3A_1231 : vector<16xi1>, vector<16xi32>
        %add3A_1233 = arith.addi %broadcast_in_dim3A_63, %select_n3A_1232 : vector<16xi32>
        %le3A_1234 = arith.cmpi sle, %bitcast3A_543, %add3A_1162 : vector<16xi32>
        %jit3A_1235 = arith.constant 1 : i32
        %jit3A_1236 = arith.constant 0 : i32
        %broadcast_in_dim3A_1237 = vector.broadcast %jit3A_1235 : i32 to vector<16xi32>
        %broadcast_in_dim3A_1238 = vector.broadcast %jit3A_1236 : i32 to vector<16xi32>
        %select_n3A_1239 = arith.select %le3A_1234, %broadcast_in_dim3A_1237, %broadcast_in_dim3A_1238 : vector<16xi1>, vector<16xi32>
        %add3A_1240 = arith.addi %add3A_1233, %select_n3A_1239 : vector<16xi32>
        %le3A_1241 = arith.cmpi sle, %bitcast3A_544, %add3A_1162 : vector<16xi32>
        %jit3A_1242 = arith.constant 1 : i32
        %jit3A_1243 = arith.constant 0 : i32
        %broadcast_in_dim3A_1244 = vector.broadcast %jit3A_1242 : i32 to vector<16xi32>
        %broadcast_in_dim3A_1245 = vector.broadcast %jit3A_1243 : i32 to vector<16xi32>
        %select_n3A_1246 = arith.select %le3A_1241, %broadcast_in_dim3A_1244, %broadcast_in_dim3A_1245 : vector<16xi1>, vector<16xi32>
        %add3A_1247 = arith.addi %add3A_1240, %select_n3A_1246 : vector<16xi32>
        %le3A_1248 = arith.cmpi sle, %bitcast3A_545, %add3A_1162 : vector<16xi32>
        %jit3A_1249 = arith.constant 1 : i32
        %jit3A_1250 = arith.constant 0 : i32
        %broadcast_in_dim3A_1251 = vector.broadcast %jit3A_1249 : i32 to vector<16xi32>
        %broadcast_in_dim3A_1252 = vector.broadcast %jit3A_1250 : i32 to vector<16xi32>
        %select_n3A_1253 = arith.select %le3A_1248, %broadcast_in_dim3A_1251, %broadcast_in_dim3A_1252 : vector<16xi1>, vector<16xi32>
        %add3A_1254 = arith.addi %add3A_1247, %select_n3A_1253 : vector<16xi32>
        %le3A_1255 = arith.cmpi sle, %bitcast3A_546, %add3A_1162 : vector<16xi32>
        %jit3A_1256 = arith.constant 1 : i32
        %jit3A_1257 = arith.constant 0 : i32
        %broadcast_in_dim3A_1258 = vector.broadcast %jit3A_1256 : i32 to vector<16xi32>
        %broadcast_in_dim3A_1259 = vector.broadcast %jit3A_1257 : i32 to vector<16xi32>
        %select_n3A_1260 = arith.select %le3A_1255, %broadcast_in_dim3A_1258, %broadcast_in_dim3A_1259 : vector<16xi1>, vector<16xi32>
        %add3A_1261 = arith.addi %add3A_1254, %select_n3A_1260 : vector<16xi32>
        %le3A_1262 = arith.cmpi sle, %bitcast3A_547, %add3A_1162 : vector<16xi32>
        %jit3A_1263 = arith.constant 1 : i32
        %jit3A_1264 = arith.constant 0 : i32
        %broadcast_in_dim3A_1265 = vector.broadcast %jit3A_1263 : i32 to vector<16xi32>
        %broadcast_in_dim3A_1266 = vector.broadcast %jit3A_1264 : i32 to vector<16xi32>
        %select_n3A_1267 = arith.select %le3A_1262, %broadcast_in_dim3A_1265, %broadcast_in_dim3A_1266 : vector<16xi1>, vector<16xi32>
        %add3A_1268 = arith.addi %add3A_1261, %select_n3A_1267 : vector<16xi32>
        %le3A_1269 = arith.cmpi sle, %bitcast3A_548, %add3A_1162 : vector<16xi32>
        %jit3A_1270 = arith.constant 1 : i32
        %jit3A_1271 = arith.constant 0 : i32
        %broadcast_in_dim3A_1272 = vector.broadcast %jit3A_1270 : i32 to vector<16xi32>
        %broadcast_in_dim3A_1273 = vector.broadcast %jit3A_1271 : i32 to vector<16xi32>
        %select_n3A_1274 = arith.select %le3A_1269, %broadcast_in_dim3A_1272, %broadcast_in_dim3A_1273 : vector<16xi1>, vector<16xi32>
        %add3A_1275 = arith.addi %add3A_1268, %select_n3A_1274 : vector<16xi32>
        %cumsum3A_1276 = arith.constant true
        %cumsum3A_1277 = vector.broadcast %cumsum3A_1276 : i1 to vector<16xi1>
        %cumsum3A_1278 = tpu.scan <sum>, %add3A_1275 masked %cumsum3A_1277 : vector<16xi32>, vector<16xi1> -> vector<16xi32>
        %lt3A_1279 = arith.constant 0 : i32
        %lt3A_1280 = vector.broadcast %lt3A_1279 : i32 to vector<16xi32>
        %lt3A_1281 = arith.cmpi slt, %broadcast_in_dim3A_31, %lt3A_1280 : vector<16xi32>
        %add3A_1282 = arith.constant 16 : i32
        %add3A_1283 = vector.broadcast %add3A_1282 : i32 to vector<16xi32>
        %add3A_1284 = arith.addi %broadcast_in_dim3A_31, %add3A_1283 : vector<16xi32>
        %select_n3A_1285 = arith.select %lt3A_1281, %add3A_1284, %broadcast_in_dim3A_31 : vector<16xi1>, vector<16xi32>
        %broadcast_in_dim3A_1286 = vector.shape_cast %select_n3A_1285 : vector<16xi32> to vector<16x1xi32>
        %gather3A_1287 = vector.shape_cast %broadcast_in_dim3A_1286 : vector<16x1xi32> to vector<16xi32>
        %gather3A_1288 = tpu.dynamic_gather %cumsum3A_1278[%gather3A_1287] in [0] : vector<16xi32>, vector<16xi32> -> vector<16xi32>
        %ge3A_1289 = arith.cmpi sge, %gather3A_1288, %broadcast_in_dim3A_65 : vector<16xi32>
        %add3A_1290 = arith.constant 1 : i32
        %add3A_1291 = vector.broadcast %add3A_1290 : i32 to vector<16xi32>
        %add3A_1292 = arith.addi %add3A_1162, %add3A_1291 : vector<16xi32>
        %select_n3A_1293 = arith.select %ge3A_1289, %scan3A_1151, %add3A_1292 : vector<16xi1>, vector<16xi32>
        %select_n3A_1294 = arith.select %ge3A_1289, %add3A_1162, %scan3A_1153 : vector<16xi1>, vector<16xi32>
        scf.yield %select_n3A_1225, %select_n3A_1293, %select_n3A_1226, %select_n3A_1294 : vector<16xi32>, vector<16xi32>, vector<16xi32>, vector<16xi32>
      }
      %scan3A_556 = arith.constant 31 : i32
      %bitcast3A_557 = vector.bitcast %scan3A_555#2 : vector<16xi32> to vector<16xf32>
      %bitcast3A_558 = vector.bitcast %scan3A_555#3 : vector<16xi32> to vector<16xf32>
      %scan3A_559 = arith.constant 0 : i32
      %scan3A_560 = arith.constant 256 : i32
      %scan3A_561 = arith.addi %scan3A_559, %scan3A_560 : i32
      %scan3A_562 = arith.constant 1 : i32
      %scan3A_563:6 = scf.for %scan3A_1149 = %scan3A_559 to %scan3A_561 step %scan3A_562 iter_args(%scan3A_1150 = %broadcast_in_dim3A_61, %scan3A_1151 = %broadcast_in_dim3A_61, %scan3A_1152 = %broadcast_in_dim3A_61, %scan3A_1153 = %broadcast_in_dim3A_61, %scan3A_1154 = %broadcast_in_dim3A_61, %scan3A_1155 = %broadcast_in_dim3A_61) -> (vector<16xf32>, vector<16xf32>, vector<16xf32>, vector<16xf32>, vector<16xf32>, vector<16xf32>)  : i32 {
        %mul3A_1156 = arith.constant 16 : i32
        %mul3A_1157 = arith.muli %scan3A_1149, %mul3A_1156 : i32
        %get3A_1158 = arith.index_cast %mul3A_1157 : i32 to index
        %get3A_1159 = tpu.vector_load %arg8[%get3A_1158] {strides = array<i32>} : memref<4096xf32, #tpu.memory_space<vmem>>, vector<16xf32>,
        %get3A_1160 = arith.index_cast %mul3A_1157 : i32 to index
        %get3A_1161 = tpu.vector_load %arg9[%get3A_1160] {strides = array<i32>} : memref<4096xf32, #tpu.memory_space<vmem>>, vector<16xf32>,
        %get3A_1162 = arith.index_cast %mul3A_1157 : i32 to index
        %get3A_1163 = tpu.vector_load %arg10[%get3A_1162] {strides = array<i32>} : memref<4096xf32, #tpu.memory_space<vmem>>, vector<16xf32>,
        %get3A_1164 = arith.index_cast %mul3A_1157 : i32 to index
        %get3A_1165 = tpu.vector_load %arg7[%get3A_1164] {strides = array<i32>} : memref<4096xf32, #tpu.memory_space<vmem>>, vector<16xf32>,
        %get3A_1166 = arith.index_cast %mul3A_1157 : i32 to index
        %get3A_1167 = tpu.vector_load %arg4[%get3A_1166] {strides = array<i32>} : memref<4096xf32, #tpu.memory_space<vmem>>, vector<16xf32>,
        %get3A_1168 = arith.index_cast %mul3A_1157 : i32 to index
        %get3A_1169 = tpu.vector_load %arg5[%get3A_1168] {strides = array<i32>} : memref<4096xf32, #tpu.memory_space<vmem>>, vector<16xf32>,
        %get3A_1170 = arith.index_cast %mul3A_1157 : i32 to index
        %get3A_1171 = tpu.vector_load %arg6[%get3A_1170] {strides = array<i32>} : memref<4096xf32, #tpu.memory_space<vmem>>, vector<16xf32>,
        %mul3A_1172 = vector.broadcast %mul3A_500 : f32 to vector<16xf32>
        %mul3A_1173 = arith.mulf %mul3A_1172, %get3A_1159 : vector<16xf32>
        %mul3A_1174 = vector.broadcast %mul3A_508 : f32 to vector<16xf32>
        %mul3A_1175 = arith.mulf %mul3A_1174, %get3A_1161 : vector<16xf32>
        %add3A_1176 = arith.addf %mul3A_1173, %mul3A_1175 : vector<16xf32>
        %mul3A_1177 = vector.broadcast %mul3A_516 : f32 to vector<16xf32>
        %mul3A_1178 = arith.mulf %mul3A_1177, %get3A_1163 : vector<16xf32>
        %add3A_1179 = arith.addf %add3A_1176, %mul3A_1178 : vector<16xf32>
        %sub3A_1180 = vector.broadcast %neg3A_524 : f32 to vector<16xf32>
        %sub3A_1181 = arith.subf %sub3A_1180, %add3A_1179 : vector<16xf32>
        %sub3A_1182 = arith.subf %get3A_1165, %sub3A_1181 : vector<16xf32>
        %le3A = arith.cmpf ole, %sub3A_1182, %bitcast3A_557 : vector<16xf32>
        %jit3A_1183 = arith.constant -3.400000e+38 : f32
        %broadcast_in_dim3A_1184 = vector.broadcast %jit3A_1183 : f32 to vector<16xf32>
        %select_n3A_1185 = arith.select %le3A, %get3A_1167, %broadcast_in_dim3A_1184 : vector<16xi1>, vector<16xf32>
        %max3A = arith.maximumf %scan3A_1150, %select_n3A_1185 : vector<16xf32>
        %jit3A_1186 = arith.constant -3.400000e+38 : f32
        %broadcast_in_dim3A_1187 = vector.broadcast %jit3A_1186 : f32 to vector<16xf32>
        %select_n3A_1188 = arith.select %le3A, %get3A_1169, %broadcast_in_dim3A_1187 : vector<16xi1>, vector<16xf32>
        %max3A_1189 = arith.maximumf %scan3A_1151, %select_n3A_1188 : vector<16xf32>
        %jit3A_1190 = arith.constant -3.400000e+38 : f32
        %broadcast_in_dim3A_1191 = vector.broadcast %jit3A_1190 : f32 to vector<16xf32>
        %select_n3A_1192 = arith.select %le3A, %get3A_1171, %broadcast_in_dim3A_1191 : vector<16xi1>, vector<16xf32>
        %max3A_1193 = arith.maximumf %scan3A_1152, %select_n3A_1192 : vector<16xf32>
        %mul3A_1194 = vector.broadcast %mul3A_504 : f32 to vector<16xf32>
        %mul3A_1195 = arith.mulf %mul3A_1194, %get3A_1159 : vector<16xf32>
        %mul3A_1196 = vector.broadcast %mul3A_512 : f32 to vector<16xf32>
        %mul3A_1197 = arith.mulf %mul3A_1196, %get3A_1161 : vector<16xf32>
        %add3A_1198 = arith.addf %mul3A_1195, %mul3A_1197 : vector<16xf32>
        %mul3A_1199 = vector.broadcast %mul3A_520 : f32 to vector<16xf32>
        %mul3A_1200 = arith.mulf %mul3A_1199, %get3A_1163 : vector<16xf32>
        %add3A_1201 = arith.addf %add3A_1198, %mul3A_1200 : vector<16xf32>
        %sub3A_1202 = vector.broadcast %neg3A_528 : f32 to vector<16xf32>
        %sub3A_1203 = arith.subf %sub3A_1202, %add3A_1201 : vector<16xf32>
        %sub3A_1204 = arith.subf %get3A_1165, %sub3A_1203 : vector<16xf32>
        %le3A_1205 = arith.cmpf ole, %sub3A_1204, %bitcast3A_558 : vector<16xf32>
        %jit3A_1206 = arith.constant -3.400000e+38 : f32
        %broadcast_in_dim3A_1207 = vector.broadcast %jit3A_1206 : f32 to vector<16xf32>
        %select_n3A_1208 = arith.select %le3A_1205, %get3A_1167, %broadcast_in_dim3A_1207 : vector<16xi1>, vector<16xf32>
        %max3A_1209 = arith.maximumf %scan3A_1153, %select_n3A_1208 : vector<16xf32>
        %jit3A_1210 = arith.constant -3.400000e+38 : f32
        %broadcast_in_dim3A_1211 = vector.broadcast %jit3A_1210 : f32 to vector<16xf32>
        %select_n3A_1212 = arith.select %le3A_1205, %get3A_1169, %broadcast_in_dim3A_1211 : vector<16xi1>, vector<16xf32>
        %max3A_1213 = arith.maximumf %scan3A_1154, %select_n3A_1212 : vector<16xf32>
        %jit3A_1214 = arith.constant -3.400000e+38 : f32
        %broadcast_in_dim3A_1215 = vector.broadcast %jit3A_1214 : f32 to vector<16xf32>
        %select_n3A_1216 = arith.select %le3A_1205, %get3A_1171, %broadcast_in_dim3A_1215 : vector<16xi1>, vector<16xf32>
        %max3A_1217 = arith.maximumf %scan3A_1155, %select_n3A_1216 : vector<16xf32>
        scf.yield %max3A, %max3A_1189, %max3A_1193, %max3A_1209, %max3A_1213, %max3A_1217 : vector<16xf32>, vector<16xf32>, vector<16xf32>, vector<16xf32>, vector<16xf32>, vector<16xf32>
      }
      %scan3A_564 = arith.constant 256 : i32
      %eq3A_565 = arith.constant 6 : i32
      %eq3A_566 = vector.broadcast %eq3A_565 : i32 to vector<16xi32>
      %eq3A_567 = arith.cmpi eq, %iota3A, %eq3A_566 : vector<16xi32>
      %reduce_max3A_568 = arith.constant true
      %reduce_max3A_569 = vector.broadcast %reduce_max3A_568 : i1 to vector<16xi1>
      %reduce_max3A_570 = tpu.scan <max>, %scan3A_563#0 masked %reduce_max3A_569 : vector<16xf32>, vector<16xi1> -> vector<16xf32>
      %reduce_max3A_571 = vector.extract %reduce_max3A_570[15] : f32 from vector<16xf32>
      %slice3A_572 = vector.extract_strided_slice %get3A_105 {offsets = [6], sizes = [1], strides = [1]} : vector<16xf32> to vector<1xf32>
      %squeeze3A_573 = vector.extract %slice3A_572[0] : f32 from vector<1xf32>
      %sub3A_574 = arith.subf %reduce_max3A_571, %squeeze3A_573 : f32
      %broadcast_in_dim3A_575 = vector.broadcast %sub3A_574 : f32 to vector<16xf32>
      %select_n3A_576 = arith.select %eq3A_567, %broadcast_in_dim3A_575, %select_n3A_478 : vector<16xi1>, vector<16xf32>
      %reduce_max3A_577 = arith.constant true
      %reduce_max3A_578 = vector.broadcast %reduce_max3A_577 : i1 to vector<16xi1>
      %reduce_max3A_579 = tpu.scan <max>, %scan3A_563#1 masked %reduce_max3A_578 : vector<16xf32>, vector<16xi1> -> vector<16xf32>
      %reduce_max3A_580 = vector.extract %reduce_max3A_579[15] : f32 from vector<16xf32>
      %slice3A_581 = vector.extract_strided_slice %get3A_107 {offsets = [6], sizes = [1], strides = [1]} : vector<16xf32> to vector<1xf32>
      %squeeze3A_582 = vector.extract %slice3A_581[0] : f32 from vector<1xf32>
      %sub3A_583 = arith.subf %reduce_max3A_580, %squeeze3A_582 : f32
      %broadcast_in_dim3A_584 = vector.broadcast %sub3A_583 : f32 to vector<16xf32>
      %select_n3A_585 = arith.select %eq3A_567, %broadcast_in_dim3A_584, %select_n3A_487 : vector<16xi1>, vector<16xf32>
      %reduce_max3A_586 = arith.constant true
      %reduce_max3A_587 = vector.broadcast %reduce_max3A_586 : i1 to vector<16xi1>
      %reduce_max3A_588 = tpu.scan <max>, %scan3A_563#2 masked %reduce_max3A_587 : vector<16xf32>, vector<16xi1> -> vector<16xf32>
      %reduce_max3A_589 = vector.extract %reduce_max3A_588[15] : f32 from vector<16xf32>
      %slice3A_590 = vector.extract_strided_slice %get3A_109 {offsets = [6], sizes = [1], strides = [1]} : vector<16xf32> to vector<1xf32>
      %squeeze3A_591 = vector.extract %slice3A_590[0] : f32 from vector<1xf32>
      %sub3A_592 = arith.subf %reduce_max3A_589, %squeeze3A_591 : f32
      %broadcast_in_dim3A_593 = vector.broadcast %sub3A_592 : f32 to vector<16xf32>
      %select_n3A_594 = arith.select %eq3A_567, %broadcast_in_dim3A_593, %select_n3A_496 : vector<16xi1>, vector<16xf32>
      %eq3A_595 = arith.constant 7 : i32
      %eq3A_596 = vector.broadcast %eq3A_595 : i32 to vector<16xi32>
      %eq3A_597 = arith.cmpi eq, %iota3A, %eq3A_596 : vector<16xi32>
      %reduce_max3A_598 = arith.constant true
      %reduce_max3A_599 = vector.broadcast %reduce_max3A_598 : i1 to vector<16xi1>
      %reduce_max3A_600 = tpu.scan <max>, %scan3A_563#3 masked %reduce_max3A_599 : vector<16xf32>, vector<16xi1> -> vector<16xf32>
      %reduce_max3A_601 = vector.extract %reduce_max3A_600[15] : f32 from vector<16xf32>
      %slice3A_602 = vector.extract_strided_slice %get3A_105 {offsets = [7], sizes = [1], strides = [1]} : vector<16xf32> to vector<1xf32>
      %squeeze3A_603 = vector.extract %slice3A_602[0] : f32 from vector<1xf32>
      %sub3A_604 = arith.subf %reduce_max3A_601, %squeeze3A_603 : f32
      %broadcast_in_dim3A_605 = vector.broadcast %sub3A_604 : f32 to vector<16xf32>
      %select_n3A_606 = arith.select %eq3A_597, %broadcast_in_dim3A_605, %select_n3A_576 : vector<16xi1>, vector<16xf32>
      %reduce_max3A_607 = arith.constant true
      %reduce_max3A_608 = vector.broadcast %reduce_max3A_607 : i1 to vector<16xi1>
      %reduce_max3A_609 = tpu.scan <max>, %scan3A_563#4 masked %reduce_max3A_608 : vector<16xf32>, vector<16xi1> -> vector<16xf32>
      %reduce_max3A_610 = vector.extract %reduce_max3A_609[15] : f32 from vector<16xf32>
      %slice3A_611 = vector.extract_strided_slice %get3A_107 {offsets = [7], sizes = [1], strides = [1]} : vector<16xf32> to vector<1xf32>
      %squeeze3A_612 = vector.extract %slice3A_611[0] : f32 from vector<1xf32>
      %sub3A_613 = arith.subf %reduce_max3A_610, %squeeze3A_612 : f32
      %broadcast_in_dim3A_614 = vector.broadcast %sub3A_613 : f32 to vector<16xf32>
      %select_n3A_615 = arith.select %eq3A_597, %broadcast_in_dim3A_614, %select_n3A_585 : vector<16xi1>, vector<16xf32>
      %reduce_max3A_616 = arith.constant true
      %reduce_max3A_617 = vector.broadcast %reduce_max3A_616 : i1 to vector<16xi1>
      %reduce_max3A_618 = tpu.scan <max>, %scan3A_563#5 masked %reduce_max3A_617 : vector<16xf32>, vector<16xi1> -> vector<16xf32>
      %reduce_max3A_619 = vector.extract %reduce_max3A_618[15] : f32 from vector<16xf32>
      %slice3A_620 = vector.extract_strided_slice %get3A_109 {offsets = [7], sizes = [1], strides = [1]} : vector<16xf32> to vector<1xf32>
      %squeeze3A_621 = vector.extract %slice3A_620[0] : f32 from vector<1xf32>
      %sub3A_622 = arith.subf %reduce_max3A_619, %squeeze3A_621 : f32
      %broadcast_in_dim3A_623 = vector.broadcast %sub3A_622 : f32 to vector<16xf32>
      %select_n3A_624 = arith.select %eq3A_597, %broadcast_in_dim3A_623, %select_n3A_594 : vector<16xi1>, vector<16xf32>
      %slice3A_625 = vector.extract_strided_slice %get3A_111 {offsets = [8], sizes = [1], strides = [1]} : vector<16xf32> to vector<1xf32>
      %squeeze3A_626 = vector.extract %slice3A_625[0] : f32 from vector<1xf32>
      %mul3A_627 = arith.constant -2.000000e+00 : f32
      %mul3A_628 = arith.mulf %mul3A_627, %squeeze3A_626 : f32
      %slice3A_629 = vector.extract_strided_slice %get3A_111 {offsets = [9], sizes = [1], strides = [1]} : vector<16xf32> to vector<1xf32>
      %squeeze3A_630 = vector.extract %slice3A_629[0] : f32 from vector<1xf32>
      %mul3A_631 = arith.constant -2.000000e+00 : f32
      %mul3A_632 = arith.mulf %mul3A_631, %squeeze3A_630 : f32
      %slice3A_633 = vector.extract_strided_slice %get3A_113 {offsets = [8], sizes = [1], strides = [1]} : vector<16xf32> to vector<1xf32>
      %squeeze3A_634 = vector.extract %slice3A_633[0] : f32 from vector<1xf32>
      %mul3A_635 = arith.constant -2.000000e+00 : f32
      %mul3A_636 = arith.mulf %mul3A_635, %squeeze3A_634 : f32
      %slice3A_637 = vector.extract_strided_slice %get3A_113 {offsets = [9], sizes = [1], strides = [1]} : vector<16xf32> to vector<1xf32>
      %squeeze3A_638 = vector.extract %slice3A_637[0] : f32 from vector<1xf32>
      %mul3A_639 = arith.constant -2.000000e+00 : f32
      %mul3A_640 = arith.mulf %mul3A_639, %squeeze3A_638 : f32
      %slice3A_641 = vector.extract_strided_slice %get3A_115 {offsets = [8], sizes = [1], strides = [1]} : vector<16xf32> to vector<1xf32>
      %squeeze3A_642 = vector.extract %slice3A_641[0] : f32 from vector<1xf32>
      %mul3A_643 = arith.constant -2.000000e+00 : f32
      %mul3A_644 = arith.mulf %mul3A_643, %squeeze3A_642 : f32
      %slice3A_645 = vector.extract_strided_slice %get3A_115 {offsets = [9], sizes = [1], strides = [1]} : vector<16xf32> to vector<1xf32>
      %squeeze3A_646 = vector.extract %slice3A_645[0] : f32 from vector<1xf32>
      %mul3A_647 = arith.constant -2.000000e+00 : f32
      %mul3A_648 = arith.mulf %mul3A_647, %squeeze3A_646 : f32
      %slice3A_649 = vector.extract_strided_slice %get3A_117 {offsets = [8], sizes = [1], strides = [1]} : vector<16xf32> to vector<1xf32>
      %squeeze3A_650 = vector.extract %slice3A_649[0] : f32 from vector<1xf32>
      %neg3A_651 = arith.constant 0.000000e+00 : f32
      %neg3A_652 = arith.subf %neg3A_651, %squeeze3A_650 : f32
      %slice3A_653 = vector.extract_strided_slice %get3A_117 {offsets = [9], sizes = [1], strides = [1]} : vector<16xf32> to vector<1xf32>
      %squeeze3A_654 = vector.extract %slice3A_653[0] : f32 from vector<1xf32>
      %neg3A_655 = arith.constant 0.000000e+00 : f32
      %neg3A_656 = arith.subf %neg3A_655, %squeeze3A_654 : f32
      %scan3A_657 = arith.constant 0 : i32
      %scan3A_658 = arith.constant 256 : i32
      %scan3A_659 = arith.addi %scan3A_657, %scan3A_658 : i32
      %scan3A_660 = arith.constant 1 : i32
      %scan3A_661:14 = scf.for %scan3A_1149 = %scan3A_657 to %scan3A_659 step %scan3A_660 iter_args(%scan3A_1150 = %broadcast_in_dim3A_59, %scan3A_1151 = %broadcast_in_dim3A_59, %scan3A_1152 = %broadcast_in_dim3A_59, %scan3A_1153 = %broadcast_in_dim3A_59, %scan3A_1154 = %broadcast_in_dim3A_59, %scan3A_1155 = %broadcast_in_dim3A_59, %scan3A_1156 = %broadcast_in_dim3A_59, %scan3A_1157 = %broadcast_in_dim3A_59, %scan3A_1158 = %broadcast_in_dim3A_59, %scan3A_1159 = %broadcast_in_dim3A_59, %scan3A_1160 = %broadcast_in_dim3A_59, %scan3A_1161 = %broadcast_in_dim3A_59, %scan3A_1162 = %broadcast_in_dim3A_59, %scan3A_1163 = %broadcast_in_dim3A_59) -> (vector<16xf32>, vector<16xf32>, vector<16xf32>, vector<16xf32>, vector<16xf32>, vector<16xf32>, vector<16xf32>, vector<16xf32>, vector<16xf32>, vector<16xf32>, vector<16xf32>, vector<16xf32>, vector<16xf32>, vector<16xf32>)  : i32 {
        %mul3A_1164 = arith.constant 16 : i32
        %mul3A_1165 = arith.muli %scan3A_1149, %mul3A_1164 : i32
        %get3A_1166 = arith.index_cast %mul3A_1165 : i32 to index
        %get3A_1167 = tpu.vector_load %arg8[%get3A_1166] {strides = array<i32>} : memref<4096xf32, #tpu.memory_space<vmem>>, vector<16xf32>,
        %get3A_1168 = arith.index_cast %mul3A_1165 : i32 to index
        %get3A_1169 = tpu.vector_load %arg9[%get3A_1168] {strides = array<i32>} : memref<4096xf32, #tpu.memory_space<vmem>>, vector<16xf32>,
        %get3A_1170 = arith.index_cast %mul3A_1165 : i32 to index
        %get3A_1171 = tpu.vector_load %arg10[%get3A_1170] {strides = array<i32>} : memref<4096xf32, #tpu.memory_space<vmem>>, vector<16xf32>,
        %get3A_1172 = arith.index_cast %mul3A_1165 : i32 to index
        %get3A_1173 = tpu.vector_load %arg7[%get3A_1172] {strides = array<i32>} : memref<4096xf32, #tpu.memory_space<vmem>>, vector<16xf32>,
        %mul3A_1174 = vector.broadcast %mul3A_628 : f32 to vector<16xf32>
        %mul3A_1175 = arith.mulf %mul3A_1174, %get3A_1167 : vector<16xf32>
        %mul3A_1176 = vector.broadcast %mul3A_636 : f32 to vector<16xf32>
        %mul3A_1177 = arith.mulf %mul3A_1176, %get3A_1169 : vector<16xf32>
        %add3A_1178 = arith.addf %mul3A_1175, %mul3A_1177 : vector<16xf32>
        %mul3A_1179 = vector.broadcast %mul3A_644 : f32 to vector<16xf32>
        %mul3A_1180 = arith.mulf %mul3A_1179, %get3A_1171 : vector<16xf32>
        %add3A_1181 = arith.addf %add3A_1178, %mul3A_1180 : vector<16xf32>
        %sub3A_1182 = vector.broadcast %neg3A_652 : f32 to vector<16xf32>
        %sub3A_1183 = arith.subf %sub3A_1182, %add3A_1181 : vector<16xf32>
        %sub3A_1184 = arith.subf %get3A_1173, %sub3A_1183 : vector<16xf32>
        %max3A = arith.constant 0.000000e+00 : f32
        %max3A_1185 = vector.broadcast %max3A : f32 to vector<16xf32>
        %max3A_1186 = arith.maximumf %sub3A_1184, %max3A_1185 : vector<16xf32>
        %min3A = arith.minimumf %scan3A_1150, %max3A_1186 : vector<16xf32>
        %max3A_1187 = arith.maximumf %scan3A_1150, %max3A_1186 : vector<16xf32>
        %min3A_1188 = arith.minimumf %scan3A_1151, %max3A_1187 : vector<16xf32>
        %max3A_1189 = arith.maximumf %scan3A_1151, %max3A_1187 : vector<16xf32>
        %min3A_1190 = arith.minimumf %scan3A_1152, %max3A_1189 : vector<16xf32>
        %max3A_1191 = arith.maximumf %scan3A_1152, %max3A_1189 : vector<16xf32>
        %min3A_1192 = arith.minimumf %scan3A_1153, %max3A_1191 : vector<16xf32>
        %max3A_1193 = arith.maximumf %scan3A_1153, %max3A_1191 : vector<16xf32>
        %min3A_1194 = arith.minimumf %scan3A_1154, %max3A_1193 : vector<16xf32>
        %max3A_1195 = arith.maximumf %scan3A_1154, %max3A_1193 : vector<16xf32>
        %min3A_1196 = arith.minimumf %scan3A_1155, %max3A_1195 : vector<16xf32>
        %max3A_1197 = arith.maximumf %scan3A_1155, %max3A_1195 : vector<16xf32>
        %min3A_1198 = arith.minimumf %scan3A_1156, %max3A_1197 : vector<16xf32>
        %max3A_1199 = arith.maximumf %scan3A_1156, %max3A_1197 : vector<16xf32>
        %mul3A_1200 = vector.broadcast %mul3A_632 : f32 to vector<16xf32>
        %mul3A_1201 = arith.mulf %mul3A_1200, %get3A_1167 : vector<16xf32>
        %mul3A_1202 = vector.broadcast %mul3A_640 : f32 to vector<16xf32>
        %mul3A_1203 = arith.mulf %mul3A_1202, %get3A_1169 : vector<16xf32>
        %add3A_1204 = arith.addf %mul3A_1201, %mul3A_1203 : vector<16xf32>
        %mul3A_1205 = vector.broadcast %mul3A_648 : f32 to vector<16xf32>
        %mul3A_1206 = arith.mulf %mul3A_1205, %get3A_1171 : vector<16xf32>
        %add3A_1207 = arith.addf %add3A_1204, %mul3A_1206 : vector<16xf32>
        %sub3A_1208 = vector.broadcast %neg3A_656 : f32 to vector<16xf32>
        %sub3A_1209 = arith.subf %sub3A_1208, %add3A_1207 : vector<16xf32>
        %sub3A_1210 = arith.subf %get3A_1173, %sub3A_1209 : vector<16xf32>
        %max3A_1211 = arith.constant 0.000000e+00 : f32
        %max3A_1212 = vector.broadcast %max3A_1211 : f32 to vector<16xf32>
        %max3A_1213 = arith.maximumf %sub3A_1210, %max3A_1212 : vector<16xf32>
        %min3A_1214 = arith.minimumf %scan3A_1157, %max3A_1213 : vector<16xf32>
        %max3A_1215 = arith.maximumf %scan3A_1157, %max3A_1213 : vector<16xf32>
        %min3A_1216 = arith.minimumf %scan3A_1158, %max3A_1215 : vector<16xf32>
        %max3A_1217 = arith.maximumf %scan3A_1158, %max3A_1215 : vector<16xf32>
        %min3A_1218 = arith.minimumf %scan3A_1159, %max3A_1217 : vector<16xf32>
        %max3A_1219 = arith.maximumf %scan3A_1159, %max3A_1217 : vector<16xf32>
        %min3A_1220 = arith.minimumf %scan3A_1160, %max3A_1219 : vector<16xf32>
        %max3A_1221 = arith.maximumf %scan3A_1160, %max3A_1219 : vector<16xf32>
        %min3A_1222 = arith.minimumf %scan3A_1161, %max3A_1221 : vector<16xf32>
        %max3A_1223 = arith.maximumf %scan3A_1161, %max3A_1221 : vector<16xf32>
        %min3A_1224 = arith.minimumf %scan3A_1162, %max3A_1223 : vector<16xf32>
        %max3A_1225 = arith.maximumf %scan3A_1162, %max3A_1223 : vector<16xf32>
        %min3A_1226 = arith.minimumf %scan3A_1163, %max3A_1225 : vector<16xf32>
        %max3A_1227 = arith.maximumf %scan3A_1163, %max3A_1225 : vector<16xf32>
        scf.yield %min3A, %min3A_1188, %min3A_1190, %min3A_1192, %min3A_1194, %min3A_1196, %min3A_1198, %min3A_1214, %min3A_1216, %min3A_1218, %min3A_1220, %min3A_1222, %min3A_1224, %min3A_1226 : vector<16xf32>, vector<16xf32>, vector<16xf32>, vector<16xf32>, vector<16xf32>, vector<16xf32>, vector<16xf32>, vector<16xf32>, vector<16xf32>, vector<16xf32>, vector<16xf32>, vector<16xf32>, vector<16xf32>, vector<16xf32>
      }
      %scan3A_662 = arith.constant 256 : i32
      %bitcast3A_663 = vector.bitcast %scan3A_661#0 : vector<16xf32> to vector<16xi32>
      %bitcast3A_664 = vector.bitcast %scan3A_661#1 : vector<16xf32> to vector<16xi32>
      %bitcast3A_665 = vector.bitcast %scan3A_661#2 : vector<16xf32> to vector<16xi32>
      %bitcast3A_666 = vector.bitcast %scan3A_661#3 : vector<16xf32> to vector<16xi32>
      %bitcast3A_667 = vector.bitcast %scan3A_661#4 : vector<16xf32> to vector<16xi32>
      %bitcast3A_668 = vector.bitcast %scan3A_661#5 : vector<16xf32> to vector<16xi32>
      %bitcast3A_669 = vector.bitcast %scan3A_661#6 : vector<16xf32> to vector<16xi32>
      %bitcast3A_670 = vector.bitcast %scan3A_661#7 : vector<16xf32> to vector<16xi32>
      %bitcast3A_671 = vector.bitcast %scan3A_661#8 : vector<16xf32> to vector<16xi32>
      %bitcast3A_672 = vector.bitcast %scan3A_661#9 : vector<16xf32> to vector<16xi32>
      %bitcast3A_673 = vector.bitcast %scan3A_661#10 : vector<16xf32> to vector<16xi32>
      %bitcast3A_674 = vector.bitcast %scan3A_661#11 : vector<16xf32> to vector<16xi32>
      %bitcast3A_675 = vector.bitcast %scan3A_661#12 : vector<16xf32> to vector<16xi32>
      %bitcast3A_676 = vector.bitcast %scan3A_661#13 : vector<16xf32> to vector<16xi32>
      %broadcast_in_dim3A_677 = arith.constant 2139095039 : i32
      %broadcast_in_dim3A_678 = vector.broadcast %broadcast_in_dim3A_677 : i32 to vector<16xi32>
      %scan3A_679 = arith.constant 0 : i32
      %scan3A_680 = arith.constant 31 : i32
      %scan3A_681 = arith.addi %scan3A_679, %scan3A_680 : i32
      %scan3A_682 = arith.constant 1 : i32
      %scan3A_683:4 = scf.for %scan3A_1149 = %scan3A_679 to %scan3A_681 step %scan3A_682 iter_args(%scan3A_1150 = %broadcast_in_dim3A_63, %scan3A_1151 = %broadcast_in_dim3A_63, %scan3A_1152 = %broadcast_in_dim3A_678, %scan3A_1153 = %broadcast_in_dim3A_678) -> (vector<16xi32>, vector<16xi32>, vector<16xi32>, vector<16xi32>)  : i32 {
        %sub3A_1154 = arith.subi %scan3A_1152, %scan3A_1150 : vector<16xi32>
        %shift_right_logical3A = arith.constant 1 : i32
        %shift_right_logical3A_1155 = vector.broadcast %shift_right_logical3A : i32 to vector<16xi32>
        %shift_right_logical3A_1156 = arith.shrui %sub3A_1154, %shift_right_logical3A_1155 : vector<16xi32>
        %add3A_1157 = arith.addi %scan3A_1150, %shift_right_logical3A_1156 : vector<16xi32>
        %sub3A_1158 = arith.subi %scan3A_1153, %scan3A_1151 : vector<16xi32>
        %shift_right_logical3A_1159 = arith.constant 1 : i32
        %shift_right_logical3A_1160 = vector.broadcast %shift_right_logical3A_1159 : i32 to vector<16xi32>
        %shift_right_logical3A_1161 = arith.shrui %sub3A_1158, %shift_right_logical3A_1160 : vector<16xi32>
        %add3A_1162 = arith.addi %scan3A_1151, %shift_right_logical3A_1161 : vector<16xi32>
        %le3A = arith.cmpi sle, %bitcast3A_663, %add3A_1157 : vector<16xi32>
        %jit3A_1163 = arith.constant 1 : i32
        %jit3A_1164 = arith.constant 0 : i32
        %broadcast_in_dim3A_1165 = vector.broadcast %jit3A_1163 : i32 to vector<16xi32>
        %broadcast_in_dim3A_1166 = vector.broadcast %jit3A_1164 : i32 to vector<16xi32>
        %select_n3A_1167 = arith.select %le3A, %broadcast_in_dim3A_1165, %broadcast_in_dim3A_1166 : vector<16xi1>, vector<16xi32>
        %add3A_1168 = arith.addi %broadcast_in_dim3A_63, %select_n3A_1167 : vector<16xi32>
        %le3A_1169 = arith.cmpi sle, %bitcast3A_664, %add3A_1157 : vector<16xi32>
        %jit3A_1170 = arith.constant 1 : i32
        %jit3A_1171 = arith.constant 0 : i32
        %broadcast_in_dim3A_1172 = vector.broadcast %jit3A_1170 : i32 to vector<16xi32>
        %broadcast_in_dim3A_1173 = vector.broadcast %jit3A_1171 : i32 to vector<16xi32>
        %select_n3A_1174 = arith.select %le3A_1169, %broadcast_in_dim3A_1172, %broadcast_in_dim3A_1173 : vector<16xi1>, vector<16xi32>
        %add3A_1175 = arith.addi %add3A_1168, %select_n3A_1174 : vector<16xi32>
        %le3A_1176 = arith.cmpi sle, %bitcast3A_665, %add3A_1157 : vector<16xi32>
        %jit3A_1177 = arith.constant 1 : i32
        %jit3A_1178 = arith.constant 0 : i32
        %broadcast_in_dim3A_1179 = vector.broadcast %jit3A_1177 : i32 to vector<16xi32>
        %broadcast_in_dim3A_1180 = vector.broadcast %jit3A_1178 : i32 to vector<16xi32>
        %select_n3A_1181 = arith.select %le3A_1176, %broadcast_in_dim3A_1179, %broadcast_in_dim3A_1180 : vector<16xi1>, vector<16xi32>
        %add3A_1182 = arith.addi %add3A_1175, %select_n3A_1181 : vector<16xi32>
        %le3A_1183 = arith.cmpi sle, %bitcast3A_666, %add3A_1157 : vector<16xi32>
        %jit3A_1184 = arith.constant 1 : i32
        %jit3A_1185 = arith.constant 0 : i32
        %broadcast_in_dim3A_1186 = vector.broadcast %jit3A_1184 : i32 to vector<16xi32>
        %broadcast_in_dim3A_1187 = vector.broadcast %jit3A_1185 : i32 to vector<16xi32>
        %select_n3A_1188 = arith.select %le3A_1183, %broadcast_in_dim3A_1186, %broadcast_in_dim3A_1187 : vector<16xi1>, vector<16xi32>
        %add3A_1189 = arith.addi %add3A_1182, %select_n3A_1188 : vector<16xi32>
        %le3A_1190 = arith.cmpi sle, %bitcast3A_667, %add3A_1157 : vector<16xi32>
        %jit3A_1191 = arith.constant 1 : i32
        %jit3A_1192 = arith.constant 0 : i32
        %broadcast_in_dim3A_1193 = vector.broadcast %jit3A_1191 : i32 to vector<16xi32>
        %broadcast_in_dim3A_1194 = vector.broadcast %jit3A_1192 : i32 to vector<16xi32>
        %select_n3A_1195 = arith.select %le3A_1190, %broadcast_in_dim3A_1193, %broadcast_in_dim3A_1194 : vector<16xi1>, vector<16xi32>
        %add3A_1196 = arith.addi %add3A_1189, %select_n3A_1195 : vector<16xi32>
        %le3A_1197 = arith.cmpi sle, %bitcast3A_668, %add3A_1157 : vector<16xi32>
        %jit3A_1198 = arith.constant 1 : i32
        %jit3A_1199 = arith.constant 0 : i32
        %broadcast_in_dim3A_1200 = vector.broadcast %jit3A_1198 : i32 to vector<16xi32>
        %broadcast_in_dim3A_1201 = vector.broadcast %jit3A_1199 : i32 to vector<16xi32>
        %select_n3A_1202 = arith.select %le3A_1197, %broadcast_in_dim3A_1200, %broadcast_in_dim3A_1201 : vector<16xi1>, vector<16xi32>
        %add3A_1203 = arith.addi %add3A_1196, %select_n3A_1202 : vector<16xi32>
        %le3A_1204 = arith.cmpi sle, %bitcast3A_669, %add3A_1157 : vector<16xi32>
        %jit3A_1205 = arith.constant 1 : i32
        %jit3A_1206 = arith.constant 0 : i32
        %broadcast_in_dim3A_1207 = vector.broadcast %jit3A_1205 : i32 to vector<16xi32>
        %broadcast_in_dim3A_1208 = vector.broadcast %jit3A_1206 : i32 to vector<16xi32>
        %select_n3A_1209 = arith.select %le3A_1204, %broadcast_in_dim3A_1207, %broadcast_in_dim3A_1208 : vector<16xi1>, vector<16xi32>
        %add3A_1210 = arith.addi %add3A_1203, %select_n3A_1209 : vector<16xi32>
        %cumsum3A = arith.constant true
        %cumsum3A_1211 = vector.broadcast %cumsum3A : i1 to vector<16xi1>
        %cumsum3A_1212 = tpu.scan <sum>, %add3A_1210 masked %cumsum3A_1211 : vector<16xi32>, vector<16xi1> -> vector<16xi32>
        %lt3A_1213 = arith.constant 0 : i32
        %lt3A_1214 = vector.broadcast %lt3A_1213 : i32 to vector<16xi32>
        %lt3A_1215 = arith.cmpi slt, %broadcast_in_dim3A_31, %lt3A_1214 : vector<16xi32>
        %add3A_1216 = arith.constant 16 : i32
        %add3A_1217 = vector.broadcast %add3A_1216 : i32 to vector<16xi32>
        %add3A_1218 = arith.addi %broadcast_in_dim3A_31, %add3A_1217 : vector<16xi32>
        %select_n3A_1219 = arith.select %lt3A_1215, %add3A_1218, %broadcast_in_dim3A_31 : vector<16xi1>, vector<16xi32>
        %broadcast_in_dim3A_1220 = vector.shape_cast %select_n3A_1219 : vector<16xi32> to vector<16x1xi32>
        %gather3A = vector.shape_cast %broadcast_in_dim3A_1220 : vector<16x1xi32> to vector<16xi32>
        %gather3A_1221 = tpu.dynamic_gather %cumsum3A_1212[%gather3A] in [0] : vector<16xi32>, vector<16xi32> -> vector<16xi32>
        %ge3A = arith.cmpi sge, %gather3A_1221, %broadcast_in_dim3A_65 : vector<16xi32>
        %add3A_1222 = arith.constant 1 : i32
        %add3A_1223 = vector.broadcast %add3A_1222 : i32 to vector<16xi32>
        %add3A_1224 = arith.addi %add3A_1157, %add3A_1223 : vector<16xi32>
        %select_n3A_1225 = arith.select %ge3A, %scan3A_1150, %add3A_1224 : vector<16xi1>, vector<16xi32>
        %select_n3A_1226 = arith.select %ge3A, %add3A_1157, %scan3A_1152 : vector<16xi1>, vector<16xi32>
        %le3A_1227 = arith.cmpi sle, %bitcast3A_670, %add3A_1162 : vector<16xi32>
        %jit3A_1228 = arith.constant 1 : i32
        %jit3A_1229 = arith.constant 0 : i32
        %broadcast_in_dim3A_1230 = vector.broadcast %jit3A_1228 : i32 to vector<16xi32>
        %broadcast_in_dim3A_1231 = vector.broadcast %jit3A_1229 : i32 to vector<16xi32>
        %select_n3A_1232 = arith.select %le3A_1227, %broadcast_in_dim3A_1230, %broadcast_in_dim3A_1231 : vector<16xi1>, vector<16xi32>
        %add3A_1233 = arith.addi %broadcast_in_dim3A_63, %select_n3A_1232 : vector<16xi32>
        %le3A_1234 = arith.cmpi sle, %bitcast3A_671, %add3A_1162 : vector<16xi32>
        %jit3A_1235 = arith.constant 1 : i32
        %jit3A_1236 = arith.constant 0 : i32
        %broadcast_in_dim3A_1237 = vector.broadcast %jit3A_1235 : i32 to vector<16xi32>
        %broadcast_in_dim3A_1238 = vector.broadcast %jit3A_1236 : i32 to vector<16xi32>
        %select_n3A_1239 = arith.select %le3A_1234, %broadcast_in_dim3A_1237, %broadcast_in_dim3A_1238 : vector<16xi1>, vector<16xi32>
        %add3A_1240 = arith.addi %add3A_1233, %select_n3A_1239 : vector<16xi32>
        %le3A_1241 = arith.cmpi sle, %bitcast3A_672, %add3A_1162 : vector<16xi32>
        %jit3A_1242 = arith.constant 1 : i32
        %jit3A_1243 = arith.constant 0 : i32
        %broadcast_in_dim3A_1244 = vector.broadcast %jit3A_1242 : i32 to vector<16xi32>
        %broadcast_in_dim3A_1245 = vector.broadcast %jit3A_1243 : i32 to vector<16xi32>
        %select_n3A_1246 = arith.select %le3A_1241, %broadcast_in_dim3A_1244, %broadcast_in_dim3A_1245 : vector<16xi1>, vector<16xi32>
        %add3A_1247 = arith.addi %add3A_1240, %select_n3A_1246 : vector<16xi32>
        %le3A_1248 = arith.cmpi sle, %bitcast3A_673, %add3A_1162 : vector<16xi32>
        %jit3A_1249 = arith.constant 1 : i32
        %jit3A_1250 = arith.constant 0 : i32
        %broadcast_in_dim3A_1251 = vector.broadcast %jit3A_1249 : i32 to vector<16xi32>
        %broadcast_in_dim3A_1252 = vector.broadcast %jit3A_1250 : i32 to vector<16xi32>
        %select_n3A_1253 = arith.select %le3A_1248, %broadcast_in_dim3A_1251, %broadcast_in_dim3A_1252 : vector<16xi1>, vector<16xi32>
        %add3A_1254 = arith.addi %add3A_1247, %select_n3A_1253 : vector<16xi32>
        %le3A_1255 = arith.cmpi sle, %bitcast3A_674, %add3A_1162 : vector<16xi32>
        %jit3A_1256 = arith.constant 1 : i32
        %jit3A_1257 = arith.constant 0 : i32
        %broadcast_in_dim3A_1258 = vector.broadcast %jit3A_1256 : i32 to vector<16xi32>
        %broadcast_in_dim3A_1259 = vector.broadcast %jit3A_1257 : i32 to vector<16xi32>
        %select_n3A_1260 = arith.select %le3A_1255, %broadcast_in_dim3A_1258, %broadcast_in_dim3A_1259 : vector<16xi1>, vector<16xi32>
        %add3A_1261 = arith.addi %add3A_1254, %select_n3A_1260 : vector<16xi32>
        %le3A_1262 = arith.cmpi sle, %bitcast3A_675, %add3A_1162 : vector<16xi32>
        %jit3A_1263 = arith.constant 1 : i32
        %jit3A_1264 = arith.constant 0 : i32
        %broadcast_in_dim3A_1265 = vector.broadcast %jit3A_1263 : i32 to vector<16xi32>
        %broadcast_in_dim3A_1266 = vector.broadcast %jit3A_1264 : i32 to vector<16xi32>
        %select_n3A_1267 = arith.select %le3A_1262, %broadcast_in_dim3A_1265, %broadcast_in_dim3A_1266 : vector<16xi1>, vector<16xi32>
        %add3A_1268 = arith.addi %add3A_1261, %select_n3A_1267 : vector<16xi32>
        %le3A_1269 = arith.cmpi sle, %bitcast3A_676, %add3A_1162 : vector<16xi32>
        %jit3A_1270 = arith.constant 1 : i32
        %jit3A_1271 = arith.constant 0 : i32
        %broadcast_in_dim3A_1272 = vector.broadcast %jit3A_1270 : i32 to vector<16xi32>
        %broadcast_in_dim3A_1273 = vector.broadcast %jit3A_1271 : i32 to vector<16xi32>
        %select_n3A_1274 = arith.select %le3A_1269, %broadcast_in_dim3A_1272, %broadcast_in_dim3A_1273 : vector<16xi1>, vector<16xi32>
        %add3A_1275 = arith.addi %add3A_1268, %select_n3A_1274 : vector<16xi32>
        %cumsum3A_1276 = arith.constant true
        %cumsum3A_1277 = vector.broadcast %cumsum3A_1276 : i1 to vector<16xi1>
        %cumsum3A_1278 = tpu.scan <sum>, %add3A_1275 masked %cumsum3A_1277 : vector<16xi32>, vector<16xi1> -> vector<16xi32>
        %lt3A_1279 = arith.constant 0 : i32
        %lt3A_1280 = vector.broadcast %lt3A_1279 : i32 to vector<16xi32>
        %lt3A_1281 = arith.cmpi slt, %broadcast_in_dim3A_31, %lt3A_1280 : vector<16xi32>
        %add3A_1282 = arith.constant 16 : i32
        %add3A_1283 = vector.broadcast %add3A_1282 : i32 to vector<16xi32>
        %add3A_1284 = arith.addi %broadcast_in_dim3A_31, %add3A_1283 : vector<16xi32>
        %select_n3A_1285 = arith.select %lt3A_1281, %add3A_1284, %broadcast_in_dim3A_31 : vector<16xi1>, vector<16xi32>
        %broadcast_in_dim3A_1286 = vector.shape_cast %select_n3A_1285 : vector<16xi32> to vector<16x1xi32>
        %gather3A_1287 = vector.shape_cast %broadcast_in_dim3A_1286 : vector<16x1xi32> to vector<16xi32>
        %gather3A_1288 = tpu.dynamic_gather %cumsum3A_1278[%gather3A_1287] in [0] : vector<16xi32>, vector<16xi32> -> vector<16xi32>
        %ge3A_1289 = arith.cmpi sge, %gather3A_1288, %broadcast_in_dim3A_65 : vector<16xi32>
        %add3A_1290 = arith.constant 1 : i32
        %add3A_1291 = vector.broadcast %add3A_1290 : i32 to vector<16xi32>
        %add3A_1292 = arith.addi %add3A_1162, %add3A_1291 : vector<16xi32>
        %select_n3A_1293 = arith.select %ge3A_1289, %scan3A_1151, %add3A_1292 : vector<16xi1>, vector<16xi32>
        %select_n3A_1294 = arith.select %ge3A_1289, %add3A_1162, %scan3A_1153 : vector<16xi1>, vector<16xi32>
        scf.yield %select_n3A_1225, %select_n3A_1293, %select_n3A_1226, %select_n3A_1294 : vector<16xi32>, vector<16xi32>, vector<16xi32>, vector<16xi32>
      }
      %scan3A_684 = arith.constant 31 : i32
      %bitcast3A_685 = vector.bitcast %scan3A_683#2 : vector<16xi32> to vector<16xf32>
      %bitcast3A_686 = vector.bitcast %scan3A_683#3 : vector<16xi32> to vector<16xf32>
      %scan3A_687 = arith.constant 0 : i32
      %scan3A_688 = arith.constant 256 : i32
      %scan3A_689 = arith.addi %scan3A_687, %scan3A_688 : i32
      %scan3A_690 = arith.constant 1 : i32
      %scan3A_691:6 = scf.for %scan3A_1149 = %scan3A_687 to %scan3A_689 step %scan3A_690 iter_args(%scan3A_1150 = %broadcast_in_dim3A_61, %scan3A_1151 = %broadcast_in_dim3A_61, %scan3A_1152 = %broadcast_in_dim3A_61, %scan3A_1153 = %broadcast_in_dim3A_61, %scan3A_1154 = %broadcast_in_dim3A_61, %scan3A_1155 = %broadcast_in_dim3A_61) -> (vector<16xf32>, vector<16xf32>, vector<16xf32>, vector<16xf32>, vector<16xf32>, vector<16xf32>)  : i32 {
        %mul3A_1156 = arith.constant 16 : i32
        %mul3A_1157 = arith.muli %scan3A_1149, %mul3A_1156 : i32
        %get3A_1158 = arith.index_cast %mul3A_1157 : i32 to index
        %get3A_1159 = tpu.vector_load %arg8[%get3A_1158] {strides = array<i32>} : memref<4096xf32, #tpu.memory_space<vmem>>, vector<16xf32>,
        %get3A_1160 = arith.index_cast %mul3A_1157 : i32 to index
        %get3A_1161 = tpu.vector_load %arg9[%get3A_1160] {strides = array<i32>} : memref<4096xf32, #tpu.memory_space<vmem>>, vector<16xf32>,
        %get3A_1162 = arith.index_cast %mul3A_1157 : i32 to index
        %get3A_1163 = tpu.vector_load %arg10[%get3A_1162] {strides = array<i32>} : memref<4096xf32, #tpu.memory_space<vmem>>, vector<16xf32>,
        %get3A_1164 = arith.index_cast %mul3A_1157 : i32 to index
        %get3A_1165 = tpu.vector_load %arg7[%get3A_1164] {strides = array<i32>} : memref<4096xf32, #tpu.memory_space<vmem>>, vector<16xf32>,
        %get3A_1166 = arith.index_cast %mul3A_1157 : i32 to index
        %get3A_1167 = tpu.vector_load %arg4[%get3A_1166] {strides = array<i32>} : memref<4096xf32, #tpu.memory_space<vmem>>, vector<16xf32>,
        %get3A_1168 = arith.index_cast %mul3A_1157 : i32 to index
        %get3A_1169 = tpu.vector_load %arg5[%get3A_1168] {strides = array<i32>} : memref<4096xf32, #tpu.memory_space<vmem>>, vector<16xf32>,
        %get3A_1170 = arith.index_cast %mul3A_1157 : i32 to index
        %get3A_1171 = tpu.vector_load %arg6[%get3A_1170] {strides = array<i32>} : memref<4096xf32, #tpu.memory_space<vmem>>, vector<16xf32>,
        %mul3A_1172 = vector.broadcast %mul3A_628 : f32 to vector<16xf32>
        %mul3A_1173 = arith.mulf %mul3A_1172, %get3A_1159 : vector<16xf32>
        %mul3A_1174 = vector.broadcast %mul3A_636 : f32 to vector<16xf32>
        %mul3A_1175 = arith.mulf %mul3A_1174, %get3A_1161 : vector<16xf32>
        %add3A_1176 = arith.addf %mul3A_1173, %mul3A_1175 : vector<16xf32>
        %mul3A_1177 = vector.broadcast %mul3A_644 : f32 to vector<16xf32>
        %mul3A_1178 = arith.mulf %mul3A_1177, %get3A_1163 : vector<16xf32>
        %add3A_1179 = arith.addf %add3A_1176, %mul3A_1178 : vector<16xf32>
        %sub3A_1180 = vector.broadcast %neg3A_652 : f32 to vector<16xf32>
        %sub3A_1181 = arith.subf %sub3A_1180, %add3A_1179 : vector<16xf32>
        %sub3A_1182 = arith.subf %get3A_1165, %sub3A_1181 : vector<16xf32>
        %le3A = arith.cmpf ole, %sub3A_1182, %bitcast3A_685 : vector<16xf32>
        %jit3A_1183 = arith.constant -3.400000e+38 : f32
        %broadcast_in_dim3A_1184 = vector.broadcast %jit3A_1183 : f32 to vector<16xf32>
        %select_n3A_1185 = arith.select %le3A, %get3A_1167, %broadcast_in_dim3A_1184 : vector<16xi1>, vector<16xf32>
        %max3A = arith.maximumf %scan3A_1150, %select_n3A_1185 : vector<16xf32>
        %jit3A_1186 = arith.constant -3.400000e+38 : f32
        %broadcast_in_dim3A_1187 = vector.broadcast %jit3A_1186 : f32 to vector<16xf32>
        %select_n3A_1188 = arith.select %le3A, %get3A_1169, %broadcast_in_dim3A_1187 : vector<16xi1>, vector<16xf32>
        %max3A_1189 = arith.maximumf %scan3A_1151, %select_n3A_1188 : vector<16xf32>
        %jit3A_1190 = arith.constant -3.400000e+38 : f32
        %broadcast_in_dim3A_1191 = vector.broadcast %jit3A_1190 : f32 to vector<16xf32>
        %select_n3A_1192 = arith.select %le3A, %get3A_1171, %broadcast_in_dim3A_1191 : vector<16xi1>, vector<16xf32>
        %max3A_1193 = arith.maximumf %scan3A_1152, %select_n3A_1192 : vector<16xf32>
        %mul3A_1194 = vector.broadcast %mul3A_632 : f32 to vector<16xf32>
        %mul3A_1195 = arith.mulf %mul3A_1194, %get3A_1159 : vector<16xf32>
        %mul3A_1196 = vector.broadcast %mul3A_640 : f32 to vector<16xf32>
        %mul3A_1197 = arith.mulf %mul3A_1196, %get3A_1161 : vector<16xf32>
        %add3A_1198 = arith.addf %mul3A_1195, %mul3A_1197 : vector<16xf32>
        %mul3A_1199 = vector.broadcast %mul3A_648 : f32 to vector<16xf32>
        %mul3A_1200 = arith.mulf %mul3A_1199, %get3A_1163 : vector<16xf32>
        %add3A_1201 = arith.addf %add3A_1198, %mul3A_1200 : vector<16xf32>
        %sub3A_1202 = vector.broadcast %neg3A_656 : f32 to vector<16xf32>
        %sub3A_1203 = arith.subf %sub3A_1202, %add3A_1201 : vector<16xf32>
        %sub3A_1204 = arith.subf %get3A_1165, %sub3A_1203 : vector<16xf32>
        %le3A_1205 = arith.cmpf ole, %sub3A_1204, %bitcast3A_686 : vector<16xf32>
        %jit3A_1206 = arith.constant -3.400000e+38 : f32
        %broadcast_in_dim3A_1207 = vector.broadcast %jit3A_1206 : f32 to vector<16xf32>
        %select_n3A_1208 = arith.select %le3A_1205, %get3A_1167, %broadcast_in_dim3A_1207 : vector<16xi1>, vector<16xf32>
        %max3A_1209 = arith.maximumf %scan3A_1153, %select_n3A_1208 : vector<16xf32>
        %jit3A_1210 = arith.constant -3.400000e+38 : f32
        %broadcast_in_dim3A_1211 = vector.broadcast %jit3A_1210 : f32 to vector<16xf32>
        %select_n3A_1212 = arith.select %le3A_1205, %get3A_1169, %broadcast_in_dim3A_1211 : vector<16xi1>, vector<16xf32>
        %max3A_1213 = arith.maximumf %scan3A_1154, %select_n3A_1212 : vector<16xf32>
        %jit3A_1214 = arith.constant -3.400000e+38 : f32
        %broadcast_in_dim3A_1215 = vector.broadcast %jit3A_1214 : f32 to vector<16xf32>
        %select_n3A_1216 = arith.select %le3A_1205, %get3A_1171, %broadcast_in_dim3A_1215 : vector<16xi1>, vector<16xf32>
        %max3A_1217 = arith.maximumf %scan3A_1155, %select_n3A_1216 : vector<16xf32>
        scf.yield %max3A, %max3A_1189, %max3A_1193, %max3A_1209, %max3A_1213, %max3A_1217 : vector<16xf32>, vector<16xf32>, vector<16xf32>, vector<16xf32>, vector<16xf32>, vector<16xf32>
      }
      %scan3A_692 = arith.constant 256 : i32
      %eq3A_693 = arith.constant 8 : i32
      %eq3A_694 = vector.broadcast %eq3A_693 : i32 to vector<16xi32>
      %eq3A_695 = arith.cmpi eq, %iota3A, %eq3A_694 : vector<16xi32>
      %reduce_max3A_696 = arith.constant true
      %reduce_max3A_697 = vector.broadcast %reduce_max3A_696 : i1 to vector<16xi1>
      %reduce_max3A_698 = tpu.scan <max>, %scan3A_691#0 masked %reduce_max3A_697 : vector<16xf32>, vector<16xi1> -> vector<16xf32>
      %reduce_max3A_699 = vector.extract %reduce_max3A_698[15] : f32 from vector<16xf32>
      %slice3A_700 = vector.extract_strided_slice %get3A_105 {offsets = [8], sizes = [1], strides = [1]} : vector<16xf32> to vector<1xf32>
      %squeeze3A_701 = vector.extract %slice3A_700[0] : f32 from vector<1xf32>
      %sub3A_702 = arith.subf %reduce_max3A_699, %squeeze3A_701 : f32
      %broadcast_in_dim3A_703 = vector.broadcast %sub3A_702 : f32 to vector<16xf32>
      %select_n3A_704 = arith.select %eq3A_695, %broadcast_in_dim3A_703, %select_n3A_606 : vector<16xi1>, vector<16xf32>
      %reduce_max3A_705 = arith.constant true
      %reduce_max3A_706 = vector.broadcast %reduce_max3A_705 : i1 to vector<16xi1>
      %reduce_max3A_707 = tpu.scan <max>, %scan3A_691#1 masked %reduce_max3A_706 : vector<16xf32>, vector<16xi1> -> vector<16xf32>
      %reduce_max3A_708 = vector.extract %reduce_max3A_707[15] : f32 from vector<16xf32>
      %slice3A_709 = vector.extract_strided_slice %get3A_107 {offsets = [8], sizes = [1], strides = [1]} : vector<16xf32> to vector<1xf32>
      %squeeze3A_710 = vector.extract %slice3A_709[0] : f32 from vector<1xf32>
      %sub3A_711 = arith.subf %reduce_max3A_708, %squeeze3A_710 : f32
      %broadcast_in_dim3A_712 = vector.broadcast %sub3A_711 : f32 to vector<16xf32>
      %select_n3A_713 = arith.select %eq3A_695, %broadcast_in_dim3A_712, %select_n3A_615 : vector<16xi1>, vector<16xf32>
      %reduce_max3A_714 = arith.constant true
      %reduce_max3A_715 = vector.broadcast %reduce_max3A_714 : i1 to vector<16xi1>
      %reduce_max3A_716 = tpu.scan <max>, %scan3A_691#2 masked %reduce_max3A_715 : vector<16xf32>, vector<16xi1> -> vector<16xf32>
      %reduce_max3A_717 = vector.extract %reduce_max3A_716[15] : f32 from vector<16xf32>
      %slice3A_718 = vector.extract_strided_slice %get3A_109 {offsets = [8], sizes = [1], strides = [1]} : vector<16xf32> to vector<1xf32>
      %squeeze3A_719 = vector.extract %slice3A_718[0] : f32 from vector<1xf32>
      %sub3A_720 = arith.subf %reduce_max3A_717, %squeeze3A_719 : f32
      %broadcast_in_dim3A_721 = vector.broadcast %sub3A_720 : f32 to vector<16xf32>
      %select_n3A_722 = arith.select %eq3A_695, %broadcast_in_dim3A_721, %select_n3A_624 : vector<16xi1>, vector<16xf32>
      %eq3A_723 = arith.constant 9 : i32
      %eq3A_724 = vector.broadcast %eq3A_723 : i32 to vector<16xi32>
      %eq3A_725 = arith.cmpi eq, %iota3A, %eq3A_724 : vector<16xi32>
      %reduce_max3A_726 = arith.constant true
      %reduce_max3A_727 = vector.broadcast %reduce_max3A_726 : i1 to vector<16xi1>
      %reduce_max3A_728 = tpu.scan <max>, %scan3A_691#3 masked %reduce_max3A_727 : vector<16xf32>, vector<16xi1> -> vector<16xf32>
      %reduce_max3A_729 = vector.extract %reduce_max3A_728[15] : f32 from vector<16xf32>
      %slice3A_730 = vector.extract_strided_slice %get3A_105 {offsets = [9], sizes = [1], strides = [1]} : vector<16xf32> to vector<1xf32>
      %squeeze3A_731 = vector.extract %slice3A_730[0] : f32 from vector<1xf32>
      %sub3A_732 = arith.subf %reduce_max3A_729, %squeeze3A_731 : f32
      %broadcast_in_dim3A_733 = vector.broadcast %sub3A_732 : f32 to vector<16xf32>
      %select_n3A_734 = arith.select %eq3A_725, %broadcast_in_dim3A_733, %select_n3A_704 : vector<16xi1>, vector<16xf32>
      %reduce_max3A_735 = arith.constant true
      %reduce_max3A_736 = vector.broadcast %reduce_max3A_735 : i1 to vector<16xi1>
      %reduce_max3A_737 = tpu.scan <max>, %scan3A_691#4 masked %reduce_max3A_736 : vector<16xf32>, vector<16xi1> -> vector<16xf32>
      %reduce_max3A_738 = vector.extract %reduce_max3A_737[15] : f32 from vector<16xf32>
      %slice3A_739 = vector.extract_strided_slice %get3A_107 {offsets = [9], sizes = [1], strides = [1]} : vector<16xf32> to vector<1xf32>
      %squeeze3A_740 = vector.extract %slice3A_739[0] : f32 from vector<1xf32>
      %sub3A_741 = arith.subf %reduce_max3A_738, %squeeze3A_740 : f32
      %broadcast_in_dim3A_742 = vector.broadcast %sub3A_741 : f32 to vector<16xf32>
      %select_n3A_743 = arith.select %eq3A_725, %broadcast_in_dim3A_742, %select_n3A_713 : vector<16xi1>, vector<16xf32>
      %reduce_max3A_744 = arith.constant true
      %reduce_max3A_745 = vector.broadcast %reduce_max3A_744 : i1 to vector<16xi1>
      %reduce_max3A_746 = tpu.scan <max>, %scan3A_691#5 masked %reduce_max3A_745 : vector<16xf32>, vector<16xi1> -> vector<16xf32>
      %reduce_max3A_747 = vector.extract %reduce_max3A_746[15] : f32 from vector<16xf32>
      %slice3A_748 = vector.extract_strided_slice %get3A_109 {offsets = [9], sizes = [1], strides = [1]} : vector<16xf32> to vector<1xf32>
      %squeeze3A_749 = vector.extract %slice3A_748[0] : f32 from vector<1xf32>
      %sub3A_750 = arith.subf %reduce_max3A_747, %squeeze3A_749 : f32
      %broadcast_in_dim3A_751 = vector.broadcast %sub3A_750 : f32 to vector<16xf32>
      %select_n3A_752 = arith.select %eq3A_725, %broadcast_in_dim3A_751, %select_n3A_722 : vector<16xi1>, vector<16xf32>
      %slice3A_753 = vector.extract_strided_slice %get3A_111 {offsets = [10], sizes = [1], strides = [1]} : vector<16xf32> to vector<1xf32>
      %squeeze3A_754 = vector.extract %slice3A_753[0] : f32 from vector<1xf32>
      %mul3A_755 = arith.constant -2.000000e+00 : f32
      %mul3A_756 = arith.mulf %mul3A_755, %squeeze3A_754 : f32
      %slice3A_757 = vector.extract_strided_slice %get3A_111 {offsets = [11], sizes = [1], strides = [1]} : vector<16xf32> to vector<1xf32>
      %squeeze3A_758 = vector.extract %slice3A_757[0] : f32 from vector<1xf32>
      %mul3A_759 = arith.constant -2.000000e+00 : f32
      %mul3A_760 = arith.mulf %mul3A_759, %squeeze3A_758 : f32
      %slice3A_761 = vector.extract_strided_slice %get3A_113 {offsets = [10], sizes = [1], strides = [1]} : vector<16xf32> to vector<1xf32>
      %squeeze3A_762 = vector.extract %slice3A_761[0] : f32 from vector<1xf32>
      %mul3A_763 = arith.constant -2.000000e+00 : f32
      %mul3A_764 = arith.mulf %mul3A_763, %squeeze3A_762 : f32
      %slice3A_765 = vector.extract_strided_slice %get3A_113 {offsets = [11], sizes = [1], strides = [1]} : vector<16xf32> to vector<1xf32>
      %squeeze3A_766 = vector.extract %slice3A_765[0] : f32 from vector<1xf32>
      %mul3A_767 = arith.constant -2.000000e+00 : f32
      %mul3A_768 = arith.mulf %mul3A_767, %squeeze3A_766 : f32
      %slice3A_769 = vector.extract_strided_slice %get3A_115 {offsets = [10], sizes = [1], strides = [1]} : vector<16xf32> to vector<1xf32>
      %squeeze3A_770 = vector.extract %slice3A_769[0] : f32 from vector<1xf32>
      %mul3A_771 = arith.constant -2.000000e+00 : f32
      %mul3A_772 = arith.mulf %mul3A_771, %squeeze3A_770 : f32
      %slice3A_773 = vector.extract_strided_slice %get3A_115 {offsets = [11], sizes = [1], strides = [1]} : vector<16xf32> to vector<1xf32>
      %squeeze3A_774 = vector.extract %slice3A_773[0] : f32 from vector<1xf32>
      %mul3A_775 = arith.constant -2.000000e+00 : f32
      %mul3A_776 = arith.mulf %mul3A_775, %squeeze3A_774 : f32
      %slice3A_777 = vector.extract_strided_slice %get3A_117 {offsets = [10], sizes = [1], strides = [1]} : vector<16xf32> to vector<1xf32>
      %squeeze3A_778 = vector.extract %slice3A_777[0] : f32 from vector<1xf32>
      %neg3A_779 = arith.constant 0.000000e+00 : f32
      %neg3A_780 = arith.subf %neg3A_779, %squeeze3A_778 : f32
      %slice3A_781 = vector.extract_strided_slice %get3A_117 {offsets = [11], sizes = [1], strides = [1]} : vector<16xf32> to vector<1xf32>
      %squeeze3A_782 = vector.extract %slice3A_781[0] : f32 from vector<1xf32>
      %neg3A_783 = arith.constant 0.000000e+00 : f32
      %neg3A_784 = arith.subf %neg3A_783, %squeeze3A_782 : f32
      %scan3A_785 = arith.constant 0 : i32
      %scan3A_786 = arith.constant 256 : i32
      %scan3A_787 = arith.addi %scan3A_785, %scan3A_786 : i32
      %scan3A_788 = arith.constant 1 : i32
      %scan3A_789:14 = scf.for %scan3A_1149 = %scan3A_785 to %scan3A_787 step %scan3A_788 iter_args(%scan3A_1150 = %broadcast_in_dim3A_59, %scan3A_1151 = %broadcast_in_dim3A_59, %scan3A_1152 = %broadcast_in_dim3A_59, %scan3A_1153 = %broadcast_in_dim3A_59, %scan3A_1154 = %broadcast_in_dim3A_59, %scan3A_1155 = %broadcast_in_dim3A_59, %scan3A_1156 = %broadcast_in_dim3A_59, %scan3A_1157 = %broadcast_in_dim3A_59, %scan3A_1158 = %broadcast_in_dim3A_59, %scan3A_1159 = %broadcast_in_dim3A_59, %scan3A_1160 = %broadcast_in_dim3A_59, %scan3A_1161 = %broadcast_in_dim3A_59, %scan3A_1162 = %broadcast_in_dim3A_59, %scan3A_1163 = %broadcast_in_dim3A_59) -> (vector<16xf32>, vector<16xf32>, vector<16xf32>, vector<16xf32>, vector<16xf32>, vector<16xf32>, vector<16xf32>, vector<16xf32>, vector<16xf32>, vector<16xf32>, vector<16xf32>, vector<16xf32>, vector<16xf32>, vector<16xf32>)  : i32 {
        %mul3A_1164 = arith.constant 16 : i32
        %mul3A_1165 = arith.muli %scan3A_1149, %mul3A_1164 : i32
        %get3A_1166 = arith.index_cast %mul3A_1165 : i32 to index
        %get3A_1167 = tpu.vector_load %arg8[%get3A_1166] {strides = array<i32>} : memref<4096xf32, #tpu.memory_space<vmem>>, vector<16xf32>,
        %get3A_1168 = arith.index_cast %mul3A_1165 : i32 to index
        %get3A_1169 = tpu.vector_load %arg9[%get3A_1168] {strides = array<i32>} : memref<4096xf32, #tpu.memory_space<vmem>>, vector<16xf32>,
        %get3A_1170 = arith.index_cast %mul3A_1165 : i32 to index
        %get3A_1171 = tpu.vector_load %arg10[%get3A_1170] {strides = array<i32>} : memref<4096xf32, #tpu.memory_space<vmem>>, vector<16xf32>,
        %get3A_1172 = arith.index_cast %mul3A_1165 : i32 to index
        %get3A_1173 = tpu.vector_load %arg7[%get3A_1172] {strides = array<i32>} : memref<4096xf32, #tpu.memory_space<vmem>>, vector<16xf32>,
        %mul3A_1174 = vector.broadcast %mul3A_756 : f32 to vector<16xf32>
        %mul3A_1175 = arith.mulf %mul3A_1174, %get3A_1167 : vector<16xf32>
        %mul3A_1176 = vector.broadcast %mul3A_764 : f32 to vector<16xf32>
        %mul3A_1177 = arith.mulf %mul3A_1176, %get3A_1169 : vector<16xf32>
        %add3A_1178 = arith.addf %mul3A_1175, %mul3A_1177 : vector<16xf32>
        %mul3A_1179 = vector.broadcast %mul3A_772 : f32 to vector<16xf32>
        %mul3A_1180 = arith.mulf %mul3A_1179, %get3A_1171 : vector<16xf32>
        %add3A_1181 = arith.addf %add3A_1178, %mul3A_1180 : vector<16xf32>
        %sub3A_1182 = vector.broadcast %neg3A_780 : f32 to vector<16xf32>
        %sub3A_1183 = arith.subf %sub3A_1182, %add3A_1181 : vector<16xf32>
        %sub3A_1184 = arith.subf %get3A_1173, %sub3A_1183 : vector<16xf32>
        %max3A = arith.constant 0.000000e+00 : f32
        %max3A_1185 = vector.broadcast %max3A : f32 to vector<16xf32>
        %max3A_1186 = arith.maximumf %sub3A_1184, %max3A_1185 : vector<16xf32>
        %min3A = arith.minimumf %scan3A_1150, %max3A_1186 : vector<16xf32>
        %max3A_1187 = arith.maximumf %scan3A_1150, %max3A_1186 : vector<16xf32>
        %min3A_1188 = arith.minimumf %scan3A_1151, %max3A_1187 : vector<16xf32>
        %max3A_1189 = arith.maximumf %scan3A_1151, %max3A_1187 : vector<16xf32>
        %min3A_1190 = arith.minimumf %scan3A_1152, %max3A_1189 : vector<16xf32>
        %max3A_1191 = arith.maximumf %scan3A_1152, %max3A_1189 : vector<16xf32>
        %min3A_1192 = arith.minimumf %scan3A_1153, %max3A_1191 : vector<16xf32>
        %max3A_1193 = arith.maximumf %scan3A_1153, %max3A_1191 : vector<16xf32>
        %min3A_1194 = arith.minimumf %scan3A_1154, %max3A_1193 : vector<16xf32>
        %max3A_1195 = arith.maximumf %scan3A_1154, %max3A_1193 : vector<16xf32>
        %min3A_1196 = arith.minimumf %scan3A_1155, %max3A_1195 : vector<16xf32>
        %max3A_1197 = arith.maximumf %scan3A_1155, %max3A_1195 : vector<16xf32>
        %min3A_1198 = arith.minimumf %scan3A_1156, %max3A_1197 : vector<16xf32>
        %max3A_1199 = arith.maximumf %scan3A_1156, %max3A_1197 : vector<16xf32>
        %mul3A_1200 = vector.broadcast %mul3A_760 : f32 to vector<16xf32>
        %mul3A_1201 = arith.mulf %mul3A_1200, %get3A_1167 : vector<16xf32>
        %mul3A_1202 = vector.broadcast %mul3A_768 : f32 to vector<16xf32>
        %mul3A_1203 = arith.mulf %mul3A_1202, %get3A_1169 : vector<16xf32>
        %add3A_1204 = arith.addf %mul3A_1201, %mul3A_1203 : vector<16xf32>
        %mul3A_1205 = vector.broadcast %mul3A_776 : f32 to vector<16xf32>
        %mul3A_1206 = arith.mulf %mul3A_1205, %get3A_1171 : vector<16xf32>
        %add3A_1207 = arith.addf %add3A_1204, %mul3A_1206 : vector<16xf32>
        %sub3A_1208 = vector.broadcast %neg3A_784 : f32 to vector<16xf32>
        %sub3A_1209 = arith.subf %sub3A_1208, %add3A_1207 : vector<16xf32>
        %sub3A_1210 = arith.subf %get3A_1173, %sub3A_1209 : vector<16xf32>
        %max3A_1211 = arith.constant 0.000000e+00 : f32
        %max3A_1212 = vector.broadcast %max3A_1211 : f32 to vector<16xf32>
        %max3A_1213 = arith.maximumf %sub3A_1210, %max3A_1212 : vector<16xf32>
        %min3A_1214 = arith.minimumf %scan3A_1157, %max3A_1213 : vector<16xf32>
        %max3A_1215 = arith.maximumf %scan3A_1157, %max3A_1213 : vector<16xf32>
        %min3A_1216 = arith.minimumf %scan3A_1158, %max3A_1215 : vector<16xf32>
        %max3A_1217 = arith.maximumf %scan3A_1158, %max3A_1215 : vector<16xf32>
        %min3A_1218 = arith.minimumf %scan3A_1159, %max3A_1217 : vector<16xf32>
        %max3A_1219 = arith.maximumf %scan3A_1159, %max3A_1217 : vector<16xf32>
        %min3A_1220 = arith.minimumf %scan3A_1160, %max3A_1219 : vector<16xf32>
        %max3A_1221 = arith.maximumf %scan3A_1160, %max3A_1219 : vector<16xf32>
        %min3A_1222 = arith.minimumf %scan3A_1161, %max3A_1221 : vector<16xf32>
        %max3A_1223 = arith.maximumf %scan3A_1161, %max3A_1221 : vector<16xf32>
        %min3A_1224 = arith.minimumf %scan3A_1162, %max3A_1223 : vector<16xf32>
        %max3A_1225 = arith.maximumf %scan3A_1162, %max3A_1223 : vector<16xf32>
        %min3A_1226 = arith.minimumf %scan3A_1163, %max3A_1225 : vector<16xf32>
        %max3A_1227 = arith.maximumf %scan3A_1163, %max3A_1225 : vector<16xf32>
        scf.yield %min3A, %min3A_1188, %min3A_1190, %min3A_1192, %min3A_1194, %min3A_1196, %min3A_1198, %min3A_1214, %min3A_1216, %min3A_1218, %min3A_1220, %min3A_1222, %min3A_1224, %min3A_1226 : vector<16xf32>, vector<16xf32>, vector<16xf32>, vector<16xf32>, vector<16xf32>, vector<16xf32>, vector<16xf32>, vector<16xf32>, vector<16xf32>, vector<16xf32>, vector<16xf32>, vector<16xf32>, vector<16xf32>, vector<16xf32>
      }
      %scan3A_790 = arith.constant 256 : i32
      %bitcast3A_791 = vector.bitcast %scan3A_789#0 : vector<16xf32> to vector<16xi32>
      %bitcast3A_792 = vector.bitcast %scan3A_789#1 : vector<16xf32> to vector<16xi32>
      %bitcast3A_793 = vector.bitcast %scan3A_789#2 : vector<16xf32> to vector<16xi32>
      %bitcast3A_794 = vector.bitcast %scan3A_789#3 : vector<16xf32> to vector<16xi32>
      %bitcast3A_795 = vector.bitcast %scan3A_789#4 : vector<16xf32> to vector<16xi32>
      %bitcast3A_796 = vector.bitcast %scan3A_789#5 : vector<16xf32> to vector<16xi32>
      %bitcast3A_797 = vector.bitcast %scan3A_789#6 : vector<16xf32> to vector<16xi32>
      %bitcast3A_798 = vector.bitcast %scan3A_789#7 : vector<16xf32> to vector<16xi32>
      %bitcast3A_799 = vector.bitcast %scan3A_789#8 : vector<16xf32> to vector<16xi32>
      %bitcast3A_800 = vector.bitcast %scan3A_789#9 : vector<16xf32> to vector<16xi32>
      %bitcast3A_801 = vector.bitcast %scan3A_789#10 : vector<16xf32> to vector<16xi32>
      %bitcast3A_802 = vector.bitcast %scan3A_789#11 : vector<16xf32> to vector<16xi32>
      %bitcast3A_803 = vector.bitcast %scan3A_789#12 : vector<16xf32> to vector<16xi32>
      %bitcast3A_804 = vector.bitcast %scan3A_789#13 : vector<16xf32> to vector<16xi32>
      %broadcast_in_dim3A_805 = arith.constant 2139095039 : i32
      %broadcast_in_dim3A_806 = vector.broadcast %broadcast_in_dim3A_805 : i32 to vector<16xi32>
      %scan3A_807 = arith.constant 0 : i32
      %scan3A_808 = arith.constant 31 : i32
      %scan3A_809 = arith.addi %scan3A_807, %scan3A_808 : i32
      %scan3A_810 = arith.constant 1 : i32
      %scan3A_811:4 = scf.for %scan3A_1149 = %scan3A_807 to %scan3A_809 step %scan3A_810 iter_args(%scan3A_1150 = %broadcast_in_dim3A_63, %scan3A_1151 = %broadcast_in_dim3A_63, %scan3A_1152 = %broadcast_in_dim3A_806, %scan3A_1153 = %broadcast_in_dim3A_806) -> (vector<16xi32>, vector<16xi32>, vector<16xi32>, vector<16xi32>)  : i32 {
        %sub3A_1154 = arith.subi %scan3A_1152, %scan3A_1150 : vector<16xi32>
        %shift_right_logical3A = arith.constant 1 : i32
        %shift_right_logical3A_1155 = vector.broadcast %shift_right_logical3A : i32 to vector<16xi32>
        %shift_right_logical3A_1156 = arith.shrui %sub3A_1154, %shift_right_logical3A_1155 : vector<16xi32>
        %add3A_1157 = arith.addi %scan3A_1150, %shift_right_logical3A_1156 : vector<16xi32>
        %sub3A_1158 = arith.subi %scan3A_1153, %scan3A_1151 : vector<16xi32>
        %shift_right_logical3A_1159 = arith.constant 1 : i32
        %shift_right_logical3A_1160 = vector.broadcast %shift_right_logical3A_1159 : i32 to vector<16xi32>
        %shift_right_logical3A_1161 = arith.shrui %sub3A_1158, %shift_right_logical3A_1160 : vector<16xi32>
        %add3A_1162 = arith.addi %scan3A_1151, %shift_right_logical3A_1161 : vector<16xi32>
        %le3A = arith.cmpi sle, %bitcast3A_791, %add3A_1157 : vector<16xi32>
        %jit3A_1163 = arith.constant 1 : i32
        %jit3A_1164 = arith.constant 0 : i32
        %broadcast_in_dim3A_1165 = vector.broadcast %jit3A_1163 : i32 to vector<16xi32>
        %broadcast_in_dim3A_1166 = vector.broadcast %jit3A_1164 : i32 to vector<16xi32>
        %select_n3A_1167 = arith.select %le3A, %broadcast_in_dim3A_1165, %broadcast_in_dim3A_1166 : vector<16xi1>, vector<16xi32>
        %add3A_1168 = arith.addi %broadcast_in_dim3A_63, %select_n3A_1167 : vector<16xi32>
        %le3A_1169 = arith.cmpi sle, %bitcast3A_792, %add3A_1157 : vector<16xi32>
        %jit3A_1170 = arith.constant 1 : i32
        %jit3A_1171 = arith.constant 0 : i32
        %broadcast_in_dim3A_1172 = vector.broadcast %jit3A_1170 : i32 to vector<16xi32>
        %broadcast_in_dim3A_1173 = vector.broadcast %jit3A_1171 : i32 to vector<16xi32>
        %select_n3A_1174 = arith.select %le3A_1169, %broadcast_in_dim3A_1172, %broadcast_in_dim3A_1173 : vector<16xi1>, vector<16xi32>
        %add3A_1175 = arith.addi %add3A_1168, %select_n3A_1174 : vector<16xi32>
        %le3A_1176 = arith.cmpi sle, %bitcast3A_793, %add3A_1157 : vector<16xi32>
        %jit3A_1177 = arith.constant 1 : i32
        %jit3A_1178 = arith.constant 0 : i32
        %broadcast_in_dim3A_1179 = vector.broadcast %jit3A_1177 : i32 to vector<16xi32>
        %broadcast_in_dim3A_1180 = vector.broadcast %jit3A_1178 : i32 to vector<16xi32>
        %select_n3A_1181 = arith.select %le3A_1176, %broadcast_in_dim3A_1179, %broadcast_in_dim3A_1180 : vector<16xi1>, vector<16xi32>
        %add3A_1182 = arith.addi %add3A_1175, %select_n3A_1181 : vector<16xi32>
        %le3A_1183 = arith.cmpi sle, %bitcast3A_794, %add3A_1157 : vector<16xi32>
        %jit3A_1184 = arith.constant 1 : i32
        %jit3A_1185 = arith.constant 0 : i32
        %broadcast_in_dim3A_1186 = vector.broadcast %jit3A_1184 : i32 to vector<16xi32>
        %broadcast_in_dim3A_1187 = vector.broadcast %jit3A_1185 : i32 to vector<16xi32>
        %select_n3A_1188 = arith.select %le3A_1183, %broadcast_in_dim3A_1186, %broadcast_in_dim3A_1187 : vector<16xi1>, vector<16xi32>
        %add3A_1189 = arith.addi %add3A_1182, %select_n3A_1188 : vector<16xi32>
        %le3A_1190 = arith.cmpi sle, %bitcast3A_795, %add3A_1157 : vector<16xi32>
        %jit3A_1191 = arith.constant 1 : i32
        %jit3A_1192 = arith.constant 0 : i32
        %broadcast_in_dim3A_1193 = vector.broadcast %jit3A_1191 : i32 to vector<16xi32>
        %broadcast_in_dim3A_1194 = vector.broadcast %jit3A_1192 : i32 to vector<16xi32>
        %select_n3A_1195 = arith.select %le3A_1190, %broadcast_in_dim3A_1193, %broadcast_in_dim3A_1194 : vector<16xi1>, vector<16xi32>
        %add3A_1196 = arith.addi %add3A_1189, %select_n3A_1195 : vector<16xi32>
        %le3A_1197 = arith.cmpi sle, %bitcast3A_796, %add3A_1157 : vector<16xi32>
        %jit3A_1198 = arith.constant 1 : i32
        %jit3A_1199 = arith.constant 0 : i32
        %broadcast_in_dim3A_1200 = vector.broadcast %jit3A_1198 : i32 to vector<16xi32>
        %broadcast_in_dim3A_1201 = vector.broadcast %jit3A_1199 : i32 to vector<16xi32>
        %select_n3A_1202 = arith.select %le3A_1197, %broadcast_in_dim3A_1200, %broadcast_in_dim3A_1201 : vector<16xi1>, vector<16xi32>
        %add3A_1203 = arith.addi %add3A_1196, %select_n3A_1202 : vector<16xi32>
        %le3A_1204 = arith.cmpi sle, %bitcast3A_797, %add3A_1157 : vector<16xi32>
        %jit3A_1205 = arith.constant 1 : i32
        %jit3A_1206 = arith.constant 0 : i32
        %broadcast_in_dim3A_1207 = vector.broadcast %jit3A_1205 : i32 to vector<16xi32>
        %broadcast_in_dim3A_1208 = vector.broadcast %jit3A_1206 : i32 to vector<16xi32>
        %select_n3A_1209 = arith.select %le3A_1204, %broadcast_in_dim3A_1207, %broadcast_in_dim3A_1208 : vector<16xi1>, vector<16xi32>
        %add3A_1210 = arith.addi %add3A_1203, %select_n3A_1209 : vector<16xi32>
        %cumsum3A = arith.constant true
        %cumsum3A_1211 = vector.broadcast %cumsum3A : i1 to vector<16xi1>
        %cumsum3A_1212 = tpu.scan <sum>, %add3A_1210 masked %cumsum3A_1211 : vector<16xi32>, vector<16xi1> -> vector<16xi32>
        %lt3A_1213 = arith.constant 0 : i32
        %lt3A_1214 = vector.broadcast %lt3A_1213 : i32 to vector<16xi32>
        %lt3A_1215 = arith.cmpi slt, %broadcast_in_dim3A_31, %lt3A_1214 : vector<16xi32>
        %add3A_1216 = arith.constant 16 : i32
        %add3A_1217 = vector.broadcast %add3A_1216 : i32 to vector<16xi32>
        %add3A_1218 = arith.addi %broadcast_in_dim3A_31, %add3A_1217 : vector<16xi32>
        %select_n3A_1219 = arith.select %lt3A_1215, %add3A_1218, %broadcast_in_dim3A_31 : vector<16xi1>, vector<16xi32>
        %broadcast_in_dim3A_1220 = vector.shape_cast %select_n3A_1219 : vector<16xi32> to vector<16x1xi32>
        %gather3A = vector.shape_cast %broadcast_in_dim3A_1220 : vector<16x1xi32> to vector<16xi32>
        %gather3A_1221 = tpu.dynamic_gather %cumsum3A_1212[%gather3A] in [0] : vector<16xi32>, vector<16xi32> -> vector<16xi32>
        %ge3A = arith.cmpi sge, %gather3A_1221, %broadcast_in_dim3A_65 : vector<16xi32>
        %add3A_1222 = arith.constant 1 : i32
        %add3A_1223 = vector.broadcast %add3A_1222 : i32 to vector<16xi32>
        %add3A_1224 = arith.addi %add3A_1157, %add3A_1223 : vector<16xi32>
        %select_n3A_1225 = arith.select %ge3A, %scan3A_1150, %add3A_1224 : vector<16xi1>, vector<16xi32>
        %select_n3A_1226 = arith.select %ge3A, %add3A_1157, %scan3A_1152 : vector<16xi1>, vector<16xi32>
        %le3A_1227 = arith.cmpi sle, %bitcast3A_798, %add3A_1162 : vector<16xi32>
        %jit3A_1228 = arith.constant 1 : i32
        %jit3A_1229 = arith.constant 0 : i32
        %broadcast_in_dim3A_1230 = vector.broadcast %jit3A_1228 : i32 to vector<16xi32>
        %broadcast_in_dim3A_1231 = vector.broadcast %jit3A_1229 : i32 to vector<16xi32>
        %select_n3A_1232 = arith.select %le3A_1227, %broadcast_in_dim3A_1230, %broadcast_in_dim3A_1231 : vector<16xi1>, vector<16xi32>
        %add3A_1233 = arith.addi %broadcast_in_dim3A_63, %select_n3A_1232 : vector<16xi32>
        %le3A_1234 = arith.cmpi sle, %bitcast3A_799, %add3A_1162 : vector<16xi32>
        %jit3A_1235 = arith.constant 1 : i32
        %jit3A_1236 = arith.constant 0 : i32
        %broadcast_in_dim3A_1237 = vector.broadcast %jit3A_1235 : i32 to vector<16xi32>
        %broadcast_in_dim3A_1238 = vector.broadcast %jit3A_1236 : i32 to vector<16xi32>
        %select_n3A_1239 = arith.select %le3A_1234, %broadcast_in_dim3A_1237, %broadcast_in_dim3A_1238 : vector<16xi1>, vector<16xi32>
        %add3A_1240 = arith.addi %add3A_1233, %select_n3A_1239 : vector<16xi32>
        %le3A_1241 = arith.cmpi sle, %bitcast3A_800, %add3A_1162 : vector<16xi32>
        %jit3A_1242 = arith.constant 1 : i32
        %jit3A_1243 = arith.constant 0 : i32
        %broadcast_in_dim3A_1244 = vector.broadcast %jit3A_1242 : i32 to vector<16xi32>
        %broadcast_in_dim3A_1245 = vector.broadcast %jit3A_1243 : i32 to vector<16xi32>
        %select_n3A_1246 = arith.select %le3A_1241, %broadcast_in_dim3A_1244, %broadcast_in_dim3A_1245 : vector<16xi1>, vector<16xi32>
        %add3A_1247 = arith.addi %add3A_1240, %select_n3A_1246 : vector<16xi32>
        %le3A_1248 = arith.cmpi sle, %bitcast3A_801, %add3A_1162 : vector<16xi32>
        %jit3A_1249 = arith.constant 1 : i32
        %jit3A_1250 = arith.constant 0 : i32
        %broadcast_in_dim3A_1251 = vector.broadcast %jit3A_1249 : i32 to vector<16xi32>
        %broadcast_in_dim3A_1252 = vector.broadcast %jit3A_1250 : i32 to vector<16xi32>
        %select_n3A_1253 = arith.select %le3A_1248, %broadcast_in_dim3A_1251, %broadcast_in_dim3A_1252 : vector<16xi1>, vector<16xi32>
        %add3A_1254 = arith.addi %add3A_1247, %select_n3A_1253 : vector<16xi32>
        %le3A_1255 = arith.cmpi sle, %bitcast3A_802, %add3A_1162 : vector<16xi32>
        %jit3A_1256 = arith.constant 1 : i32
        %jit3A_1257 = arith.constant 0 : i32
        %broadcast_in_dim3A_1258 = vector.broadcast %jit3A_1256 : i32 to vector<16xi32>
        %broadcast_in_dim3A_1259 = vector.broadcast %jit3A_1257 : i32 to vector<16xi32>
        %select_n3A_1260 = arith.select %le3A_1255, %broadcast_in_dim3A_1258, %broadcast_in_dim3A_1259 : vector<16xi1>, vector<16xi32>
        %add3A_1261 = arith.addi %add3A_1254, %select_n3A_1260 : vector<16xi32>
        %le3A_1262 = arith.cmpi sle, %bitcast3A_803, %add3A_1162 : vector<16xi32>
        %jit3A_1263 = arith.constant 1 : i32
        %jit3A_1264 = arith.constant 0 : i32
        %broadcast_in_dim3A_1265 = vector.broadcast %jit3A_1263 : i32 to vector<16xi32>
        %broadcast_in_dim3A_1266 = vector.broadcast %jit3A_1264 : i32 to vector<16xi32>
        %select_n3A_1267 = arith.select %le3A_1262, %broadcast_in_dim3A_1265, %broadcast_in_dim3A_1266 : vector<16xi1>, vector<16xi32>
        %add3A_1268 = arith.addi %add3A_1261, %select_n3A_1267 : vector<16xi32>
        %le3A_1269 = arith.cmpi sle, %bitcast3A_804, %add3A_1162 : vector<16xi32>
        %jit3A_1270 = arith.constant 1 : i32
        %jit3A_1271 = arith.constant 0 : i32
        %broadcast_in_dim3A_1272 = vector.broadcast %jit3A_1270 : i32 to vector<16xi32>
        %broadcast_in_dim3A_1273 = vector.broadcast %jit3A_1271 : i32 to vector<16xi32>
        %select_n3A_1274 = arith.select %le3A_1269, %broadcast_in_dim3A_1272, %broadcast_in_dim3A_1273 : vector<16xi1>, vector<16xi32>
        %add3A_1275 = arith.addi %add3A_1268, %select_n3A_1274 : vector<16xi32>
        %cumsum3A_1276 = arith.constant true
        %cumsum3A_1277 = vector.broadcast %cumsum3A_1276 : i1 to vector<16xi1>
        %cumsum3A_1278 = tpu.scan <sum>, %add3A_1275 masked %cumsum3A_1277 : vector<16xi32>, vector<16xi1> -> vector<16xi32>
        %lt3A_1279 = arith.constant 0 : i32
        %lt3A_1280 = vector.broadcast %lt3A_1279 : i32 to vector<16xi32>
        %lt3A_1281 = arith.cmpi slt, %broadcast_in_dim3A_31, %lt3A_1280 : vector<16xi32>
        %add3A_1282 = arith.constant 16 : i32
        %add3A_1283 = vector.broadcast %add3A_1282 : i32 to vector<16xi32>
        %add3A_1284 = arith.addi %broadcast_in_dim3A_31, %add3A_1283 : vector<16xi32>
        %select_n3A_1285 = arith.select %lt3A_1281, %add3A_1284, %broadcast_in_dim3A_31 : vector<16xi1>, vector<16xi32>
        %broadcast_in_dim3A_1286 = vector.shape_cast %select_n3A_1285 : vector<16xi32> to vector<16x1xi32>
        %gather3A_1287 = vector.shape_cast %broadcast_in_dim3A_1286 : vector<16x1xi32> to vector<16xi32>
        %gather3A_1288 = tpu.dynamic_gather %cumsum3A_1278[%gather3A_1287] in [0] : vector<16xi32>, vector<16xi32> -> vector<16xi32>
        %ge3A_1289 = arith.cmpi sge, %gather3A_1288, %broadcast_in_dim3A_65 : vector<16xi32>
        %add3A_1290 = arith.constant 1 : i32
        %add3A_1291 = vector.broadcast %add3A_1290 : i32 to vector<16xi32>
        %add3A_1292 = arith.addi %add3A_1162, %add3A_1291 : vector<16xi32>
        %select_n3A_1293 = arith.select %ge3A_1289, %scan3A_1151, %add3A_1292 : vector<16xi1>, vector<16xi32>
        %select_n3A_1294 = arith.select %ge3A_1289, %add3A_1162, %scan3A_1153 : vector<16xi1>, vector<16xi32>
        scf.yield %select_n3A_1225, %select_n3A_1293, %select_n3A_1226, %select_n3A_1294 : vector<16xi32>, vector<16xi32>, vector<16xi32>, vector<16xi32>
      }
      %scan3A_812 = arith.constant 31 : i32
      %bitcast3A_813 = vector.bitcast %scan3A_811#2 : vector<16xi32> to vector<16xf32>
      %bitcast3A_814 = vector.bitcast %scan3A_811#3 : vector<16xi32> to vector<16xf32>
      %scan3A_815 = arith.constant 0 : i32
      %scan3A_816 = arith.constant 256 : i32
      %scan3A_817 = arith.addi %scan3A_815, %scan3A_816 : i32
      %scan3A_818 = arith.constant 1 : i32
      %scan3A_819:6 = scf.for %scan3A_1149 = %scan3A_815 to %scan3A_817 step %scan3A_818 iter_args(%scan3A_1150 = %broadcast_in_dim3A_61, %scan3A_1151 = %broadcast_in_dim3A_61, %scan3A_1152 = %broadcast_in_dim3A_61, %scan3A_1153 = %broadcast_in_dim3A_61, %scan3A_1154 = %broadcast_in_dim3A_61, %scan3A_1155 = %broadcast_in_dim3A_61) -> (vector<16xf32>, vector<16xf32>, vector<16xf32>, vector<16xf32>, vector<16xf32>, vector<16xf32>)  : i32 {
        %mul3A_1156 = arith.constant 16 : i32
        %mul3A_1157 = arith.muli %scan3A_1149, %mul3A_1156 : i32
        %get3A_1158 = arith.index_cast %mul3A_1157 : i32 to index
        %get3A_1159 = tpu.vector_load %arg8[%get3A_1158] {strides = array<i32>} : memref<4096xf32, #tpu.memory_space<vmem>>, vector<16xf32>,
        %get3A_1160 = arith.index_cast %mul3A_1157 : i32 to index
        %get3A_1161 = tpu.vector_load %arg9[%get3A_1160] {strides = array<i32>} : memref<4096xf32, #tpu.memory_space<vmem>>, vector<16xf32>,
        %get3A_1162 = arith.index_cast %mul3A_1157 : i32 to index
        %get3A_1163 = tpu.vector_load %arg10[%get3A_1162] {strides = array<i32>} : memref<4096xf32, #tpu.memory_space<vmem>>, vector<16xf32>,
        %get3A_1164 = arith.index_cast %mul3A_1157 : i32 to index
        %get3A_1165 = tpu.vector_load %arg7[%get3A_1164] {strides = array<i32>} : memref<4096xf32, #tpu.memory_space<vmem>>, vector<16xf32>,
        %get3A_1166 = arith.index_cast %mul3A_1157 : i32 to index
        %get3A_1167 = tpu.vector_load %arg4[%get3A_1166] {strides = array<i32>} : memref<4096xf32, #tpu.memory_space<vmem>>, vector<16xf32>,
        %get3A_1168 = arith.index_cast %mul3A_1157 : i32 to index
        %get3A_1169 = tpu.vector_load %arg5[%get3A_1168] {strides = array<i32>} : memref<4096xf32, #tpu.memory_space<vmem>>, vector<16xf32>,
        %get3A_1170 = arith.index_cast %mul3A_1157 : i32 to index
        %get3A_1171 = tpu.vector_load %arg6[%get3A_1170] {strides = array<i32>} : memref<4096xf32, #tpu.memory_space<vmem>>, vector<16xf32>,
        %mul3A_1172 = vector.broadcast %mul3A_756 : f32 to vector<16xf32>
        %mul3A_1173 = arith.mulf %mul3A_1172, %get3A_1159 : vector<16xf32>
        %mul3A_1174 = vector.broadcast %mul3A_764 : f32 to vector<16xf32>
        %mul3A_1175 = arith.mulf %mul3A_1174, %get3A_1161 : vector<16xf32>
        %add3A_1176 = arith.addf %mul3A_1173, %mul3A_1175 : vector<16xf32>
        %mul3A_1177 = vector.broadcast %mul3A_772 : f32 to vector<16xf32>
        %mul3A_1178 = arith.mulf %mul3A_1177, %get3A_1163 : vector<16xf32>
        %add3A_1179 = arith.addf %add3A_1176, %mul3A_1178 : vector<16xf32>
        %sub3A_1180 = vector.broadcast %neg3A_780 : f32 to vector<16xf32>
        %sub3A_1181 = arith.subf %sub3A_1180, %add3A_1179 : vector<16xf32>
        %sub3A_1182 = arith.subf %get3A_1165, %sub3A_1181 : vector<16xf32>
        %le3A = arith.cmpf ole, %sub3A_1182, %bitcast3A_813 : vector<16xf32>
        %jit3A_1183 = arith.constant -3.400000e+38 : f32
        %broadcast_in_dim3A_1184 = vector.broadcast %jit3A_1183 : f32 to vector<16xf32>
        %select_n3A_1185 = arith.select %le3A, %get3A_1167, %broadcast_in_dim3A_1184 : vector<16xi1>, vector<16xf32>
        %max3A = arith.maximumf %scan3A_1150, %select_n3A_1185 : vector<16xf32>
        %jit3A_1186 = arith.constant -3.400000e+38 : f32
        %broadcast_in_dim3A_1187 = vector.broadcast %jit3A_1186 : f32 to vector<16xf32>
        %select_n3A_1188 = arith.select %le3A, %get3A_1169, %broadcast_in_dim3A_1187 : vector<16xi1>, vector<16xf32>
        %max3A_1189 = arith.maximumf %scan3A_1151, %select_n3A_1188 : vector<16xf32>
        %jit3A_1190 = arith.constant -3.400000e+38 : f32
        %broadcast_in_dim3A_1191 = vector.broadcast %jit3A_1190 : f32 to vector<16xf32>
        %select_n3A_1192 = arith.select %le3A, %get3A_1171, %broadcast_in_dim3A_1191 : vector<16xi1>, vector<16xf32>
        %max3A_1193 = arith.maximumf %scan3A_1152, %select_n3A_1192 : vector<16xf32>
        %mul3A_1194 = vector.broadcast %mul3A_760 : f32 to vector<16xf32>
        %mul3A_1195 = arith.mulf %mul3A_1194, %get3A_1159 : vector<16xf32>
        %mul3A_1196 = vector.broadcast %mul3A_768 : f32 to vector<16xf32>
        %mul3A_1197 = arith.mulf %mul3A_1196, %get3A_1161 : vector<16xf32>
        %add3A_1198 = arith.addf %mul3A_1195, %mul3A_1197 : vector<16xf32>
        %mul3A_1199 = vector.broadcast %mul3A_776 : f32 to vector<16xf32>
        %mul3A_1200 = arith.mulf %mul3A_1199, %get3A_1163 : vector<16xf32>
        %add3A_1201 = arith.addf %add3A_1198, %mul3A_1200 : vector<16xf32>
        %sub3A_1202 = vector.broadcast %neg3A_784 : f32 to vector<16xf32>
        %sub3A_1203 = arith.subf %sub3A_1202, %add3A_1201 : vector<16xf32>
        %sub3A_1204 = arith.subf %get3A_1165, %sub3A_1203 : vector<16xf32>
        %le3A_1205 = arith.cmpf ole, %sub3A_1204, %bitcast3A_814 : vector<16xf32>
        %jit3A_1206 = arith.constant -3.400000e+38 : f32
        %broadcast_in_dim3A_1207 = vector.broadcast %jit3A_1206 : f32 to vector<16xf32>
        %select_n3A_1208 = arith.select %le3A_1205, %get3A_1167, %broadcast_in_dim3A_1207 : vector<16xi1>, vector<16xf32>
        %max3A_1209 = arith.maximumf %scan3A_1153, %select_n3A_1208 : vector<16xf32>
        %jit3A_1210 = arith.constant -3.400000e+38 : f32
        %broadcast_in_dim3A_1211 = vector.broadcast %jit3A_1210 : f32 to vector<16xf32>
        %select_n3A_1212 = arith.select %le3A_1205, %get3A_1169, %broadcast_in_dim3A_1211 : vector<16xi1>, vector<16xf32>
        %max3A_1213 = arith.maximumf %scan3A_1154, %select_n3A_1212 : vector<16xf32>
        %jit3A_1214 = arith.constant -3.400000e+38 : f32
        %broadcast_in_dim3A_1215 = vector.broadcast %jit3A_1214 : f32 to vector<16xf32>
        %select_n3A_1216 = arith.select %le3A_1205, %get3A_1171, %broadcast_in_dim3A_1215 : vector<16xi1>, vector<16xf32>
        %max3A_1217 = arith.maximumf %scan3A_1155, %select_n3A_1216 : vector<16xf32>
        scf.yield %max3A, %max3A_1189, %max3A_1193, %max3A_1209, %max3A_1213, %max3A_1217 : vector<16xf32>, vector<16xf32>, vector<16xf32>, vector<16xf32>, vector<16xf32>, vector<16xf32>
      }
      %scan3A_820 = arith.constant 256 : i32
      %eq3A_821 = arith.constant 10 : i32
      %eq3A_822 = vector.broadcast %eq3A_821 : i32 to vector<16xi32>
      %eq3A_823 = arith.cmpi eq, %iota3A, %eq3A_822 : vector<16xi32>
      %reduce_max3A_824 = arith.constant true
      %reduce_max3A_825 = vector.broadcast %reduce_max3A_824 : i1 to vector<16xi1>
      %reduce_max3A_826 = tpu.scan <max>, %scan3A_819#0 masked %reduce_max3A_825 : vector<16xf32>, vector<16xi1> -> vector<16xf32>
      %reduce_max3A_827 = vector.extract %reduce_max3A_826[15] : f32 from vector<16xf32>
      %slice3A_828 = vector.extract_strided_slice %get3A_105 {offsets = [10], sizes = [1], strides = [1]} : vector<16xf32> to vector<1xf32>
      %squeeze3A_829 = vector.extract %slice3A_828[0] : f32 from vector<1xf32>
      %sub3A_830 = arith.subf %reduce_max3A_827, %squeeze3A_829 : f32
      %broadcast_in_dim3A_831 = vector.broadcast %sub3A_830 : f32 to vector<16xf32>
      %select_n3A_832 = arith.select %eq3A_823, %broadcast_in_dim3A_831, %select_n3A_734 : vector<16xi1>, vector<16xf32>
      %reduce_max3A_833 = arith.constant true
      %reduce_max3A_834 = vector.broadcast %reduce_max3A_833 : i1 to vector<16xi1>
      %reduce_max3A_835 = tpu.scan <max>, %scan3A_819#1 masked %reduce_max3A_834 : vector<16xf32>, vector<16xi1> -> vector<16xf32>
      %reduce_max3A_836 = vector.extract %reduce_max3A_835[15] : f32 from vector<16xf32>
      %slice3A_837 = vector.extract_strided_slice %get3A_107 {offsets = [10], sizes = [1], strides = [1]} : vector<16xf32> to vector<1xf32>
      %squeeze3A_838 = vector.extract %slice3A_837[0] : f32 from vector<1xf32>
      %sub3A_839 = arith.subf %reduce_max3A_836, %squeeze3A_838 : f32
      %broadcast_in_dim3A_840 = vector.broadcast %sub3A_839 : f32 to vector<16xf32>
      %select_n3A_841 = arith.select %eq3A_823, %broadcast_in_dim3A_840, %select_n3A_743 : vector<16xi1>, vector<16xf32>
      %reduce_max3A_842 = arith.constant true
      %reduce_max3A_843 = vector.broadcast %reduce_max3A_842 : i1 to vector<16xi1>
      %reduce_max3A_844 = tpu.scan <max>, %scan3A_819#2 masked %reduce_max3A_843 : vector<16xf32>, vector<16xi1> -> vector<16xf32>
      %reduce_max3A_845 = vector.extract %reduce_max3A_844[15] : f32 from vector<16xf32>
      %slice3A_846 = vector.extract_strided_slice %get3A_109 {offsets = [10], sizes = [1], strides = [1]} : vector<16xf32> to vector<1xf32>
      %squeeze3A_847 = vector.extract %slice3A_846[0] : f32 from vector<1xf32>
      %sub3A_848 = arith.subf %reduce_max3A_845, %squeeze3A_847 : f32
      %broadcast_in_dim3A_849 = vector.broadcast %sub3A_848 : f32 to vector<16xf32>
      %select_n3A_850 = arith.select %eq3A_823, %broadcast_in_dim3A_849, %select_n3A_752 : vector<16xi1>, vector<16xf32>
      %eq3A_851 = arith.constant 11 : i32
      %eq3A_852 = vector.broadcast %eq3A_851 : i32 to vector<16xi32>
      %eq3A_853 = arith.cmpi eq, %iota3A, %eq3A_852 : vector<16xi32>
      %reduce_max3A_854 = arith.constant true
      %reduce_max3A_855 = vector.broadcast %reduce_max3A_854 : i1 to vector<16xi1>
      %reduce_max3A_856 = tpu.scan <max>, %scan3A_819#3 masked %reduce_max3A_855 : vector<16xf32>, vector<16xi1> -> vector<16xf32>
      %reduce_max3A_857 = vector.extract %reduce_max3A_856[15] : f32 from vector<16xf32>
      %slice3A_858 = vector.extract_strided_slice %get3A_105 {offsets = [11], sizes = [1], strides = [1]} : vector<16xf32> to vector<1xf32>
      %squeeze3A_859 = vector.extract %slice3A_858[0] : f32 from vector<1xf32>
      %sub3A_860 = arith.subf %reduce_max3A_857, %squeeze3A_859 : f32
      %broadcast_in_dim3A_861 = vector.broadcast %sub3A_860 : f32 to vector<16xf32>
      %select_n3A_862 = arith.select %eq3A_853, %broadcast_in_dim3A_861, %select_n3A_832 : vector<16xi1>, vector<16xf32>
      %reduce_max3A_863 = arith.constant true
      %reduce_max3A_864 = vector.broadcast %reduce_max3A_863 : i1 to vector<16xi1>
      %reduce_max3A_865 = tpu.scan <max>, %scan3A_819#4 masked %reduce_max3A_864 : vector<16xf32>, vector<16xi1> -> vector<16xf32>
      %reduce_max3A_866 = vector.extract %reduce_max3A_865[15] : f32 from vector<16xf32>
      %slice3A_867 = vector.extract_strided_slice %get3A_107 {offsets = [11], sizes = [1], strides = [1]} : vector<16xf32> to vector<1xf32>
      %squeeze3A_868 = vector.extract %slice3A_867[0] : f32 from vector<1xf32>
      %sub3A_869 = arith.subf %reduce_max3A_866, %squeeze3A_868 : f32
      %broadcast_in_dim3A_870 = vector.broadcast %sub3A_869 : f32 to vector<16xf32>
      %select_n3A_871 = arith.select %eq3A_853, %broadcast_in_dim3A_870, %select_n3A_841 : vector<16xi1>, vector<16xf32>
      %reduce_max3A_872 = arith.constant true
      %reduce_max3A_873 = vector.broadcast %reduce_max3A_872 : i1 to vector<16xi1>
      %reduce_max3A_874 = tpu.scan <max>, %scan3A_819#5 masked %reduce_max3A_873 : vector<16xf32>, vector<16xi1> -> vector<16xf32>
      %reduce_max3A_875 = vector.extract %reduce_max3A_874[15] : f32 from vector<16xf32>
      %slice3A_876 = vector.extract_strided_slice %get3A_109 {offsets = [11], sizes = [1], strides = [1]} : vector<16xf32> to vector<1xf32>
      %squeeze3A_877 = vector.extract %slice3A_876[0] : f32 from vector<1xf32>
      %sub3A_878 = arith.subf %reduce_max3A_875, %squeeze3A_877 : f32
      %broadcast_in_dim3A_879 = vector.broadcast %sub3A_878 : f32 to vector<16xf32>
      %select_n3A_880 = arith.select %eq3A_853, %broadcast_in_dim3A_879, %select_n3A_850 : vector<16xi1>, vector<16xf32>
      %slice3A_881 = vector.extract_strided_slice %get3A_111 {offsets = [12], sizes = [1], strides = [1]} : vector<16xf32> to vector<1xf32>
      %squeeze3A_882 = vector.extract %slice3A_881[0] : f32 from vector<1xf32>
      %mul3A_883 = arith.constant -2.000000e+00 : f32
      %mul3A_884 = arith.mulf %mul3A_883, %squeeze3A_882 : f32
      %slice3A_885 = vector.extract_strided_slice %get3A_111 {offsets = [13], sizes = [1], strides = [1]} : vector<16xf32> to vector<1xf32>
      %squeeze3A_886 = vector.extract %slice3A_885[0] : f32 from vector<1xf32>
      %mul3A_887 = arith.constant -2.000000e+00 : f32
      %mul3A_888 = arith.mulf %mul3A_887, %squeeze3A_886 : f32
      %slice3A_889 = vector.extract_strided_slice %get3A_113 {offsets = [12], sizes = [1], strides = [1]} : vector<16xf32> to vector<1xf32>
      %squeeze3A_890 = vector.extract %slice3A_889[0] : f32 from vector<1xf32>
      %mul3A_891 = arith.constant -2.000000e+00 : f32
      %mul3A_892 = arith.mulf %mul3A_891, %squeeze3A_890 : f32
      %slice3A_893 = vector.extract_strided_slice %get3A_113 {offsets = [13], sizes = [1], strides = [1]} : vector<16xf32> to vector<1xf32>
      %squeeze3A_894 = vector.extract %slice3A_893[0] : f32 from vector<1xf32>
      %mul3A_895 = arith.constant -2.000000e+00 : f32
      %mul3A_896 = arith.mulf %mul3A_895, %squeeze3A_894 : f32
      %slice3A_897 = vector.extract_strided_slice %get3A_115 {offsets = [12], sizes = [1], strides = [1]} : vector<16xf32> to vector<1xf32>
      %squeeze3A_898 = vector.extract %slice3A_897[0] : f32 from vector<1xf32>
      %mul3A_899 = arith.constant -2.000000e+00 : f32
      %mul3A_900 = arith.mulf %mul3A_899, %squeeze3A_898 : f32
      %slice3A_901 = vector.extract_strided_slice %get3A_115 {offsets = [13], sizes = [1], strides = [1]} : vector<16xf32> to vector<1xf32>
      %squeeze3A_902 = vector.extract %slice3A_901[0] : f32 from vector<1xf32>
      %mul3A_903 = arith.constant -2.000000e+00 : f32
      %mul3A_904 = arith.mulf %mul3A_903, %squeeze3A_902 : f32
      %slice3A_905 = vector.extract_strided_slice %get3A_117 {offsets = [12], sizes = [1], strides = [1]} : vector<16xf32> to vector<1xf32>
      %squeeze3A_906 = vector.extract %slice3A_905[0] : f32 from vector<1xf32>
      %neg3A_907 = arith.constant 0.000000e+00 : f32
      %neg3A_908 = arith.subf %neg3A_907, %squeeze3A_906 : f32
      %slice3A_909 = vector.extract_strided_slice %get3A_117 {offsets = [13], sizes = [1], strides = [1]} : vector<16xf32> to vector<1xf32>
      %squeeze3A_910 = vector.extract %slice3A_909[0] : f32 from vector<1xf32>
      %neg3A_911 = arith.constant 0.000000e+00 : f32
      %neg3A_912 = arith.subf %neg3A_911, %squeeze3A_910 : f32
      %scan3A_913 = arith.constant 0 : i32
      %scan3A_914 = arith.constant 256 : i32
      %scan3A_915 = arith.addi %scan3A_913, %scan3A_914 : i32
      %scan3A_916 = arith.constant 1 : i32
      %scan3A_917:14 = scf.for %scan3A_1149 = %scan3A_913 to %scan3A_915 step %scan3A_916 iter_args(%scan3A_1150 = %broadcast_in_dim3A_59, %scan3A_1151 = %broadcast_in_dim3A_59, %scan3A_1152 = %broadcast_in_dim3A_59, %scan3A_1153 = %broadcast_in_dim3A_59, %scan3A_1154 = %broadcast_in_dim3A_59, %scan3A_1155 = %broadcast_in_dim3A_59, %scan3A_1156 = %broadcast_in_dim3A_59, %scan3A_1157 = %broadcast_in_dim3A_59, %scan3A_1158 = %broadcast_in_dim3A_59, %scan3A_1159 = %broadcast_in_dim3A_59, %scan3A_1160 = %broadcast_in_dim3A_59, %scan3A_1161 = %broadcast_in_dim3A_59, %scan3A_1162 = %broadcast_in_dim3A_59, %scan3A_1163 = %broadcast_in_dim3A_59) -> (vector<16xf32>, vector<16xf32>, vector<16xf32>, vector<16xf32>, vector<16xf32>, vector<16xf32>, vector<16xf32>, vector<16xf32>, vector<16xf32>, vector<16xf32>, vector<16xf32>, vector<16xf32>, vector<16xf32>, vector<16xf32>)  : i32 {
        %mul3A_1164 = arith.constant 16 : i32
        %mul3A_1165 = arith.muli %scan3A_1149, %mul3A_1164 : i32
        %get3A_1166 = arith.index_cast %mul3A_1165 : i32 to index
        %get3A_1167 = tpu.vector_load %arg8[%get3A_1166] {strides = array<i32>} : memref<4096xf32, #tpu.memory_space<vmem>>, vector<16xf32>,
        %get3A_1168 = arith.index_cast %mul3A_1165 : i32 to index
        %get3A_1169 = tpu.vector_load %arg9[%get3A_1168] {strides = array<i32>} : memref<4096xf32, #tpu.memory_space<vmem>>, vector<16xf32>,
        %get3A_1170 = arith.index_cast %mul3A_1165 : i32 to index
        %get3A_1171 = tpu.vector_load %arg10[%get3A_1170] {strides = array<i32>} : memref<4096xf32, #tpu.memory_space<vmem>>, vector<16xf32>,
        %get3A_1172 = arith.index_cast %mul3A_1165 : i32 to index
        %get3A_1173 = tpu.vector_load %arg7[%get3A_1172] {strides = array<i32>} : memref<4096xf32, #tpu.memory_space<vmem>>, vector<16xf32>,
        %mul3A_1174 = vector.broadcast %mul3A_884 : f32 to vector<16xf32>
        %mul3A_1175 = arith.mulf %mul3A_1174, %get3A_1167 : vector<16xf32>
        %mul3A_1176 = vector.broadcast %mul3A_892 : f32 to vector<16xf32>
        %mul3A_1177 = arith.mulf %mul3A_1176, %get3A_1169 : vector<16xf32>
        %add3A_1178 = arith.addf %mul3A_1175, %mul3A_1177 : vector<16xf32>
        %mul3A_1179 = vector.broadcast %mul3A_900 : f32 to vector<16xf32>
        %mul3A_1180 = arith.mulf %mul3A_1179, %get3A_1171 : vector<16xf32>
        %add3A_1181 = arith.addf %add3A_1178, %mul3A_1180 : vector<16xf32>
        %sub3A_1182 = vector.broadcast %neg3A_908 : f32 to vector<16xf32>
        %sub3A_1183 = arith.subf %sub3A_1182, %add3A_1181 : vector<16xf32>
        %sub3A_1184 = arith.subf %get3A_1173, %sub3A_1183 : vector<16xf32>
        %max3A = arith.constant 0.000000e+00 : f32
        %max3A_1185 = vector.broadcast %max3A : f32 to vector<16xf32>
        %max3A_1186 = arith.maximumf %sub3A_1184, %max3A_1185 : vector<16xf32>
        %min3A = arith.minimumf %scan3A_1150, %max3A_1186 : vector<16xf32>
        %max3A_1187 = arith.maximumf %scan3A_1150, %max3A_1186 : vector<16xf32>
        %min3A_1188 = arith.minimumf %scan3A_1151, %max3A_1187 : vector<16xf32>
        %max3A_1189 = arith.maximumf %scan3A_1151, %max3A_1187 : vector<16xf32>
        %min3A_1190 = arith.minimumf %scan3A_1152, %max3A_1189 : vector<16xf32>
        %max3A_1191 = arith.maximumf %scan3A_1152, %max3A_1189 : vector<16xf32>
        %min3A_1192 = arith.minimumf %scan3A_1153, %max3A_1191 : vector<16xf32>
        %max3A_1193 = arith.maximumf %scan3A_1153, %max3A_1191 : vector<16xf32>
        %min3A_1194 = arith.minimumf %scan3A_1154, %max3A_1193 : vector<16xf32>
        %max3A_1195 = arith.maximumf %scan3A_1154, %max3A_1193 : vector<16xf32>
        %min3A_1196 = arith.minimumf %scan3A_1155, %max3A_1195 : vector<16xf32>
        %max3A_1197 = arith.maximumf %scan3A_1155, %max3A_1195 : vector<16xf32>
        %min3A_1198 = arith.minimumf %scan3A_1156, %max3A_1197 : vector<16xf32>
        %max3A_1199 = arith.maximumf %scan3A_1156, %max3A_1197 : vector<16xf32>
        %mul3A_1200 = vector.broadcast %mul3A_888 : f32 to vector<16xf32>
        %mul3A_1201 = arith.mulf %mul3A_1200, %get3A_1167 : vector<16xf32>
        %mul3A_1202 = vector.broadcast %mul3A_896 : f32 to vector<16xf32>
        %mul3A_1203 = arith.mulf %mul3A_1202, %get3A_1169 : vector<16xf32>
        %add3A_1204 = arith.addf %mul3A_1201, %mul3A_1203 : vector<16xf32>
        %mul3A_1205 = vector.broadcast %mul3A_904 : f32 to vector<16xf32>
        %mul3A_1206 = arith.mulf %mul3A_1205, %get3A_1171 : vector<16xf32>
        %add3A_1207 = arith.addf %add3A_1204, %mul3A_1206 : vector<16xf32>
        %sub3A_1208 = vector.broadcast %neg3A_912 : f32 to vector<16xf32>
        %sub3A_1209 = arith.subf %sub3A_1208, %add3A_1207 : vector<16xf32>
        %sub3A_1210 = arith.subf %get3A_1173, %sub3A_1209 : vector<16xf32>
        %max3A_1211 = arith.constant 0.000000e+00 : f32
        %max3A_1212 = vector.broadcast %max3A_1211 : f32 to vector<16xf32>
        %max3A_1213 = arith.maximumf %sub3A_1210, %max3A_1212 : vector<16xf32>
        %min3A_1214 = arith.minimumf %scan3A_1157, %max3A_1213 : vector<16xf32>
        %max3A_1215 = arith.maximumf %scan3A_1157, %max3A_1213 : vector<16xf32>
        %min3A_1216 = arith.minimumf %scan3A_1158, %max3A_1215 : vector<16xf32>
        %max3A_1217 = arith.maximumf %scan3A_1158, %max3A_1215 : vector<16xf32>
        %min3A_1218 = arith.minimumf %scan3A_1159, %max3A_1217 : vector<16xf32>
        %max3A_1219 = arith.maximumf %scan3A_1159, %max3A_1217 : vector<16xf32>
        %min3A_1220 = arith.minimumf %scan3A_1160, %max3A_1219 : vector<16xf32>
        %max3A_1221 = arith.maximumf %scan3A_1160, %max3A_1219 : vector<16xf32>
        %min3A_1222 = arith.minimumf %scan3A_1161, %max3A_1221 : vector<16xf32>
        %max3A_1223 = arith.maximumf %scan3A_1161, %max3A_1221 : vector<16xf32>
        %min3A_1224 = arith.minimumf %scan3A_1162, %max3A_1223 : vector<16xf32>
        %max3A_1225 = arith.maximumf %scan3A_1162, %max3A_1223 : vector<16xf32>
        %min3A_1226 = arith.minimumf %scan3A_1163, %max3A_1225 : vector<16xf32>
        %max3A_1227 = arith.maximumf %scan3A_1163, %max3A_1225 : vector<16xf32>
        scf.yield %min3A, %min3A_1188, %min3A_1190, %min3A_1192, %min3A_1194, %min3A_1196, %min3A_1198, %min3A_1214, %min3A_1216, %min3A_1218, %min3A_1220, %min3A_1222, %min3A_1224, %min3A_1226 : vector<16xf32>, vector<16xf32>, vector<16xf32>, vector<16xf32>, vector<16xf32>, vector<16xf32>, vector<16xf32>, vector<16xf32>, vector<16xf32>, vector<16xf32>, vector<16xf32>, vector<16xf32>, vector<16xf32>, vector<16xf32>
      }
      %scan3A_918 = arith.constant 256 : i32
      %bitcast3A_919 = vector.bitcast %scan3A_917#0 : vector<16xf32> to vector<16xi32>
      %bitcast3A_920 = vector.bitcast %scan3A_917#1 : vector<16xf32> to vector<16xi32>
      %bitcast3A_921 = vector.bitcast %scan3A_917#2 : vector<16xf32> to vector<16xi32>
      %bitcast3A_922 = vector.bitcast %scan3A_917#3 : vector<16xf32> to vector<16xi32>
      %bitcast3A_923 = vector.bitcast %scan3A_917#4 : vector<16xf32> to vector<16xi32>
      %bitcast3A_924 = vector.bitcast %scan3A_917#5 : vector<16xf32> to vector<16xi32>
      %bitcast3A_925 = vector.bitcast %scan3A_917#6 : vector<16xf32> to vector<16xi32>
      %bitcast3A_926 = vector.bitcast %scan3A_917#7 : vector<16xf32> to vector<16xi32>
      %bitcast3A_927 = vector.bitcast %scan3A_917#8 : vector<16xf32> to vector<16xi32>
      %bitcast3A_928 = vector.bitcast %scan3A_917#9 : vector<16xf32> to vector<16xi32>
      %bitcast3A_929 = vector.bitcast %scan3A_917#10 : vector<16xf32> to vector<16xi32>
      %bitcast3A_930 = vector.bitcast %scan3A_917#11 : vector<16xf32> to vector<16xi32>
      %bitcast3A_931 = vector.bitcast %scan3A_917#12 : vector<16xf32> to vector<16xi32>
      %bitcast3A_932 = vector.bitcast %scan3A_917#13 : vector<16xf32> to vector<16xi32>
      %broadcast_in_dim3A_933 = arith.constant 2139095039 : i32
      %broadcast_in_dim3A_934 = vector.broadcast %broadcast_in_dim3A_933 : i32 to vector<16xi32>
      %scan3A_935 = arith.constant 0 : i32
      %scan3A_936 = arith.constant 31 : i32
      %scan3A_937 = arith.addi %scan3A_935, %scan3A_936 : i32
      %scan3A_938 = arith.constant 1 : i32
      %scan3A_939:4 = scf.for %scan3A_1149 = %scan3A_935 to %scan3A_937 step %scan3A_938 iter_args(%scan3A_1150 = %broadcast_in_dim3A_63, %scan3A_1151 = %broadcast_in_dim3A_63, %scan3A_1152 = %broadcast_in_dim3A_934, %scan3A_1153 = %broadcast_in_dim3A_934) -> (vector<16xi32>, vector<16xi32>, vector<16xi32>, vector<16xi32>)  : i32 {
        %sub3A_1154 = arith.subi %scan3A_1152, %scan3A_1150 : vector<16xi32>
        %shift_right_logical3A = arith.constant 1 : i32
        %shift_right_logical3A_1155 = vector.broadcast %shift_right_logical3A : i32 to vector<16xi32>
        %shift_right_logical3A_1156 = arith.shrui %sub3A_1154, %shift_right_logical3A_1155 : vector<16xi32>
        %add3A_1157 = arith.addi %scan3A_1150, %shift_right_logical3A_1156 : vector<16xi32>
        %sub3A_1158 = arith.subi %scan3A_1153, %scan3A_1151 : vector<16xi32>
        %shift_right_logical3A_1159 = arith.constant 1 : i32
        %shift_right_logical3A_1160 = vector.broadcast %shift_right_logical3A_1159 : i32 to vector<16xi32>
        %shift_right_logical3A_1161 = arith.shrui %sub3A_1158, %shift_right_logical3A_1160 : vector<16xi32>
        %add3A_1162 = arith.addi %scan3A_1151, %shift_right_logical3A_1161 : vector<16xi32>
        %le3A = arith.cmpi sle, %bitcast3A_919, %add3A_1157 : vector<16xi32>
        %jit3A_1163 = arith.constant 1 : i32
        %jit3A_1164 = arith.constant 0 : i32
        %broadcast_in_dim3A_1165 = vector.broadcast %jit3A_1163 : i32 to vector<16xi32>
        %broadcast_in_dim3A_1166 = vector.broadcast %jit3A_1164 : i32 to vector<16xi32>
        %select_n3A_1167 = arith.select %le3A, %broadcast_in_dim3A_1165, %broadcast_in_dim3A_1166 : vector<16xi1>, vector<16xi32>
        %add3A_1168 = arith.addi %broadcast_in_dim3A_63, %select_n3A_1167 : vector<16xi32>
        %le3A_1169 = arith.cmpi sle, %bitcast3A_920, %add3A_1157 : vector<16xi32>
        %jit3A_1170 = arith.constant 1 : i32
        %jit3A_1171 = arith.constant 0 : i32
        %broadcast_in_dim3A_1172 = vector.broadcast %jit3A_1170 : i32 to vector<16xi32>
        %broadcast_in_dim3A_1173 = vector.broadcast %jit3A_1171 : i32 to vector<16xi32>
        %select_n3A_1174 = arith.select %le3A_1169, %broadcast_in_dim3A_1172, %broadcast_in_dim3A_1173 : vector<16xi1>, vector<16xi32>
        %add3A_1175 = arith.addi %add3A_1168, %select_n3A_1174 : vector<16xi32>
        %le3A_1176 = arith.cmpi sle, %bitcast3A_921, %add3A_1157 : vector<16xi32>
        %jit3A_1177 = arith.constant 1 : i32
        %jit3A_1178 = arith.constant 0 : i32
        %broadcast_in_dim3A_1179 = vector.broadcast %jit3A_1177 : i32 to vector<16xi32>
        %broadcast_in_dim3A_1180 = vector.broadcast %jit3A_1178 : i32 to vector<16xi32>
        %select_n3A_1181 = arith.select %le3A_1176, %broadcast_in_dim3A_1179, %broadcast_in_dim3A_1180 : vector<16xi1>, vector<16xi32>
        %add3A_1182 = arith.addi %add3A_1175, %select_n3A_1181 : vector<16xi32>
        %le3A_1183 = arith.cmpi sle, %bitcast3A_922, %add3A_1157 : vector<16xi32>
        %jit3A_1184 = arith.constant 1 : i32
        %jit3A_1185 = arith.constant 0 : i32
        %broadcast_in_dim3A_1186 = vector.broadcast %jit3A_1184 : i32 to vector<16xi32>
        %broadcast_in_dim3A_1187 = vector.broadcast %jit3A_1185 : i32 to vector<16xi32>
        %select_n3A_1188 = arith.select %le3A_1183, %broadcast_in_dim3A_1186, %broadcast_in_dim3A_1187 : vector<16xi1>, vector<16xi32>
        %add3A_1189 = arith.addi %add3A_1182, %select_n3A_1188 : vector<16xi32>
        %le3A_1190 = arith.cmpi sle, %bitcast3A_923, %add3A_1157 : vector<16xi32>
        %jit3A_1191 = arith.constant 1 : i32
        %jit3A_1192 = arith.constant 0 : i32
        %broadcast_in_dim3A_1193 = vector.broadcast %jit3A_1191 : i32 to vector<16xi32>
        %broadcast_in_dim3A_1194 = vector.broadcast %jit3A_1192 : i32 to vector<16xi32>
        %select_n3A_1195 = arith.select %le3A_1190, %broadcast_in_dim3A_1193, %broadcast_in_dim3A_1194 : vector<16xi1>, vector<16xi32>
        %add3A_1196 = arith.addi %add3A_1189, %select_n3A_1195 : vector<16xi32>
        %le3A_1197 = arith.cmpi sle, %bitcast3A_924, %add3A_1157 : vector<16xi32>
        %jit3A_1198 = arith.constant 1 : i32
        %jit3A_1199 = arith.constant 0 : i32
        %broadcast_in_dim3A_1200 = vector.broadcast %jit3A_1198 : i32 to vector<16xi32>
        %broadcast_in_dim3A_1201 = vector.broadcast %jit3A_1199 : i32 to vector<16xi32>
        %select_n3A_1202 = arith.select %le3A_1197, %broadcast_in_dim3A_1200, %broadcast_in_dim3A_1201 : vector<16xi1>, vector<16xi32>
        %add3A_1203 = arith.addi %add3A_1196, %select_n3A_1202 : vector<16xi32>
        %le3A_1204 = arith.cmpi sle, %bitcast3A_925, %add3A_1157 : vector<16xi32>
        %jit3A_1205 = arith.constant 1 : i32
        %jit3A_1206 = arith.constant 0 : i32
        %broadcast_in_dim3A_1207 = vector.broadcast %jit3A_1205 : i32 to vector<16xi32>
        %broadcast_in_dim3A_1208 = vector.broadcast %jit3A_1206 : i32 to vector<16xi32>
        %select_n3A_1209 = arith.select %le3A_1204, %broadcast_in_dim3A_1207, %broadcast_in_dim3A_1208 : vector<16xi1>, vector<16xi32>
        %add3A_1210 = arith.addi %add3A_1203, %select_n3A_1209 : vector<16xi32>
        %cumsum3A = arith.constant true
        %cumsum3A_1211 = vector.broadcast %cumsum3A : i1 to vector<16xi1>
        %cumsum3A_1212 = tpu.scan <sum>, %add3A_1210 masked %cumsum3A_1211 : vector<16xi32>, vector<16xi1> -> vector<16xi32>
        %lt3A_1213 = arith.constant 0 : i32
        %lt3A_1214 = vector.broadcast %lt3A_1213 : i32 to vector<16xi32>
        %lt3A_1215 = arith.cmpi slt, %broadcast_in_dim3A_31, %lt3A_1214 : vector<16xi32>
        %add3A_1216 = arith.constant 16 : i32
        %add3A_1217 = vector.broadcast %add3A_1216 : i32 to vector<16xi32>
        %add3A_1218 = arith.addi %broadcast_in_dim3A_31, %add3A_1217 : vector<16xi32>
        %select_n3A_1219 = arith.select %lt3A_1215, %add3A_1218, %broadcast_in_dim3A_31 : vector<16xi1>, vector<16xi32>
        %broadcast_in_dim3A_1220 = vector.shape_cast %select_n3A_1219 : vector<16xi32> to vector<16x1xi32>
        %gather3A = vector.shape_cast %broadcast_in_dim3A_1220 : vector<16x1xi32> to vector<16xi32>
        %gather3A_1221 = tpu.dynamic_gather %cumsum3A_1212[%gather3A] in [0] : vector<16xi32>, vector<16xi32> -> vector<16xi32>
        %ge3A = arith.cmpi sge, %gather3A_1221, %broadcast_in_dim3A_65 : vector<16xi32>
        %add3A_1222 = arith.constant 1 : i32
        %add3A_1223 = vector.broadcast %add3A_1222 : i32 to vector<16xi32>
        %add3A_1224 = arith.addi %add3A_1157, %add3A_1223 : vector<16xi32>
        %select_n3A_1225 = arith.select %ge3A, %scan3A_1150, %add3A_1224 : vector<16xi1>, vector<16xi32>
        %select_n3A_1226 = arith.select %ge3A, %add3A_1157, %scan3A_1152 : vector<16xi1>, vector<16xi32>
        %le3A_1227 = arith.cmpi sle, %bitcast3A_926, %add3A_1162 : vector<16xi32>
        %jit3A_1228 = arith.constant 1 : i32
        %jit3A_1229 = arith.constant 0 : i32
        %broadcast_in_dim3A_1230 = vector.broadcast %jit3A_1228 : i32 to vector<16xi32>
        %broadcast_in_dim3A_1231 = vector.broadcast %jit3A_1229 : i32 to vector<16xi32>
        %select_n3A_1232 = arith.select %le3A_1227, %broadcast_in_dim3A_1230, %broadcast_in_dim3A_1231 : vector<16xi1>, vector<16xi32>
        %add3A_1233 = arith.addi %broadcast_in_dim3A_63, %select_n3A_1232 : vector<16xi32>
        %le3A_1234 = arith.cmpi sle, %bitcast3A_927, %add3A_1162 : vector<16xi32>
        %jit3A_1235 = arith.constant 1 : i32
        %jit3A_1236 = arith.constant 0 : i32
        %broadcast_in_dim3A_1237 = vector.broadcast %jit3A_1235 : i32 to vector<16xi32>
        %broadcast_in_dim3A_1238 = vector.broadcast %jit3A_1236 : i32 to vector<16xi32>
        %select_n3A_1239 = arith.select %le3A_1234, %broadcast_in_dim3A_1237, %broadcast_in_dim3A_1238 : vector<16xi1>, vector<16xi32>
        %add3A_1240 = arith.addi %add3A_1233, %select_n3A_1239 : vector<16xi32>
        %le3A_1241 = arith.cmpi sle, %bitcast3A_928, %add3A_1162 : vector<16xi32>
        %jit3A_1242 = arith.constant 1 : i32
        %jit3A_1243 = arith.constant 0 : i32
        %broadcast_in_dim3A_1244 = vector.broadcast %jit3A_1242 : i32 to vector<16xi32>
        %broadcast_in_dim3A_1245 = vector.broadcast %jit3A_1243 : i32 to vector<16xi32>
        %select_n3A_1246 = arith.select %le3A_1241, %broadcast_in_dim3A_1244, %broadcast_in_dim3A_1245 : vector<16xi1>, vector<16xi32>
        %add3A_1247 = arith.addi %add3A_1240, %select_n3A_1246 : vector<16xi32>
        %le3A_1248 = arith.cmpi sle, %bitcast3A_929, %add3A_1162 : vector<16xi32>
        %jit3A_1249 = arith.constant 1 : i32
        %jit3A_1250 = arith.constant 0 : i32
        %broadcast_in_dim3A_1251 = vector.broadcast %jit3A_1249 : i32 to vector<16xi32>
        %broadcast_in_dim3A_1252 = vector.broadcast %jit3A_1250 : i32 to vector<16xi32>
        %select_n3A_1253 = arith.select %le3A_1248, %broadcast_in_dim3A_1251, %broadcast_in_dim3A_1252 : vector<16xi1>, vector<16xi32>
        %add3A_1254 = arith.addi %add3A_1247, %select_n3A_1253 : vector<16xi32>
        %le3A_1255 = arith.cmpi sle, %bitcast3A_930, %add3A_1162 : vector<16xi32>
        %jit3A_1256 = arith.constant 1 : i32
        %jit3A_1257 = arith.constant 0 : i32
        %broadcast_in_dim3A_1258 = vector.broadcast %jit3A_1256 : i32 to vector<16xi32>
        %broadcast_in_dim3A_1259 = vector.broadcast %jit3A_1257 : i32 to vector<16xi32>
        %select_n3A_1260 = arith.select %le3A_1255, %broadcast_in_dim3A_1258, %broadcast_in_dim3A_1259 : vector<16xi1>, vector<16xi32>
        %add3A_1261 = arith.addi %add3A_1254, %select_n3A_1260 : vector<16xi32>
        %le3A_1262 = arith.cmpi sle, %bitcast3A_931, %add3A_1162 : vector<16xi32>
        %jit3A_1263 = arith.constant 1 : i32
        %jit3A_1264 = arith.constant 0 : i32
        %broadcast_in_dim3A_1265 = vector.broadcast %jit3A_1263 : i32 to vector<16xi32>
        %broadcast_in_dim3A_1266 = vector.broadcast %jit3A_1264 : i32 to vector<16xi32>
        %select_n3A_1267 = arith.select %le3A_1262, %broadcast_in_dim3A_1265, %broadcast_in_dim3A_1266 : vector<16xi1>, vector<16xi32>
        %add3A_1268 = arith.addi %add3A_1261, %select_n3A_1267 : vector<16xi32>
        %le3A_1269 = arith.cmpi sle, %bitcast3A_932, %add3A_1162 : vector<16xi32>
        %jit3A_1270 = arith.constant 1 : i32
        %jit3A_1271 = arith.constant 0 : i32
        %broadcast_in_dim3A_1272 = vector.broadcast %jit3A_1270 : i32 to vector<16xi32>
        %broadcast_in_dim3A_1273 = vector.broadcast %jit3A_1271 : i32 to vector<16xi32>
        %select_n3A_1274 = arith.select %le3A_1269, %broadcast_in_dim3A_1272, %broadcast_in_dim3A_1273 : vector<16xi1>, vector<16xi32>
        %add3A_1275 = arith.addi %add3A_1268, %select_n3A_1274 : vector<16xi32>
        %cumsum3A_1276 = arith.constant true
        %cumsum3A_1277 = vector.broadcast %cumsum3A_1276 : i1 to vector<16xi1>
        %cumsum3A_1278 = tpu.scan <sum>, %add3A_1275 masked %cumsum3A_1277 : vector<16xi32>, vector<16xi1> -> vector<16xi32>
        %lt3A_1279 = arith.constant 0 : i32
        %lt3A_1280 = vector.broadcast %lt3A_1279 : i32 to vector<16xi32>
        %lt3A_1281 = arith.cmpi slt, %broadcast_in_dim3A_31, %lt3A_1280 : vector<16xi32>
        %add3A_1282 = arith.constant 16 : i32
        %add3A_1283 = vector.broadcast %add3A_1282 : i32 to vector<16xi32>
        %add3A_1284 = arith.addi %broadcast_in_dim3A_31, %add3A_1283 : vector<16xi32>
        %select_n3A_1285 = arith.select %lt3A_1281, %add3A_1284, %broadcast_in_dim3A_31 : vector<16xi1>, vector<16xi32>
        %broadcast_in_dim3A_1286 = vector.shape_cast %select_n3A_1285 : vector<16xi32> to vector<16x1xi32>
        %gather3A_1287 = vector.shape_cast %broadcast_in_dim3A_1286 : vector<16x1xi32> to vector<16xi32>
        %gather3A_1288 = tpu.dynamic_gather %cumsum3A_1278[%gather3A_1287] in [0] : vector<16xi32>, vector<16xi32> -> vector<16xi32>
        %ge3A_1289 = arith.cmpi sge, %gather3A_1288, %broadcast_in_dim3A_65 : vector<16xi32>
        %add3A_1290 = arith.constant 1 : i32
        %add3A_1291 = vector.broadcast %add3A_1290 : i32 to vector<16xi32>
        %add3A_1292 = arith.addi %add3A_1162, %add3A_1291 : vector<16xi32>
        %select_n3A_1293 = arith.select %ge3A_1289, %scan3A_1151, %add3A_1292 : vector<16xi1>, vector<16xi32>
        %select_n3A_1294 = arith.select %ge3A_1289, %add3A_1162, %scan3A_1153 : vector<16xi1>, vector<16xi32>
        scf.yield %select_n3A_1225, %select_n3A_1293, %select_n3A_1226, %select_n3A_1294 : vector<16xi32>, vector<16xi32>, vector<16xi32>, vector<16xi32>
      }
      %scan3A_940 = arith.constant 31 : i32
      %bitcast3A_941 = vector.bitcast %scan3A_939#2 : vector<16xi32> to vector<16xf32>
      %bitcast3A_942 = vector.bitcast %scan3A_939#3 : vector<16xi32> to vector<16xf32>
      %scan3A_943 = arith.constant 0 : i32
      %scan3A_944 = arith.constant 256 : i32
      %scan3A_945 = arith.addi %scan3A_943, %scan3A_944 : i32
      %scan3A_946 = arith.constant 1 : i32
      %scan3A_947:6 = scf.for %scan3A_1149 = %scan3A_943 to %scan3A_945 step %scan3A_946 iter_args(%scan3A_1150 = %broadcast_in_dim3A_61, %scan3A_1151 = %broadcast_in_dim3A_61, %scan3A_1152 = %broadcast_in_dim3A_61, %scan3A_1153 = %broadcast_in_dim3A_61, %scan3A_1154 = %broadcast_in_dim3A_61, %scan3A_1155 = %broadcast_in_dim3A_61) -> (vector<16xf32>, vector<16xf32>, vector<16xf32>, vector<16xf32>, vector<16xf32>, vector<16xf32>)  : i32 {
        %mul3A_1156 = arith.constant 16 : i32
        %mul3A_1157 = arith.muli %scan3A_1149, %mul3A_1156 : i32
        %get3A_1158 = arith.index_cast %mul3A_1157 : i32 to index
        %get3A_1159 = tpu.vector_load %arg8[%get3A_1158] {strides = array<i32>} : memref<4096xf32, #tpu.memory_space<vmem>>, vector<16xf32>,
        %get3A_1160 = arith.index_cast %mul3A_1157 : i32 to index
        %get3A_1161 = tpu.vector_load %arg9[%get3A_1160] {strides = array<i32>} : memref<4096xf32, #tpu.memory_space<vmem>>, vector<16xf32>,
        %get3A_1162 = arith.index_cast %mul3A_1157 : i32 to index
        %get3A_1163 = tpu.vector_load %arg10[%get3A_1162] {strides = array<i32>} : memref<4096xf32, #tpu.memory_space<vmem>>, vector<16xf32>,
        %get3A_1164 = arith.index_cast %mul3A_1157 : i32 to index
        %get3A_1165 = tpu.vector_load %arg7[%get3A_1164] {strides = array<i32>} : memref<4096xf32, #tpu.memory_space<vmem>>, vector<16xf32>,
        %get3A_1166 = arith.index_cast %mul3A_1157 : i32 to index
        %get3A_1167 = tpu.vector_load %arg4[%get3A_1166] {strides = array<i32>} : memref<4096xf32, #tpu.memory_space<vmem>>, vector<16xf32>,
        %get3A_1168 = arith.index_cast %mul3A_1157 : i32 to index
        %get3A_1169 = tpu.vector_load %arg5[%get3A_1168] {strides = array<i32>} : memref<4096xf32, #tpu.memory_space<vmem>>, vector<16xf32>,
        %get3A_1170 = arith.index_cast %mul3A_1157 : i32 to index
        %get3A_1171 = tpu.vector_load %arg6[%get3A_1170] {strides = array<i32>} : memref<4096xf32, #tpu.memory_space<vmem>>, vector<16xf32>,
        %mul3A_1172 = vector.broadcast %mul3A_884 : f32 to vector<16xf32>
        %mul3A_1173 = arith.mulf %mul3A_1172, %get3A_1159 : vector<16xf32>
        %mul3A_1174 = vector.broadcast %mul3A_892 : f32 to vector<16xf32>
        %mul3A_1175 = arith.mulf %mul3A_1174, %get3A_1161 : vector<16xf32>
        %add3A_1176 = arith.addf %mul3A_1173, %mul3A_1175 : vector<16xf32>
        %mul3A_1177 = vector.broadcast %mul3A_900 : f32 to vector<16xf32>
        %mul3A_1178 = arith.mulf %mul3A_1177, %get3A_1163 : vector<16xf32>
        %add3A_1179 = arith.addf %add3A_1176, %mul3A_1178 : vector<16xf32>
        %sub3A_1180 = vector.broadcast %neg3A_908 : f32 to vector<16xf32>
        %sub3A_1181 = arith.subf %sub3A_1180, %add3A_1179 : vector<16xf32>
        %sub3A_1182 = arith.subf %get3A_1165, %sub3A_1181 : vector<16xf32>
        %le3A = arith.cmpf ole, %sub3A_1182, %bitcast3A_941 : vector<16xf32>
        %jit3A_1183 = arith.constant -3.400000e+38 : f32
        %broadcast_in_dim3A_1184 = vector.broadcast %jit3A_1183 : f32 to vector<16xf32>
        %select_n3A_1185 = arith.select %le3A, %get3A_1167, %broadcast_in_dim3A_1184 : vector<16xi1>, vector<16xf32>
        %max3A = arith.maximumf %scan3A_1150, %select_n3A_1185 : vector<16xf32>
        %jit3A_1186 = arith.constant -3.400000e+38 : f32
        %broadcast_in_dim3A_1187 = vector.broadcast %jit3A_1186 : f32 to vector<16xf32>
        %select_n3A_1188 = arith.select %le3A, %get3A_1169, %broadcast_in_dim3A_1187 : vector<16xi1>, vector<16xf32>
        %max3A_1189 = arith.maximumf %scan3A_1151, %select_n3A_1188 : vector<16xf32>
        %jit3A_1190 = arith.constant -3.400000e+38 : f32
        %broadcast_in_dim3A_1191 = vector.broadcast %jit3A_1190 : f32 to vector<16xf32>
        %select_n3A_1192 = arith.select %le3A, %get3A_1171, %broadcast_in_dim3A_1191 : vector<16xi1>, vector<16xf32>
        %max3A_1193 = arith.maximumf %scan3A_1152, %select_n3A_1192 : vector<16xf32>
        %mul3A_1194 = vector.broadcast %mul3A_888 : f32 to vector<16xf32>
        %mul3A_1195 = arith.mulf %mul3A_1194, %get3A_1159 : vector<16xf32>
        %mul3A_1196 = vector.broadcast %mul3A_896 : f32 to vector<16xf32>
        %mul3A_1197 = arith.mulf %mul3A_1196, %get3A_1161 : vector<16xf32>
        %add3A_1198 = arith.addf %mul3A_1195, %mul3A_1197 : vector<16xf32>
        %mul3A_1199 = vector.broadcast %mul3A_904 : f32 to vector<16xf32>
        %mul3A_1200 = arith.mulf %mul3A_1199, %get3A_1163 : vector<16xf32>
        %add3A_1201 = arith.addf %add3A_1198, %mul3A_1200 : vector<16xf32>
        %sub3A_1202 = vector.broadcast %neg3A_912 : f32 to vector<16xf32>
        %sub3A_1203 = arith.subf %sub3A_1202, %add3A_1201 : vector<16xf32>
        %sub3A_1204 = arith.subf %get3A_1165, %sub3A_1203 : vector<16xf32>
        %le3A_1205 = arith.cmpf ole, %sub3A_1204, %bitcast3A_942 : vector<16xf32>
        %jit3A_1206 = arith.constant -3.400000e+38 : f32
        %broadcast_in_dim3A_1207 = vector.broadcast %jit3A_1206 : f32 to vector<16xf32>
        %select_n3A_1208 = arith.select %le3A_1205, %get3A_1167, %broadcast_in_dim3A_1207 : vector<16xi1>, vector<16xf32>
        %max3A_1209 = arith.maximumf %scan3A_1153, %select_n3A_1208 : vector<16xf32>
        %jit3A_1210 = arith.constant -3.400000e+38 : f32
        %broadcast_in_dim3A_1211 = vector.broadcast %jit3A_1210 : f32 to vector<16xf32>
        %select_n3A_1212 = arith.select %le3A_1205, %get3A_1169, %broadcast_in_dim3A_1211 : vector<16xi1>, vector<16xf32>
        %max3A_1213 = arith.maximumf %scan3A_1154, %select_n3A_1212 : vector<16xf32>
        %jit3A_1214 = arith.constant -3.400000e+38 : f32
        %broadcast_in_dim3A_1215 = vector.broadcast %jit3A_1214 : f32 to vector<16xf32>
        %select_n3A_1216 = arith.select %le3A_1205, %get3A_1171, %broadcast_in_dim3A_1215 : vector<16xi1>, vector<16xf32>
        %max3A_1217 = arith.maximumf %scan3A_1155, %select_n3A_1216 : vector<16xf32>
        scf.yield %max3A, %max3A_1189, %max3A_1193, %max3A_1209, %max3A_1213, %max3A_1217 : vector<16xf32>, vector<16xf32>, vector<16xf32>, vector<16xf32>, vector<16xf32>, vector<16xf32>
      }
      %scan3A_948 = arith.constant 256 : i32
      %eq3A_949 = arith.constant 12 : i32
      %eq3A_950 = vector.broadcast %eq3A_949 : i32 to vector<16xi32>
      %eq3A_951 = arith.cmpi eq, %iota3A, %eq3A_950 : vector<16xi32>
      %reduce_max3A_952 = arith.constant true
      %reduce_max3A_953 = vector.broadcast %reduce_max3A_952 : i1 to vector<16xi1>
      %reduce_max3A_954 = tpu.scan <max>, %scan3A_947#0 masked %reduce_max3A_953 : vector<16xf32>, vector<16xi1> -> vector<16xf32>
      %reduce_max3A_955 = vector.extract %reduce_max3A_954[15] : f32 from vector<16xf32>
      %slice3A_956 = vector.extract_strided_slice %get3A_105 {offsets = [12], sizes = [1], strides = [1]} : vector<16xf32> to vector<1xf32>
      %squeeze3A_957 = vector.extract %slice3A_956[0] : f32 from vector<1xf32>
      %sub3A_958 = arith.subf %reduce_max3A_955, %squeeze3A_957 : f32
      %broadcast_in_dim3A_959 = vector.broadcast %sub3A_958 : f32 to vector<16xf32>
      %select_n3A_960 = arith.select %eq3A_951, %broadcast_in_dim3A_959, %select_n3A_862 : vector<16xi1>, vector<16xf32>
      %reduce_max3A_961 = arith.constant true
      %reduce_max3A_962 = vector.broadcast %reduce_max3A_961 : i1 to vector<16xi1>
      %reduce_max3A_963 = tpu.scan <max>, %scan3A_947#1 masked %reduce_max3A_962 : vector<16xf32>, vector<16xi1> -> vector<16xf32>
      %reduce_max3A_964 = vector.extract %reduce_max3A_963[15] : f32 from vector<16xf32>
      %slice3A_965 = vector.extract_strided_slice %get3A_107 {offsets = [12], sizes = [1], strides = [1]} : vector<16xf32> to vector<1xf32>
      %squeeze3A_966 = vector.extract %slice3A_965[0] : f32 from vector<1xf32>
      %sub3A_967 = arith.subf %reduce_max3A_964, %squeeze3A_966 : f32
      %broadcast_in_dim3A_968 = vector.broadcast %sub3A_967 : f32 to vector<16xf32>
      %select_n3A_969 = arith.select %eq3A_951, %broadcast_in_dim3A_968, %select_n3A_871 : vector<16xi1>, vector<16xf32>
      %reduce_max3A_970 = arith.constant true
      %reduce_max3A_971 = vector.broadcast %reduce_max3A_970 : i1 to vector<16xi1>
      %reduce_max3A_972 = tpu.scan <max>, %scan3A_947#2 masked %reduce_max3A_971 : vector<16xf32>, vector<16xi1> -> vector<16xf32>
      %reduce_max3A_973 = vector.extract %reduce_max3A_972[15] : f32 from vector<16xf32>
      %slice3A_974 = vector.extract_strided_slice %get3A_109 {offsets = [12], sizes = [1], strides = [1]} : vector<16xf32> to vector<1xf32>
      %squeeze3A_975 = vector.extract %slice3A_974[0] : f32 from vector<1xf32>
      %sub3A_976 = arith.subf %reduce_max3A_973, %squeeze3A_975 : f32
      %broadcast_in_dim3A_977 = vector.broadcast %sub3A_976 : f32 to vector<16xf32>
      %select_n3A_978 = arith.select %eq3A_951, %broadcast_in_dim3A_977, %select_n3A_880 : vector<16xi1>, vector<16xf32>
      %eq3A_979 = arith.constant 13 : i32
      %eq3A_980 = vector.broadcast %eq3A_979 : i32 to vector<16xi32>
      %eq3A_981 = arith.cmpi eq, %iota3A, %eq3A_980 : vector<16xi32>
      %reduce_max3A_982 = arith.constant true
      %reduce_max3A_983 = vector.broadcast %reduce_max3A_982 : i1 to vector<16xi1>
      %reduce_max3A_984 = tpu.scan <max>, %scan3A_947#3 masked %reduce_max3A_983 : vector<16xf32>, vector<16xi1> -> vector<16xf32>
      %reduce_max3A_985 = vector.extract %reduce_max3A_984[15] : f32 from vector<16xf32>
      %slice3A_986 = vector.extract_strided_slice %get3A_105 {offsets = [13], sizes = [1], strides = [1]} : vector<16xf32> to vector<1xf32>
      %squeeze3A_987 = vector.extract %slice3A_986[0] : f32 from vector<1xf32>
      %sub3A_988 = arith.subf %reduce_max3A_985, %squeeze3A_987 : f32
      %broadcast_in_dim3A_989 = vector.broadcast %sub3A_988 : f32 to vector<16xf32>
      %select_n3A_990 = arith.select %eq3A_981, %broadcast_in_dim3A_989, %select_n3A_960 : vector<16xi1>, vector<16xf32>
      %reduce_max3A_991 = arith.constant true
      %reduce_max3A_992 = vector.broadcast %reduce_max3A_991 : i1 to vector<16xi1>
      %reduce_max3A_993 = tpu.scan <max>, %scan3A_947#4 masked %reduce_max3A_992 : vector<16xf32>, vector<16xi1> -> vector<16xf32>
      %reduce_max3A_994 = vector.extract %reduce_max3A_993[15] : f32 from vector<16xf32>
      %slice3A_995 = vector.extract_strided_slice %get3A_107 {offsets = [13], sizes = [1], strides = [1]} : vector<16xf32> to vector<1xf32>
      %squeeze3A_996 = vector.extract %slice3A_995[0] : f32 from vector<1xf32>
      %sub3A_997 = arith.subf %reduce_max3A_994, %squeeze3A_996 : f32
      %broadcast_in_dim3A_998 = vector.broadcast %sub3A_997 : f32 to vector<16xf32>
      %select_n3A_999 = arith.select %eq3A_981, %broadcast_in_dim3A_998, %select_n3A_969 : vector<16xi1>, vector<16xf32>
      %reduce_max3A_1000 = arith.constant true
      %reduce_max3A_1001 = vector.broadcast %reduce_max3A_1000 : i1 to vector<16xi1>
      %reduce_max3A_1002 = tpu.scan <max>, %scan3A_947#5 masked %reduce_max3A_1001 : vector<16xf32>, vector<16xi1> -> vector<16xf32>
      %reduce_max3A_1003 = vector.extract %reduce_max3A_1002[15] : f32 from vector<16xf32>
      %slice3A_1004 = vector.extract_strided_slice %get3A_109 {offsets = [13], sizes = [1], strides = [1]} : vector<16xf32> to vector<1xf32>
      %squeeze3A_1005 = vector.extract %slice3A_1004[0] : f32 from vector<1xf32>
      %sub3A_1006 = arith.subf %reduce_max3A_1003, %squeeze3A_1005 : f32
      %broadcast_in_dim3A_1007 = vector.broadcast %sub3A_1006 : f32 to vector<16xf32>
      %select_n3A_1008 = arith.select %eq3A_981, %broadcast_in_dim3A_1007, %select_n3A_978 : vector<16xi1>, vector<16xf32>
      %slice3A_1009 = vector.extract_strided_slice %get3A_111 {offsets = [14], sizes = [1], strides = [1]} : vector<16xf32> to vector<1xf32>
      %squeeze3A_1010 = vector.extract %slice3A_1009[0] : f32 from vector<1xf32>
      %mul3A_1011 = arith.constant -2.000000e+00 : f32
      %mul3A_1012 = arith.mulf %mul3A_1011, %squeeze3A_1010 : f32
      %slice3A_1013 = vector.extract_strided_slice %get3A_111 {offsets = [15], sizes = [1], strides = [1]} : vector<16xf32> to vector<1xf32>
      %squeeze3A_1014 = vector.extract %slice3A_1013[0] : f32 from vector<1xf32>
      %mul3A_1015 = arith.constant -2.000000e+00 : f32
      %mul3A_1016 = arith.mulf %mul3A_1015, %squeeze3A_1014 : f32
      %slice3A_1017 = vector.extract_strided_slice %get3A_113 {offsets = [14], sizes = [1], strides = [1]} : vector<16xf32> to vector<1xf32>
      %squeeze3A_1018 = vector.extract %slice3A_1017[0] : f32 from vector<1xf32>
      %mul3A_1019 = arith.constant -2.000000e+00 : f32
      %mul3A_1020 = arith.mulf %mul3A_1019, %squeeze3A_1018 : f32
      %slice3A_1021 = vector.extract_strided_slice %get3A_113 {offsets = [15], sizes = [1], strides = [1]} : vector<16xf32> to vector<1xf32>
      %squeeze3A_1022 = vector.extract %slice3A_1021[0] : f32 from vector<1xf32>
      %mul3A_1023 = arith.constant -2.000000e+00 : f32
      %mul3A_1024 = arith.mulf %mul3A_1023, %squeeze3A_1022 : f32
      %slice3A_1025 = vector.extract_strided_slice %get3A_115 {offsets = [14], sizes = [1], strides = [1]} : vector<16xf32> to vector<1xf32>
      %squeeze3A_1026 = vector.extract %slice3A_1025[0] : f32 from vector<1xf32>
      %mul3A_1027 = arith.constant -2.000000e+00 : f32
      %mul3A_1028 = arith.mulf %mul3A_1027, %squeeze3A_1026 : f32
      %slice3A_1029 = vector.extract_strided_slice %get3A_115 {offsets = [15], sizes = [1], strides = [1]} : vector<16xf32> to vector<1xf32>
      %squeeze3A_1030 = vector.extract %slice3A_1029[0] : f32 from vector<1xf32>
      %mul3A_1031 = arith.constant -2.000000e+00 : f32
      %mul3A_1032 = arith.mulf %mul3A_1031, %squeeze3A_1030 : f32
      %slice3A_1033 = vector.extract_strided_slice %get3A_117 {offsets = [14], sizes = [1], strides = [1]} : vector<16xf32> to vector<1xf32>
      %squeeze3A_1034 = vector.extract %slice3A_1033[0] : f32 from vector<1xf32>
      %neg3A_1035 = arith.constant 0.000000e+00 : f32
      %neg3A_1036 = arith.subf %neg3A_1035, %squeeze3A_1034 : f32
      %slice3A_1037 = vector.extract_strided_slice %get3A_117 {offsets = [15], sizes = [1], strides = [1]} : vector<16xf32> to vector<1xf32>
      %squeeze3A_1038 = vector.extract %slice3A_1037[0] : f32 from vector<1xf32>
      %neg3A_1039 = arith.constant 0.000000e+00 : f32
      %neg3A_1040 = arith.subf %neg3A_1039, %squeeze3A_1038 : f32
      %scan3A_1041 = arith.constant 0 : i32
      %scan3A_1042 = arith.constant 256 : i32
      %scan3A_1043 = arith.addi %scan3A_1041, %scan3A_1042 : i32
      %scan3A_1044 = arith.constant 1 : i32
      %scan3A_1045:14 = scf.for %scan3A_1149 = %scan3A_1041 to %scan3A_1043 step %scan3A_1044 iter_args(%scan3A_1150 = %broadcast_in_dim3A_59, %scan3A_1151 = %broadcast_in_dim3A_59, %scan3A_1152 = %broadcast_in_dim3A_59, %scan3A_1153 = %broadcast_in_dim3A_59, %scan3A_1154 = %broadcast_in_dim3A_59, %scan3A_1155 = %broadcast_in_dim3A_59, %scan3A_1156 = %broadcast_in_dim3A_59, %scan3A_1157 = %broadcast_in_dim3A_59, %scan3A_1158 = %broadcast_in_dim3A_59, %scan3A_1159 = %broadcast_in_dim3A_59, %scan3A_1160 = %broadcast_in_dim3A_59, %scan3A_1161 = %broadcast_in_dim3A_59, %scan3A_1162 = %broadcast_in_dim3A_59, %scan3A_1163 = %broadcast_in_dim3A_59) -> (vector<16xf32>, vector<16xf32>, vector<16xf32>, vector<16xf32>, vector<16xf32>, vector<16xf32>, vector<16xf32>, vector<16xf32>, vector<16xf32>, vector<16xf32>, vector<16xf32>, vector<16xf32>, vector<16xf32>, vector<16xf32>)  : i32 {
        %mul3A_1164 = arith.constant 16 : i32
        %mul3A_1165 = arith.muli %scan3A_1149, %mul3A_1164 : i32
        %get3A_1166 = arith.index_cast %mul3A_1165 : i32 to index
        %get3A_1167 = tpu.vector_load %arg8[%get3A_1166] {strides = array<i32>} : memref<4096xf32, #tpu.memory_space<vmem>>, vector<16xf32>,
        %get3A_1168 = arith.index_cast %mul3A_1165 : i32 to index
        %get3A_1169 = tpu.vector_load %arg9[%get3A_1168] {strides = array<i32>} : memref<4096xf32, #tpu.memory_space<vmem>>, vector<16xf32>,
        %get3A_1170 = arith.index_cast %mul3A_1165 : i32 to index
        %get3A_1171 = tpu.vector_load %arg10[%get3A_1170] {strides = array<i32>} : memref<4096xf32, #tpu.memory_space<vmem>>, vector<16xf32>,
        %get3A_1172 = arith.index_cast %mul3A_1165 : i32 to index
        %get3A_1173 = tpu.vector_load %arg7[%get3A_1172] {strides = array<i32>} : memref<4096xf32, #tpu.memory_space<vmem>>, vector<16xf32>,
        %mul3A_1174 = vector.broadcast %mul3A_1012 : f32 to vector<16xf32>
        %mul3A_1175 = arith.mulf %mul3A_1174, %get3A_1167 : vector<16xf32>
        %mul3A_1176 = vector.broadcast %mul3A_1020 : f32 to vector<16xf32>
        %mul3A_1177 = arith.mulf %mul3A_1176, %get3A_1169 : vector<16xf32>
        %add3A_1178 = arith.addf %mul3A_1175, %mul3A_1177 : vector<16xf32>
        %mul3A_1179 = vector.broadcast %mul3A_1028 : f32 to vector<16xf32>
        %mul3A_1180 = arith.mulf %mul3A_1179, %get3A_1171 : vector<16xf32>
        %add3A_1181 = arith.addf %add3A_1178, %mul3A_1180 : vector<16xf32>
        %sub3A_1182 = vector.broadcast %neg3A_1036 : f32 to vector<16xf32>
        %sub3A_1183 = arith.subf %sub3A_1182, %add3A_1181 : vector<16xf32>
        %sub3A_1184 = arith.subf %get3A_1173, %sub3A_1183 : vector<16xf32>
        %max3A = arith.constant 0.000000e+00 : f32
        %max3A_1185 = vector.broadcast %max3A : f32 to vector<16xf32>
        %max3A_1186 = arith.maximumf %sub3A_1184, %max3A_1185 : vector<16xf32>
        %min3A = arith.minimumf %scan3A_1150, %max3A_1186 : vector<16xf32>
        %max3A_1187 = arith.maximumf %scan3A_1150, %max3A_1186 : vector<16xf32>
        %min3A_1188 = arith.minimumf %scan3A_1151, %max3A_1187 : vector<16xf32>
        %max3A_1189 = arith.maximumf %scan3A_1151, %max3A_1187 : vector<16xf32>
        %min3A_1190 = arith.minimumf %scan3A_1152, %max3A_1189 : vector<16xf32>
        %max3A_1191 = arith.maximumf %scan3A_1152, %max3A_1189 : vector<16xf32>
        %min3A_1192 = arith.minimumf %scan3A_1153, %max3A_1191 : vector<16xf32>
        %max3A_1193 = arith.maximumf %scan3A_1153, %max3A_1191 : vector<16xf32>
        %min3A_1194 = arith.minimumf %scan3A_1154, %max3A_1193 : vector<16xf32>
        %max3A_1195 = arith.maximumf %scan3A_1154, %max3A_1193 : vector<16xf32>
        %min3A_1196 = arith.minimumf %scan3A_1155, %max3A_1195 : vector<16xf32>
        %max3A_1197 = arith.maximumf %scan3A_1155, %max3A_1195 : vector<16xf32>
        %min3A_1198 = arith.minimumf %scan3A_1156, %max3A_1197 : vector<16xf32>
        %max3A_1199 = arith.maximumf %scan3A_1156, %max3A_1197 : vector<16xf32>
        %mul3A_1200 = vector.broadcast %mul3A_1016 : f32 to vector<16xf32>
        %mul3A_1201 = arith.mulf %mul3A_1200, %get3A_1167 : vector<16xf32>
        %mul3A_1202 = vector.broadcast %mul3A_1024 : f32 to vector<16xf32>
        %mul3A_1203 = arith.mulf %mul3A_1202, %get3A_1169 : vector<16xf32>
        %add3A_1204 = arith.addf %mul3A_1201, %mul3A_1203 : vector<16xf32>
        %mul3A_1205 = vector.broadcast %mul3A_1032 : f32 to vector<16xf32>
        %mul3A_1206 = arith.mulf %mul3A_1205, %get3A_1171 : vector<16xf32>
        %add3A_1207 = arith.addf %add3A_1204, %mul3A_1206 : vector<16xf32>
        %sub3A_1208 = vector.broadcast %neg3A_1040 : f32 to vector<16xf32>
        %sub3A_1209 = arith.subf %sub3A_1208, %add3A_1207 : vector<16xf32>
        %sub3A_1210 = arith.subf %get3A_1173, %sub3A_1209 : vector<16xf32>
        %max3A_1211 = arith.constant 0.000000e+00 : f32
        %max3A_1212 = vector.broadcast %max3A_1211 : f32 to vector<16xf32>
        %max3A_1213 = arith.maximumf %sub3A_1210, %max3A_1212 : vector<16xf32>
        %min3A_1214 = arith.minimumf %scan3A_1157, %max3A_1213 : vector<16xf32>
        %max3A_1215 = arith.maximumf %scan3A_1157, %max3A_1213 : vector<16xf32>
        %min3A_1216 = arith.minimumf %scan3A_1158, %max3A_1215 : vector<16xf32>
        %max3A_1217 = arith.maximumf %scan3A_1158, %max3A_1215 : vector<16xf32>
        %min3A_1218 = arith.minimumf %scan3A_1159, %max3A_1217 : vector<16xf32>
        %max3A_1219 = arith.maximumf %scan3A_1159, %max3A_1217 : vector<16xf32>
        %min3A_1220 = arith.minimumf %scan3A_1160, %max3A_1219 : vector<16xf32>
        %max3A_1221 = arith.maximumf %scan3A_1160, %max3A_1219 : vector<16xf32>
        %min3A_1222 = arith.minimumf %scan3A_1161, %max3A_1221 : vector<16xf32>
        %max3A_1223 = arith.maximumf %scan3A_1161, %max3A_1221 : vector<16xf32>
        %min3A_1224 = arith.minimumf %scan3A_1162, %max3A_1223 : vector<16xf32>
        %max3A_1225 = arith.maximumf %scan3A_1162, %max3A_1223 : vector<16xf32>
        %min3A_1226 = arith.minimumf %scan3A_1163, %max3A_1225 : vector<16xf32>
        %max3A_1227 = arith.maximumf %scan3A_1163, %max3A_1225 : vector<16xf32>
        scf.yield %min3A, %min3A_1188, %min3A_1190, %min3A_1192, %min3A_1194, %min3A_1196, %min3A_1198, %min3A_1214, %min3A_1216, %min3A_1218, %min3A_1220, %min3A_1222, %min3A_1224, %min3A_1226 : vector<16xf32>, vector<16xf32>, vector<16xf32>, vector<16xf32>, vector<16xf32>, vector<16xf32>, vector<16xf32>, vector<16xf32>, vector<16xf32>, vector<16xf32>, vector<16xf32>, vector<16xf32>, vector<16xf32>, vector<16xf32>
      }
      %scan3A_1046 = arith.constant 256 : i32
      %bitcast3A_1047 = vector.bitcast %scan3A_1045#0 : vector<16xf32> to vector<16xi32>
      %bitcast3A_1048 = vector.bitcast %scan3A_1045#1 : vector<16xf32> to vector<16xi32>
      %bitcast3A_1049 = vector.bitcast %scan3A_1045#2 : vector<16xf32> to vector<16xi32>
      %bitcast3A_1050 = vector.bitcast %scan3A_1045#3 : vector<16xf32> to vector<16xi32>
      %bitcast3A_1051 = vector.bitcast %scan3A_1045#4 : vector<16xf32> to vector<16xi32>
      %bitcast3A_1052 = vector.bitcast %scan3A_1045#5 : vector<16xf32> to vector<16xi32>
      %bitcast3A_1053 = vector.bitcast %scan3A_1045#6 : vector<16xf32> to vector<16xi32>
      %bitcast3A_1054 = vector.bitcast %scan3A_1045#7 : vector<16xf32> to vector<16xi32>
      %bitcast3A_1055 = vector.bitcast %scan3A_1045#8 : vector<16xf32> to vector<16xi32>
      %bitcast3A_1056 = vector.bitcast %scan3A_1045#9 : vector<16xf32> to vector<16xi32>
      %bitcast3A_1057 = vector.bitcast %scan3A_1045#10 : vector<16xf32> to vector<16xi32>
      %bitcast3A_1058 = vector.bitcast %scan3A_1045#11 : vector<16xf32> to vector<16xi32>
      %bitcast3A_1059 = vector.bitcast %scan3A_1045#12 : vector<16xf32> to vector<16xi32>
      %bitcast3A_1060 = vector.bitcast %scan3A_1045#13 : vector<16xf32> to vector<16xi32>
      %broadcast_in_dim3A_1061 = arith.constant 2139095039 : i32
      %broadcast_in_dim3A_1062 = vector.broadcast %broadcast_in_dim3A_1061 : i32 to vector<16xi32>
      %scan3A_1063 = arith.constant 0 : i32
      %scan3A_1064 = arith.constant 31 : i32
      %scan3A_1065 = arith.addi %scan3A_1063, %scan3A_1064 : i32
      %scan3A_1066 = arith.constant 1 : i32
      %scan3A_1067:4 = scf.for %scan3A_1149 = %scan3A_1063 to %scan3A_1065 step %scan3A_1066 iter_args(%scan3A_1150 = %broadcast_in_dim3A_63, %scan3A_1151 = %broadcast_in_dim3A_63, %scan3A_1152 = %broadcast_in_dim3A_1062, %scan3A_1153 = %broadcast_in_dim3A_1062) -> (vector<16xi32>, vector<16xi32>, vector<16xi32>, vector<16xi32>)  : i32 {
        %sub3A_1154 = arith.subi %scan3A_1152, %scan3A_1150 : vector<16xi32>
        %shift_right_logical3A = arith.constant 1 : i32
        %shift_right_logical3A_1155 = vector.broadcast %shift_right_logical3A : i32 to vector<16xi32>
        %shift_right_logical3A_1156 = arith.shrui %sub3A_1154, %shift_right_logical3A_1155 : vector<16xi32>
        %add3A_1157 = arith.addi %scan3A_1150, %shift_right_logical3A_1156 : vector<16xi32>
        %sub3A_1158 = arith.subi %scan3A_1153, %scan3A_1151 : vector<16xi32>
        %shift_right_logical3A_1159 = arith.constant 1 : i32
        %shift_right_logical3A_1160 = vector.broadcast %shift_right_logical3A_1159 : i32 to vector<16xi32>
        %shift_right_logical3A_1161 = arith.shrui %sub3A_1158, %shift_right_logical3A_1160 : vector<16xi32>
        %add3A_1162 = arith.addi %scan3A_1151, %shift_right_logical3A_1161 : vector<16xi32>
        %le3A = arith.cmpi sle, %bitcast3A_1047, %add3A_1157 : vector<16xi32>
        %jit3A_1163 = arith.constant 1 : i32
        %jit3A_1164 = arith.constant 0 : i32
        %broadcast_in_dim3A_1165 = vector.broadcast %jit3A_1163 : i32 to vector<16xi32>
        %broadcast_in_dim3A_1166 = vector.broadcast %jit3A_1164 : i32 to vector<16xi32>
        %select_n3A_1167 = arith.select %le3A, %broadcast_in_dim3A_1165, %broadcast_in_dim3A_1166 : vector<16xi1>, vector<16xi32>
        %add3A_1168 = arith.addi %broadcast_in_dim3A_63, %select_n3A_1167 : vector<16xi32>
        %le3A_1169 = arith.cmpi sle, %bitcast3A_1048, %add3A_1157 : vector<16xi32>
        %jit3A_1170 = arith.constant 1 : i32
        %jit3A_1171 = arith.constant 0 : i32
        %broadcast_in_dim3A_1172 = vector.broadcast %jit3A_1170 : i32 to vector<16xi32>
        %broadcast_in_dim3A_1173 = vector.broadcast %jit3A_1171 : i32 to vector<16xi32>
        %select_n3A_1174 = arith.select %le3A_1169, %broadcast_in_dim3A_1172, %broadcast_in_dim3A_1173 : vector<16xi1>, vector<16xi32>
        %add3A_1175 = arith.addi %add3A_1168, %select_n3A_1174 : vector<16xi32>
        %le3A_1176 = arith.cmpi sle, %bitcast3A_1049, %add3A_1157 : vector<16xi32>
        %jit3A_1177 = arith.constant 1 : i32
        %jit3A_1178 = arith.constant 0 : i32
        %broadcast_in_dim3A_1179 = vector.broadcast %jit3A_1177 : i32 to vector<16xi32>
        %broadcast_in_dim3A_1180 = vector.broadcast %jit3A_1178 : i32 to vector<16xi32>
        %select_n3A_1181 = arith.select %le3A_1176, %broadcast_in_dim3A_1179, %broadcast_in_dim3A_1180 : vector<16xi1>, vector<16xi32>
        %add3A_1182 = arith.addi %add3A_1175, %select_n3A_1181 : vector<16xi32>
        %le3A_1183 = arith.cmpi sle, %bitcast3A_1050, %add3A_1157 : vector<16xi32>
        %jit3A_1184 = arith.constant 1 : i32
        %jit3A_1185 = arith.constant 0 : i32
        %broadcast_in_dim3A_1186 = vector.broadcast %jit3A_1184 : i32 to vector<16xi32>
        %broadcast_in_dim3A_1187 = vector.broadcast %jit3A_1185 : i32 to vector<16xi32>
        %select_n3A_1188 = arith.select %le3A_1183, %broadcast_in_dim3A_1186, %broadcast_in_dim3A_1187 : vector<16xi1>, vector<16xi32>
        %add3A_1189 = arith.addi %add3A_1182, %select_n3A_1188 : vector<16xi32>
        %le3A_1190 = arith.cmpi sle, %bitcast3A_1051, %add3A_1157 : vector<16xi32>
        %jit3A_1191 = arith.constant 1 : i32
        %jit3A_1192 = arith.constant 0 : i32
        %broadcast_in_dim3A_1193 = vector.broadcast %jit3A_1191 : i32 to vector<16xi32>
        %broadcast_in_dim3A_1194 = vector.broadcast %jit3A_1192 : i32 to vector<16xi32>
        %select_n3A_1195 = arith.select %le3A_1190, %broadcast_in_dim3A_1193, %broadcast_in_dim3A_1194 : vector<16xi1>, vector<16xi32>
        %add3A_1196 = arith.addi %add3A_1189, %select_n3A_1195 : vector<16xi32>
        %le3A_1197 = arith.cmpi sle, %bitcast3A_1052, %add3A_1157 : vector<16xi32>
        %jit3A_1198 = arith.constant 1 : i32
        %jit3A_1199 = arith.constant 0 : i32
        %broadcast_in_dim3A_1200 = vector.broadcast %jit3A_1198 : i32 to vector<16xi32>
        %broadcast_in_dim3A_1201 = vector.broadcast %jit3A_1199 : i32 to vector<16xi32>
        %select_n3A_1202 = arith.select %le3A_1197, %broadcast_in_dim3A_1200, %broadcast_in_dim3A_1201 : vector<16xi1>, vector<16xi32>
        %add3A_1203 = arith.addi %add3A_1196, %select_n3A_1202 : vector<16xi32>
        %le3A_1204 = arith.cmpi sle, %bitcast3A_1053, %add3A_1157 : vector<16xi32>
        %jit3A_1205 = arith.constant 1 : i32
        %jit3A_1206 = arith.constant 0 : i32
        %broadcast_in_dim3A_1207 = vector.broadcast %jit3A_1205 : i32 to vector<16xi32>
        %broadcast_in_dim3A_1208 = vector.broadcast %jit3A_1206 : i32 to vector<16xi32>
        %select_n3A_1209 = arith.select %le3A_1204, %broadcast_in_dim3A_1207, %broadcast_in_dim3A_1208 : vector<16xi1>, vector<16xi32>
        %add3A_1210 = arith.addi %add3A_1203, %select_n3A_1209 : vector<16xi32>
        %cumsum3A = arith.constant true
        %cumsum3A_1211 = vector.broadcast %cumsum3A : i1 to vector<16xi1>
        %cumsum3A_1212 = tpu.scan <sum>, %add3A_1210 masked %cumsum3A_1211 : vector<16xi32>, vector<16xi1> -> vector<16xi32>
        %lt3A_1213 = arith.constant 0 : i32
        %lt3A_1214 = vector.broadcast %lt3A_1213 : i32 to vector<16xi32>
        %lt3A_1215 = arith.cmpi slt, %broadcast_in_dim3A_31, %lt3A_1214 : vector<16xi32>
        %add3A_1216 = arith.constant 16 : i32
        %add3A_1217 = vector.broadcast %add3A_1216 : i32 to vector<16xi32>
        %add3A_1218 = arith.addi %broadcast_in_dim3A_31, %add3A_1217 : vector<16xi32>
        %select_n3A_1219 = arith.select %lt3A_1215, %add3A_1218, %broadcast_in_dim3A_31 : vector<16xi1>, vector<16xi32>
        %broadcast_in_dim3A_1220 = vector.shape_cast %select_n3A_1219 : vector<16xi32> to vector<16x1xi32>
        %gather3A = vector.shape_cast %broadcast_in_dim3A_1220 : vector<16x1xi32> to vector<16xi32>
        %gather3A_1221 = tpu.dynamic_gather %cumsum3A_1212[%gather3A] in [0] : vector<16xi32>, vector<16xi32> -> vector<16xi32>
        %ge3A = arith.cmpi sge, %gather3A_1221, %broadcast_in_dim3A_65 : vector<16xi32>
        %add3A_1222 = arith.constant 1 : i32
        %add3A_1223 = vector.broadcast %add3A_1222 : i32 to vector<16xi32>
        %add3A_1224 = arith.addi %add3A_1157, %add3A_1223 : vector<16xi32>
        %select_n3A_1225 = arith.select %ge3A, %scan3A_1150, %add3A_1224 : vector<16xi1>, vector<16xi32>
        %select_n3A_1226 = arith.select %ge3A, %add3A_1157, %scan3A_1152 : vector<16xi1>, vector<16xi32>
        %le3A_1227 = arith.cmpi sle, %bitcast3A_1054, %add3A_1162 : vector<16xi32>
        %jit3A_1228 = arith.constant 1 : i32
        %jit3A_1229 = arith.constant 0 : i32
        %broadcast_in_dim3A_1230 = vector.broadcast %jit3A_1228 : i32 to vector<16xi32>
        %broadcast_in_dim3A_1231 = vector.broadcast %jit3A_1229 : i32 to vector<16xi32>
        %select_n3A_1232 = arith.select %le3A_1227, %broadcast_in_dim3A_1230, %broadcast_in_dim3A_1231 : vector<16xi1>, vector<16xi32>
        %add3A_1233 = arith.addi %broadcast_in_dim3A_63, %select_n3A_1232 : vector<16xi32>
        %le3A_1234 = arith.cmpi sle, %bitcast3A_1055, %add3A_1162 : vector<16xi32>
        %jit3A_1235 = arith.constant 1 : i32
        %jit3A_1236 = arith.constant 0 : i32
        %broadcast_in_dim3A_1237 = vector.broadcast %jit3A_1235 : i32 to vector<16xi32>
        %broadcast_in_dim3A_1238 = vector.broadcast %jit3A_1236 : i32 to vector<16xi32>
        %select_n3A_1239 = arith.select %le3A_1234, %broadcast_in_dim3A_1237, %broadcast_in_dim3A_1238 : vector<16xi1>, vector<16xi32>
        %add3A_1240 = arith.addi %add3A_1233, %select_n3A_1239 : vector<16xi32>
        %le3A_1241 = arith.cmpi sle, %bitcast3A_1056, %add3A_1162 : vector<16xi32>
        %jit3A_1242 = arith.constant 1 : i32
        %jit3A_1243 = arith.constant 0 : i32
        %broadcast_in_dim3A_1244 = vector.broadcast %jit3A_1242 : i32 to vector<16xi32>
        %broadcast_in_dim3A_1245 = vector.broadcast %jit3A_1243 : i32 to vector<16xi32>
        %select_n3A_1246 = arith.select %le3A_1241, %broadcast_in_dim3A_1244, %broadcast_in_dim3A_1245 : vector<16xi1>, vector<16xi32>
        %add3A_1247 = arith.addi %add3A_1240, %select_n3A_1246 : vector<16xi32>
        %le3A_1248 = arith.cmpi sle, %bitcast3A_1057, %add3A_1162 : vector<16xi32>
        %jit3A_1249 = arith.constant 1 : i32
        %jit3A_1250 = arith.constant 0 : i32
        %broadcast_in_dim3A_1251 = vector.broadcast %jit3A_1249 : i32 to vector<16xi32>
        %broadcast_in_dim3A_1252 = vector.broadcast %jit3A_1250 : i32 to vector<16xi32>
        %select_n3A_1253 = arith.select %le3A_1248, %broadcast_in_dim3A_1251, %broadcast_in_dim3A_1252 : vector<16xi1>, vector<16xi32>
        %add3A_1254 = arith.addi %add3A_1247, %select_n3A_1253 : vector<16xi32>
        %le3A_1255 = arith.cmpi sle, %bitcast3A_1058, %add3A_1162 : vector<16xi32>
        %jit3A_1256 = arith.constant 1 : i32
        %jit3A_1257 = arith.constant 0 : i32
        %broadcast_in_dim3A_1258 = vector.broadcast %jit3A_1256 : i32 to vector<16xi32>
        %broadcast_in_dim3A_1259 = vector.broadcast %jit3A_1257 : i32 to vector<16xi32>
        %select_n3A_1260 = arith.select %le3A_1255, %broadcast_in_dim3A_1258, %broadcast_in_dim3A_1259 : vector<16xi1>, vector<16xi32>
        %add3A_1261 = arith.addi %add3A_1254, %select_n3A_1260 : vector<16xi32>
        %le3A_1262 = arith.cmpi sle, %bitcast3A_1059, %add3A_1162 : vector<16xi32>
        %jit3A_1263 = arith.constant 1 : i32
        %jit3A_1264 = arith.constant 0 : i32
        %broadcast_in_dim3A_1265 = vector.broadcast %jit3A_1263 : i32 to vector<16xi32>
        %broadcast_in_dim3A_1266 = vector.broadcast %jit3A_1264 : i32 to vector<16xi32>
        %select_n3A_1267 = arith.select %le3A_1262, %broadcast_in_dim3A_1265, %broadcast_in_dim3A_1266 : vector<16xi1>, vector<16xi32>
        %add3A_1268 = arith.addi %add3A_1261, %select_n3A_1267 : vector<16xi32>
        %le3A_1269 = arith.cmpi sle, %bitcast3A_1060, %add3A_1162 : vector<16xi32>
        %jit3A_1270 = arith.constant 1 : i32
        %jit3A_1271 = arith.constant 0 : i32
        %broadcast_in_dim3A_1272 = vector.broadcast %jit3A_1270 : i32 to vector<16xi32>
        %broadcast_in_dim3A_1273 = vector.broadcast %jit3A_1271 : i32 to vector<16xi32>
        %select_n3A_1274 = arith.select %le3A_1269, %broadcast_in_dim3A_1272, %broadcast_in_dim3A_1273 : vector<16xi1>, vector<16xi32>
        %add3A_1275 = arith.addi %add3A_1268, %select_n3A_1274 : vector<16xi32>
        %cumsum3A_1276 = arith.constant true
        %cumsum3A_1277 = vector.broadcast %cumsum3A_1276 : i1 to vector<16xi1>
        %cumsum3A_1278 = tpu.scan <sum>, %add3A_1275 masked %cumsum3A_1277 : vector<16xi32>, vector<16xi1> -> vector<16xi32>
        %lt3A_1279 = arith.constant 0 : i32
        %lt3A_1280 = vector.broadcast %lt3A_1279 : i32 to vector<16xi32>
        %lt3A_1281 = arith.cmpi slt, %broadcast_in_dim3A_31, %lt3A_1280 : vector<16xi32>
        %add3A_1282 = arith.constant 16 : i32
        %add3A_1283 = vector.broadcast %add3A_1282 : i32 to vector<16xi32>
        %add3A_1284 = arith.addi %broadcast_in_dim3A_31, %add3A_1283 : vector<16xi32>
        %select_n3A_1285 = arith.select %lt3A_1281, %add3A_1284, %broadcast_in_dim3A_31 : vector<16xi1>, vector<16xi32>
        %broadcast_in_dim3A_1286 = vector.shape_cast %select_n3A_1285 : vector<16xi32> to vector<16x1xi32>
        %gather3A_1287 = vector.shape_cast %broadcast_in_dim3A_1286 : vector<16x1xi32> to vector<16xi32>
        %gather3A_1288 = tpu.dynamic_gather %cumsum3A_1278[%gather3A_1287] in [0] : vector<16xi32>, vector<16xi32> -> vector<16xi32>
        %ge3A_1289 = arith.cmpi sge, %gather3A_1288, %broadcast_in_dim3A_65 : vector<16xi32>
        %add3A_1290 = arith.constant 1 : i32
        %add3A_1291 = vector.broadcast %add3A_1290 : i32 to vector<16xi32>
        %add3A_1292 = arith.addi %add3A_1162, %add3A_1291 : vector<16xi32>
        %select_n3A_1293 = arith.select %ge3A_1289, %scan3A_1151, %add3A_1292 : vector<16xi1>, vector<16xi32>
        %select_n3A_1294 = arith.select %ge3A_1289, %add3A_1162, %scan3A_1153 : vector<16xi1>, vector<16xi32>
        scf.yield %select_n3A_1225, %select_n3A_1293, %select_n3A_1226, %select_n3A_1294 : vector<16xi32>, vector<16xi32>, vector<16xi32>, vector<16xi32>
      }
      %scan3A_1068 = arith.constant 31 : i32
      %bitcast3A_1069 = vector.bitcast %scan3A_1067#2 : vector<16xi32> to vector<16xf32>
      %bitcast3A_1070 = vector.bitcast %scan3A_1067#3 : vector<16xi32> to vector<16xf32>
      %scan3A_1071 = arith.constant 0 : i32
      %scan3A_1072 = arith.constant 256 : i32
      %scan3A_1073 = arith.addi %scan3A_1071, %scan3A_1072 : i32
      %scan3A_1074 = arith.constant 1 : i32
      %scan3A_1075:6 = scf.for %scan3A_1149 = %scan3A_1071 to %scan3A_1073 step %scan3A_1074 iter_args(%scan3A_1150 = %broadcast_in_dim3A_61, %scan3A_1151 = %broadcast_in_dim3A_61, %scan3A_1152 = %broadcast_in_dim3A_61, %scan3A_1153 = %broadcast_in_dim3A_61, %scan3A_1154 = %broadcast_in_dim3A_61, %scan3A_1155 = %broadcast_in_dim3A_61) -> (vector<16xf32>, vector<16xf32>, vector<16xf32>, vector<16xf32>, vector<16xf32>, vector<16xf32>)  : i32 {
        %mul3A_1156 = arith.constant 16 : i32
        %mul3A_1157 = arith.muli %scan3A_1149, %mul3A_1156 : i32
        %get3A_1158 = arith.index_cast %mul3A_1157 : i32 to index
        %get3A_1159 = tpu.vector_load %arg8[%get3A_1158] {strides = array<i32>} : memref<4096xf32, #tpu.memory_space<vmem>>, vector<16xf32>,
        %get3A_1160 = arith.index_cast %mul3A_1157 : i32 to index
        %get3A_1161 = tpu.vector_load %arg9[%get3A_1160] {strides = array<i32>} : memref<4096xf32, #tpu.memory_space<vmem>>, vector<16xf32>,
        %get3A_1162 = arith.index_cast %mul3A_1157 : i32 to index
        %get3A_1163 = tpu.vector_load %arg10[%get3A_1162] {strides = array<i32>} : memref<4096xf32, #tpu.memory_space<vmem>>, vector<16xf32>,
        %get3A_1164 = arith.index_cast %mul3A_1157 : i32 to index
        %get3A_1165 = tpu.vector_load %arg7[%get3A_1164] {strides = array<i32>} : memref<4096xf32, #tpu.memory_space<vmem>>, vector<16xf32>,
        %get3A_1166 = arith.index_cast %mul3A_1157 : i32 to index
        %get3A_1167 = tpu.vector_load %arg4[%get3A_1166] {strides = array<i32>} : memref<4096xf32, #tpu.memory_space<vmem>>, vector<16xf32>,
        %get3A_1168 = arith.index_cast %mul3A_1157 : i32 to index
        %get3A_1169 = tpu.vector_load %arg5[%get3A_1168] {strides = array<i32>} : memref<4096xf32, #tpu.memory_space<vmem>>, vector<16xf32>,
        %get3A_1170 = arith.index_cast %mul3A_1157 : i32 to index
        %get3A_1171 = tpu.vector_load %arg6[%get3A_1170] {strides = array<i32>} : memref<4096xf32, #tpu.memory_space<vmem>>, vector<16xf32>,
        %mul3A_1172 = vector.broadcast %mul3A_1012 : f32 to vector<16xf32>
        %mul3A_1173 = arith.mulf %mul3A_1172, %get3A_1159 : vector<16xf32>
        %mul3A_1174 = vector.broadcast %mul3A_1020 : f32 to vector<16xf32>
        %mul3A_1175 = arith.mulf %mul3A_1174, %get3A_1161 : vector<16xf32>
        %add3A_1176 = arith.addf %mul3A_1173, %mul3A_1175 : vector<16xf32>
        %mul3A_1177 = vector.broadcast %mul3A_1028 : f32 to vector<16xf32>
        %mul3A_1178 = arith.mulf %mul3A_1177, %get3A_1163 : vector<16xf32>
        %add3A_1179 = arith.addf %add3A_1176, %mul3A_1178 : vector<16xf32>
        %sub3A_1180 = vector.broadcast %neg3A_1036 : f32 to vector<16xf32>
        %sub3A_1181 = arith.subf %sub3A_1180, %add3A_1179 : vector<16xf32>
        %sub3A_1182 = arith.subf %get3A_1165, %sub3A_1181 : vector<16xf32>
        %le3A = arith.cmpf ole, %sub3A_1182, %bitcast3A_1069 : vector<16xf32>
        %jit3A_1183 = arith.constant -3.400000e+38 : f32
        %broadcast_in_dim3A_1184 = vector.broadcast %jit3A_1183 : f32 to vector<16xf32>
        %select_n3A_1185 = arith.select %le3A, %get3A_1167, %broadcast_in_dim3A_1184 : vector<16xi1>, vector<16xf32>
        %max3A = arith.maximumf %scan3A_1150, %select_n3A_1185 : vector<16xf32>
        %jit3A_1186 = arith.constant -3.400000e+38 : f32
        %broadcast_in_dim3A_1187 = vector.broadcast %jit3A_1186 : f32 to vector<16xf32>
        %select_n3A_1188 = arith.select %le3A, %get3A_1169, %broadcast_in_dim3A_1187 : vector<16xi1>, vector<16xf32>
        %max3A_1189 = arith.maximumf %scan3A_1151, %select_n3A_1188 : vector<16xf32>
        %jit3A_1190 = arith.constant -3.400000e+38 : f32
        %broadcast_in_dim3A_1191 = vector.broadcast %jit3A_1190 : f32 to vector<16xf32>
        %select_n3A_1192 = arith.select %le3A, %get3A_1171, %broadcast_in_dim3A_1191 : vector<16xi1>, vector<16xf32>
        %max3A_1193 = arith.maximumf %scan3A_1152, %select_n3A_1192 : vector<16xf32>
        %mul3A_1194 = vector.broadcast %mul3A_1016 : f32 to vector<16xf32>
        %mul3A_1195 = arith.mulf %mul3A_1194, %get3A_1159 : vector<16xf32>
        %mul3A_1196 = vector.broadcast %mul3A_1024 : f32 to vector<16xf32>
        %mul3A_1197 = arith.mulf %mul3A_1196, %get3A_1161 : vector<16xf32>
        %add3A_1198 = arith.addf %mul3A_1195, %mul3A_1197 : vector<16xf32>
        %mul3A_1199 = vector.broadcast %mul3A_1032 : f32 to vector<16xf32>
        %mul3A_1200 = arith.mulf %mul3A_1199, %get3A_1163 : vector<16xf32>
        %add3A_1201 = arith.addf %add3A_1198, %mul3A_1200 : vector<16xf32>
        %sub3A_1202 = vector.broadcast %neg3A_1040 : f32 to vector<16xf32>
        %sub3A_1203 = arith.subf %sub3A_1202, %add3A_1201 : vector<16xf32>
        %sub3A_1204 = arith.subf %get3A_1165, %sub3A_1203 : vector<16xf32>
        %le3A_1205 = arith.cmpf ole, %sub3A_1204, %bitcast3A_1070 : vector<16xf32>
        %jit3A_1206 = arith.constant -3.400000e+38 : f32
        %broadcast_in_dim3A_1207 = vector.broadcast %jit3A_1206 : f32 to vector<16xf32>
        %select_n3A_1208 = arith.select %le3A_1205, %get3A_1167, %broadcast_in_dim3A_1207 : vector<16xi1>, vector<16xf32>
        %max3A_1209 = arith.maximumf %scan3A_1153, %select_n3A_1208 : vector<16xf32>
        %jit3A_1210 = arith.constant -3.400000e+38 : f32
        %broadcast_in_dim3A_1211 = vector.broadcast %jit3A_1210 : f32 to vector<16xf32>
        %select_n3A_1212 = arith.select %le3A_1205, %get3A_1169, %broadcast_in_dim3A_1211 : vector<16xi1>, vector<16xf32>
        %max3A_1213 = arith.maximumf %scan3A_1154, %select_n3A_1212 : vector<16xf32>
        %jit3A_1214 = arith.constant -3.400000e+38 : f32
        %broadcast_in_dim3A_1215 = vector.broadcast %jit3A_1214 : f32 to vector<16xf32>
        %select_n3A_1216 = arith.select %le3A_1205, %get3A_1171, %broadcast_in_dim3A_1215 : vector<16xi1>, vector<16xf32>
        %max3A_1217 = arith.maximumf %scan3A_1155, %select_n3A_1216 : vector<16xf32>
        scf.yield %max3A, %max3A_1189, %max3A_1193, %max3A_1209, %max3A_1213, %max3A_1217 : vector<16xf32>, vector<16xf32>, vector<16xf32>, vector<16xf32>, vector<16xf32>, vector<16xf32>
      }
      %scan3A_1076 = arith.constant 256 : i32
      %eq3A_1077 = arith.constant 14 : i32
      %eq3A_1078 = vector.broadcast %eq3A_1077 : i32 to vector<16xi32>
      %eq3A_1079 = arith.cmpi eq, %iota3A, %eq3A_1078 : vector<16xi32>
      %reduce_max3A_1080 = arith.constant true
      %reduce_max3A_1081 = vector.broadcast %reduce_max3A_1080 : i1 to vector<16xi1>
      %reduce_max3A_1082 = tpu.scan <max>, %scan3A_1075#0 masked %reduce_max3A_1081 : vector<16xf32>, vector<16xi1> -> vector<16xf32>
      %reduce_max3A_1083 = vector.extract %reduce_max3A_1082[15] : f32 from vector<16xf32>
      %slice3A_1084 = vector.extract_strided_slice %get3A_105 {offsets = [14], sizes = [1], strides = [1]} : vector<16xf32> to vector<1xf32>
      %squeeze3A_1085 = vector.extract %slice3A_1084[0] : f32 from vector<1xf32>
      %sub3A_1086 = arith.subf %reduce_max3A_1083, %squeeze3A_1085 : f32
      %broadcast_in_dim3A_1087 = vector.broadcast %sub3A_1086 : f32 to vector<16xf32>
      %select_n3A_1088 = arith.select %eq3A_1079, %broadcast_in_dim3A_1087, %select_n3A_990 : vector<16xi1>, vector<16xf32>
      %reduce_max3A_1089 = arith.constant true
      %reduce_max3A_1090 = vector.broadcast %reduce_max3A_1089 : i1 to vector<16xi1>
      %reduce_max3A_1091 = tpu.scan <max>, %scan3A_1075#1 masked %reduce_max3A_1090 : vector<16xf32>, vector<16xi1> -> vector<16xf32>
      %reduce_max3A_1092 = vector.extract %reduce_max3A_1091[15] : f32 from vector<16xf32>
      %slice3A_1093 = vector.extract_strided_slice %get3A_107 {offsets = [14], sizes = [1], strides = [1]} : vector<16xf32> to vector<1xf32>
      %squeeze3A_1094 = vector.extract %slice3A_1093[0] : f32 from vector<1xf32>
      %sub3A_1095 = arith.subf %reduce_max3A_1092, %squeeze3A_1094 : f32
      %broadcast_in_dim3A_1096 = vector.broadcast %sub3A_1095 : f32 to vector<16xf32>
      %select_n3A_1097 = arith.select %eq3A_1079, %broadcast_in_dim3A_1096, %select_n3A_999 : vector<16xi1>, vector<16xf32>
      %reduce_max3A_1098 = arith.constant true
      %reduce_max3A_1099 = vector.broadcast %reduce_max3A_1098 : i1 to vector<16xi1>
      %reduce_max3A_1100 = tpu.scan <max>, %scan3A_1075#2 masked %reduce_max3A_1099 : vector<16xf32>, vector<16xi1> -> vector<16xf32>
      %reduce_max3A_1101 = vector.extract %reduce_max3A_1100[15] : f32 from vector<16xf32>
      %slice3A_1102 = vector.extract_strided_slice %get3A_109 {offsets = [14], sizes = [1], strides = [1]} : vector<16xf32> to vector<1xf32>
      %squeeze3A_1103 = vector.extract %slice3A_1102[0] : f32 from vector<1xf32>
      %sub3A_1104 = arith.subf %reduce_max3A_1101, %squeeze3A_1103 : f32
      %broadcast_in_dim3A_1105 = vector.broadcast %sub3A_1104 : f32 to vector<16xf32>
      %select_n3A_1106 = arith.select %eq3A_1079, %broadcast_in_dim3A_1105, %select_n3A_1008 : vector<16xi1>, vector<16xf32>
      %eq3A_1107 = arith.constant 15 : i32
      %eq3A_1108 = vector.broadcast %eq3A_1107 : i32 to vector<16xi32>
      %eq3A_1109 = arith.cmpi eq, %iota3A, %eq3A_1108 : vector<16xi32>
      %reduce_max3A_1110 = arith.constant true
      %reduce_max3A_1111 = vector.broadcast %reduce_max3A_1110 : i1 to vector<16xi1>
      %reduce_max3A_1112 = tpu.scan <max>, %scan3A_1075#3 masked %reduce_max3A_1111 : vector<16xf32>, vector<16xi1> -> vector<16xf32>
      %reduce_max3A_1113 = vector.extract %reduce_max3A_1112[15] : f32 from vector<16xf32>
      %slice3A_1114 = vector.extract_strided_slice %get3A_105 {offsets = [15], sizes = [1], strides = [1]} : vector<16xf32> to vector<1xf32>
      %squeeze3A_1115 = vector.extract %slice3A_1114[0] : f32 from vector<1xf32>
      %sub3A_1116 = arith.subf %reduce_max3A_1113, %squeeze3A_1115 : f32
      %broadcast_in_dim3A_1117 = vector.broadcast %sub3A_1116 : f32 to vector<16xf32>
      %select_n3A_1118 = arith.select %eq3A_1109, %broadcast_in_dim3A_1117, %select_n3A_1088 : vector<16xi1>, vector<16xf32>
      %reduce_max3A_1119 = arith.constant true
      %reduce_max3A_1120 = vector.broadcast %reduce_max3A_1119 : i1 to vector<16xi1>
      %reduce_max3A_1121 = tpu.scan <max>, %scan3A_1075#4 masked %reduce_max3A_1120 : vector<16xf32>, vector<16xi1> -> vector<16xf32>
      %reduce_max3A_1122 = vector.extract %reduce_max3A_1121[15] : f32 from vector<16xf32>
      %slice3A_1123 = vector.extract_strided_slice %get3A_107 {offsets = [15], sizes = [1], strides = [1]} : vector<16xf32> to vector<1xf32>
      %squeeze3A_1124 = vector.extract %slice3A_1123[0] : f32 from vector<1xf32>
      %sub3A_1125 = arith.subf %reduce_max3A_1122, %squeeze3A_1124 : f32
      %broadcast_in_dim3A_1126 = vector.broadcast %sub3A_1125 : f32 to vector<16xf32>
      %select_n3A_1127 = arith.select %eq3A_1109, %broadcast_in_dim3A_1126, %select_n3A_1097 : vector<16xi1>, vector<16xf32>
      %reduce_max3A_1128 = arith.constant true
      %reduce_max3A_1129 = vector.broadcast %reduce_max3A_1128 : i1 to vector<16xi1>
      %reduce_max3A_1130 = tpu.scan <max>, %scan3A_1075#5 masked %reduce_max3A_1129 : vector<16xf32>, vector<16xi1> -> vector<16xf32>
      %reduce_max3A_1131 = vector.extract %reduce_max3A_1130[15] : f32 from vector<16xf32>
      %slice3A_1132 = vector.extract_strided_slice %get3A_109 {offsets = [15], sizes = [1], strides = [1]} : vector<16xf32> to vector<1xf32>
      %squeeze3A_1133 = vector.extract %slice3A_1132[0] : f32 from vector<1xf32>
      %sub3A_1134 = arith.subf %reduce_max3A_1131, %squeeze3A_1133 : f32
      %broadcast_in_dim3A_1135 = vector.broadcast %sub3A_1134 : f32 to vector<16xf32>
      %select_n3A_1136 = arith.select %eq3A_1109, %broadcast_in_dim3A_1135, %select_n3A_1106 : vector<16xi1>, vector<16xf32>
      %mul3A_1137 = arith.constant 16 : i32
      %mul3A_1138 = arith.muli %scan3A_100, %mul3A_1137 : i32
      %swap3A = arith.index_cast %mul3A_1138 : i32 to index
      %swap3A_1139 = tpu.vector_load %arg11[%swap3A] {strides = array<i32>} : memref<6144xf32, #tpu.memory_space<vmem>>, vector<16xf32>,
      tpu.vector_store %arg11[%swap3A], %select_n3A_1118 {strides = array<i32>} : memref<6144xf32, #tpu.memory_space<vmem>>, vector<16xf32>,
      %add3A_1140 = arith.constant 2048 : i32
      %add3A_1141 = arith.addi %add3A_1140, %mul3A_1138 : i32
      %swap3A_1142 = arith.index_cast %add3A_1141 : i32 to index
      %swap3A_1143 = tpu.vector_load %arg11[%swap3A_1142] {strides = array<i32>} : memref<6144xf32, #tpu.memory_space<vmem>>, vector<16xf32>,
      tpu.vector_store %arg11[%swap3A_1142], %select_n3A_1127 {strides = array<i32>} : memref<6144xf32, #tpu.memory_space<vmem>>, vector<16xf32>,
      %add3A_1144 = arith.constant 4096 : i32
      %add3A_1145 = arith.addi %add3A_1144, %mul3A_1138 : i32
      %swap3A_1146 = arith.index_cast %add3A_1145 : i32 to index
      %swap3A_1147 = tpu.vector_load %arg11[%swap3A_1146] {strides = array<i32>} : memref<6144xf32, #tpu.memory_space<vmem>>, vector<16xf32>,
      tpu.vector_store %arg11[%swap3A_1146], %select_n3A_1136 {strides = array<i32>} : memref<6144xf32, #tpu.memory_space<vmem>>, vector<16xf32>,
      %scan3A_1148 = arith.constant 0 : i32
      scf.yield %scan3A_1148 : i32
    }
    %scan3A_72 = arith.constant 128 : i32
    %mul3A_73 = arith.constant 3 : i32
    %mul3A_74 = arith.muli %mul3A_73, %select_n3A : i32
    %add3A_75 = arith.constant 0 : i32
    %add3A_76 = arith.addi %mul3A_74, %add3A_75 : i32
    %mul3A_77 = arith.constant 4096 : i32
    %mul3A_78 = arith.muli %add3A_76, %mul3A_77 : i32
    %mul3A_79 = arith.constant 2048 : i32
    %mul3A_80 = arith.muli %select_n3A_30, %mul3A_79 : i32
    %add3A_81 = arith.addi %mul3A_78, %mul3A_80 : i32
    "tpu.region"() ({
      %run_scoped3A = tpu.sem_alloc : memref<!tpu.dma_semaphore, #tpu.memory_space<semaphore_mem>>
      %dma_start3A = arith.constant 0 : i32
      %dma_start3A_100 = tpu.memref_slice %arg11[%dma_start3A] : memref<6144xf32, #tpu.memory_space<vmem>> -> memref<2048xf32, #tpu.memory_space<vmem>>
      %dma_start3A_101 = tpu.memref_slice %arg3[%add3A_81] : memref<196608xf32, #tpu.memory_space<hbm>> -> memref<2048xf32, #tpu.memory_space<hbm>>
      %dma_start3A_102 = tpu.memref_slice %arg3[%add3A_81] : memref<196608xf32, #tpu.memory_space<hbm>> -> memref<2048xf32, #tpu.memory_space<hbm>>
      %dma_start3A_103 = arith.constant 0 : i32
      %dma_start3A_104 = tpu.memref_slice %arg11[%dma_start3A_103] : memref<6144xf32, #tpu.memory_space<vmem>> -> memref<2048xf32, #tpu.memory_space<vmem>>
      tpu.enqueue_dma source(%dma_start3A_104 : memref<2048xf32, #tpu.memory_space<vmem>>) target(%dma_start3A_102 : memref<2048xf32, #tpu.memory_space<hbm>>) target_semaphore(%run_scoped3A : memref<!tpu.dma_semaphore, #tpu.memory_space<semaphore_mem>>)
      %dma_wait3A = arith.constant 0 : i32
      %dma_wait3A_105 = tpu.memref_slice %arg11[%dma_wait3A] : memref<6144xf32, #tpu.memory_space<vmem>> -> memref<2048xf32, #tpu.memory_space<vmem>>
      %dma_wait3A_106 = tpu.memref_slice %arg3[%add3A_81] : memref<196608xf32, #tpu.memory_space<hbm>> -> memref<2048xf32, #tpu.memory_space<hbm>>
      %dma_wait3A_107 = tpu.memref_slice %arg3[%add3A_81] : memref<196608xf32, #tpu.memory_space<hbm>> -> memref<2048xf32, #tpu.memory_space<hbm>>
      %dma_wait3A_108 = arith.constant 0 : i32
      %dma_wait3A_109 = tpu.memref_slice %arg11[%dma_wait3A_108] : memref<6144xf32, #tpu.memory_space<vmem>> -> memref<2048xf32, #tpu.memory_space<vmem>>
      tpu.wait_dma2 semaphore(%run_scoped3A : memref<!tpu.dma_semaphore, #tpu.memory_space<semaphore_mem>>) src(%dma_wait3A_109 : memref<2048xf32, #tpu.memory_space<vmem>>) dst(%dma_wait3A_107 : memref<2048xf32, #tpu.memory_space<hbm>>)
      tpu.yield
    }) : () -> ()
    %mul3A_82 = arith.constant 3 : i32
    %mul3A_83 = arith.muli %mul3A_82, %select_n3A : i32
    %add3A_84 = arith.constant 1 : i32
    %add3A_85 = arith.addi %mul3A_83, %add3A_84 : i32
    %mul3A_86 = arith.constant 4096 : i32
    %mul3A_87 = arith.muli %add3A_85, %mul3A_86 : i32
    %mul3A_88 = arith.constant 2048 : i32
    %mul3A_89 = arith.muli %select_n3A_30, %mul3A_88 : i32
    %add3A_90 = arith.addi %mul3A_87, %mul3A_89 : i32
    "tpu.region"() ({
      %run_scoped3A = tpu.sem_alloc : memref<!tpu.dma_semaphore, #tpu.memory_space<semaphore_mem>>
      %dma_start3A = arith.constant 2048 : i32
      %dma_start3A_100 = tpu.memref_slice %arg11[%dma_start3A] : memref<6144xf32, #tpu.memory_space<vmem>> -> memref<2048xf32, #tpu.memory_space<vmem>>
      %dma_start3A_101 = tpu.memref_slice %arg3[%add3A_90] : memref<196608xf32, #tpu.memory_space<hbm>> -> memref<2048xf32, #tpu.memory_space<hbm>>
      %dma_start3A_102 = tpu.memref_slice %arg3[%add3A_90] : memref<196608xf32, #tpu.memory_space<hbm>> -> memref<2048xf32, #tpu.memory_space<hbm>>
      %dma_start3A_103 = arith.constant 2048 : i32
      %dma_start3A_104 = tpu.memref_slice %arg11[%dma_start3A_103] : memref<6144xf32, #tpu.memory_space<vmem>> -> memref<2048xf32, #tpu.memory_space<vmem>>
      tpu.enqueue_dma source(%dma_start3A_104 : memref<2048xf32, #tpu.memory_space<vmem>>) target(%dma_start3A_102 : memref<2048xf32, #tpu.memory_space<hbm>>) target_semaphore(%run_scoped3A : memref<!tpu.dma_semaphore, #tpu.memory_space<semaphore_mem>>)
      %dma_wait3A = arith.constant 2048 : i32
      %dma_wait3A_105 = tpu.memref_slice %arg11[%dma_wait3A] : memref<6144xf32, #tpu.memory_space<vmem>> -> memref<2048xf32, #tpu.memory_space<vmem>>
      %dma_wait3A_106 = tpu.memref_slice %arg3[%add3A_90] : memref<196608xf32, #tpu.memory_space<hbm>> -> memref<2048xf32, #tpu.memory_space<hbm>>
      %dma_wait3A_107 = tpu.memref_slice %arg3[%add3A_90] : memref<196608xf32, #tpu.memory_space<hbm>> -> memref<2048xf32, #tpu.memory_space<hbm>>
      %dma_wait3A_108 = arith.constant 2048 : i32
      %dma_wait3A_109 = tpu.memref_slice %arg11[%dma_wait3A_108] : memref<6144xf32, #tpu.memory_space<vmem>> -> memref<2048xf32, #tpu.memory_space<vmem>>
      tpu.wait_dma2 semaphore(%run_scoped3A : memref<!tpu.dma_semaphore, #tpu.memory_space<semaphore_mem>>) src(%dma_wait3A_109 : memref<2048xf32, #tpu.memory_space<vmem>>) dst(%dma_wait3A_107 : memref<2048xf32, #tpu.memory_space<hbm>>)
      tpu.yield
    }) : () -> ()
    %mul3A_91 = arith.constant 3 : i32
    %mul3A_92 = arith.muli %mul3A_91, %select_n3A : i32
    %add3A_93 = arith.constant 2 : i32
    %add3A_94 = arith.addi %mul3A_92, %add3A_93 : i32
    %mul3A_95 = arith.constant 4096 : i32
    %mul3A_96 = arith.muli %add3A_94, %mul3A_95 : i32
    %mul3A_97 = arith.constant 2048 : i32
    %mul3A_98 = arith.muli %select_n3A_30, %mul3A_97 : i32
    %add3A_99 = arith.addi %mul3A_96, %mul3A_98 : i32
    "tpu.region"() ({
      %run_scoped3A = tpu.sem_alloc : memref<!tpu.dma_semaphore, #tpu.memory_space<semaphore_mem>>
      %dma_start3A = arith.constant 4096 : i32
      %dma_start3A_100 = tpu.memref_slice %arg11[%dma_start3A] : memref<6144xf32, #tpu.memory_space<vmem>> -> memref<2048xf32, #tpu.memory_space<vmem>>
      %dma_start3A_101 = tpu.memref_slice %arg3[%add3A_99] : memref<196608xf32, #tpu.memory_space<hbm>> -> memref<2048xf32, #tpu.memory_space<hbm>>
      %dma_start3A_102 = tpu.memref_slice %arg3[%add3A_99] : memref<196608xf32, #tpu.memory_space<hbm>> -> memref<2048xf32, #tpu.memory_space<hbm>>
      %dma_start3A_103 = arith.constant 4096 : i32
      %dma_start3A_104 = tpu.memref_slice %arg11[%dma_start3A_103] : memref<6144xf32, #tpu.memory_space<vmem>> -> memref<2048xf32, #tpu.memory_space<vmem>>
      tpu.enqueue_dma source(%dma_start3A_104 : memref<2048xf32, #tpu.memory_space<vmem>>) target(%dma_start3A_102 : memref<2048xf32, #tpu.memory_space<hbm>>) target_semaphore(%run_scoped3A : memref<!tpu.dma_semaphore, #tpu.memory_space<semaphore_mem>>)
      %dma_wait3A = arith.constant 4096 : i32
      %dma_wait3A_105 = tpu.memref_slice %arg11[%dma_wait3A] : memref<6144xf32, #tpu.memory_space<vmem>> -> memref<2048xf32, #tpu.memory_space<vmem>>
      %dma_wait3A_106 = tpu.memref_slice %arg3[%add3A_99] : memref<196608xf32, #tpu.memory_space<hbm>> -> memref<2048xf32, #tpu.memory_space<hbm>>
      %dma_wait3A_107 = tpu.memref_slice %arg3[%add3A_99] : memref<196608xf32, #tpu.memory_space<hbm>> -> memref<2048xf32, #tpu.memory_space<hbm>>
      %dma_wait3A_108 = arith.constant 4096 : i32
      %dma_wait3A_109 = tpu.memref_slice %arg11[%dma_wait3A_108] : memref<6144xf32, #tpu.memory_space<vmem>> -> memref<2048xf32, #tpu.memory_space<vmem>>
      tpu.wait_dma2 semaphore(%run_scoped3A : memref<!tpu.dma_semaphore, #tpu.memory_space<semaphore_mem>>) src(%dma_wait3A_109 : memref<2048xf32, #tpu.memory_space<vmem>>) dst(%dma_wait3A_107 : memref<2048xf32, #tpu.memory_space<hbm>>)
      tpu.yield
    }) : () -> ()
    return
  }
}

</mosaic_0001>

<sc_bundles>
// kernel: _run.3.cloned.1.call-start
scs
__scs_entry_jumppad:
0x0: {  	(pc) =	sbr.rel $0x88, $3  }
0x1: {  	(tag) =	ssettag $0x0;
	lr =	simm.s32 $0x1  }
0x2: {  	[smem:$0x3FA0] =	sst lr;
	_ =	strace $0xD0000000  }
0x3: {  	_ = 	snop  }
0x4: {  	_ = 	snop  }
0x5: {  	_ = 	snop  }
0x6: {  	_ = 	snop  }
0x7: {  	_ = 	snop  }
__scs_overlays_trampoline_lowered:
0x8: {  	[smem:$0x3FAF] =	sst s0  }
0x9: {  	[smem:$0x3FB0] =	sst s1  }
0xa: {  	[smem:$0x3FB1] =	sst s2  }
0xb: {  	[smem:$0x3FB2] =	sst s3  }
0xc: {  	[smem:$0x3FB3] =	sst s4  }
0xd: {  	[smem:$0x3FB4] =	sst s5  }
0xe: {  	[smem:$0x3FB5] =	sst s6  }
0xf: {  	[smem:$0x3FB6] =	sst s7  }
0x10: {  	[smem:$0x3FB7] =	sst s8  }
0x11: {  	[smem:$0x3FB8] =	sst s9;
	s0 =	simm.s32 @!p0 $0x0  }
0x12: {  	s1 =	sld [smem:$0x3F9E];
	s0 =	simm.s32 @p0 $0x1  }
0x13: {  	[smem:$0x3FB9] =	sst s0;
	s0 =	simm.s32 @!p1 $0x0  }
0x14: {  	s2 =	sld [smem:$0x3F9D];
	s0 =	simm.s32 @p1 $0x1  }
0x15: {  	[smem:$0x3FBA] =	sst s0;
	s0 =	simm.s32 @!p2 $0x0  }
0x16: {  	s3 =	sld [smem:$0x3FDB];
	s0 =	simm.s32 @p2 $0x1  }
0x17: {  	s4 =	simm.s32 $0x1BF5;
	[smem:$0x3FBC] =	sst s0  }
0x18: {  	s0 =	sld [smem:$0x3F9F];
	_ =	swait.ge [sflag:s4], $0x0  }
0x19: {  	s7 =	sld [smem:$0x3FA0]  }
0x1a: {  	s8 =	sadd.s32 $0xFFFFE003, lr  }
0x1b: {  	s9 =	sadd.s32 $0xFFFFFEF7, lr;
	s5 =	simm.s32 $0xFFFFFFFF;
	p2 =	slt.u32 s8, $0xFFFFF086  }
0x1c: {  	p1 =	slt.u32 s9, $0xF7A;
	s5 =	simm.s32 @!p2 $0x0  }
0x1d: {  	s5 =	simm.s32 @p1 $0x1;
	p0 =	seq.s32 s7, s2  }
0x1e: {  	s7 =	smul.u32 @!p0 $0xF7A, s2;
	p2 =	seq.s32 @!p0 s5, $0x0  }
0x1f: {  	s9 =	smul.u32 $0xF7A, s1;
	s8 =	simm.s32 @!p0 $0x1BF5;
	p2 =	por !p2, p0  }
0x20: {  	[sflag:s8] =	ssyncset.s32 @!p0 $0xFFFFF086;
	s6 =	sadd.s32 @!p0 s3, s7;
	s7 =	simm.s32 @!p0 $0x108  }
0x21: {  	s3 =	sadd.s32 s3, s9;
	s6 =	sadd.s32 @!p0 $0x88, s6;
	s7 =	simm.s32 @p2 $0x1082  }
0x22: {  	[simem:s7], [sflag:s8] =	dma.local @!p0 [hbm:s6], $0xF7A  }
0x23: {  	s9 =	sor.u32 $0xD0000000, s2;
	s6 =	simm.s32 $0x108;
	_ =	swait.ge @!p0 [sflag:s8], $0x0  }
0x24: {  	s3 =	sadd.s32 $0x88, s3;
	s6 =	simm.s32 @!p1 $0x1082;
	[sflag:s4] =	ssyncset.s32 $0xFFFFF086  }
0x25: {  	[simem:s6], [sflag:s4] =	dma.local [hbm:s3], $0xF7A  }
0x26: {  	[smem:$0x3FA0] =	sst s1;
	(tag) =	ssettag s2;
	_ =	strace s9  }
0x27: {  	s1 =	sld [smem:$0x3FB0]  }
0x28: {  	s2 =	sld [smem:$0x3FB1]  }
0x29: {  	s4 =	sld [smem:$0x3FB3]  }
0x2a: {  	p0 =	seq.s32 s5, $0x0;
	s5 =	sld [smem:$0x3FB4]  }
0x2b: {  	s6 =	sld [smem:$0x3FB5]  }
0x2c: {  	s7 =	sld [smem:$0x3FB6]  }
0x2d: {  	s3 =	simm.s32 $0x108;
	s8 =	sld [smem:$0x3FB7]  }
0x2e: {  	s3 =	simm.s32 @!p0 $0x1082;
	s9 =	sld [smem:$0x3FB8]  }
0x2f: {  	lr =	sadd.s32 s0, s3;
	s0 =	sld [smem:$0x3FAF]  }
0x30: {  	s3 =	sld [smem:$0x3FB2]  }
0x31: {  	[smem:$0x3FBB] =	sst s10  }
0x32: {  	s10 =	sld [smem:$0x3FB9];
	_ =	sdelay $0x3  }
0x33: {  	p0 =	seq.s32 s10, $0x1;
	s10 =	sld [smem:$0x3FBB];
	_ =	sdelay $0x3  }
0x34: {  	[smem:$0x3FBB] =	sst s10  }
0x35: {  	s10 =	sld [smem:$0x3FBA];
	_ =	sdelay $0x3  }
0x36: {  	p1 =	seq.s32 s10, $0x1;
	s10 =	sld [smem:$0x3FBB];
	_ =	sdelay $0x3  }
0x37: {  	[smem:$0x3FBB] =	sst s10  }
0x38: {  	s10 =	sld [smem:$0x3FBC]  }
0x39: {  	_ = 	snop;
	(pc) =	sbr.ind lr, $3  }
0x3a: {  	_ = 	snop  }
0x3b: {  	_ = 	snop  }
0x3c: {  	p2 =	seq.s32 s10, $0x1;
	s10 =	sld [smem:$0x3FBB]  }
0x3d: {  	_ =	shalt  }
0x3e: {  	_ =	shalt  }
0x3f: {  	_ =	shalt  }
0x40: {  	_ =	shalt  }
0x41: {  	_ =	shalt  }
0x42: {  	_ =	shalt  }
0x43: {  	_ =	shalt  }
0x44: {  	_ =	shalt  }
0x45: {  	_ =	shalt  }
0x46: {  	_ =	shalt  }
0x47: {  	_ =	shalt  }
0x48: {  	_ =	shalt  }
0x49: {  	_ =	shalt  }
0x4a: {  	_ =	shalt  }
0x4b: {  	_ =	shalt  }
0x4c: {  	_ =	shalt  }
0x4d: {  	_ =	shalt  }
0x4e: {  	_ =	shalt  }
0x4f: {  	_ =	shalt  }
0x50: {  	_ =	shalt  }
0x51: {  	_ =	shalt  }
0x52: {  	_ =	shalt  }
0x53: {  	_ =	shalt  }
0x54: {  	_ =	shalt  }
0x55: {  	_ =	shalt  }
0x56: {  	_ =	shalt  }
0x57: {  	_ =	shalt  }
0x58: {  	_ =	shalt  }
0x59: {  	_ =	shalt  }
0x5a: {  	_ =	shalt  }
0x5b: {  	_ =	shalt  }
0x5c: {  	_ =	shalt  }
0x5d: {  	_ =	shalt  }
0x5e: {  	_ =	shalt  }
0x5f: {  	_ =	shalt  }
0x60: {  	_ =	shalt  }
0x61: {  	_ =	shalt  }
0x62: {  	_ =	shalt  }
0x63: {  	_ =	shalt  }
0x64: {  	_ =	shalt  }
0x65: {  	_ =	shalt  }
0x66: {  	_ =	shalt  }
0x67: {  	_ =	shalt  }
0x68: {  	_ =	shalt  }
0x69: {  	_ =	shalt  }
0x6a: {  	_ =	shalt  }
0x6b: {  	_ =	shalt  }
0x6c: {  	_ =	shalt  }
0x6d: {  	_ =	shalt  }
0x6e: {  	_ =	shalt  }
0x6f: {  	_ =	shalt  }
0x70: {  	_ =	shalt  }
0x71: {  	_ =	shalt  }
0x72: {  	_ =	shalt  }
0x73: {  	_ =	shalt  }
0x74: {  	_ =	shalt  }
0x75: {  	_ =	shalt  }
0x76: {  	_ =	shalt  }
0x77: {  	_ =	shalt  }
0x78: {  	_ =	shalt  }
0x79: {  	_ =	shalt  }
0x7a: {  	_ =	shalt  }
0x7b: {  	_ =	shalt  }
0x7c: {  	_ =	shalt  }
0x7d: {  	_ =	shalt  }
0x7e: {  	_ =	shalt  }
0x7f: {  	_ =	shalt  }
0x80: {  	_ =	shalt  }
0x81: {  	_ =	shalt  }
0x82: {  	_ =	shalt  }
0x83: {  	_ =	shalt  }
0x84: {  	_ =	shalt  }
0x85: {  	_ =	shalt  }
0x86: {  	_ =	shalt  }
0x87: {  	_ =	shalt  }
.Lfunc_end0:
.L_simem_size_0:
called_computation_lowered:
.L_overlay_start_0:
0x88: {  	s2 =	sld [smem:$0x3FD9]  }
0x89: {  	s3 =	sld [smem:$0x3FFE];
	_ =	sdelay $0x1  }
0x8a: {  	s1 =	srdreg.scid  }
0x8b: {  	s0 =	sand.u32 $0x1, s1  }
0x8c: {  	s17 =	sshll.u32 s0, $0xA;
	s2 =	sadd.s32 s3, s2  }
0x8d: {  	s2 =	sadd.s32 s2, s17  }
0x8e: {  	[smem:$0x3FC7] =	sst s2  }
0x8f: {  	_ = 	snop  }
0x90: {  	s2 =	sld [smem:$0x3FD0];
	(tm) =	ssettm $0x1  }
0x91: {  	s18 =	sld [smem:$0x3FFB];
	_ =	sdelay $0x3  }
0x92: {  	_ =	strace s18  }
0x93: {  	s3 =	sld [smem:$0x3FFC];
	_ =	sdelay $0x3  }
0x94: {  	_ =	strace s3  }
0x95: {  	s3 =	sld [smem:$0x3FFD];
	_ =	sdelay $0x3  }
0x96: {  	_ =	strace s3  }
0x97: {  	_ =	strace $0x8FFFFFFF  }
0x98: {  	s19 =	sld [smem:$0x3FDB];
	_ =	sdelay $0x1  }
0x99: {  	s4 =	simm.s32 $_scs_section_size  }
0x9a: {  	s5 =	simm.s32 $_size__tile_overlayer_lowered;
	s6 =	simm.s32 $_tile_overlayer_lowered  }
0x9b: {  	s22 =	simm.s32 $0x1BFF;
	s21 =	sshll.u32 s6, $0x1;
	s3 =	sadd.s32 s4, s19  }
0x9c: {  	s7 =	simm.s32 $0x0;
	s20 =	sshll.u32 s5, $0x1;
	s5 =	sadd.s32 s21, s3  }
0x9d: {  	[timem:s7], [sflag:s22] =	dma.local [hbm:s5], s20  }
0x9e: {  	_ =	swait.ge [sflag:s22], s20  }
0x9f: {  	s4 =	ssub.s32 $0x0, s20;
	[sflag:s22] =	ssyncset.done $0x0  }
0xa0: {  	[sflag:s22] =	ssyncadd.s32 s4;
	_ =	sdelay $0x1  }
0xa1: {  	s23 =	simm.s32 $0x1B8B  }
0xa2: {  	_ =	swait.ge [sflag:s23], $0x1  }
0xa3: {  	[sflag:s23] =	ssyncset.done $0x0  }
0xa4: {  	s25 =	simm.s32 $0x1B8E;
	s24 =	sld [smem:$0x3FFE];
	[sflag:s23] =	ssyncadd.s32 $0xFFFFFFFF  }
0xa5: {  	s26 =	simm.s32 $execute0_lowered;
	[smem:$0x3FD2] =	sst s25  }
0xa6: {  	s5 =	sshll.u32 s26, $0x1;
	_ =	strace $0x80000046;
	[dreg:$0x1] =	wrdreg $0xFFFFFFFF  }
0xa7: {  	s28 =	simm.s32 $_size_execute0_lowered;
	s3 =	sadd.s32 s3, s5;
	[dreg:$0x0] =	wrdreg $0x0  }
0xa8: {  	s5 =	sshll.u32 s28, $0x1;
	[dreg:$0x2] =	wrdreg s3  }
0xa9: {  	[dreg:$0x3] =	wrdreg s5  }
0xaa: {  	[dreg:$0x4] =	wrdreg $0xC0  }
0xab: {  	_ =	task [dreg:s7], $0x5FFFF  }
0xac: {  	[dreg:$0x1] =	wrdreg $0xFFFFFFFF  }
0xad: {  	[dreg:$0x0] =	wrdreg $0x60  }
0xae: {  	[dreg:$0x2] =	wrdreg s2  }
0xaf: {  	[dreg:$0x3] =	wrdreg s24  }
0xb0: {  	[dreg:$0x4] =	wrdreg $0x9  }
0xb1: {  	_ =	task.clear_ibuf [dreg:s7], $0x5FFFF;
	_ =	strace $0x90000046  }
0xb2: {  	s29 =	simm.s32 $0x9;
	_ =	strace $0x80000048  }
0xb3: {  	_ =	swait.ge [sflag:s29], $0x1  }
0xb4: {  	[sflag:s29] =	ssyncadd.s32 $0xFFFFFFFF  }
0xb5: {  	_ =	strace $0x90000048  }
0xb6: {  	_ =	sfence  }
0xb7: {  	s30 =	sld [smem:$0x0];
	_ =	sdelay $0x2  }
0xb8: {  	s31 =	sshll.u32 s1, $0xD;
	s1 =	sshrl.u32 s1, $0x2  }
0xb9: {  	s3 =	sand.u32 $0x4000, s31;
	s1 =	sadd.s32 s1, s30  }
0xba: {  	s0 =	sor.u32 s3, s0;
	s1 =	sshll.u32 s1, $0x11  }
0xbb: {  	s0 =	sor.u32 s1, s0  }
0xbc: {  	s0 =	sadd.s32 $0x8F2B, s0  }
0xbd: {  	[sflag:s0] =	ssyncadd.remote.s32 $0x1  }
0xbe: {  	_ =	sfence.sel $0xFFFF  }
0xbf: {  	[dreg:$0x0] =	wrdreg $0xFFFFFFFF;
	(pc) =	sbr.abs _section_cstart, $3  }
0xc0: {  	[dreg:$0x1] =	wrdreg $0xFFFFFFFF  }
0xc1: {  	_ =	task.clear_ibuf [dreg:s7], $0x2FFFF;
	_ =	strace $0x9FFFFFFF  }
0xc2: {  	(tm) =	ssettm $0x7FFFFFFF  }
0xc3: {  	_ =	shalt  }
tec
execute0_lowered:
.L_overlay_start_1:
0x0: {  	(tag) =	ssettag $0x1  }
0x1: {  	s0 =	srdreg.scid  }
0x2: {  	s0 =	sand.u32 $0x1, s0  }
0x3: {  	s6 =	stileid.u32;
	s19 =	rddreg [dreg:$0x0];
	s1 =	sshll.u32 s0, $0x4  }
0x4: {  	s4 =	rddreg [dreg:$0x1];
	s2 =	sand.u32 $0x1, s6;
	s1 =	sor.u32 s6, s1  }
0x5: {  	s5 =	simm.s32 $0x0;
	p1 =	seq.s32 s2, $0x1;
	p0 =	seq.s32 s1, $0x0  }
0x6: {  	s3 =	simm.s32 $0x1;
	[smem:$0x7FF] =	sst s5;
	p0 =	por !p0, !p1  }
0x7: {  	s8 =	sshll.u32 s6, $0xB;
	s0 =	ssub.s32 $0x2, s0;
	p0 =	por !p0, !p0  }
0x8: {  	s21 =	sshrl.u32 s0, $0x1;
	s1 =	sshrl.u32 s1, $0x1;
	s3 =	simm.s32 @!p0 $0x0  }
0x9: {  	_ =	strace $0x80000047;
	s0 =	ssub.s32 s0, s21;
	s1 =	ssub.s32 s1, s3  }
0xa: {  	[dreg:$0x4] =	wrdreg s8;
	s0 =	smax.u32 s0, $0x1;
	s1 =	smul.u32 $0x3000, s1  }
0xb: {  	s20 =	sadd.s32 $0x400, s4;
	s8 =	sand.u32 $0x800, s8;
	[dreg:$0xa] =	wrdreg s0  }
0xc: {  	s22 =	sshrl.u32 s1, $0x3;
	s24 =	sadd.s32 $0x1000, s1;
	s25 =	sadd.s32 $0x2000, s1  }
0xd: {  	s1 =	sor.u32 s8, s1;
	s23 =	sadd.s32 s19, s22;
	s26 =	sshrl.u32 s24, $0x3  }
0xe: {  	s7 =	sshrl.u32 s25, $0x3;
	s1 =	sshrl.u32 s1, $0x3;
	s28 =	sor.u32 s8, s24  }
0xf: {  	s29 =	sor.u32 s8, s25;
	[dreg:$0x3] =	wrdreg s23;
	s6 =	sadd.s32 s19, s26  }
.Ltmp0:
0x10: {  	v0 =	vimm.s32 $0x0;
	v1 =	vimm.s32 $0xF;
	vm2 =	vcmask $0xB08;
	s2 =	sadd.s32 s19, s7;
	[dreg:$0x5] =	wrdreg s6;
	(pc) =	sbr.rel .LBB2_1-.Ltmp0, $4  }
0x11: {  	vm3 =	vcmask $0xF0C;
	vm4 =	vcmask $0x1310;
	vm5 =	vcmask $0x1714;
	s1 =	sadd.s32 s20, s1;
	s30 =	sshrl.u32 s28, $0x3;
	[dreg:$0x6] =	wrdreg s2  }
0x12: {  	vm6 =	vcmask $0x1B18;
	vm7 =	vcmask $0x1F1C;
	vm8 =	vcmask $0x2320;
	s31 =	sshrl.u32 s29, $0x3;
	[dreg:$0x7] =	wrdreg s1;
	s1 =	sadd.s32 s20, s30  }
0x13: {  	vm9 =	vcmask $0x2724;
	vm10 =	vcmask $0x2B28;
	vm11 =	vcmask $0x2F2C;
	s0 =	simm.s32 $0x0;
	s2 =	sadd.s32 s20, s31;
	[dreg:$0x8] =	wrdreg s1  }
0x14: {  	vm12 =	vcmask $0x3330;
	vm13 =	vcmask $0x3734;
	vm14 =	vcmask $0x3B38;
	s3 =	simm.s32 $0x0;
	s1 =	simm.s32 $0x1;
	[dreg:$0x9] =	wrdreg s2  }
.LBB2_58:
0x15: {  	s0 =	simm.s32 $0x0;
	s1 =	rddreg [dreg:$0x7];
	s2 =	simm.s32 $0x7000  }
0x16: {  	[hbm4b:s1+s0] =	stream.linear.scatter [tilespmem:s2], [sflag:$0x1], $0x800, $0x38;
	[tilespmem:$0x8800] =	vst v63  }
0x17: {  	s1 =	simm.s32 $0x1  }
0x18: {  	_ =	swait.ge [sflag:s1], $0x800  }
0x19: {  	[sflag:s1] =	ssyncset.done $0x0  }
0x1a: {  	s3 =	simm.s32 $0x7800;
	s26 =	rddreg [dreg:$0x8];
	[sflag:s1] =	ssyncadd.s32 $0xFFFFF800  }
0x1b: {  	[hbm4b:s26+s0] =	stream.linear.scatter [tilespmem:s3], [sflag:$0x1], $0x800, $0x38;
	[tilespmem:$0x8800] =	vst v63  }
0x1c: {  	_ =	swait.ge [sflag:s1], $0x800  }
0x1d: {  	[sflag:s1] =	ssyncset.done $0x0  }
0x1e: {  	s29 =	simm.s32 $0x8000;
	s28 =	rddreg [dreg:$0x9];
	[sflag:s1] =	ssyncadd.s32 $0xFFFFF800  }
0x1f: {  	[hbm4b:s28+s0] =	stream.linear.scatter [tilespmem:s29], [sflag:$0x1], $0x800, $0x38;
	[tilespmem:$0x8800] =	vst v63  }
0x20: {  	_ =	swait.ge [sflag:s1], $0x800  }
0x21: {  	s30 =	rddreg [dreg:$0xb]  }
0x22: {  	s31 =	rddreg [dreg:$0xa];
	s3 =	sadd.s32 $0x1, s30  }
0x23: {  	p0 =	sne.s32 s3, s31  }
.Ltmp1:
0x24: {  	_ = 	snop;
	(pc) =	sbr.rel @!p0 .LBB2_59-.Ltmp1, $3  }
0x25: {  	_ =	sdelay $0x1  }
0x26: {  	[sflag:s1] =	ssyncset.done $0x0  }
0x27: {  	[sflag:s1] =	ssyncadd.s32 $0xFFFFF800  }
.LBB2_1:
0x28: {  	[dreg:$0xb] =	wrdreg s3  }
0x29: {  	s2 =	rddreg [dreg:$0x3]  }
0x2a: {  	[tilespmem:s0], [sflag:$0x1] =	stream.linear.gather [hbm4b:s2+s0], $0x1000, $0x38;
	[tilespmem:$0x8800] =	vst v63  }
0x2b: {  	_ =	swait.ge [sflag:s1], $0x1000  }
0x2c: {  	[sflag:s1] =	ssyncset.done $0x0  }
0x2d: {  	s29 =	simm.s32 $0x1000;
	s28 =	rddreg [dreg:$0x5];
	[sflag:s1] =	ssyncadd.s32 $0xFFFFF000  }
0x2e: {  	[tilespmem:s29], [sflag:$0x1] =	stream.linear.gather [hbm4b:s28+s0], $0x1000, $0x38;
	[tilespmem:$0x8800] =	vst v63  }
0x2f: {  	_ =	swait.ge [sflag:s1], $0x1000  }
0x30: {  	[sflag:s1] =	ssyncset.done $0x0  }
0x31: {  	s31 =	simm.s32 $0x2000;
	s30 =	rddreg [dreg:$0x6];
	[sflag:s1] =	ssyncadd.s32 $0xFFFFF000  }
0x32: {  	[tilespmem:s31], [sflag:$0x1] =	stream.linear.gather [hbm4b:s30+s0], $0x1000, $0x38;
	[tilespmem:$0x8800] =	vst v63  }
0x33: {  	_ =	swait.ge [sflag:s1], $0x1000  }
0x34: {  	[sflag:s1] =	ssyncset.done $0x0  }
0x35: {  	[sflag:s1] =	ssyncadd.s32 $0xFFFFF000;
	s1 =	simm.s32 $0x0  }
0x36: {  	v2 =	vld [tilespmem:s1+$0x0]  }
0x37: {  	v3 =	vld [tilespmem:s1+$0x1000]  }
0x38: {  	v6 =	vld [tilespmem:s1+$0x2000];
	_ =	sdelay $0x3  }
0x39: {  	s0 =	simm.s32 $0x10;
	v5 =	vmul.f32 v2, v2;
	v7 =	vmul.f32 v3, v3;
	v8 =	vshrl.u32 v2, $0x10  }
0x3a: {  	v4 =	vld [tilespmem:s0+$0x0];
	v9 =	vshrl.u32 v3, $0x10;
	v10 =	vmul.f32 v6, v6;
	v11 =	vshrl.u32 v6, $0x10  }
0x3b: {  	v8 =	vand.u32 $0x1, v8;
	v9 =	vand.u32 $0x1, v9;
	v7 =	vadd.f32 v7, v5;
	v5 =	vld [tilespmem:s0+$0x1000]  }
0x3c: {  	v8 =	vadd.s32 v8, v2;
	v3 =	vadd.s32 v9, v3;
	v9 =	vand.u32 $0x1, v11  }
0x3d: {  	v2 =	vld [tilespmem:s0+$0x2000];
	v8 =	vadd.s32 $0x7FFF, v8;
	v6 =	vadd.s32 v9, v6  }
0x3e: {  	v3 =	vadd.s32 $0x7FFF, v3;
	v7 =	vadd.f32 v10, v7;
	v8 =	vand.u32 $0xFFFF0000, v8  }
0x3f: {  	v9 =	vshrl.u32 v4, $0x10;
	v6 =	vadd.s32 $0x7FFF, v6;
	v11 =	vand.u32 $0xFFFF0000, v3;
	[tilespmem:s1+$0x4000] =	vst v8  }
0x40: {  	s2 =	simm.s32 $0x20;
	[tilespmem:s1+$0x3000] =	vst v7;
	v7 =	vmul.f32 v4, v4;
	v8 =	vshrl.u32 v5, $0x10;
	v10 =	vmul.f32 v5, v5  }
0x41: {  	s3 =	simm.s32 $0xC0;
	v9 =	vand.u32 $0x1, v9;
	v6 =	vand.u32 $0xFFFF0000, v6;
	v3 =	vld [tilespmem:s2+$0x0];
	[tilespmem:s1+$0x5000] =	vst v11;
	v8 =	vand.u32 $0x1, v8  }
.LBB2_2:
0x42: {  	p0 =	sne.s32 s3, $0x3FC0;
	v11 =	vld [tilespmem:s2+$0x1000];
	v7 =	vadd.f32 v10, v7;
	v10 =	vmul.f32 v2, v2;
	v12 =	vshrl.u32 v2, $0x10;
	[tilespmem:s1+$0x6000] =	vst v6;
	s1 =	smov.u32 s0;
	s0 =	smov.u32 s2  }
0x43: {  	v4 =	vadd.s32 v9, v4;
	v5 =	vadd.s32 v8, v5;
	v6 =	vand.u32 $0x1, v12  }
.Ltmp2:
0x44: {  	v13 =	vadd.s32 $0x7FFF, v4;
	v7 =	vadd.f32 v10, v7;
	v6 =	vadd.s32 v6, v2;
	v2 =	vld [tilespmem:s0+$0x2000];
	(pc) =	sbr.rel @p0 .LBB2_2-.Ltmp2, $4  }
0x45: {  	v8 =	vand.u32 $0xFFFF0000, v13;
	v10 =	vadd.s32 $0x7FFF, v5;
	v14 =	vadd.s32 $0x7FFF, v6  }
0x46: {  	v12 =	vand.u32 $0xFFFF0000, v10;
	v9 =	vshrl.u32 v3, $0x10;
	[tilespmem:s1+$0x3000] =	vst v7;
	v6 =	vand.u32 $0xFFFF0000, v14;
	v4 =	vmovc v3  }
0x47: {  	s2 =	sshra.s32 s3, $0x2;
	v7 =	vmul.f32 v3, v4;
	v10 =	vmul.f32 v11, v11;
	v13 =	vshrl.u32 v11, $0x10;
	[tilespmem:s1+$0x4000] =	vst v8;
	v5 =	vmovc v11  }
0x48: {  	s3 =	sadd.s32 $0x40, s3;
	v9 =	vand.u32 $0x1, v9;
	v3 =	vld [tilespmem:s2+$0x0];
	v8 =	vand.u32 $0x1, v13;
	[tilespmem:s1+$0x5000] =	vst v12  }
0x49: {  	v11 =	vld [tilespmem:s2+$0x1000];
	v7 =	vadd.f32 v10, v7;
	[tilespmem:s1+$0x6000] =	vst v6;
	v51 =	vmul.f32 v2, v2  }
0x4a: {  	v52 =	vshrl.u32 v2, $0x10;
	v4 =	vadd.s32 v9, v4;
	v5 =	vadd.s32 v8, v5;
	v53 =	vld [tilespmem:s2+$0x2000]  }
0x4b: {  	v54 =	vand.u32 $0x1, v52;
	v4 =	vadd.s32 $0x7FFF, v4;
	v5 =	vadd.s32 $0x7FFF, v5  }
0x4c: {  	v6 =	vadd.f32 v51, v7;
	v2 =	vadd.s32 v54, v2;
	v4 =	vand.u32 $0xFFFF0000, v4  }
0x4d: {  	v5 =	vand.u32 $0xFFFF0000, v5;
	v2 =	vadd.s32 $0x7FFF, v2;
	v55 =	vmul.f32 v3, v3  }
0x4e: {  	v57 =	vshrl.u32 v3, $0x10;
	v2 =	vand.u32 $0xFFFF0000, v2;
	v56 =	vmul.f32 v11, v11  }
0x4f: {  	[tilespmem:s0+$0x4000] =	vst v4;
	v58 =	vshrl.u32 v11, $0x10;
	v60 =	vand.u32 $0x1, v57;
	v59 =	vmul.f32 v53, v53  }
0x50: {  	[tilespmem:s0+$0x3000] =	vst v6;
	v6 =	vand.u32 $0x1, v58;
	v61 =	vshrl.u32 v53, $0x10;
	v3 =	vadd.s32 v60, v3  }
0x51: {  	[tilespmem:s0+$0x6000] =	vst v2;
	v7 =	vadd.f32 v56, v55;
	v2 =	vadd.s32 v6, v11;
	v3 =	vadd.s32 $0x7FFF, v3  }
0x52: {  	[tilespmem:s0+$0x5000] =	vst v5;
	v5 =	vand.u32 $0x1, v61;
	v3 =	vand.u32 $0xFFFF0000, v3;
	v2 =	vadd.s32 $0x7FFF, v2  }
0x53: {  	v5 =	vadd.s32 v5, v53;
	v62 =	vadd.f32 v59, v7;
	v2 =	vand.u32 $0xFFFF0000, v2;
	[tilespmem:s2+$0x4000] =	vst v3  }
0x54: {  	v63 =	vadd.s32 $0x7FFF, v5;
	[tilespmem:s2+$0x5000] =	vst v2  }
0x55: {  	v3 =	vand.u32 $0xFFFF0000, v63;
	[tilespmem:s2+$0x3000] =	vst v62  }
0x56: {  	s1 =	simm.s32 $0x0;
	[tilespmem:s2+$0x6000] =	vst v3  }
.LBB2_4:
0x57: {  	s28 =	sshll.u32 s1, $0x4;
	s0 =	rddreg [dreg:$0x4]  }
0x58: {  	s0 =	sor.u32 s0, s28  }
0x59: {  	[dreg:$0xc] =	wrdreg s1;
	s1 =	sand.u32 $0x70, s28;
	s0 =	sand.u32 $0xF80, s0  }
0x5a: {  	s0 =	sor.u32 s1, s0  }
0x5b: {  	v8 =	vld [tilespmem:s0+$0x4000];
	_ =	sdelay $0x1  }
0x5c: {  	v7 =	vld [tilespmem:s0+$0x5000];
	_ =	sdelay $0x1  }
0x5d: {  	v6 =	vld [tilespmem:s0+$0x6000]  }
0x5e: {  	(v2sf) =	vpush v8, $0x0  }
0x5f: {  	v5 =	vld [tilespmem:s0+$0x3000];
	(v2sf) =	vpush v8, $0x1  }
0x60: {  	(v2sf) =	vpush v7, $0x0  }
0x61: {  	(v2sf) =	vpush v7, $0x1  }
0x62: {  	(v2sf) =	vpush v6, $0x0  }
0x63: {  	(v2sf) =	vpush v6, $0x1  }
0x64: {  	(v2sf) =	vpush v5, $0x0  }
0x65: {  	(v2sf) =	vpush v5, $0x1;
	_ =	sdelay $0x7  }
0x66: {  	[dreg:$0xe] =	wrdreg s1;
	s29 =	spop (v2sf)  }
0x67: {  	s2 =	spop (v2sf);
	s1 =	smul.f32 $-2.000000000e+00, s29  }
0x68: {  	s3 =	spop (v2sf);
	s2 =	smul.f32 $-2.000000000e+00, s2  }
0x69: {  	s4 =	spop (v2sf);
	s3 =	smul.f32 $-2.000000000e+00, s3  }
0x6a: {  	s5 =	spop (v2sf);
	s4 =	smul.f32 $-2.000000000e+00, s4  }
0x6b: {  	p2 =	por $0x1, $0x1;
	s6 =	spop (v2sf);
	s5 =	smul.f32 $-2.000000000e+00, s5  }
.Ltmp3:
0x6c: {  	s7 =	spop (v2sf);
	(pc) =	sbr.rel @!p2 .LBB2_5-.Ltmp3, $4  }
0x6d: {  	v4 =	vld [tilespmem:s0+$0x0];
	s7 =	ssub.f32 $0.0e+00, s7;
	s8 =	spop (v2sf)  }
0x6e: {  	v17 =	vimm.f32 $3.399999950e+38;
	v3 =	vld [tilespmem:s0+$0x1000];
	v12 =	vmov s1;
	v15 =	vmov s2;
	s30 =	smul.f32 $-2.000000000e+00, s6;
	s31 =	ssub.f32 $0.0e+00, s8  }
0x6f: {  	v2 =	vld [tilespmem:s0+$0x2000];
	s0 =	simm.s32 $0x0;
	v13 =	vmov s3;
	v16 =	vmov s4;
	v11 =	vmov s5  }
0x70: {  	p0 =	por $0x0, $0x0;
	p1 =	por $0x0, $0x0;
	[dreg:$0xd] =	wrdreg s28;
	v20 =	vld [tilespmem:s0+$0x4000];
	v14 =	vmov s30;
	v9 =	vmov s7;
	v10 =	vmov s31  }
0x71: {  	v18 =	vld [tilespmem:s0+$0x5000];
	_ =	sdelay $0x1  }
0x72: {  	v19 =	vld [tilespmem:s0+$0x6000];
	_ =	sdelay $0x2  }
0x73: {  	v21 =	vmul.f32 v20, v15;
	v22 =	vmul.f32 v18, v16;
	_ =	sdelay $0x1  }
0x74: {  	v23 =	vmul.f32 v19, v14;
	v22 =	vadd.f32 v22, v21  }
0x75: {  	p2 =	por $0x1, $0x1;
	v21 =	vld [tilespmem:s0+$0x3000]  }
.Ltmp4:
0x76: {  	v20 =	vmul.f32 v20, v12;
	v18 =	vmul.f32 v18, v13;
	v22 =	vadd.f32 v23, v22;
	(pc) =	sbr.rel @!p2 .LBB2_7-.Ltmp4, $4  }
0x77: {  	_ = 	snop  }
0x78: {  	v19 =	vmul.f32 v19, v11;
	v18 =	vadd.f32 v18, v20;
	v22 =	vsub.f32 v10, v22  }
0x79: {  	s0 =	simm.s32 $0x10  }
0x7a: {  	p0 =	por $0x1, $0x1;
	v20 =	vld [tilespmem:s0+$0x4000];
	v41 =	vadd.f32 v19, v18;
	v42 =	vsub.f32 v21, v22  }
0x7b: {  	v18 =	vld [tilespmem:s0+$0x5000];
	v36 =	vimm.f32 $3.399999950e+38;
	v37 =	vimm.f32 $3.399999950e+38  }
0x7c: {  	v19 =	vld [tilespmem:s0+$0x6000];
	v40 =	vimm.f32 $3.399999950e+38;
	v34 =	vimm.f32 $3.399999950e+38;
	v35 =	vimm.f32 $3.399999950e+38  }
0x7d: {  	v39 =	vimm.f32 $3.399999950e+38;
	v29 =	vmax.f32 v42, $0.0e+00;
	v22 =	vsub.f32 v9, v41  }
0x7e: {  	v38 =	vimm.f32 $3.399999950e+38;
	v33 =	vimm.f32 $3.399999950e+38;
	v31 =	vmax.f32 v17, v29  }
0x7f: {  	v23 =	vmax.f32 v17, v31;
	v22 =	vsub.f32 v21, v22;
	v24 =	vmul.f32 v20, v15  }
0x80: {  	v26 =	vmax.f32 v17, v23;
	v20 =	vmul.f32 v20, v12;
	v25 =	vmul.f32 v18, v16  }
0x81: {  	v27 =	vmax.f32 v17, v26;
	v30 =	vmul.f32 v18, v13;
	v32 =	vmul.f32 v19, v11  }
0x82: {  	v28 =	vmax.f32 v17, v27;
	v24 =	vadd.f32 v25, v24;
	v25 =	vmul.f32 v19, v14  }
0x83: {  	p2 =	por $0x1, $0x1;
	v21 =	vld [tilespmem:s0+$0x3000];
	v22 =	vmax.f32 v22, $0.0e+00;
	v18 =	vmax.f32 v17, v28;
	v20 =	vadd.f32 v30, v20  }
.Ltmp5:
0x84: {  	v19 =	vmin.f32 v17, v22;
	v24 =	vadd.f32 v25, v24;
	v25 =	vmax.f32 v17, v22;
	(pc) =	sbr.rel @!p2 .LBB2_9-.Ltmp5, $4  }
0x85: {  	v18 =	vmin.f32 v17, v18;
	v22 =	vmin.f32 v17, v25;
	v25 =	vmax.f32 v17, v25  }
0x86: {  	v41 =	vadd.f32 v32, v20;
	v30 =	vsub.f32 v10, v24;
	v20 =	vmax.f32 v17, v25  }
0x87: {  	s0 =	simm.s32 $0x20;
	v32 =	vimm.f32 $3.399999950e+38;
	v24 =	vmin.f32 v17, v25;
	v25 =	vmin.f32 v17, v20  }
0x88: {  	s1 =	simm.s32 $0xC0;
	p1 =	por $0x1, $0x1;
	v43 =	vmax.f32 v17, v20;
	v20 =	vld [tilespmem:s0+$0x4000];
	v42 =	vsub.f32 v21, v30;
	v30 =	vimm.f32 $3.399999950e+38  }
.LBB2_10:
0x89: {  	p2 =	sne.s32 s1, $0x3FC0;
	v44 =	vld [tilespmem:s0+$0x5000];
	v41 =	vsub.f32 v9, v41;
	v45 =	vmax.f32 v30, v43;
	v30 =	vmin.f32 v30, v43  }
0x8a: {  	v36 =	vmin.f32 v36, v29;
	v32 =	vmin.f32 v32, v45;
	v29 =	vmax.f32 v42, $0.0e+00  }
0x8b: {  	v37 =	vmin.f32 v37, v31;
	v42 =	vld [tilespmem:s0+$0x6000];
	v41 =	vsub.f32 v21, v41;
	v31 =	vmax.f32 v36, v29  }
0x8c: {  	v34 =	vmin.f32 v34, v23;
	v43 =	vmax.f32 v40, v45;
	v40 =	vmovc v32;
	v23 =	vmax.f32 v37, v31  }
0x8d: {  	v35 =	vmin.f32 v35, v26;
	v21 =	vmul.f32 v20, v15;
	v26 =	vmax.f32 v34, v23  }
0x8e: {  	v39 =	vmin.f32 v39, v27;
	v45 =	vmul.f32 v44, v16;
	v27 =	vmax.f32 v35, v26  }
0x8f: {  	v38 =	vmin.f32 v38, v28;
	v20 =	vmul.f32 v20, v12;
	v28 =	vmax.f32 v39, v27  }
0x90: {  	v45 =	vadd.f32 v45, v21;
	v46 =	vmul.f32 v42, v14;
	v47 =	vmax.f32 v38, v28  }
0x91: {  	v44 =	vmul.f32 v44, v13;
	v42 =	vmul.f32 v42, v11;
	v21 =	vld [tilespmem:s0+$0x3000];
	v18 =	vmin.f32 v18, v47  }
.Ltmp6:
0x92: {  	v33 =	vmin.f32 v33, v43;
	v41 =	vmax.f32 v41, $0.0e+00;
	v45 =	vadd.f32 v46, v45;
	(pc) =	sbr.rel @p2 .LBB2_10-.Ltmp6, $4  }
0x93: {  	v43 =	vmax.f32 v19, v41;
	v19 =	vmin.f32 v19, v41;
	v20 =	vadd.f32 v44, v20  }
0x94: {  	v44 =	vsub.f32 v10, v45;
	v45 =	vmax.f32 v22, v43;
	v22 =	vmin.f32 v22, v43  }
0x95: {  	s0 =	sshra.s32 s1, $0x2;
	v41 =	vadd.f32 v42, v20;
	v46 =	vmax.f32 v24, v45;
	v24 =	vmin.f32 v24, v45  }
0x96: {  	s1 =	sadd.s32 $0x40, s1;
	v20 =	vld [tilespmem:s0+$0x4000];
	v42 =	vsub.f32 v21, v44;
	v43 =	vmax.f32 v25, v46;
	v25 =	vmin.f32 v25, v46  }
.LBB2_11:
0x97: {  	v41 =	vsub.f32 @p0 v9, v41  }
0x98: {  	v44 =	vmin.f32 @p1 v30, v43;
	v29 =	vmin.f32 @p1 v36, v29;
	v31 =	vmin.f32 @p1 v37, v31  }
0x99: {  	v30 =	vmax.f32 @p1 v30, v43;
	v23 =	vmin.f32 @p1 v34, v23;
	v26 =	vmin.f32 @p1 v35, v26  }
0x9a: {  	v27 =	vmin.f32 @p1 v39, v27;
	v28 =	vmin.f32 @p1 v38, v28;
	v36 =	vmax.f32 @p0 v42, $0.0e+00  }
0x9b: {  	v29 =	vpsel p1, v29, v17;
	v31 =	vpsel p1, v31, v17;
	v32 =	vmin.f32 @p1 v32, v30  }
0x9c: {  	v52 =	vld [tilespmem:s0+$0x5000];
	v30 =	vmax.f32 @p1 v40, v30;
	v23 =	vpsel p1, v23, v17;
	v26 =	vpsel p1, v26, v17  }
0x9d: {  	v53 =	vld [tilespmem:s0+$0x6000];
	v27 =	vpsel p1, v27, v17;
	v28 =	vpsel p1, v28, v17;
	v42 =	vmax.f32 @p0 v29, v36  }
0x9e: {  	v21 =	vsub.f32 @p0 v21, v41;
	v32 =	vpsel p1, v32, v17;
	v30 =	vmin.f32 @p1 v33, v30  }
0x9f: {  	v36 =	vpsel p0, v36, v0;
	v41 =	vmax.f32 @p0 v31, v42;
	v30 =	vpsel p1, v30, v17  }
0xa0: {  	v54 =	vmul.f32 v20, v15;
	v35 =	vmax.f32 @p0 v23, v41;
	v20 =	vmul.f32 v20, v12  }
0xa1: {  	v21 =	vmax.f32 @p0 v21, $0.0e+00;
	v38 =	vpsel p0, v41, v0;
	v55 =	vmul.f32 v52, v16  }
0xa2: {  	v40 =	vmax.f32 @p0 v26, v35;
	v56 =	vmul.f32 v53, v14;
	v37 =	vmul.f32 v52, v13  }
0xa3: {  	v43 =	vmul.f32 v53, v11;
	v33 =	vmax.f32 @p0 v19, v21;
	v19 =	vmin.f32 @p0 v19, v21  }
0xa4: {  	v35 =	vpsel p0, v35, v0;
	v23 =	vmin.f32 @p0 v23, v38;
	v45 =	vmax.f32 @p0 v27, v40  }
0xa5: {  	v21 =	vmax.f32 @p0 v22, v33;
	v22 =	vmin.f32 @p0 v22, v33;
	v40 =	vpsel p0, v40, v0  }
0xa6: {  	v19 =	vpsel p0, v19, v17;
	v61 =	vpsel p0, v23, v17;
	v34 =	vadd.f32 v55, v54  }
0xa7: {  	v39 =	vmax.f32 @p0 v28, v45;
	v20 =	vadd.f32 v37, v20;
	v33 =	vmax.f32 @p0 v24, v21  }
0xa8: {  	v21 =	vmin.f32 @p0 v24, v21;
	v37 =	vpsel p0, v42, v0;
	v41 =	vpsel p0, v45, v0  }
0xa9: {  	v22 =	vpsel p0, v22, v17;
	v39 =	vmin.f32 @p0 v18, v39;
	v24 =	vmax.f32 @p0 v25, v33  }
0xaa: {  	v46 =	vld [tilespmem:s0+$0x3000];
	v25 =	vmin.f32 @p0 v25, v33;
	v33 =	vpsel p1, v44, v17;
	v57 =	vpsel p0, v21, v17  }
0xab: {  	v28 =	vmin.f32 @p0 v28, v41;
	v18 =	vadd.f32 v56, v34;
	v24 =	vpsel p0, v24, v0  }
0xac: {  	v20 =	vadd.f32 v43, v20;
	v25 =	vpsel p0, v25, v17;
	v43 =	vmin.f32 @p0 v33, v24  }
0xad: {  	v21 =	vmax.f32 @p0 v33, v24;
	v24 =	vmin.f32 @p0 v29, v36;
	v18 =	vsub.f32 v10, v18  }
0xae: {  	v41 =	vpsel p0, v28, v17;
	v34 =	vmovc @p0 v32;
	v20 =	vsub.f32 v9, v20;
	v29 =	vpsel p0, v24, v17  }
0xaf: {  	v24 =	vmin.f32 @p0 v31, v37;
	v34 =	vpsel p0, v34, v0;
	v18 =	vsub.f32 v46, v18  }
0xb0: {  	v59 =	vpsel p0, v24, v17;
	v24 =	vimm.s32 $0x0;
	v20 =	vsub.f32 v46, v20  }
0xb1: {  	v58 =	vmax.f32 v18, $0.0e+00;
	v18 =	vmin.f32 @p0 v32, v21;
	v21 =	vmax.f32 @p0 v34, v21  }
0xb2: {  	v20 =	vmax.f32 v20, $0.0e+00;
	v31 =	vmax.f32 v29, v58;
	v62 =	vpsel p0, v18, v17  }
0xb3: {  	v18 =	vmin.f32 @p0 v26, v35;
	v26 =	vmin.f32 @p0 v30, v21;
	v60 =	vmax.f32 v59, v31  }
0xb4: {  	v35 =	vpsel p0, v18, v17;
	v18 =	vmin.f32 @p0 v27, v40;
	v27 =	vpsel p0, v43, v17  }
0xb5: {  	v30 =	vpsel p0, v26, v17;
	v63 =	vmax.f32 v61, v60;
	v49 =	vpsel p0, v18, v17  }
0xb6: {  	v18 =	vmax.f32 v19, v20;
	v20 =	vmin.f32 v19, v20;
	v17 =	vpsel p0, v39, v17  }
0xb7: {  	v48 =	vmax.f32 v35, v63;
	v23 =	vmax.f32 v22, v18;
	v21 =	vmin.f32 v22, v18  }
0xb8: {  	v18 =	vimm.s32 $0x7F7FFFFF;
	v19 =	vmax.f32 v57, v23;
	v22 =	vmin.f32 v57, v23  }
0xb9: {  	v26 =	vsub.s32 v18, v24;
	v23 =	vmin.f32 v25, v19;
	v19 =	vmax.f32 v25, v19  }
0xba: {  	v25 =	vmin.f32 v27, v19;
	v19 =	vmax.f32 v27, v19;
	v27 =	vshrl.u32 v26, $0x1  }
0xbb: {  	v26 =	vmin.f32 v62, v19;
	v37 =	vmax.f32 v62, v19;
	v19 =	vadd.s32 v24, v27  }
0xbc: {  	v27 =	vmin.f32 v30, v37;
	vm0 =	vge.s32 v19, v20;
	vm1 =	vge.s32 v19, v21  }
0xbd: {  	vm15 =	vge.s32 v19, v22;
	v30 =	vsel vm0, $0x1, v0;
	v51 =	vsel vm1, $0x1, v0  }
0xbe: {  	vm0 =	vge.s32 v19, v23;
	v52 =	vsel vm15, $0x1, v0;
	v30 =	vadd.s32 v51, v30  }
0xbf: {  	vm1 =	vge.s32 v19, v25;
	v53 =	vsel vm0, $0x1, v0;
	v30 =	vadd.s32 v52, v30  }
0xc0: {  	vm0 =	vge.s32 v19, v26;
	v54 =	vsel vm1, $0x1, v0;
	v30 =	vadd.s32 v53, v30  }
0xc1: {  	v55 =	vsel vm0, $0x1, v0;
	vm0 =	vge.s32 v19, v27;
	v30 =	vadd.s32 v54, v30  }
0xc2: {  	v50 =	vmax.f32 v49, v48;
	v28 =	vadd.s32 v55, v30;
	v30 =	vsel vm0, $0x1, v0  }
0xc3: {  	v33 =	vmin.f32 v49, v48;
	v56 =	vmax.f32 v41, v50;
	v28 =	vadd.s32 v30, v28  }
0xc4: {  	v34 =	vmin.f32 v41, v50;
	v17 =	vmin.f32 v17, v56;
	v30 =	vmin.f32 v61, v60;
	(xrf0) =	vadd.scan.msk.s32 $0xffff, v28  }
0xc5: {  	v28 =	vmin.f32 v29, v58;
	v29 =	vmin.f32 v59, v31;
	v31 =	vmin.f32 v35, v63  }
0xc6: {  	vm0 =	vge.s32 v19, v28;
	vm1 =	vge.s32 v19, v29;
	vm15 =	vge.s32 v19, v31  }
0xc7: {  	v57 =	vsel vm0, $0x1, v0;
	v58 =	vsel vm1, $0x1, v0;
	vm0 =	vge.s32 v19, v30  }
0xc8: {  	v60 =	vsel vm15, $0x1, v0;
	v32 =	vadd.s32 v58, v57;
	v59 =	vsel vm0, $0x1, v0  }
0xc9: {  	vm1 =	vge.s32 v19, v34;
	vm0 =	vge.s32 v19, v33;
	v32 =	vadd.s32 v59, v32  }
0xca: {  	v63 =	vsel vm1, $0x1, v0;
	v62 =	vsel vm0, $0x1, v0;
	v32 =	vadd.s32 v60, v32;
	v61, _, _ =	vpop (xrf0)  }
0xcb: {  	vm1 =	vge.s32 v19, v17;
	v32 =	vadd.s32 v62, v32;
	v36 =	vperm.xlane v61, v1  }
0xcc: {  	v37 =	vadd.s32 $0x1, v19;
	v39 =	vsel vm1, $0x1, v0;
	v38 =	vadd.s32 v63, v32  }
0xcd: {  	s0 =	simm.s32 $0x1E;
	v35 =	vmovc v19;
	v32 =	vimm.s32 $0x7F7FFFFF;
	vm0 =	vgt.s32 v36, $0x13;
	v36 =	vimm.s32 $0x0  }
.LBB2_12:
0xce: {  	p0 =	sne.s32 s0, $0x1;
	s0 =	sadd.s32 $0xFFFFFFFF, s0;
	v24 =	vsel vm0, v24, v37;
	v18 =	vsel vm0, v19, v18;
	v19 =	vadd.s32 v39, v38  }
0xcf: {  	v37 =	vsub.s32 v18, v24;
	(xrf0) =	vadd.scan.msk.s32 $0xffff, v19  }
0xd0: {  	v19 =	vshrl.u32 v37, $0x1  }
0xd1: {  	v37 =	vadd.s32 $0x1, v35;
	v19 =	vadd.s32 v24, v19  }
0xd2: {  	vm0 =	vge.s32 v19, v20;
	vm1 =	vge.s32 v19, v21;
	vm15 =	vge.s32 v19, v22  }
0xd3: {  	v38 =	vsel vm0, $0x1, v0;
	v39 =	vsel vm1, $0x1, v0;
	vm0 =	vge.s32 v19, v23  }
0xd4: {  	vm1 =	vge.s32 v19, v25;
	v38 =	vadd.s32 v39, v38;
	v39 =	vsel vm15, $0x1, v0  }
0xd5: {  	v38 =	vadd.s32 v39, v38;
	v39 =	vsel vm0, $0x1, v0;
	vm0 =	vge.s32 v19, v26;
	v40, _, _ =	vpop (xrf0)  }
0xd6: {  	v38 =	vadd.s32 v39, v38;
	v39 =	vsel vm1, $0x1, v0;
	v40 =	vperm.xlane v40, v1  }
0xd7: {  	v38 =	vadd.s32 v39, v38;
	v39 =	vsel vm0, $0x1, v0;
	vm0 =	vge.s32 v19, v27  }
0xd8: {  	v38 =	vadd.s32 v39, v38;
	v39 =	vsel vm0, $0x1, v0;
	vm0 =	vgt.s32 v40, $0x13  }
0xd9: {  	v38 =	vadd.s32 v39, v38;
	v36 =	vsel vm0, v36, v37;
	v32 =	vsel vm0, v35, v32  }
0xda: {  	v35 =	vsub.s32 v32, v36;
	(xrf0) =	vadd.scan.msk.s32 $0xffff, v38  }
0xdb: {  	v35 =	vshrl.u32 v35, $0x1  }
0xdc: {  	v37 =	vadd.s32 $0x1, v19;
	v35 =	vadd.s32 v36, v35  }
0xdd: {  	vm0 =	vge.s32 v35, v28;
	vm1 =	vge.s32 v35, v29;
	vm15 =	vge.s32 v35, v31  }
0xde: {  	v38 =	vsel vm0, $0x1, v0;
	v39 =	vsel vm1, $0x1, v0;
	vm0 =	vge.s32 v35, v30  }
.Ltmp7:
0xdf: {  	v38 =	vadd.s32 v39, v38;
	v39 =	vsel vm0, $0x1, v0;
	vm0 =	vge.s32 v35, v33;
	(pc) =	sbr.rel @p0 .LBB2_12-.Ltmp7, $4  }
0xe0: {  	vm1 =	vge.s32 v35, v34;
	v38 =	vadd.s32 v39, v38;
	v39 =	vsel vm15, $0x1, v0;
	v40, _, _ =	vpop (xrf0)  }
0xe1: {  	v40 =	vperm.xlane v40, v1;
	v38 =	vadd.s32 v39, v38;
	v39 =	vsel vm0, $0x1, v0  }
0xe2: {  	v38 =	vadd.s32 v39, v38;
	v39 =	vsel vm1, $0x1, v0;
	vm1 =	vge.s32 v35, v17  }
0xe3: {  	vm0 =	vgt.s32 v40, $0x13;
	v38 =	vadd.s32 v39, v38;
	v39 =	vsel vm1, $0x1, v0  }
0xe4: {  	s1 =	simm.s32 $0x0  }
0xe5: {  	v17 =	vld [tilespmem:s1+$0x4000]  }
0xe6: {  	v21 =	vld [tilespmem:s1+$0x5000]  }
0xe7: {  	v20 =	vadd.s32 v39, v38  }
0xe8: {  	(xrf0) =	vadd.scan.msk.s32 $0xffff, v20;
	v20 =	vld [tilespmem:s1+$0x6000];
	_ =	sdelay $0x2  }
0xe9: {  	v22 =	vmul.f32 v17, v15;
	v23 =	vmul.f32 v21, v16  }
0xea: {  	s0 =	simm.s32 $0x10;
	v25 =	vld [tilespmem:s1+$0x3000];
	v17 =	vmul.f32 v17, v12;
	v21 =	vmul.f32 v21, v13  }
0xeb: {  	v27 =	vld [tilespmem:s0+$0x5000];
	v22 =	vadd.f32 v23, v22;
	v23 =	vmul.f32 v20, v14  }
0xec: {  	v26 =	vld [tilespmem:s0+$0x4000];
	v17 =	vadd.f32 v21, v17;
	v20 =	vmul.f32 v20, v11  }
0xed: {  	v24, _, _ =	vpop (xrf0);
	v21 =	vadd.f32 v23, v22  }
0xee: {  	v29 =	vld [tilespmem:s0+$0x6000];
	v24 =	vperm.xlane v24, v1;
	v17 =	vadd.f32 v20, v17  }
0xef: {  	v18 =	vsel vm0, v19, v18;
	v20 =	vsub.f32 v10, v21  }
0xf0: {  	v28 =	vld [tilespmem:s1+$0x2000];
	v30 =	vmul.f32 v27, v16;
	vm1 =	vgt.s32 v24, $0x13;
	v17 =	vsub.f32 v9, v17  }
0xf1: {  	v23 =	vld [tilespmem:s1+$0x0];
	v21 =	vmul.f32 v26, v12;
	v26 =	vmul.f32 v26, v15;
	v20 =	vsub.f32 v25, v20  }
0xf2: {  	v24 =	vld [tilespmem:s1+$0x1000];
	v19 =	vsel vm1, v35, v32;
	v17 =	vsub.f32 v25, v17;
	v25 =	vmul.f32 v27, v13  }
0xf3: {  	v26 =	vadd.f32 v30, v26;
	v30 =	vmul.f32 v29, v14;
	vm15 =	vle.f32 v20, v19;
	v20 =	vld [tilespmem:s0+$0x0]  }
0xf4: {  	v36 =	vmul.f32 v29, v11;
	v35 =	vadd.f32 v25, v21;
	v21 =	vld [tilespmem:s0+$0x1000]  }
0xf5: {  	v22 =	vimm.f32 $-3.399999950e+38;
	vm0 =	vle.f32 v17, v18;
	v34 =	vadd.f32 v30, v26  }
0xf6: {  	v25 =	vimm.f32 $-3.399999950e+38;
	v26 =	vimm.f32 $-3.399999950e+38;
	v27 =	vnsel vm15, $0xFF7FC99E, v28  }
0xf7: {  	s1 =	simm.s32 $0x20;
	v29 =	vld [tilespmem:s0+$0x3000];
	v31 =	vnsel vm0, $0xFF7FC99E, v23;
	v33 =	vnsel vm0, $0xFF7FC99E, v24;
	v32 =	vnsel vm0, $0xFF7FC99E, v28  }
0xf8: {  	s2 =	simm.s32 $0xC0;
	v30 =	vld [tilespmem:s1+$0x4000];
	v28 =	vimm.f32 $-3.399999950e+38;
	v17 =	vmax.f32 v22, v27;
	v27 =	vimm.f32 $-3.399999950e+38  }
.LBB2_14:
0xf9: {  	p0 =	sne.s32 s2, $0x3FC0;
	v37 =	vld [tilespmem:s1+$0x5000];
	v35 =	vadd.f32 v36, v35;
	v36 =	vnsel vm15, $0xFF7FC99E, v23;
	v38 =	vnsel vm15, $0xFF7FC99E, v24;
	v23 =	vmovc v20;
	v24 =	vmovc v21  }
0xfa: {  	v22 =	vmax.f32 v22, v31;
	v25 =	vmax.f32 v25, v33;
	v39 =	vld [tilespmem:s0+$0x2000];
	v21 =	vsub.f32 v10, v34;
	s0 =	smov.u32 s1  }
0xfb: {  	v27 =	vmax.f32 v27, v32;
	v28 =	vmax.f32 v28, v36;
	v31 =	vld [tilespmem:s0+$0x6000];
	v33 =	vsub.f32 v9, v35  }
0xfc: {  	v26 =	vmax.f32 v26, v38;
	v20 =	vld [tilespmem:s0+$0x0];
	v32 =	vsub.f32 v29, v21  }
0xfd: {  	v21 =	vld [tilespmem:s0+$0x1000];
	v34 =	vmul.f32 v30, v12;
	v29 =	vsub.f32 v29, v33  }
.Ltmp8:
0xfe: {  	v30 =	vmul.f32 v30, v15;
	v33 =	vmul.f32 v37, v16;
	vm15 =	vle.f32 v32, v19;
	(pc) =	sbr.rel @p0 .LBB2_14-.Ltmp8, $4  }
0xff: {  	v32 =	vmul.f32 v37, v13;
	vm0 =	vle.f32 v29, v18;
	v29 =	vnsel vm15, $0xFF7FC99E, v39  }
0x100: {  	v33 =	vadd.f32 v33, v30;
	v37 =	vmul.f32 v31, v14;
	v17 =	vmax.f32 v17, v29  }
0x101: {  	s1 =	sshra.s32 s2, $0x2;
	v35 =	vadd.f32 v32, v34;
	v36 =	vmul.f32 v31, v11;
	v31 =	vnsel vm0, $0xFF7FC99E, v23;
	v29 =	vld [tilespmem:s0+$0x3000]  }
0x102: {  	s2 =	sadd.s32 $0x40, s2;
	v32 =	vnsel vm0, $0xFF7FC99E, v39;
	v30 =	vld [tilespmem:s1+$0x4000];
	v34 =	vadd.f32 v37, v33;
	v33 =	vnsel vm0, $0xFF7FC99E, v24  }
0x103: {  	(v2sf) =	vpush v8, $0x2  }
0x104: {  	(v2sf) =	vpush v8, $0x3  }
0x105: {  	(v2sf) =	vpush v7, $0x2  }
0x106: {  	(v2sf) =	vpush v7, $0x3  }
0x107: {  	(v2sf) =	vpush v6, $0x2  }
0x108: {  	(v2sf) =	vpush v6, $0x3  }
0x109: {  	v35 =	vadd.f32 v36, v35;
	v23 =	vnsel vm15, $0xFF7FC99E, v23;
	v24 =	vnsel vm15, $0xFF7FC99E, v24  }
0x10a: {  	v37 =	vld [tilespmem:s1+$0x5000];
	v22 =	vmax.f32 v22, v31;
	v25 =	vmax.f32 v25, v33;
	v27 =	vmax.f32 v27, v32  }
0x10b: {  	v36 =	vimm.f32 $3.399999950e+38;
	v32 =	vimm.f32 $3.399999950e+38;
	(v2sf) =	vpush v5, $0x2  }
0x10c: {  	v61 =	vld [tilespmem:s1+$0x6000];
	v33 =	vimm.f32 $3.399999950e+38;
	v34 =	vsub.f32 v10, v34;
	(v2sf) =	vpush v5, $0x3  }
0x10d: {  	v38 =	vld [tilespmem:s0+$0x2000];
	v23 =	vmax.f32 v28, v23;
	v24 =	vmax.f32 v26, v24;
	v31 =	vsub.f32 v9, v35  }
0x10e: {  	v35 =	vimm.f32 $3.399999950e+38;
	v28 =	vsub.f32 v29, v34;
	v15 =	vmul.f32 v30, v15  }
0x10f: {  	v34 =	vimm.f32 $3.399999950e+38;
	v12 =	vmul.f32 v30, v12;
	v16 =	vmul.f32 v37, v16  }
0x110: {  	v26 =	vsub.f32 v29, v31;
	v13 =	vmul.f32 v37, v13;
	vm0 =	vle.f32 v28, v19  }
0x111: {  	v14 =	vmul.f32 v61, v14;
	v11 =	vmul.f32 v61, v11;
	v15 =	vadd.f32 v16, v15  }
0x112: {  	s2 =	simm.s32 $0x0;
	v28 =	vld [tilespmem:s1+$0x3000];
	vm1 =	vle.f32 v26, v18;
	v16 =	vnsel vm0, $0xFF7FC99E, v38;
	v12 =	vadd.f32 v13, v12;
	s24 =	spop (v2sf)  }
0x113: {  	v26 =	vld [tilespmem:s2+$0x4000];
	v13 =	vmax.f32 v17, v16;
	v16 =	vnsel vm1, $0xFF7FC99E, v21;
	v14 =	vadd.f32 v14, v15;
	s3 =	spop (v2sf)  }
0x114: {  	v17 =	vnsel vm1, $0xFF7FC99E, v38;
	v15 =	vnsel vm1, $0xFF7FC99E, v20;
	v11 =	vadd.f32 v11, v12;
	v12 =	vld [tilespmem:s2+$0x5000];
	s4 =	spop (v2sf)  }
0x115: {  	v29 =	vld [tilespmem:s1+$0x2000];
	v20 =	vnsel vm0, $0xFF7FC99E, v20;
	v25 =	vmax.f32 v25, v16;
	v10 =	vsub.f32 v10, v14;
	s3 =	smul.f32 $-2.000000000e+00, s3;
	s5 =	spop (v2sf)  }
0x116: {  	v27 =	vmax.f32 v27, v17;
	v14 =	vnsel vm0, $0xFF7FC99E, v21;
	v9 =	vsub.f32 v9, v11;
	v11 =	vld [tilespmem:s2+$0x6000];
	s6 =	spop (v2sf);
	s5 =	smul.f32 $-2.000000000e+00, s5  }
0x117: {  	v31 =	vld [tilespmem:s1+$0x1000];
	v30 =	vmax.f32 v22, v15;
	v14 =	vmax.f32 v24, v14;
	v10 =	vsub.f32 v28, v10;
	s7 =	spop (v2sf)  }
0x118: {  	v21 =	vld [tilespmem:s1+$0x0];
	v9 =	vsub.f32 v28, v9;
	v16 =	vmov s3;
	s25 =	smul.f32 $-2.000000000e+00, s7;
	v17 =	vmov s5  }
0x119: {  	v28 =	vmax.f32 v23, v20;
	v15 =	vmul.f32 v26, v16;
	v20 =	vmul.f32 v12, v17  }
0x11a: {  	vm0 =	vle.f32 v10, v19;
	vm1 =	vle.f32 v9, v18;
	s26 =	spop (v2sf);
	v18 =	vmov s25  }
0x11b: {  	v9 =	vnsel vm0, $0xFF7FC99E, v29;
	s0 =	smul.f32 $-2.000000000e+00, s24;
	s28 =	spop (v2sf);
	v10 =	vadd.f32 v20, v15;
	v15 =	vmul.f32 v11, v18  }
0x11c: {  	v19 =	vnsel vm1, $0xFF7FC99E, v31;
	v23 =	vnsel vm1, $0xFF7FC99E, v29;
	v9 =	vmax.f32 v13, v9;
	v13 =	vld [tilespmem:s2+$0x3000];
	s4 =	smul.f32 $-2.000000000e+00, s4;
	s1 =	ssub.f32 $0.0e+00, s28  }
0x11d: {  	[tilespmem:$0x1FFA0] =	vst v9;
	v9 =	vnsel vm1, $0xFF7FC99E, v21;
	v22 =	vmov s0;
	v10 =	vadd.f32 v15, v10  }
0x11e: {  	v24 =	vmul.f32 v26, v22;
	s29 =	smul.f32 $-2.000000000e+00, s6;
	v20 =	vmov s4;
	v15 =	vmov s1  }
0x11f: {  	s30 =	simm.s32 $0x10;
	v9 =	vmax.f32 v30, v9;
	v12 =	vmul.f32 v12, v20;
	v10 =	vsub.f32 v15, v10  }
0x120: {  	v62 =	vld [tilespmem:s30+$0x4000];
	v29 =	vnsel vm0, $0xFF7FC99E, v21;
	[tilespmem:$0x1FFB0] =	vst v9;
	v9 =	vmax.f32 v25, v19;
	v21 =	vmov s29  }
0x121: {  	v63 =	vld [tilespmem:s30+$0x5000];
	v11 =	vmul.f32 v11, v21;
	v12 =	vadd.f32 v12, v24;
	v10 =	vsub.f32 v13, v10  }
0x122: {  	v37 =	vimm.f32 $3.399999950e+38;
	v31 =	vnsel vm0, $0xFF7FC99E, v31;
	[tilespmem:$0x1FFC0] =	vst v9;
	v9 =	vmax.f32 v27, v23;
	s31 =	ssub.f32 $0.0e+00, s26  }
0x123: {  	v23 =	vimm.f32 $3.399999950e+38;
	[tilespmem:$0x1FFD0] =	vst v9;
	v9 =	vadd.f32 v11, v12;
	v26 =	vmax.f32 v10, $0.0e+00;
	v10 =	vld [tilespmem:s30+$0x6000]  }
0x124: {  	v19 =	vmov s31;
	v11 =	vmax.f32 v28, v29;
	v27 =	vmax.f32 v23, v26  }
0x125: {  	[tilespmem:$0x1FFE0] =	vst v11;
	v11 =	vmax.f32 v14, v31;
	v9 =	vsub.f32 v19, v9;
	v28 =	vmax.f32 v23, v27  }
0x126: {  	v12 =	vmul.f32 v63, v17;
	[tilespmem:$0x1FFF0] =	vst v11;
	v11 =	vmul.f32 v62, v16;
	v24 =	vmax.f32 v23, v28  }
0x127: {  	v30 =	vmul.f32 v63, v20;
	v13 =	vsub.f32 v13, v9;
	v25 =	vmax.f32 v23, v24  }
0x128: {  	v11 =	vadd.f32 v12, v11;
	v14 =	vmax.f32 v23, v25;
	v12 =	vmul.f32 v10, v18  }
0x129: {  	v38 =	vld [tilespmem:s30+$0x3000];
	v29 =	vmul.f32 v62, v22;
	v31 =	vmul.f32 v10, v21;
	v9 =	vmax.f32 v23, v14  }
0x12a: {  	v9 =	vmin.f32 v23, v9;
	v11 =	vadd.f32 v12, v11;
	v12 =	vmax.f32 v13, $0.0e+00  }
0x12b: {  	v13 =	vadd.f32 v30, v29;
	v10 =	vmin.f32 v23, v12;
	v12 =	vmax.f32 v23, v12  }
0x12c: {  	v29 =	vsub.f32 v15, v11;
	v11 =	vmin.f32 v23, v12;
	v30 =	vmax.f32 v23, v12  }
0x12d: {  	v40 =	vadd.f32 v31, v13;
	v12 =	vmin.f32 v23, v30;
	v30 =	vmax.f32 v23, v30  }
0x12e: {  	s0 =	simm.s32 $0x20;
	v31 =	vimm.f32 $3.399999950e+38;
	v41 =	vsub.f32 v38, v29;
	v13 =	vmin.f32 v23, v30  }
0x12f: {  	v39 =	vld [tilespmem:s0+$0x4000];
	s1 =	simm.s32 $0xC0;
	v42 =	vmax.f32 v23, v30;
	v30 =	vimm.f32 $3.399999950e+38;
	v29 =	vimm.f32 $3.399999950e+38  }
.LBB2_16:
0x130: {  	p0 =	sne.s32 s1, $0x3FC0;
	v43 =	vld [tilespmem:s0+$0x5000];
	v40 =	vsub.f32 v19, v40;
	v44 =	vmax.f32 v23, v42;
	v23 =	vmin.f32 v23, v42  }
0x131: {  	v37 =	vmin.f32 v37, v26;
	v36 =	vmin.f32 v36, v44;
	v26 =	vmax.f32 v41, $0.0e+00  }
0x132: {  	v34 =	vmin.f32 v34, v27;
	v41 =	vld [tilespmem:s0+$0x6000];
	v40 =	vsub.f32 v38, v40;
	v27 =	vmax.f32 v37, v26  }
0x133: {  	v35 =	vmin.f32 v35, v28;
	v42 =	vmax.f32 v30, v44;
	v30 =	vmovc v36;
	v28 =	vmax.f32 v34, v27  }
0x134: {  	v32 =	vmin.f32 v32, v24;
	v38 =	vmul.f32 v39, v16;
	v24 =	vmax.f32 v35, v28  }
0x135: {  	v33 =	vmin.f32 v33, v25;
	v44 =	vmul.f32 v43, v17;
	v25 =	vmax.f32 v32, v24  }
0x136: {  	v31 =	vmin.f32 v31, v14;
	v39 =	vmul.f32 v39, v22;
	v14 =	vmax.f32 v33, v25  }
0x137: {  	v44 =	vadd.f32 v44, v38;
	v45 =	vmul.f32 v41, v18;
	v46 =	vmax.f32 v31, v14  }
0x138: {  	v43 =	vmul.f32 v43, v20;
	v41 =	vmul.f32 v41, v21;
	v38 =	vld [tilespmem:s0+$0x3000];
	v9 =	vmin.f32 v9, v46  }
.Ltmp9:
0x139: {  	v29 =	vmin.f32 v29, v42;
	v40 =	vmax.f32 v40, $0.0e+00;
	v44 =	vadd.f32 v45, v44;
	(pc) =	sbr.rel @p0 .LBB2_16-.Ltmp9, $4  }
0x13a: {  	v42 =	vmax.f32 v10, v40;
	v10 =	vmin.f32 v10, v40;
	v39 =	vadd.f32 v43, v39  }
0x13b: {  	v43 =	vsub.f32 v15, v44;
	v44 =	vmax.f32 v11, v42;
	v11 =	vmin.f32 v11, v42  }
0x13c: {  	s0 =	sshra.s32 s1, $0x2;
	v40 =	vadd.f32 v41, v39;
	v45 =	vmax.f32 v12, v44;
	v12 =	vmin.f32 v12, v44  }
0x13d: {  	s1 =	sadd.s32 $0x40, s1;
	v39 =	vld [tilespmem:s0+$0x4000];
	v41 =	vsub.f32 v38, v43;
	v42 =	vmax.f32 v13, v45;
	v13 =	vmin.f32 v13, v45  }
0x13e: {  	v40 =	vsub.f32 v19, v40;
	v44 =	vmin.f32 v23, v42;
	v23 =	vmax.f32 v23, v42  }
0x13f: {  	v26 =	vmin.f32 v37, v26;
	v27 =	vmin.f32 v34, v27;
	v28 =	vmin.f32 v35, v28  }
0x140: {  	v43 =	vld [tilespmem:s0+$0x5000];
	v24 =	vmin.f32 v32, v24;
	v25 =	vmin.f32 v33, v25;
	v31 =	vmin.f32 v31, v14  }
0x141: {  	v50 =	vld [tilespmem:s0+$0x6000];
	v41 =	vmax.f32 v41, $0.0e+00;
	v36 =	vmin.f32 v36, v23;
	v23 =	vmax.f32 v30, v23  }
0x142: {  	v51 =	vmax.f32 v26, v41;
	v54 =	vsub.f32 v38, v40;
	v23 =	vmin.f32 v29, v23  }
0x143: {  	v41 =	vmin.f32 v26, v41;
	v55 =	vmax.f32 v27, v51;
	v42 =	vmin.f32 v27, v51  }
0x144: {  	v56 =	vmul.f32 v39, v16;
	v57 =	vmax.f32 v28, v55;
	v30 =	vmul.f32 v39, v22  }
0x145: {  	v62 =	vmax.f32 v54, $0.0e+00;
	v55 =	vmin.f32 v28, v55;
	v58 =	vmul.f32 v43, v17  }
0x146: {  	v45 =	vmax.f32 v24, v57;
	v59 =	vmul.f32 v50, v18;
	v43 =	vmul.f32 v43, v20  }
0x147: {  	v37 =	vmul.f32 v50, v21;
	v40 =	vmin.f32 v24, v57;
	v14 =	vadd.f32 v58, v56  }
0x148: {  	v29 =	vadd.f32 v43, v30;
	v30 =	vmin.f32 v10, v62;
	v10 =	vmax.f32 v10, v62  }
0x149: {  	v61 =	vld [tilespmem:s0+$0x3000];
	v32 =	vmin.f32 v11, v10;
	v10 =	vmax.f32 v11, v10;
	v14 =	vadd.f32 v59, v14  }
0x14a: {  	v11 =	vadd.f32 v37, v29;
	v29 =	vmin.f32 v12, v10;
	v10 =	vmax.f32 v12, v10  }
0x14b: {  	v33 =	vmax.f32 v25, v45;
	v45 =	vmin.f32 v25, v45;
	v63 =	vmin.f32 v13, v10  }
0x14c: {  	v10 =	vmax.f32 v13, v10;
	v14 =	vsub.f32 v15, v14;
	v11 =	vsub.f32 v19, v11  }
0x14d: {  	v60 =	vmax.f32 v31, v33;
	v56 =	vmin.f32 v31, v33;
	v52 =	vmin.f32 v44, v10  }
0x14e: {  	v10 =	vmax.f32 v44, v10;
	v12 =	vsub.f32 v61, v14;
	v11 =	vsub.f32 v61, v11  }
0x14f: {  	v9 =	vmin.f32 v9, v60;
	v44 =	vmin.f32 v36, v10;
	v10 =	vmax.f32 v36, v10  }
0x150: {  	v27 =	vmin.f32 v23, v10;
	v53 =	vmax.f32 v12, $0.0e+00;
	v11 =	vmax.f32 v11, $0.0e+00  }
0x151: {  	v23 =	vimm.s32 $0x0;
	v54 =	vmax.f32 v41, v53;
	v13 =	vmax.f32 v30, v11  }
0x152: {  	v12 =	vmin.f32 v30, v11;
	v46 =	vmax.f32 v42, v54;
	v10 =	vmax.f32 v32, v13  }
0x153: {  	v13 =	vmin.f32 v32, v13;
	v38 =	vmax.f32 v55, v46;
	v14 =	vmin.f32 v29, v10  }
0x154: {  	v11 =	vmax.f32 v29, v10;
	v10 =	vimm.s32 $0x7F7FFFFF;
	v47 =	vmax.f32 v40, v38  }
0x155: {  	v24 =	vmin.f32 v63, v11;
	v11 =	vmax.f32 v63, v11;
	v26 =	vsub.s32 v10, v23  }
0x156: {  	v25 =	vmin.f32 v52, v11;
	v11 =	vmax.f32 v52, v11;
	v28 =	vshrl.u32 v26, $0x1  }
0x157: {  	v26 =	vmin.f32 v44, v11;
	v29 =	vmax.f32 v44, v11;
	v11 =	vadd.s32 v23, v28  }
0x158: {  	v27 =	vmin.f32 v27, v29;
	vm0 =	vge.s32 v11, v12;
	vm1 =	vge.s32 v11, v13  }
0x159: {  	vm15 =	vge.s32 v11, v14;
	v28 =	vsel vm0, $0x1, v0;
	v29 =	vsel vm1, $0x1, v0  }
0x15a: {  	vm0 =	vge.s32 v11, v24;
	v28 =	vadd.s32 v29, v28;
	v29 =	vsel vm15, $0x1, v0  }
0x15b: {  	vm1 =	vge.s32 v11, v25;
	v28 =	vadd.s32 v29, v28;
	v29 =	vsel vm0, $0x1, v0  }
0x15c: {  	vm0 =	vge.s32 v11, v26;
	v28 =	vadd.s32 v29, v28;
	v29 =	vsel vm1, $0x1, v0  }
0x15d: {  	v28 =	vadd.s32 v29, v28;
	v29 =	vsel vm0, $0x1, v0;
	vm0 =	vge.s32 v11, v27  }
0x15e: {  	v48 =	vmax.f32 v45, v47;
	v28 =	vadd.s32 v29, v28;
	v29 =	vsel vm0, $0x1, v0  }
0x15f: {  	v31 =	vmin.f32 v40, v38;
	v30 =	vmax.f32 v56, v48;
	v28 =	vadd.s32 v29, v28  }
0x160: {  	v33 =	vmin.f32 v45, v47;
	v34 =	vmin.f32 v56, v48;
	v9 =	vmin.f32 v9, v30;
	(xrf0) =	vadd.scan.msk.s32 $0xffff, v28  }
0x161: {  	v30 =	vmin.f32 v55, v46;
	v29 =	vmin.f32 v42, v54;
	v28 =	vmin.f32 v41, v53  }
0x162: {  	vm15 =	vge.s32 v11, v31;
	vm1 =	vge.s32 v11, v29;
	vm0 =	vge.s32 v11, v28  }
0x163: {  	v58 =	vsel vm1, $0x1, v0;
	v57 =	vsel vm0, $0x1, v0;
	vm0 =	vge.s32 v11, v30  }
0x164: {  	v60 =	vsel vm15, $0x1, v0;
	v32 =	vadd.s32 v58, v57;
	v59 =	vsel vm0, $0x1, v0  }
0x165: {  	vm1 =	vge.s32 v11, v34;
	vm0 =	vge.s32 v11, v33;
	v32 =	vadd.s32 v59, v32  }
0x166: {  	v63 =	vsel vm1, $0x1, v0;
	v62 =	vsel vm0, $0x1, v0;
	v32 =	vadd.s32 v60, v32;
	v61, _, _ =	vpop (xrf0)  }
0x167: {  	vm1 =	vge.s32 v11, v9;
	v32 =	vadd.s32 v62, v32;
	v36 =	vperm.xlane v61, v1  }
0x168: {  	v37 =	vadd.s32 $0x1, v11;
	v39 =	vsel vm1, $0x1, v0;
	v38 =	vadd.s32 v63, v32  }
0x169: {  	s0 =	simm.s32 $0x1E;
	v35 =	vmovc v11;
	v32 =	vimm.s32 $0x7F7FFFFF;
	vm0 =	vgt.s32 v36, $0x13;
	v36 =	vimm.s32 $0x0  }
.LBB2_18:
0x16a: {  	p0 =	sne.s32 s0, $0x1;
	s0 =	sadd.s32 $0xFFFFFFFF, s0;
	v23 =	vsel vm0, v23, v37;
	v10 =	vsel vm0, v11, v10;
	v11 =	vadd.s32 v39, v38  }
0x16b: {  	v37 =	vsub.s32 v10, v23;
	(xrf0) =	vadd.scan.msk.s32 $0xffff, v11  }
0x16c: {  	v11 =	vshrl.u32 v37, $0x1  }
0x16d: {  	v37 =	vadd.s32 $0x1, v35;
	v11 =	vadd.s32 v23, v11  }
0x16e: {  	vm0 =	vge.s32 v11, v12;
	vm1 =	vge.s32 v11, v13;
	vm15 =	vge.s32 v11, v14  }
0x16f: {  	v38 =	vsel vm0, $0x1, v0;
	v39 =	vsel vm1, $0x1, v0;
	vm0 =	vge.s32 v11, v24  }
0x170: {  	vm1 =	vge.s32 v11, v25;
	v38 =	vadd.s32 v39, v38;
	v39 =	vsel vm15, $0x1, v0  }
0x171: {  	v38 =	vadd.s32 v39, v38;
	v39 =	vsel vm0, $0x1, v0;
	vm0 =	vge.s32 v11, v26;
	v40, _, _ =	vpop (xrf0)  }
0x172: {  	v38 =	vadd.s32 v39, v38;
	v39 =	vsel vm1, $0x1, v0;
	v40 =	vperm.xlane v40, v1  }
0x173: {  	v38 =	vadd.s32 v39, v38;
	v39 =	vsel vm0, $0x1, v0;
	vm0 =	vge.s32 v11, v27  }
0x174: {  	v38 =	vadd.s32 v39, v38;
	v39 =	vsel vm0, $0x1, v0;
	vm0 =	vgt.s32 v40, $0x13  }
0x175: {  	v38 =	vadd.s32 v39, v38;
	v36 =	vsel vm0, v36, v37;
	v32 =	vsel vm0, v35, v32  }
0x176: {  	v35 =	vsub.s32 v32, v36;
	(xrf0) =	vadd.scan.msk.s32 $0xffff, v38  }
0x177: {  	v35 =	vshrl.u32 v35, $0x1  }
0x178: {  	v37 =	vadd.s32 $0x1, v11;
	v35 =	vadd.s32 v36, v35  }
0x179: {  	vm0 =	vge.s32 v35, v28;
	vm1 =	vge.s32 v35, v29;
	vm15 =	vge.s32 v35, v31  }
0x17a: {  	v38 =	vsel vm0, $0x1, v0;
	v39 =	vsel vm1, $0x1, v0;
	vm0 =	vge.s32 v35, v30  }
.Ltmp10:
0x17b: {  	v38 =	vadd.s32 v39, v38;
	v39 =	vsel vm0, $0x1, v0;
	vm0 =	vge.s32 v35, v33;
	(pc) =	sbr.rel @p0 .LBB2_18-.Ltmp10, $4  }
0x17c: {  	vm1 =	vge.s32 v35, v34;
	v38 =	vadd.s32 v39, v38;
	v39 =	vsel vm15, $0x1, v0;
	v40, _, _ =	vpop (xrf0)  }
0x17d: {  	v40 =	vperm.xlane v40, v1;
	v38 =	vadd.s32 v39, v38;
	v39 =	vsel vm0, $0x1, v0  }
0x17e: {  	v38 =	vadd.s32 v39, v38;
	v39 =	vsel vm1, $0x1, v0;
	vm1 =	vge.s32 v35, v9  }
0x17f: {  	vm0 =	vgt.s32 v40, $0x13;
	v38 =	vadd.s32 v39, v38;
	v39 =	vsel vm1, $0x1, v0  }
0x180: {  	s1 =	simm.s32 $0x0  }
0x181: {  	v9 =	vld [tilespmem:s1+$0x4000]  }
0x182: {  	v13 =	vld [tilespmem:s1+$0x5000]  }
0x183: {  	v12 =	vadd.s32 v39, v38  }
0x184: {  	(xrf0) =	vadd.scan.msk.s32 $0xffff, v12;
	v12 =	vld [tilespmem:s1+$0x6000];
	_ =	sdelay $0x2  }
0x185: {  	s0 =	simm.s32 $0x10;
	v14 =	vmul.f32 v9, v16;
	v23 =	vmul.f32 v13, v17  }
0x186: {  	v27 =	vld [tilespmem:s0+$0x5000];
	v9 =	vmul.f32 v9, v22;
	v13 =	vmul.f32 v13, v20  }
0x187: {  	v25 =	vld [tilespmem:s1+$0x3000];
	v14 =	vadd.f32 v23, v14;
	v23 =	vmul.f32 v12, v18  }
0x188: {  	v26 =	vld [tilespmem:s0+$0x4000];
	v9 =	vadd.f32 v13, v9;
	v12 =	vmul.f32 v12, v21  }
0x189: {  	v24, _, _ =	vpop (xrf0);
	v13 =	vadd.f32 v23, v14  }
0x18a: {  	v29 =	vld [tilespmem:s0+$0x6000];
	v24 =	vperm.xlane v24, v1;
	v12 =	vadd.f32 v12, v9  }
0x18b: {  	v28 =	vld [tilespmem:s1+$0x2000];
	v30 =	vmul.f32 v27, v17;
	v13 =	vsub.f32 v15, v13  }
0x18c: {  	vm1 =	vgt.s32 v24, $0x13;
	v9 =	vsel vm0, v11, v10;
	v23 =	vld [tilespmem:s1+$0x0];
	v11 =	vsub.f32 v19, v12  }
0x18d: {  	v24 =	vld [tilespmem:s1+$0x1000];
	v10 =	vsel vm1, v35, v32;
	v12 =	vsub.f32 v25, v13;
	v13 =	vmul.f32 v26, v22  }
0x18e: {  	v26 =	vmul.f32 v26, v16;
	v11 =	vsub.f32 v25, v11;
	v25 =	vmul.f32 v27, v20  }
0x18f: {  	v36 =	vmul.f32 v29, v21;
	vm15 =	vle.f32 v12, v10;
	v12 =	vld [tilespmem:s0+$0x0]  }
0x190: {  	v14 =	vimm.f32 $-3.399999950e+38;
	v26 =	vadd.f32 v30, v26;
	v35 =	vadd.f32 v25, v13;
	v13 =	vld [tilespmem:s0+$0x1000]  }
0x191: {  	v30 =	vmul.f32 v29, v18;
	vm0 =	vle.f32 v11, v9;
	v25 =	vimm.f32 $-3.399999950e+38  }
0x192: {  	v27 =	vnsel vm15, $0xFF7FC99E, v28;
	v31 =	vnsel vm0, $0xFF7FC99E, v23;
	v33 =	vnsel vm0, $0xFF7FC99E, v24  }
0x193: {  	s1 =	simm.s32 $0x20;
	v29 =	vld [tilespmem:s0+$0x3000];
	v32 =	vnsel vm0, $0xFF7FC99E, v28;
	v28 =	vimm.f32 $-3.399999950e+38;
	v11 =	vmax.f32 v14, v27  }
0x194: {  	s2 =	simm.s32 $0xC0;
	v34 =	vadd.f32 v30, v26;
	v30 =	vld [tilespmem:s1+$0x4000];
	v27 =	vimm.f32 $-3.399999950e+38;
	v26 =	vimm.f32 $-3.399999950e+38  }
.LBB2_20:
0x195: {  	p0 =	sne.s32 s2, $0x3FC0;
	v37 =	vld [tilespmem:s1+$0x5000];
	v35 =	vadd.f32 v36, v35;
	v36 =	vnsel vm15, $0xFF7FC99E, v23;
	v38 =	vnsel vm15, $0xFF7FC99E, v24;
	v23 =	vmovc v12;
	v24 =	vmovc v13  }
0x196: {  	v14 =	vmax.f32 v14, v31;
	v25 =	vmax.f32 v25, v33;
	v39 =	vld [tilespmem:s0+$0x2000];
	v13 =	vsub.f32 v15, v34;
	s0 =	smov.u32 s1  }
0x197: {  	v27 =	vmax.f32 v27, v32;
	v28 =	vmax.f32 v28, v36;
	v31 =	vld [tilespmem:s0+$0x6000];
	v33 =	vsub.f32 v19, v35  }
0x198: {  	v26 =	vmax.f32 v26, v38;
	v12 =	vld [tilespmem:s0+$0x0];
	v32 =	vsub.f32 v29, v13  }
0x199: {  	v13 =	vld [tilespmem:s0+$0x1000];
	v34 =	vmul.f32 v30, v22;
	v29 =	vsub.f32 v29, v33  }
.Ltmp11:
0x19a: {  	v30 =	vmul.f32 v30, v16;
	v33 =	vmul.f32 v37, v17;
	vm15 =	vle.f32 v32, v10;
	(pc) =	sbr.rel @p0 .LBB2_20-.Ltmp11, $4  }
0x19b: {  	v32 =	vmul.f32 v37, v20;
	vm0 =	vle.f32 v29, v9;
	v29 =	vnsel vm15, $0xFF7FC99E, v39  }
0x19c: {  	v33 =	vadd.f32 v33, v30;
	v37 =	vmul.f32 v31, v18;
	v11 =	vmax.f32 v11, v29  }
0x19d: {  	s1 =	sshra.s32 s2, $0x2;
	v35 =	vadd.f32 v32, v34;
	v36 =	vmul.f32 v31, v21;
	v31 =	vnsel vm0, $0xFF7FC99E, v23;
	v29 =	vld [tilespmem:s0+$0x3000]  }
0x19e: {  	s2 =	sadd.s32 $0x40, s2;
	v32 =	vnsel vm0, $0xFF7FC99E, v39;
	v30 =	vld [tilespmem:s1+$0x4000];
	v34 =	vadd.f32 v37, v33;
	v33 =	vnsel vm0, $0xFF7FC99E, v24  }
0x19f: {  	(v2sf) =	vpush v8, $0x4  }
0x1a0: {  	(v2sf) =	vpush v8, $0x5  }
0x1a1: {  	(v2sf) =	vpush v7, $0x4  }
0x1a2: {  	(v2sf) =	vpush v7, $0x5  }
0x1a3: {  	v35 =	vadd.f32 v36, v35;
	(v2sf) =	vpush v6, $0x4  }
0x1a4: {  	v37 =	vld [tilespmem:s1+$0x5000];
	v23 =	vnsel vm15, $0xFF7FC99E, v23;
	v24 =	vnsel vm15, $0xFF7FC99E, v24;
	(v2sf) =	vpush v6, $0x5  }
0x1a5: {  	v14 =	vmax.f32 v14, v31;
	v25 =	vmax.f32 v25, v33;
	v27 =	vmax.f32 v27, v32  }
0x1a6: {  	v61 =	vld [tilespmem:s1+$0x6000];
	v36 =	vimm.f32 $3.399999950e+38;
	v33 =	vimm.f32 $3.399999950e+38;
	v32 =	vimm.f32 $3.399999950e+38  }
0x1a7: {  	v34 =	vsub.f32 v15, v34;
	v28 =	vmax.f32 v28, v23;
	(v2sf) =	vpush v5, $0x4  }
0x1a8: {  	v26 =	vmax.f32 v26, v24;
	v31 =	vsub.f32 v19, v35;
	(v2sf) =	vpush v5, $0x5  }
0x1a9: {  	v38 =	vld [tilespmem:s0+$0x2000];
	v35 =	vimm.f32 $3.399999950e+38;
	v16 =	vmul.f32 v30, v16;
	v17 =	vmul.f32 v37, v17  }
0x1aa: {  	v23 =	vsub.f32 v29, v34;
	v22 =	vmul.f32 v30, v22;
	v20 =	vmul.f32 v37, v20  }
0x1ab: {  	v24 =	vsub.f32 v29, v31;
	v16 =	vadd.f32 v17, v16;
	v17 =	vmul.f32 v61, v18  }
0x1ac: {  	vm0 =	vle.f32 v23, v10;
	v23 =	vld [tilespmem:s1+$0x3000];
	v21 =	vmul.f32 v61, v21;
	v20 =	vadd.f32 v20, v22  }
0x1ad: {  	s2 =	simm.s32 $0x0;
	v34 =	vimm.f32 $3.399999950e+38;
	v37 =	vimm.f32 $3.399999950e+38;
	v16 =	vadd.f32 v17, v16  }
0x1ae: {  	v29 =	vld [tilespmem:s2+$0x5000];
	vm1 =	vle.f32 v24, v9;
	v18 =	vnsel vm0, $0xFF7FC99E, v38;
	v20 =	vadd.f32 v21, v20;
	s24 =	spop (v2sf)  }
0x1af: {  	v30 =	vld [tilespmem:s1+$0x2000];
	v22 =	vnsel vm1, $0xFF7FC99E, v13;
	v13 =	vnsel vm0, $0xFF7FC99E, v13;
	v15 =	vsub.f32 v15, v16;
	s3 =	spop (v2sf)  }
0x1b0: {  	v11 =	vmax.f32 v11, v18;
	v18 =	vnsel vm1, $0xFF7FC99E, v12;
	v17 =	vld [tilespmem:s2+$0x4000];
	v16 =	vsub.f32 v19, v20;
	s4 =	spop (v2sf)  }
0x1b1: {  	v12 =	vnsel vm0, $0xFF7FC99E, v12;
	v14 =	vmax.f32 v14, v18;
	v18 =	vld [tilespmem:s2+$0x6000];
	v15 =	vsub.f32 v23, v15;
	s3 =	smul.f32 $-2.000000000e+00, s3;
	s5 =	spop (v2sf)  }
0x1b2: {  	v21 =	vnsel vm1, $0xFF7FC99E, v38;
	v12 =	vmax.f32 v28, v12;
	v19 =	vld [tilespmem:s1+$0x0];
	v16 =	vsub.f32 v23, v16;
	s6 =	spop (v2sf);
	s5 =	smul.f32 $-2.000000000e+00, s5  }
0x1b3: {  	v20 =	vmax.f32 v25, v22;
	v25 =	vmax.f32 v27, v21;
	v27 =	vld [tilespmem:s1+$0x1000];
	vm0 =	vle.f32 v15, v10;
	s7 =	spop (v2sf)  }
0x1b4: {  	vm1 =	vle.f32 v16, v9;
	v22 =	vmov s3;
	s25 =	smul.f32 $-2.000000000e+00, s7;
	v23 =	vmov s5  }
0x1b5: {  	v9 =	vnsel vm0, $0xFF7FC99E, v30;
	v21 =	vmul.f32 v17, v22;
	v28 =	vmul.f32 v29, v23  }
0x1b6: {  	v13 =	vmax.f32 v26, v13;
	s0 =	smul.f32 $-2.000000000e+00, s24;
	v9 =	vmax.f32 v11, v9;
	s26 =	spop (v2sf);
	v24 =	vmov s25  }
0x1b7: {  	[tilespmem:$0x1FF40] =	vst v9;
	v9 =	vnsel vm1, $0xFF7FC99E, v19;
	s4 =	smul.f32 $-2.000000000e+00, s4;
	s28 =	spop (v2sf);
	v10 =	vadd.f32 v28, v21;
	v15 =	vmul.f32 v18, v24  }
0x1b8: {  	v16 =	vnsel vm1, $0xFF7FC99E, v27;
	v30 =	vnsel vm1, $0xFF7FC99E, v30;
	v11 =	vld [tilespmem:s2+$0x3000];
	v9 =	vmax.f32 v14, v9;
	s1 =	ssub.f32 $0.0e+00, s28  }
0x1b9: {  	s29 =	smul.f32 $-2.000000000e+00, s6;
	v26 =	vmov s4;
	v28 =	vmov s0;
	v10 =	vadd.f32 v15, v10  }
0x1ba: {  	s30 =	simm.s32 $0x10;
	v21 =	vmov s1;
	v15 =	vmul.f32 v17, v28;
	v17 =	vmul.f32 v29, v26  }
0x1bb: {  	v62 =	vld [tilespmem:s30+$0x5000];
	v29 =	vnsel vm0, $0xFF7FC99E, v27;
	v27 =	vmov s29;
	v10 =	vsub.f32 v21, v10  }
0x1bc: {  	v31 =	vld [tilespmem:s30+$0x4000];
	[tilespmem:$0x1FF50] =	vst v9;
	v9 =	vmax.f32 v20, v16;
	v18 =	vmul.f32 v18, v27;
	v17 =	vadd.f32 v17, v15  }
0x1bd: {  	v19 =	vnsel vm0, $0xFF7FC99E, v19;
	[tilespmem:$0x1FF60] =	vst v9;
	v9 =	vmax.f32 v25, v30;
	s31 =	ssub.f32 $0.0e+00, s26;
	v10 =	vsub.f32 v11, v10  }
0x1be: {  	v38 =	vimm.f32 $3.399999950e+38;
	v12 =	vmax.f32 v12, v19;
	[tilespmem:$0x1FF70] =	vst v9;
	v9 =	vadd.f32 v18, v17  }
0x1bf: {  	v25 =	vmov s31;
	v15 =	vimm.f32 $3.399999950e+38;
	v18 =	vmax.f32 v10, $0.0e+00;
	v10 =	vld [tilespmem:s30+$0x6000]  }
0x1c0: {  	[tilespmem:$0x1FF80] =	vst v12;
	v12 =	vmax.f32 v13, v29;
	v9 =	vsub.f32 v25, v9;
	v19 =	vmax.f32 v15, v18  }
0x1c1: {  	v13 =	vmul.f32 v62, v23;
	[tilespmem:$0x1FF90] =	vst v12;
	v12 =	vmul.f32 v31, v22;
	v29 =	vmax.f32 v15, v19  }
0x1c2: {  	v30 =	vmul.f32 v31, v28;
	v11 =	vsub.f32 v11, v9;
	v16 =	vmax.f32 v15, v29  }
0x1c3: {  	v31 =	vmul.f32 v62, v26;
	v12 =	vadd.f32 v13, v12;
	v17 =	vmax.f32 v15, v16  }
0x1c4: {  	v11 =	vmax.f32 v11, $0.0e+00;
	v14 =	vmax.f32 v15, v17;
	v13 =	vmul.f32 v10, v24  }
0x1c5: {  	v20 =	vld [tilespmem:s30+$0x3000];
	v63 =	vmul.f32 v10, v27;
	v10 =	vmin.f32 v15, v11;
	v9 =	vmax.f32 v15, v14  }
0x1c6: {  	v12 =	vadd.f32 v13, v12;
	v13 =	vadd.f32 v31, v30;
	v30 =	vmax.f32 v15, v11  }
0x1c7: {  	v9 =	vmin.f32 v15, v9;
	v11 =	vmin.f32 v15, v30;
	v30 =	vmax.f32 v15, v30  }
0x1c8: {  	v31 =	vsub.f32 v21, v12;
	v12 =	vmin.f32 v15, v30;
	v30 =	vmax.f32 v15, v30  }
0x1c9: {  	s0 =	simm.s32 $0x20;
	v40 =	vadd.f32 v63, v13;
	v13 =	vmin.f32 v15, v30;
	v42 =	vmax.f32 v15, v30  }
0x1ca: {  	v39 =	vld [tilespmem:s0+$0x4000];
	s1 =	simm.s32 $0xC0;
	v30 =	vimm.f32 $3.399999950e+38;
	v41 =	vsub.f32 v20, v31;
	v31 =	vimm.f32 $3.399999950e+38  }
.LBB2_22:
0x1cb: {  	p0 =	sne.s32 s1, $0x3FC0;
	v43 =	vld [tilespmem:s0+$0x5000];
	v40 =	vsub.f32 v25, v40;
	v44 =	vmax.f32 v15, v42;
	v15 =	vmin.f32 v15, v42  }
0x1cc: {  	v38 =	vmin.f32 v38, v18;
	v37 =	vmin.f32 v37, v44;
	v18 =	vmax.f32 v41, $0.0e+00  }
0x1cd: {  	v35 =	vmin.f32 v35, v19;
	v41 =	vld [tilespmem:s0+$0x6000];
	v40 =	vsub.f32 v20, v40;
	v19 =	vmax.f32 v38, v18  }
0x1ce: {  	v36 =	vmin.f32 v36, v29;
	v42 =	vmax.f32 v31, v44;
	v31 =	vmovc v37;
	v29 =	vmax.f32 v35, v19  }
0x1cf: {  	v33 =	vmin.f32 v33, v16;
	v20 =	vmul.f32 v39, v22;
	v16 =	vmax.f32 v36, v29  }
0x1d0: {  	v34 =	vmin.f32 v34, v17;
	v44 =	vmul.f32 v43, v23;
	v17 =	vmax.f32 v33, v16  }
0x1d1: {  	v32 =	vmin.f32 v32, v14;
	v39 =	vmul.f32 v39, v28;
	v14 =	vmax.f32 v34, v17  }
0x1d2: {  	v44 =	vadd.f32 v44, v20;
	v45 =	vmul.f32 v41, v24;
	v46 =	vmax.f32 v32, v14  }
0x1d3: {  	v43 =	vmul.f32 v43, v26;
	v41 =	vmul.f32 v41, v27;
	v20 =	vld [tilespmem:s0+$0x3000];
	v9 =	vmin.f32 v9, v46  }
.Ltmp12:
0x1d4: {  	v30 =	vmin.f32 v30, v42;
	v40 =	vmax.f32 v40, $0.0e+00;
	v44 =	vadd.f32 v45, v44;
	(pc) =	sbr.rel @p0 .LBB2_22-.Ltmp12, $4  }
0x1d5: {  	v42 =	vmax.f32 v10, v40;
	v10 =	vmin.f32 v10, v40;
	v39 =	vadd.f32 v43, v39  }
0x1d6: {  	v43 =	vsub.f32 v21, v44;
	v44 =	vmax.f32 v11, v42;
	v11 =	vmin.f32 v11, v42  }
0x1d7: {  	s0 =	sshra.s32 s1, $0x2;
	v40 =	vadd.f32 v41, v39;
	v45 =	vmax.f32 v12, v44;
	v12 =	vmin.f32 v12, v44  }
0x1d8: {  	s1 =	sadd.s32 $0x40, s1;
	v39 =	vld [tilespmem:s0+$0x4000];
	v41 =	vsub.f32 v20, v43;
	v42 =	vmax.f32 v13, v45;
	v13 =	vmin.f32 v13, v45  }
0x1d9: {  	v40 =	vsub.f32 v25, v40;
	v44 =	vmin.f32 v15, v42;
	v15 =	vmax.f32 v15, v42  }
0x1da: {  	v43 =	vld [tilespmem:s0+$0x5000];
	v18 =	vmin.f32 v38, v18;
	v19 =	vmin.f32 v35, v19;
	v29 =	vmin.f32 v36, v29  }
0x1db: {  	v16 =	vmin.f32 v33, v16;
	v17 =	vmin.f32 v34, v17;
	v32 =	vmin.f32 v32, v14  }
0x1dc: {  	v57 =	vld [tilespmem:s0+$0x6000];
	v41 =	vmax.f32 v41, $0.0e+00;
	v37 =	vmin.f32 v37, v15;
	v15 =	vmax.f32 v31, v15  }
0x1dd: {  	v58 =	vmax.f32 v18, v41;
	v20 =	vsub.f32 v20, v40;
	v15 =	vmin.f32 v30, v15  }
0x1de: {  	v41 =	vmin.f32 v18, v41;
	v35 =	vmax.f32 v19, v58;
	v42 =	vmin.f32 v19, v58  }
0x1df: {  	v59 =	vmul.f32 v39, v22;
	v60 =	vmax.f32 v29, v35;
	v61 =	vmul.f32 v43, v23  }
0x1e0: {  	v31 =	vmul.f32 v39, v28;
	v20 =	vmax.f32 v20, $0.0e+00;
	v43 =	vmul.f32 v43, v26  }
0x1e1: {  	v62 =	vmul.f32 v57, v24;
	v38 =	vmul.f32 v57, v27;
	v14 =	vadd.f32 v61, v59  }
0x1e2: {  	v30 =	vadd.f32 v43, v31;
	v31 =	vmin.f32 v10, v20;
	v10 =	vmax.f32 v10, v20  }
0x1e3: {  	v51 =	vld [tilespmem:s0+$0x3000];
	v20 =	vmin.f32 v11, v10;
	v10 =	vmax.f32 v11, v10;
	v14 =	vadd.f32 v62, v14  }
0x1e4: {  	v11 =	vadd.f32 v38, v30;
	v30 =	vmin.f32 v12, v10;
	v10 =	vmax.f32 v12, v10  }
0x1e5: {  	v35 =	vmin.f32 v29, v35;
	v45 =	vmax.f32 v16, v60;
	v52 =	vmin.f32 v13, v10  }
0x1e6: {  	v10 =	vmax.f32 v13, v10;
	v14 =	vsub.f32 v21, v14;
	v11 =	vsub.f32 v25, v11  }
0x1e7: {  	v40 =	vmin.f32 v16, v60;
	v34 =	vmax.f32 v17, v45;
	v53 =	vmin.f32 v44, v10  }
0x1e8: {  	v10 =	vmax.f32 v44, v10;
	v12 =	vsub.f32 v51, v14;
	v11 =	vsub.f32 v51, v11  }
0x1e9: {  	v45 =	vmin.f32 v17, v45;
	v44 =	vmin.f32 v37, v10;
	v10 =	vmax.f32 v37, v10  }
0x1ea: {  	v19 =	vmin.f32 v15, v10;
	v54 =	vmax.f32 v12, $0.0e+00;
	v11 =	vmax.f32 v11, $0.0e+00  }
0x1eb: {  	v15 =	vimm.s32 $0x0;
	v55 =	vmax.f32 v41, v54;
	v13 =	vmax.f32 v31, v11  }
0x1ec: {  	v12 =	vmin.f32 v31, v11;
	v10 =	vmax.f32 v20, v13;
	v13 =	vmin.f32 v20, v13  }
0x1ed: {  	v14 =	vmin.f32 v30, v10;
	v11 =	vmax.f32 v30, v10;
	v10 =	vimm.s32 $0x7F7FFFFF  }
0x1ee: {  	v16 =	vmin.f32 v52, v11;
	v11 =	vmax.f32 v52, v11;
	v18 =	vsub.s32 v10, v15  }
0x1ef: {  	v17 =	vmin.f32 v53, v11;
	v11 =	vmax.f32 v53, v11;
	v20 =	vshrl.u32 v18, $0x1  }
0x1f0: {  	v18 =	vmin.f32 v44, v11;
	v29 =	vmax.f32 v44, v11;
	v11 =	vadd.s32 v15, v20  }
0x1f1: {  	v19 =	vmin.f32 v19, v29;
	vm0 =	vge.s32 v11, v12;
	vm1 =	vge.s32 v11, v13  }
0x1f2: {  	vm15 =	vge.s32 v11, v14;
	v20 =	vsel vm0, $0x1, v0;
	v29 =	vsel vm1, $0x1, v0  }
0x1f3: {  	vm0 =	vge.s32 v11, v16;
	v20 =	vadd.s32 v29, v20;
	v29 =	vsel vm15, $0x1, v0  }
0x1f4: {  	vm1 =	vge.s32 v11, v17;
	v20 =	vadd.s32 v29, v20;
	v29 =	vsel vm0, $0x1, v0  }
0x1f5: {  	vm0 =	vge.s32 v11, v18;
	v20 =	vadd.s32 v29, v20;
	v29 =	vsel vm1, $0x1, v0  }
0x1f6: {  	v20 =	vadd.s32 v29, v20;
	v29 =	vsel vm0, $0x1, v0;
	vm0 =	vge.s32 v11, v19  }
0x1f7: {  	v46 =	vmax.f32 v42, v55;
	v20 =	vadd.s32 v29, v20;
	v29 =	vsel vm0, $0x1, v0  }
0x1f8: {  	v63 =	vmax.f32 v32, v34;
	v56 =	vmax.f32 v35, v46;
	v20 =	vadd.s32 v29, v20  }
0x1f9: {  	v57 =	vmin.f32 v32, v34;
	v9 =	vmin.f32 v9, v63;
	v47 =	vmax.f32 v40, v56;
	(xrf0) =	vadd.scan.msk.s32 $0xffff, v20  }
0x1fa: {  	v37 =	vimm.s32 $0x0;
	v31 =	vmin.f32 v35, v46;
	v48 =	vmax.f32 v45, v47  }
0x1fb: {  	v32 =	vmin.f32 v40, v56;
	v34 =	vmin.f32 v45, v47;
	v30 =	vmax.f32 v57, v48  }
0x1fc: {  	v35 =	vmin.f32 v57, v48;
	v9 =	vmin.f32 v9, v30;
	v30 =	vmin.f32 v42, v55  }
0x1fd: {  	vm15 =	vge.s32 v11, v32;
	vm1 =	vge.s32 v11, v30;
	v29 =	vmin.f32 v41, v54  }
0x1fe: {  	v60 =	vsel vm15, $0x1, v0;
	v58 =	vsel vm1, $0x1, v0;
	vm0 =	vge.s32 v11, v29  }
0x1ff: {  	vm1 =	vge.s32 v11, v35;
	v20 =	vsel vm0, $0x1, v0;
	vm0 =	vge.s32 v11, v31;
	v61, _, _ =	vpop (xrf0)  }
0x200: {  	v20 =	vadd.s32 v58, v20;
	v59 =	vsel vm0, $0x1, v0;
	v36 =	vperm.xlane v61, v1  }
0x201: {  	v63 =	vsel vm1, $0x1, v0;
	vm0 =	vge.s32 v11, v34;
	v20 =	vadd.s32 v59, v20  }
0x202: {  	vm1 =	vge.s32 v11, v9;
	v62 =	vsel vm0, $0x1, v0;
	v33 =	vadd.s32 v60, v20  }
0x203: {  	v39 =	vsel vm1, $0x1, v0;
	v20 =	vadd.s32 $0x1, v11;
	v33 =	vadd.s32 v62, v33  }
0x204: {  	s0 =	simm.s32 $0x1E;
	v38 =	vadd.s32 v63, v33;
	v33 =	vimm.s32 $0x7F7FFFFF;
	vm0 =	vgt.s32 v36, $0x13;
	v36 =	vmovc v11  }
.LBB2_24:
0x205: {  	p0 =	sne.s32 s0, $0x1;
	s0 =	sadd.s32 $0xFFFFFFFF, s0;
	v15 =	vsel vm0, v15, v20;
	v10 =	vsel vm0, v11, v10;
	v11 =	vadd.s32 v39, v38  }
0x206: {  	v20 =	vsub.s32 v10, v15;
	(xrf0) =	vadd.scan.msk.s32 $0xffff, v11  }
0x207: {  	v11 =	vshrl.u32 v20, $0x1  }
0x208: {  	v20 =	vadd.s32 $0x1, v36;
	v11 =	vadd.s32 v15, v11  }
0x209: {  	vm0 =	vge.s32 v11, v12;
	vm1 =	vge.s32 v11, v13;
	vm15 =	vge.s32 v11, v14  }
0x20a: {  	v38 =	vsel vm0, $0x1, v0;
	v39 =	vsel vm1, $0x1, v0;
	vm0 =	vge.s32 v11, v16  }
0x20b: {  	vm1 =	vge.s32 v11, v17;
	v38 =	vadd.s32 v39, v38;
	v39 =	vsel vm15, $0x1, v0  }
0x20c: {  	v38 =	vadd.s32 v39, v38;
	v39 =	vsel vm0, $0x1, v0;
	vm0 =	vge.s32 v11, v18;
	v40, _, _ =	vpop (xrf0)  }
0x20d: {  	v38 =	vadd.s32 v39, v38;
	v39 =	vsel vm1, $0x1, v0;
	v40 =	vperm.xlane v40, v1  }
0x20e: {  	v38 =	vadd.s32 v39, v38;
	v39 =	vsel vm0, $0x1, v0;
	vm0 =	vge.s32 v11, v19  }
0x20f: {  	v38 =	vadd.s32 v39, v38;
	v39 =	vsel vm0, $0x1, v0;
	vm0 =	vgt.s32 v40, $0x13  }
0x210: {  	v38 =	vadd.s32 v39, v38;
	v37 =	vsel vm0, v37, v20;
	v33 =	vsel vm0, v36, v33  }
0x211: {  	v20 =	vsub.s32 v33, v37;
	(xrf0) =	vadd.scan.msk.s32 $0xffff, v38  }
0x212: {  	v20 =	vshrl.u32 v20, $0x1  }
0x213: {  	v36 =	vadd.s32 v37, v20;
	v20 =	vadd.s32 $0x1, v11  }
0x214: {  	vm0 =	vge.s32 v36, v29;
	vm1 =	vge.s32 v36, v30;
	vm15 =	vge.s32 v36, v32  }
0x215: {  	v38 =	vsel vm0, $0x1, v0;
	v39 =	vsel vm1, $0x1, v0;
	vm0 =	vge.s32 v36, v31  }
.Ltmp13:
0x216: {  	v38 =	vadd.s32 v39, v38;
	v39 =	vsel vm0, $0x1, v0;
	vm0 =	vge.s32 v36, v34;
	(pc) =	sbr.rel @p0 .LBB2_24-.Ltmp13, $4  }
0x217: {  	vm1 =	vge.s32 v36, v35;
	v38 =	vadd.s32 v39, v38;
	v39 =	vsel vm15, $0x1, v0;
	v40, _, _ =	vpop (xrf0)  }
0x218: {  	v40 =	vperm.xlane v40, v1;
	v38 =	vadd.s32 v39, v38;
	v39 =	vsel vm0, $0x1, v0  }
0x219: {  	v38 =	vadd.s32 v39, v38;
	v39 =	vsel vm1, $0x1, v0;
	vm1 =	vge.s32 v36, v9  }
0x21a: {  	vm0 =	vgt.s32 v40, $0x13;
	v38 =	vadd.s32 v39, v38;
	v39 =	vsel vm1, $0x1, v0  }
0x21b: {  	s1 =	simm.s32 $0x0  }
0x21c: {  	v9 =	vld [tilespmem:s1+$0x4000]  }
0x21d: {  	v13 =	vld [tilespmem:s1+$0x5000]  }
0x21e: {  	v12 =	vadd.s32 v39, v38  }
0x21f: {  	(xrf0) =	vadd.scan.msk.s32 $0xffff, v12;
	v12 =	vld [tilespmem:s1+$0x6000];
	_ =	sdelay $0x2  }
0x220: {  	s0 =	simm.s32 $0x10;
	v14 =	vmul.f32 v9, v22;
	v15 =	vmul.f32 v13, v23  }
0x221: {  	v19 =	vld [tilespmem:s0+$0x5000];
	v9 =	vmul.f32 v9, v28;
	v13 =	vmul.f32 v13, v26  }
0x222: {  	v17 =	vld [tilespmem:s1+$0x3000];
	v14 =	vadd.f32 v15, v14;
	v15 =	vmul.f32 v12, v24  }
0x223: {  	v18 =	vld [tilespmem:s0+$0x4000];
	v9 =	vadd.f32 v13, v9;
	v12 =	vmul.f32 v12, v27  }
0x224: {  	v16, _, _ =	vpop (xrf0);
	v13 =	vadd.f32 v15, v14  }
0x225: {  	v20 =	vld [tilespmem:s1+$0x2000];
	v16 =	vperm.xlane v16, v1;
	v12 =	vadd.f32 v12, v9  }
0x226: {  	v29 =	vld [tilespmem:s0+$0x6000];
	v30 =	vmul.f32 v19, v23;
	v13 =	vsub.f32 v21, v13  }
0x227: {  	vm1 =	vgt.s32 v16, $0x13;
	v9 =	vsel vm0, v11, v10;
	v15 =	vld [tilespmem:s1+$0x0];
	v11 =	vsub.f32 v25, v12  }
0x228: {  	v16 =	vld [tilespmem:s1+$0x1000];
	v10 =	vsel vm1, v36, v33;
	v12 =	vsub.f32 v17, v13;
	v13 =	vmul.f32 v18, v28  }
0x229: {  	v18 =	vmul.f32 v18, v22;
	v11 =	vsub.f32 v17, v11;
	v17 =	vmul.f32 v19, v26  }
0x22a: {  	v14 =	vimm.f32 $-3.399999950e+38;
	vm15 =	vle.f32 v12, v10;
	v12 =	vld [tilespmem:s0+$0x0]  }
0x22b: {  	v36 =	vmul.f32 v29, v27;
	v18 =	vadd.f32 v30, v18;
	v35 =	vadd.f32 v17, v13;
	v13 =	vld [tilespmem:s0+$0x1000]  }
0x22c: {  	v30 =	vmul.f32 v29, v24;
	vm0 =	vle.f32 v11, v9;
	v17 =	vimm.f32 $-3.399999950e+38  }
0x22d: {  	v19 =	vnsel vm15, $0xFF7FC99E, v20;
	v31 =	vnsel vm0, $0xFF7FC99E, v15;
	v33 =	vnsel vm0, $0xFF7FC99E, v16  }
0x22e: {  	s1 =	simm.s32 $0x20;
	v29 =	vld [tilespmem:s0+$0x3000];
	v32 =	vnsel vm0, $0xFF7FC99E, v20;
	v20 =	vimm.f32 $-3.399999950e+38;
	v11 =	vmax.f32 v14, v19  }
0x22f: {  	s2 =	simm.s32 $0xC0;
	v34 =	vadd.f32 v30, v18;
	v30 =	vld [tilespmem:s1+$0x4000];
	v19 =	vimm.f32 $-3.399999950e+38;
	v18 =	vimm.f32 $-3.399999950e+38  }
.LBB2_26:
0x230: {  	p0 =	sne.s32 s2, $0x3FC0;
	v37 =	vld [tilespmem:s1+$0x5000];
	v35 =	vadd.f32 v36, v35;
	v36 =	vnsel vm15, $0xFF7FC99E, v15;
	v38 =	vnsel vm15, $0xFF7FC99E, v16;
	v15 =	vmovc v12;
	v16 =	vmovc v13  }
0x231: {  	v14 =	vmax.f32 v14, v31;
	v17 =	vmax.f32 v17, v33;
	v39 =	vld [tilespmem:s0+$0x2000];
	v13 =	vsub.f32 v21, v34;
	s0 =	smov.u32 s1  }
0x232: {  	v19 =	vmax.f32 v19, v32;
	v20 =	vmax.f32 v20, v36;
	v31 =	vld [tilespmem:s0+$0x6000];
	v33 =	vsub.f32 v25, v35  }
0x233: {  	v18 =	vmax.f32 v18, v38;
	v12 =	vld [tilespmem:s0+$0x0];
	v32 =	vsub.f32 v29, v13  }
0x234: {  	v13 =	vld [tilespmem:s0+$0x1000];
	v34 =	vmul.f32 v30, v28;
	v29 =	vsub.f32 v29, v33  }
.Ltmp14:
0x235: {  	v30 =	vmul.f32 v30, v22;
	v33 =	vmul.f32 v37, v23;
	vm15 =	vle.f32 v32, v10;
	(pc) =	sbr.rel @p0 .LBB2_26-.Ltmp14, $4  }
0x236: {  	v32 =	vmul.f32 v37, v26;
	vm0 =	vle.f32 v29, v9;
	v29 =	vnsel vm15, $0xFF7FC99E, v39  }
0x237: {  	v33 =	vadd.f32 v33, v30;
	v37 =	vmul.f32 v31, v24;
	v11 =	vmax.f32 v11, v29  }
0x238: {  	s1 =	sshra.s32 s2, $0x2;
	v35 =	vadd.f32 v32, v34;
	v36 =	vmul.f32 v31, v27;
	v31 =	vnsel vm0, $0xFF7FC99E, v15;
	v29 =	vld [tilespmem:s0+$0x3000]  }
0x239: {  	s2 =	sadd.s32 $0x40, s2;
	v32 =	vnsel vm0, $0xFF7FC99E, v39;
	v30 =	vld [tilespmem:s1+$0x4000];
	v34 =	vadd.f32 v37, v33;
	v33 =	vnsel vm0, $0xFF7FC99E, v16  }
0x23a: {  	(v2sf) =	vpush v8, $0x6  }
0x23b: {  	(v2sf) =	vpush v8, $0x7  }
0x23c: {  	(v2sf) =	vpush v7, $0x6  }
0x23d: {  	(v2sf) =	vpush v7, $0x7  }
0x23e: {  	v35 =	vadd.f32 v36, v35;
	(v2sf) =	vpush v6, $0x6  }
0x23f: {  	v15 =	vnsel vm15, $0xFF7FC99E, v15;
	v16 =	vnsel vm15, $0xFF7FC99E, v16;
	(v2sf) =	vpush v6, $0x7  }
0x240: {  	v37 =	vld [tilespmem:s1+$0x5000];
	v14 =	vmax.f32 v14, v31;
	v17 =	vmax.f32 v17, v33;
	v19 =	vmax.f32 v19, v32  }
0x241: {  	v43 =	vimm.f32 $3.399999950e+38;
	v44 =	vimm.f32 $3.399999950e+38;
	v41 =	vimm.f32 $3.399999950e+38  }
0x242: {  	v63 =	vld [tilespmem:s1+$0x6000];
	v42 =	vimm.f32 $3.399999950e+38;
	v39 =	vimm.f32 $3.399999950e+38;
	(v2sf) =	vpush v5, $0x6  }
0x243: {  	v38 =	vld [tilespmem:s0+$0x2000];
	v40 =	vimm.f32 $3.399999950e+38;
	v34 =	vsub.f32 v21, v34;
	(v2sf) =	vpush v5, $0x7  }
0x244: {  	v15 =	vmax.f32 v20, v15;
	v16 =	vmax.f32 v18, v16;
	v31 =	vsub.f32 v25, v35  }
0x245: {  	v20 =	vsub.f32 v29, v34;
	v18 =	vmul.f32 v30, v22;
	v22 =	vmul.f32 v37, v23  }
0x246: {  	v36 =	vimm.f32 $3.399999950e+38;
	v23 =	vmul.f32 v30, v28;
	v26 =	vmul.f32 v37, v26  }
0x247: {  	v28 =	vsub.f32 v29, v31;
	vm0 =	vle.f32 v20, v10;
	v20 =	vmul.f32 v63, v24  }
0x248: {  	v24 =	vld [tilespmem:s1+$0x3000];
	v18 =	vadd.f32 v22, v18;
	v22 =	vnsel vm0, $0xFF7FC99E, v38;
	v23 =	vadd.f32 v26, v23  }
0x249: {  	s2 =	simm.s32 $0x0;
	v31 =	vld [tilespmem:s1+$0x2000];
	v26 =	vmul.f32 v63, v27;
	vm1 =	vle.f32 v28, v9;
	v11 =	vmax.f32 v11, v22;
	s24 =	spop (v2sf)  }
0x24a: {  	v22 =	vnsel vm1, $0xFF7FC99E, v12;
	v27 =	vnsel vm1, $0xFF7FC99E, v13;
	v18 =	vadd.f32 v20, v18;
	v20 =	vld [tilespmem:s2+$0x4000];
	s3 =	spop (v2sf)  }
0x24b: {  	v28 =	vnsel vm1, $0xFF7FC99E, v38;
	v12 =	vnsel vm0, $0xFF7FC99E, v12;
	v23 =	vadd.f32 v26, v23;
	v26 =	vld [tilespmem:s2+$0x5000];
	s4 =	spop (v2sf)  }
0x24c: {  	v13 =	vnsel vm0, $0xFF7FC99E, v13;
	v14 =	vmax.f32 v14, v22;
	v22 =	vld [tilespmem:s2+$0x6000];
	v18 =	vsub.f32 v21, v18;
	s3 =	smul.f32 $-2.000000000e+00, s3;
	s5 =	spop (v2sf)  }
0x24d: {  	v17 =	vmax.f32 v17, v27;
	v19 =	vmax.f32 v19, v28;
	v21 =	vsub.f32 v25, v23;
	v25 =	vld [tilespmem:s1+$0x1000];
	s6 =	spop (v2sf);
	s5 =	smul.f32 $-2.000000000e+00, s5  }
0x24e: {  	v12 =	vmax.f32 v15, v12;
	v13 =	vmax.f32 v16, v13;
	v23 =	vld [tilespmem:s1+$0x0];
	v18 =	vsub.f32 v24, v18;
	s7 =	spop (v2sf)  }
0x24f: {  	v21 =	vsub.f32 v24, v21;
	v28 =	vmov s3;
	s25 =	smul.f32 $-2.000000000e+00, s7;
	v29 =	vmov s5  }
0x250: {  	vm0 =	vle.f32 v18, v10;
	v15 =	vmul.f32 v20, v28;
	v24 =	vmul.f32 v26, v29  }
0x251: {  	vm1 =	vle.f32 v21, v9;
	v9 =	vnsel vm0, $0xFF7FC99E, v31;
	s26 =	spop (v2sf);
	v30 =	vmov s25  }
0x252: {  	s0 =	smul.f32 $-2.000000000e+00, s24;
	v16 =	vnsel vm1, $0xFF7FC99E, v25;
	s28 =	spop (v2sf);
	v10 =	vadd.f32 v24, v15;
	v15 =	vmul.f32 v22, v30  }
0x253: {  	v18 =	vnsel vm1, $0xFF7FC99E, v31;
	v21 =	vnsel vm0, $0xFF7FC99E, v23;
	v9 =	vmax.f32 v11, v9;
	v11 =	vld [tilespmem:s2+$0x3000];
	s4 =	smul.f32 $-2.000000000e+00, s4;
	s1 =	ssub.f32 $0.0e+00, s28  }
0x254: {  	[tilespmem:$0x1FEE0] =	vst v9;
	v9 =	vnsel vm1, $0xFF7FC99E, v23;
	v34 =	vmov s0;
	v10 =	vadd.f32 v15, v10  }
0x255: {  	v9 =	vmax.f32 v14, v9;
	s29 =	smul.f32 $-2.000000000e+00, s6;
	v32 =	vmov s4;
	v27 =	vmov s1  }
0x256: {  	s30 =	simm.s32 $0x10;
	v15 =	vmul.f32 v20, v34;
	v20 =	vmul.f32 v26, v32;
	v10 =	vsub.f32 v27, v10  }
0x257: {  	v23 =	vnsel vm0, $0xFF7FC99E, v25;
	v25 =	vld [tilespmem:s30+$0x5000];
	[tilespmem:$0x1FEF0] =	vst v9;
	v9 =	vmax.f32 v17, v16;
	v33 =	vmov s29  }
0x258: {  	v24 =	vld [tilespmem:s30+$0x4000];
	v22 =	vmul.f32 v22, v33;
	v20 =	vadd.f32 v20, v15;
	v10 =	vsub.f32 v11, v10  }
0x259: {  	v37 =	vimm.f32 $3.399999950e+38;
	v38 =	vimm.f32 $3.399999950e+38;
	[tilespmem:$0x1FF00] =	vst v9;
	v9 =	vmax.f32 v19, v18;
	s31 =	ssub.f32 $0.0e+00, s26  }
0x25a: {  	v12 =	vmax.f32 v12, v21;
	[tilespmem:$0x1FF10] =	vst v9;
	v9 =	vadd.f32 v22, v20;
	v18 =	vmax.f32 v10, $0.0e+00;
	v10 =	vld [tilespmem:s30+$0x6000]  }
0x25b: {  	[tilespmem:$0x1FF20] =	vst v12;
	v12 =	vmax.f32 v13, v23;
	v31 =	vmov s31;
	v15 =	vimm.f32 $3.399999950e+38  }
0x25c: {  	v13 =	vmul.f32 v25, v29;
	v9 =	vsub.f32 v31, v9;
	v19 =	vmax.f32 v15, v18  }
0x25d: {  	[tilespmem:$0x1FF30] =	vst v12;
	v12 =	vmul.f32 v24, v28;
	v21 =	vmul.f32 v24, v34;
	v35 =	vmax.f32 v15, v19  }
0x25e: {  	v22 =	vmul.f32 v25, v32;
	v11 =	vsub.f32 v11, v9;
	v16 =	vmax.f32 v15, v35  }
0x25f: {  	v12 =	vadd.f32 v13, v12;
	v17 =	vmax.f32 v15, v16;
	v13 =	vmul.f32 v10, v30  }
0x260: {  	v20 =	vld [tilespmem:s30+$0x3000];
	v11 =	vmax.f32 v11, $0.0e+00;
	v14 =	vmax.f32 v15, v17;
	v23 =	vmul.f32 v10, v33  }
0x261: {  	v10 =	vmin.f32 v15, v11;
	v9 =	vmax.f32 v15, v14;
	v12 =	vadd.f32 v13, v12  }
0x262: {  	v9 =	vmin.f32 v15, v9;
	v13 =	vadd.f32 v22, v21;
	v21 =	vmax.f32 v15, v11  }
0x263: {  	v11 =	vmin.f32 v15, v21;
	v21 =	vmax.f32 v15, v21;
	v24 =	vsub.f32 v27, v12  }
0x264: {  	s0 =	simm.s32 $0x20;
	v22 =	vadd.f32 v23, v13;
	v12 =	vmin.f32 v15, v21;
	v21 =	vmax.f32 v15, v21  }
0x265: {  	s1 =	simm.s32 $0xC0;
	v13 =	vmin.f32 v15, v21;
	v23 =	vmax.f32 v15, v21;
	v21 =	vld [tilespmem:s0+$0x4000];
	v45 =	vsub.f32 v20, v24  }
.LBB2_28:
0x266: {  	p0 =	sne.s32 s1, $0x3FC0;
	v24 =	vld [tilespmem:s0+$0x5000];
	v22 =	vsub.f32 v31, v22;
	v25 =	vmax.f32 v15, v23;
	v15 =	vmin.f32 v15, v23  }
0x267: {  	v44 =	vmin.f32 v44, v18;
	v43 =	vmin.f32 v43, v25;
	v18 =	vmax.f32 v45, $0.0e+00  }
0x268: {  	v41 =	vmin.f32 v41, v19;
	v23 =	vld [tilespmem:s0+$0x6000];
	v22 =	vsub.f32 v20, v22;
	v19 =	vmax.f32 v44, v18  }
0x269: {  	v42 =	vmin.f32 v42, v35;
	v25 =	vmax.f32 v37, v25;
	v37 =	vmovc v43;
	v35 =	vmax.f32 v41, v19  }
0x26a: {  	v39 =	vmin.f32 v39, v16;
	v20 =	vmul.f32 v21, v28;
	v16 =	vmax.f32 v42, v35  }
0x26b: {  	v40 =	vmin.f32 v40, v17;
	v45 =	vmul.f32 v24, v29;
	v17 =	vmax.f32 v39, v16  }
0x26c: {  	v38 =	vmin.f32 v38, v14;
	v21 =	vmul.f32 v21, v34;
	v14 =	vmax.f32 v40, v17  }
0x26d: {  	v45 =	vadd.f32 v45, v20;
	v46 =	vmul.f32 v23, v30;
	v47 =	vmax.f32 v38, v14  }
0x26e: {  	v24 =	vmul.f32 v24, v32;
	v23 =	vmul.f32 v23, v33;
	v20 =	vld [tilespmem:s0+$0x3000];
	v9 =	vmin.f32 v9, v47  }
.Ltmp15:
0x26f: {  	v36 =	vmin.f32 v36, v25;
	v22 =	vmax.f32 v22, $0.0e+00;
	v45 =	vadd.f32 v46, v45;
	(pc) =	sbr.rel @p0 .LBB2_28-.Ltmp15, $4  }
0x270: {  	v21 =	vadd.f32 v24, v21;
	v24 =	vmax.f32 v10, v22;
	v10 =	vmin.f32 v10, v22  }
0x271: {  	v25 =	vsub.f32 v27, v45;
	v45 =	vmax.f32 v11, v24;
	v11 =	vmin.f32 v11, v24  }
0x272: {  	s0 =	sshra.s32 s1, $0x2;
	v22 =	vadd.f32 v23, v21;
	v24 =	vmax.f32 v12, v45;
	v12 =	vmin.f32 v12, v45  }
0x273: {  	s1 =	sadd.s32 $0x40, s1;
	v21 =	vld [tilespmem:s0+$0x4000];
	v45 =	vsub.f32 v20, v25;
	v23 =	vmax.f32 v13, v24;
	v13 =	vmin.f32 v13, v24  }
0x274: {  	v22 =	vsub.f32 v31, v22;
	v25 =	vmin.f32 v15, v23;
	v15 =	vmax.f32 v15, v23  }
0x275: {  	v18 =	vmin.f32 v44, v18;
	v19 =	vmin.f32 v41, v19;
	v35 =	vmin.f32 v42, v35  }
0x276: {  	v24 =	vld [tilespmem:s0+$0x5000];
	v16 =	vmin.f32 v39, v16;
	v17 =	vmin.f32 v40, v17;
	v38 =	vmin.f32 v38, v14  }
0x277: {  	v51 =	vld [tilespmem:s0+$0x6000];
	v39 =	vimm.s32 $0x7F7FFFFF;
	v23 =	vmax.f32 v45, $0.0e+00;
	v43 =	vmin.f32 v43, v15  }
0x278: {  	v15 =	vmax.f32 v37, v15;
	v45 =	vmax.f32 v18, v23;
	v20 =	vsub.f32 v20, v22  }
0x279: {  	v15 =	vmin.f32 v36, v15;
	v23 =	vmin.f32 v18, v23;
	v22 =	vmax.f32 v19, v45  }
0x27a: {  	v45 =	vmin.f32 v19, v45;
	v52 =	vmul.f32 v21, v28;
	v42 =	vmax.f32 v35, v22  }
0x27b: {  	v21 =	vmul.f32 v21, v34;
	v20 =	vmax.f32 v20, $0.0e+00;
	v22 =	vmin.f32 v35, v22  }
0x27c: {  	v53 =	vmul.f32 v24, v29;
	v46 =	vmax.f32 v16, v42;
	v55 =	vmul.f32 v51, v30  }
0x27d: {  	v24 =	vmul.f32 v24, v32;
	v44 =	vmul.f32 v51, v33;
	v42 =	vmin.f32 v16, v42  }
0x27e: {  	v54 =	vmax.f32 v17, v46;
	v46 =	vmin.f32 v17, v46;
	v14 =	vadd.f32 v53, v52  }
0x27f: {  	v57 =	vld [tilespmem:s0+$0x3000];
	v21 =	vadd.f32 v24, v21;
	v24 =	vmin.f32 v10, v20;
	v10 =	vmax.f32 v10, v20  }
0x280: {  	v56 =	vmax.f32 v38, v54;
	v20 =	vmin.f32 v11, v10;
	v14 =	vadd.f32 v55, v14  }
0x281: {  	v10 =	vmax.f32 v11, v10;
	v9 =	vmin.f32 v9, v56;
	v11 =	vadd.f32 v44, v21  }
0x282: {  	v21 =	vmin.f32 v12, v10;
	v10 =	vmax.f32 v12, v10;
	v14 =	vsub.f32 v27, v14  }
0x283: {  	v58 =	vmin.f32 v13, v10;
	v10 =	vmax.f32 v13, v10;
	v11 =	vsub.f32 v31, v11  }
0x284: {  	v59 =	vmin.f32 v25, v10;
	v10 =	vmax.f32 v25, v10;
	v12 =	vsub.f32 v57, v14  }
0x285: {  	v60 =	vmin.f32 v43, v10;
	v10 =	vmax.f32 v43, v10;
	v11 =	vsub.f32 v57, v11  }
0x286: {  	v43 =	vimm.s32 $0x0;
	v19 =	vmin.f32 v15, v10;
	v25 =	vmax.f32 v12, $0.0e+00  }
0x287: {  	v15 =	vimm.s32 $0x0;
	v11 =	vmax.f32 v11, $0.0e+00;
	v61 =	vmax.f32 v23, v25  }
0x288: {  	v13 =	vmax.f32 v24, v11;
	v12 =	vmin.f32 v24, v11;
	v24 =	vmin.f32 v38, v54  }
0x289: {  	v47 =	vmax.f32 v45, v61;
	v10 =	vmax.f32 v20, v13;
	v13 =	vmin.f32 v20, v13  }
0x28a: {  	v14 =	vmin.f32 v21, v10;
	v11 =	vmax.f32 v21, v10;
	v10 =	vimm.s32 $0x7F7FFFFF  }
0x28b: {  	v16 =	vmin.f32 v58, v11;
	v11 =	vmax.f32 v58, v11;
	v18 =	vsub.s32 v10, v15  }
0x28c: {  	v17 =	vmin.f32 v59, v11;
	v11 =	vmax.f32 v59, v11;
	v20 =	vshrl.u32 v18, $0x1  }
0x28d: {  	v18 =	vmin.f32 v60, v11;
	v21 =	vmax.f32 v60, v11;
	v11 =	vadd.s32 v15, v20  }
0x28e: {  	v19 =	vmin.f32 v19, v21;
	vm0 =	vge.s32 v11, v12;
	vm1 =	vge.s32 v11, v13  }
0x28f: {  	vm15 =	vge.s32 v11, v14;
	v20 =	vsel vm0, $0x1, v0;
	v21 =	vsel vm1, $0x1, v0  }
0x290: {  	vm0 =	vge.s32 v11, v16;
	v20 =	vadd.s32 v21, v20;
	v21 =	vsel vm15, $0x1, v0  }
0x291: {  	vm1 =	vge.s32 v11, v17;
	v20 =	vadd.s32 v21, v20;
	v21 =	vsel vm0, $0x1, v0  }
0x292: {  	vm0 =	vge.s32 v11, v18;
	v20 =	vadd.s32 v21, v20;
	v21 =	vsel vm1, $0x1, v0  }
0x293: {  	v20 =	vadd.s32 v21, v20;
	v21 =	vsel vm0, $0x1, v0;
	vm0 =	vge.s32 v11, v19  }
0x294: {  	v62 =	vmax.f32 v22, v47;
	v20 =	vadd.s32 v21, v20;
	v21 =	vsel vm0, $0x1, v0  }
0x295: {  	v35 =	vmin.f32 v23, v25;
	v48 =	vmax.f32 v42, v62;
	v20 =	vadd.s32 v21, v20  }
0x296: {  	v36 =	vmin.f32 v45, v61;
	v37 =	vmin.f32 v22, v47;
	v49 =	vmax.f32 v46, v48;
	(xrf0) =	vadd.scan.msk.s32 $0xffff, v20  }
0x297: {  	v38 =	vmin.f32 v42, v62;
	v40 =	vmin.f32 v46, v48;
	v63 =	vmax.f32 v24, v49  }
0x298: {  	v41 =	vmin.f32 v24, v49;
	v9 =	vmin.f32 v9, v63;
	vm1 =	vge.s32 v11, v36  }
0x299: {  	vm15 =	vge.s32 v11, v38;
	vm0 =	vge.s32 v11, v35;
	v21 =	vsel vm1, $0x1, v0  }
0x29a: {  	vm1 =	vge.s32 v11, v41;
	v20 =	vsel vm0, $0x1, v0;
	vm0 =	vge.s32 v11, v37  }
0x29b: {  	v20 =	vadd.s32 v21, v20;
	v21 =	vsel vm0, $0x1, v0;
	vm0 =	vge.s32 v11, v40  }
0x29c: {  	v20 =	vadd.s32 v21, v20;
	v21 =	vsel vm15, $0x1, v0;
	v23 =	vsel vm0, $0x1, v0;
	v22, _, _ =	vpop (xrf0)  }
0x29d: {  	v21 =	vadd.s32 v21, v20;
	v20 =	vadd.s32 $0x1, v11;
	v22 =	vperm.xlane v22, v1  }
0x29e: {  	v21 =	vadd.s32 v23, v21;
	v23 =	vsel vm1, $0x1, v0;
	vm1 =	vge.s32 v11, v9  }
0x29f: {  	s0 =	simm.s32 $0x1E;
	v42 =	vmovc v11;
	v21 =	vadd.s32 v23, v21;
	vm0 =	vgt.s32 v22, $0x13;
	v22 =	vsel vm1, $0x1, v0  }
.LBB2_30:
0x2a0: {  	p0 =	sne.s32 s0, $0x1;
	s0 =	sadd.s32 $0xFFFFFFFF, s0;
	v15 =	vsel vm0, v15, v20;
	v10 =	vsel vm0, v11, v10;
	v11 =	vadd.s32 v22, v21  }
0x2a1: {  	v20 =	vsub.s32 v10, v15;
	(xrf0) =	vadd.scan.msk.s32 $0xffff, v11  }
0x2a2: {  	v11 =	vshrl.u32 v20, $0x1  }
0x2a3: {  	v20 =	vadd.s32 $0x1, v42;
	v11 =	vadd.s32 v15, v11  }
0x2a4: {  	vm0 =	vge.s32 v11, v12;
	vm1 =	vge.s32 v11, v13;
	vm15 =	vge.s32 v11, v14  }
0x2a5: {  	v21 =	vsel vm0, $0x1, v0;
	v22 =	vsel vm1, $0x1, v0;
	vm0 =	vge.s32 v11, v16  }
0x2a6: {  	vm1 =	vge.s32 v11, v17;
	v21 =	vadd.s32 v22, v21;
	v22 =	vsel vm15, $0x1, v0  }
0x2a7: {  	v21 =	vadd.s32 v22, v21;
	v22 =	vsel vm0, $0x1, v0;
	vm0 =	vge.s32 v11, v18;
	v23, _, _ =	vpop (xrf0)  }
0x2a8: {  	v21 =	vadd.s32 v22, v21;
	v22 =	vsel vm1, $0x1, v0;
	v23 =	vperm.xlane v23, v1  }
0x2a9: {  	v21 =	vadd.s32 v22, v21;
	v22 =	vsel vm0, $0x1, v0;
	vm0 =	vge.s32 v11, v19  }
0x2aa: {  	v21 =	vadd.s32 v22, v21;
	v22 =	vsel vm0, $0x1, v0;
	vm0 =	vgt.s32 v23, $0x13  }
0x2ab: {  	v21 =	vadd.s32 v22, v21;
	v43 =	vsel vm0, v43, v20;
	v39 =	vsel vm0, v42, v39  }
0x2ac: {  	v20 =	vsub.s32 v39, v43;
	(xrf0) =	vadd.scan.msk.s32 $0xffff, v21  }
0x2ad: {  	v20 =	vshrl.u32 v20, $0x1  }
0x2ae: {  	v42 =	vadd.s32 v43, v20;
	v20 =	vadd.s32 $0x1, v11  }
0x2af: {  	vm0 =	vge.s32 v42, v35;
	vm1 =	vge.s32 v42, v36;
	vm15 =	vge.s32 v42, v38  }
0x2b0: {  	v21 =	vsel vm0, $0x1, v0;
	v22 =	vsel vm1, $0x1, v0;
	vm0 =	vge.s32 v42, v37  }
.Ltmp16:
0x2b1: {  	v21 =	vadd.s32 v22, v21;
	v22 =	vsel vm0, $0x1, v0;
	vm0 =	vge.s32 v42, v40;
	(pc) =	sbr.rel @p0 .LBB2_30-.Ltmp16, $4  }
0x2b2: {  	vm1 =	vge.s32 v42, v41;
	v21 =	vadd.s32 v22, v21;
	v22 =	vsel vm15, $0x1, v0;
	v23, _, _ =	vpop (xrf0)  }
0x2b3: {  	v23 =	vperm.xlane v23, v1;
	v21 =	vadd.s32 v22, v21;
	v22 =	vsel vm0, $0x1, v0  }
0x2b4: {  	v21 =	vadd.s32 v22, v21;
	v22 =	vsel vm1, $0x1, v0;
	vm1 =	vge.s32 v42, v9  }
0x2b5: {  	vm0 =	vgt.s32 v23, $0x13;
	v21 =	vadd.s32 v22, v21;
	v22 =	vsel vm1, $0x1, v0  }
0x2b6: {  	s1 =	simm.s32 $0x0  }
0x2b7: {  	v9 =	vld [tilespmem:s1+$0x4000]  }
0x2b8: {  	v13 =	vld [tilespmem:s1+$0x5000]  }
0x2b9: {  	v12 =	vadd.s32 v22, v21  }
0x2ba: {  	(xrf0) =	vadd.scan.msk.s32 $0xffff, v12;
	v12 =	vld [tilespmem:s1+$0x6000];
	_ =	sdelay $0x2  }
0x2bb: {  	v14 =	vmul.f32 v9, v28;
	v15 =	vmul.f32 v13, v29  }
0x2bc: {  	v9 =	vmul.f32 v9, v34;
	v13 =	vmul.f32 v13, v32  }
0x2bd: {  	s0 =	simm.s32 $0x10;
	v17 =	vld [tilespmem:s1+$0x3000];
	v14 =	vadd.f32 v15, v14;
	v15 =	vmul.f32 v12, v30  }
0x2be: {  	v19 =	vld [tilespmem:s0+$0x5000];
	v9 =	vadd.f32 v13, v9;
	v12 =	vmul.f32 v12, v33  }
0x2bf: {  	v18 =	vld [tilespmem:s0+$0x4000];
	v16, _, _ =	vpop (xrf0);
	v13 =	vadd.f32 v15, v14  }
0x2c0: {  	v21 =	vld [tilespmem:s0+$0x6000];
	v16 =	vperm.xlane v16, v1;
	v12 =	vadd.f32 v12, v9  }
0x2c1: {  	v20 =	vld [tilespmem:s1+$0x2000];
	v13 =	vsub.f32 v27, v13  }
0x2c2: {  	vm1 =	vgt.s32 v16, $0x13;
	v9 =	vsel vm0, v11, v10;
	v15 =	vld [tilespmem:s1+$0x0];
	v11 =	vsub.f32 v31, v12  }
0x2c3: {  	v22 =	vmul.f32 v19, v29;
	v16 =	vld [tilespmem:s1+$0x1000];
	v10 =	vsel vm1, v42, v39;
	v12 =	vsub.f32 v17, v13  }
0x2c4: {  	v13 =	vmul.f32 v18, v34;
	v11 =	vsub.f32 v17, v11;
	v17 =	vmul.f32 v19, v32  }
0x2c5: {  	v23 =	vmul.f32 v21, v30;
	v18 =	vmul.f32 v18, v28;
	vm15 =	vle.f32 v12, v10;
	v12 =	vld [tilespmem:s0+$0x0]  }
0x2c6: {  	v40 =	vmul.f32 v21, v33;
	v14 =	vimm.f32 $-3.399999950e+38;
	v39 =	vadd.f32 v17, v13;
	v13 =	vld [tilespmem:s0+$0x1000]  }
0x2c7: {  	v18 =	vadd.f32 v22, v18;
	vm0 =	vle.f32 v11, v9;
	v17 =	vimm.f32 $-3.399999950e+38  }
0x2c8: {  	v19 =	vnsel vm15, $0xFF7FC99E, v20;
	v22 =	vnsel vm0, $0xFF7FC99E, v15;
	v37 =	vnsel vm0, $0xFF7FC99E, v16  }
0x2c9: {  	v21 =	vld [tilespmem:s0+$0x3000];
	s1 =	simm.s32 $0x20;
	v36 =	vnsel vm0, $0xFF7FC99E, v20;
	v20 =	vimm.f32 $-3.399999950e+38;
	v11 =	vmax.f32 v14, v19  }
0x2ca: {  	s2 =	simm.s32 $0xC0;
	v35 =	vld [tilespmem:s1+$0x4000];
	v38 =	vadd.f32 v23, v18;
	v19 =	vimm.f32 $-3.399999950e+38;
	v18 =	vimm.f32 $-3.399999950e+38  }
.LBB2_32:
0x2cb: {  	p0 =	sne.s32 s2, $0x3FC0;
	v23 =	vld [tilespmem:s1+$0x5000];
	v24 =	vadd.f32 v40, v39;
	v25 =	vnsel vm15, $0xFF7FC99E, v15;
	v39 =	vnsel vm15, $0xFF7FC99E, v16;
	v15 =	vmovc v12;
	v16 =	vmovc v13  }
0x2cc: {  	v14 =	vmax.f32 v14, v22;
	v17 =	vmax.f32 v17, v37;
	v41 =	vld [tilespmem:s0+$0x2000];
	v13 =	vsub.f32 v27, v38;
	s0 =	smov.u32 s1  }
0x2cd: {  	v19 =	vmax.f32 v19, v36;
	v20 =	vmax.f32 v20, v25;
	v22 =	vld [tilespmem:s0+$0x6000];
	v24 =	vsub.f32 v31, v24  }
0x2ce: {  	v18 =	vmax.f32 v18, v39;
	v12 =	vld [tilespmem:s0+$0x0];
	v25 =	vsub.f32 v21, v13  }
0x2cf: {  	v13 =	vld [tilespmem:s0+$0x1000];
	v36 =	vmul.f32 v35, v34;
	v21 =	vsub.f32 v21, v24  }
.Ltmp17:
0x2d0: {  	v24 =	vmul.f32 v35, v28;
	v35 =	vmul.f32 v23, v29;
	vm15 =	vle.f32 v25, v10;
	(pc) =	sbr.rel @p0 .LBB2_32-.Ltmp17, $4  }
0x2d1: {  	v23 =	vmul.f32 v23, v32;
	vm0 =	vle.f32 v21, v9;
	v21 =	vnsel vm15, $0xFF7FC99E, v41  }
0x2d2: {  	v24 =	vadd.f32 v35, v24;
	v25 =	vmul.f32 v22, v30;
	v11 =	vmax.f32 v11, v21  }
0x2d3: {  	s1 =	sshra.s32 s2, $0x2;
	v39 =	vadd.f32 v23, v36;
	v40 =	vmul.f32 v22, v33;
	v22 =	vnsel vm0, $0xFF7FC99E, v15;
	v21 =	vld [tilespmem:s0+$0x3000]  }
0x2d4: {  	s2 =	sadd.s32 $0x40, s2;
	v37 =	vnsel vm0, $0xFF7FC99E, v16;
	v36 =	vnsel vm0, $0xFF7FC99E, v41;
	v35 =	vld [tilespmem:s1+$0x4000];
	v38 =	vadd.f32 v25, v24  }
0x2d5: {  	(v2sf) =	vpush v8, $0x8  }
0x2d6: {  	(v2sf) =	vpush v8, $0x9  }
0x2d7: {  	(v2sf) =	vpush v7, $0x8  }
0x2d8: {  	(v2sf) =	vpush v7, $0x9  }
0x2d9: {  	v24 =	vadd.f32 v40, v39;
	(v2sf) =	vpush v6, $0x8  }
0x2da: {  	v15 =	vnsel vm15, $0xFF7FC99E, v15;
	v16 =	vnsel vm15, $0xFF7FC99E, v16;
	(v2sf) =	vpush v6, $0x9  }
0x2db: {  	v14 =	vmax.f32 v14, v22;
	v17 =	vmax.f32 v17, v37;
	v19 =	vmax.f32 v19, v36  }
0x2dc: {  	v23 =	vld [tilespmem:s1+$0x5000];
	v49 =	vimm.f32 $3.399999950e+38;
	v50 =	vimm.f32 $3.399999950e+38;
	v47 =	vimm.f32 $3.399999950e+38  }
0x2dd: {  	v43 =	vimm.f32 $3.399999950e+38;
	v48 =	vimm.f32 $3.399999950e+38;
	(v2sf) =	vpush v5, $0x8  }
0x2de: {  	v53 =	vld [tilespmem:s1+$0x6000];
	v45 =	vimm.f32 $3.399999950e+38;
	v46 =	vimm.f32 $3.399999950e+38;
	(v2sf) =	vpush v5, $0x9  }
0x2df: {  	v54 =	vld [tilespmem:s0+$0x2000];
	v44 =	vimm.f32 $3.399999950e+38;
	v42 =	vimm.f32 $3.399999950e+38;
	v25 =	vsub.f32 v27, v38  }
0x2e0: {  	v15 =	vmax.f32 v20, v15;
	v16 =	vmax.f32 v18, v16;
	v22 =	vsub.f32 v31, v24  }
0x2e1: {  	v20 =	vsub.f32 v21, v25;
	v18 =	vmul.f32 v35, v28;
	v55 =	vmul.f32 v23, v29  }
0x2e2: {  	v56 =	vmul.f32 v35, v34;
	v21 =	vsub.f32 v21, v22;
	v22 =	vmul.f32 v23, v32  }
0x2e3: {  	vm0 =	vle.f32 v20, v10;
	v20 =	vmul.f32 v53, v30;
	v18 =	vadd.f32 v55, v18  }
0x2e4: {  	v57 =	vld [tilespmem:s1+$0x3000];
	s2 =	simm.s32 $0x0;
	v58 =	vmul.f32 v53, v33;
	v23 =	vnsel vm0, $0xFF7FC99E, v54;
	v22 =	vadd.f32 v22, v56;
	s24 =	spop (v2sf)  }
0x2e5: {  	v59 =	vld [tilespmem:s2+$0x5000];
	vm1 =	vle.f32 v21, v9;
	v11 =	vmax.f32 v11, v23;
	v18 =	vadd.f32 v20, v18;
	s3 =	spop (v2sf)  }
0x2e6: {  	v21 =	vnsel vm1, $0xFF7FC99E, v12;
	v23 =	vnsel vm1, $0xFF7FC99E, v13;
	v20 =	vld [tilespmem:s2+$0x4000];
	v22 =	vadd.f32 v58, v22;
	s4 =	spop (v2sf)  }
0x2e7: {  	v29 =	vld [tilespmem:s1+$0x2000];
	v28 =	vnsel vm1, $0xFF7FC99E, v54;
	v12 =	vnsel vm0, $0xFF7FC99E, v12;
	v18 =	vsub.f32 v27, v18;
	s3 =	smul.f32 $-2.000000000e+00, s3;
	s5 =	spop (v2sf)  }
0x2e8: {  	v13 =	vnsel vm0, $0xFF7FC99E, v13;
	v14 =	vmax.f32 v14, v21;
	v21 =	vsub.f32 v31, v22;
	v22 =	vld [tilespmem:s2+$0x6000];
	s6 =	spop (v2sf);
	s5 =	smul.f32 $-2.000000000e+00, s5  }
0x2e9: {  	v17 =	vmax.f32 v17, v23;
	v19 =	vmax.f32 v19, v28;
	v23 =	vld [tilespmem:s1+$0x1000];
	v18 =	vsub.f32 v57, v18;
	s7 =	spop (v2sf)  }
0x2ea: {  	v30 =	vld [tilespmem:s1+$0x0];
	v21 =	vsub.f32 v57, v21;
	v34 =	vmov s3;
	s25 =	smul.f32 $-2.000000000e+00, s7;
	v35 =	vmov s5  }
0x2eb: {  	v12 =	vmax.f32 v15, v12;
	v15 =	vmul.f32 v20, v34;
	v60 =	vmul.f32 v59, v35  }
0x2ec: {  	vm0 =	vle.f32 v18, v10;
	vm1 =	vle.f32 v21, v9;
	s26 =	spop (v2sf);
	v36 =	vmov s25  }
0x2ed: {  	v9 =	vnsel vm0, $0xFF7FC99E, v29;
	s0 =	smul.f32 $-2.000000000e+00, s24;
	s28 =	spop (v2sf);
	v10 =	vadd.f32 v60, v15;
	v15 =	vmul.f32 v22, v36  }
0x2ee: {  	v13 =	vmax.f32 v16, v13;
	v16 =	vnsel vm1, $0xFF7FC99E, v23;
	v9 =	vmax.f32 v11, v9;
	v11 =	vld [tilespmem:s2+$0x3000];
	s4 =	smul.f32 $-2.000000000e+00, s4;
	s1 =	ssub.f32 $0.0e+00, s28  }
0x2ef: {  	v18 =	vnsel vm1, $0xFF7FC99E, v29;
	v21 =	vnsel vm0, $0xFF7FC99E, v30;
	v10 =	vadd.f32 v15, v10  }
0x2f0: {  	s30 =	simm.s32 $0x10;
	v40 =	vmov s0;
	s29 =	smul.f32 $-2.000000000e+00, s6;
	v38 =	vmov s4;
	v33 =	vmov s1  }
0x2f1: {  	v61 =	vld [tilespmem:s30+$0x4000];
	v15 =	vmul.f32 v20, v40;
	v20 =	vmul.f32 v59, v38;
	v10 =	vsub.f32 v33, v10  }
0x2f2: {  	v62 =	vld [tilespmem:s30+$0x5000];
	v12 =	vmax.f32 v12, v21;
	[tilespmem:$0x1FEA0] =	vst v9;
	v9 =	vnsel vm1, $0xFF7FC99E, v30;
	v39 =	vmov s29  }
0x2f3: {  	v22 =	vmul.f32 v22, v39;
	v20 =	vadd.f32 v20, v15;
	v10 =	vsub.f32 v11, v10  }
0x2f4: {  	v23 =	vnsel vm0, $0xFF7FC99E, v23;
	[tilespmem:$0x1FEC0] =	vst v12;
	v32 =	vmax.f32 v14, v9;
	v9 =	vmax.f32 v19, v18;
	s31 =	ssub.f32 $0.0e+00, s26  }
0x2f5: {  	v12 =	vmax.f32 v13, v23;
	[tilespmem:$0x1FEB0] =	vst v9;
	v9 =	vadd.f32 v22, v20;
	v18 =	vmax.f32 v10, $0.0e+00;
	v10 =	vld [tilespmem:s30+$0x6000]  }
0x2f6: {  	[tilespmem:$0x1FED0] =	vst v12;
	v12 =	vmul.f32 v61, v34;
	v37 =	vmov s31;
	v15 =	vimm.f32 $3.399999950e+38  }
0x2f7: {  	v13 =	vmul.f32 v62, v35;
	v9 =	vsub.f32 v37, v9;
	v19 =	vmax.f32 v15, v18  }
0x2f8: {  	v31 =	vmax.f32 v17, v16;
	v21 =	vmul.f32 v61, v40;
	v41 =	vmax.f32 v15, v19  }
0x2f9: {  	v12 =	vadd.f32 v13, v12;
	v11 =	vsub.f32 v11, v9;
	v16 =	vmax.f32 v15, v41  }
0x2fa: {  	v22 =	vmul.f32 v62, v38;
	v17 =	vmax.f32 v15, v16;
	v13 =	vmul.f32 v10, v36  }
0x2fb: {  	v20 =	vld [tilespmem:s30+$0x3000];
	v11 =	vmax.f32 v11, $0.0e+00;
	v14 =	vmax.f32 v15, v17;
	v23 =	vmul.f32 v10, v39  }
0x2fc: {  	v10 =	vmin.f32 v15, v11;
	v9 =	vmax.f32 v15, v14;
	v12 =	vadd.f32 v13, v12  }
0x2fd: {  	v9 =	vmin.f32 v15, v9;
	v13 =	vadd.f32 v22, v21;
	v21 =	vmax.f32 v15, v11  }
0x2fe: {  	v11 =	vmin.f32 v15, v21;
	v21 =	vmax.f32 v15, v21;
	v63 =	vsub.f32 v33, v12  }
0x2ff: {  	s0 =	simm.s32 $0x20;
	v22 =	vadd.f32 v23, v13;
	v12 =	vmin.f32 v15, v21;
	v21 =	vmax.f32 v15, v21  }
0x300: {  	s1 =	simm.s32 $0xC0;
	v13 =	vmin.f32 v15, v21;
	v23 =	vmax.f32 v15, v21;
	v21 =	vld [tilespmem:s0+$0x4000];
	v51 =	vsub.f32 v20, v63  }
.LBB2_34:
0x301: {  	p0 =	sne.s32 s1, $0x3FC0;
	v24 =	vld [tilespmem:s0+$0x5000];
	v22 =	vsub.f32 v37, v22;
	v25 =	vmax.f32 v15, v23;
	v15 =	vmin.f32 v15, v23  }
0x302: {  	v50 =	vmin.f32 v50, v18;
	v49 =	vmin.f32 v49, v25;
	v18 =	vmax.f32 v51, $0.0e+00  }
0x303: {  	v47 =	vmin.f32 v47, v19;
	v23 =	vld [tilespmem:s0+$0x6000];
	v22 =	vsub.f32 v20, v22;
	v19 =	vmax.f32 v50, v18  }
0x304: {  	v48 =	vmin.f32 v48, v41;
	v25 =	vmax.f32 v43, v25;
	v43 =	vmovc v49;
	v41 =	vmax.f32 v47, v19  }
0x305: {  	v45 =	vmin.f32 v45, v16;
	v20 =	vmul.f32 v21, v34;
	v16 =	vmax.f32 v48, v41  }
0x306: {  	v46 =	vmin.f32 v46, v17;
	v51 =	vmul.f32 v24, v35;
	v17 =	vmax.f32 v45, v16  }
0x307: {  	v44 =	vmin.f32 v44, v14;
	v21 =	vmul.f32 v21, v40;
	v14 =	vmax.f32 v46, v17  }
0x308: {  	v51 =	vadd.f32 v51, v20;
	v52 =	vmul.f32 v23, v36;
	v53 =	vmax.f32 v44, v14  }
0x309: {  	v24 =	vmul.f32 v24, v38;
	v23 =	vmul.f32 v23, v39;
	v20 =	vld [tilespmem:s0+$0x3000];
	v9 =	vmin.f32 v9, v53  }
.Ltmp18:
0x30a: {  	v42 =	vmin.f32 v42, v25;
	v22 =	vmax.f32 v22, $0.0e+00;
	v51 =	vadd.f32 v52, v51;
	(pc) =	sbr.rel @p0 .LBB2_34-.Ltmp18, $4  }
0x30b: {  	v21 =	vadd.f32 v24, v21;
	v24 =	vmax.f32 v10, v22;
	v10 =	vmin.f32 v10, v22  }
0x30c: {  	v25 =	vsub.f32 v33, v51;
	v51 =	vmax.f32 v11, v24;
	v11 =	vmin.f32 v11, v24  }
0x30d: {  	s0 =	sshra.s32 s1, $0x2;
	v22 =	vadd.f32 v23, v21;
	v24 =	vmax.f32 v12, v51;
	v12 =	vmin.f32 v12, v51  }
0x30e: {  	s1 =	sadd.s32 $0x40, s1;
	v21 =	vld [tilespmem:s0+$0x4000];
	v51 =	vsub.f32 v20, v25;
	v23 =	vmax.f32 v13, v24;
	v13 =	vmin.f32 v13, v24  }
0x30f: {  	v22 =	vsub.f32 v37, v22;
	v25 =	vmin.f32 v15, v23;
	v15 =	vmax.f32 v15, v23  }
0x310: {  	v18 =	vmin.f32 v50, v18;
	v19 =	vmin.f32 v47, v19;
	v41 =	vmin.f32 v48, v41  }
0x311: {  	v24 =	vld [tilespmem:s0+$0x5000];
	v16 =	vmin.f32 v45, v16;
	v17 =	vmin.f32 v46, v17;
	v44 =	vmin.f32 v44, v14  }
0x312: {  	v57 =	vld [tilespmem:s0+$0x6000];
	v45 =	vimm.s32 $0x7F7FFFFF;
	v23 =	vmax.f32 v51, $0.0e+00;
	v49 =	vmin.f32 v49, v15  }
0x313: {  	v15 =	vmax.f32 v43, v15;
	v51 =	vmax.f32 v18, v23;
	v20 =	vsub.f32 v20, v22  }
0x314: {  	v15 =	vmin.f32 v42, v15;
	v23 =	vmin.f32 v18, v23;
	v22 =	vmax.f32 v19, v51  }
0x315: {  	v51 =	vmin.f32 v19, v51;
	v58 =	vmul.f32 v21, v34;
	v48 =	vmax.f32 v41, v22  }
0x316: {  	v21 =	vmul.f32 v21, v40;
	v20 =	vmax.f32 v20, $0.0e+00;
	v22 =	vmin.f32 v41, v22  }
0x317: {  	v59 =	vmul.f32 v24, v35;
	v52 =	vmax.f32 v16, v48;
	v60 =	vmul.f32 v57, v36  }
0x318: {  	v24 =	vmul.f32 v24, v38;
	v50 =	vmul.f32 v57, v39;
	v62 =	vmin.f32 v10, v20  }
0x319: {  	v10 =	vmax.f32 v10, v20;
	v48 =	vmin.f32 v16, v48;
	v14 =	vadd.f32 v59, v58  }
0x31a: {  	v61 =	vld [tilespmem:s0+$0x3000];
	v43 =	vmax.f32 v17, v52;
	v20 =	vmin.f32 v11, v10;
	v21 =	vadd.f32 v24, v21  }
0x31b: {  	v10 =	vmax.f32 v11, v10;
	v46 =	vmax.f32 v44, v43;
	v14 =	vadd.f32 v60, v14  }
0x31c: {  	v52 =	vmin.f32 v17, v52;
	v9 =	vmin.f32 v9, v46;
	v11 =	vadd.f32 v50, v21  }
0x31d: {  	v21 =	vmin.f32 v12, v10;
	v10 =	vmax.f32 v12, v10;
	v14 =	vsub.f32 v33, v14  }
0x31e: {  	v63 =	vmin.f32 v13, v10;
	v10 =	vmax.f32 v13, v10;
	v11 =	vsub.f32 v37, v11  }
0x31f: {  	v57 =	vmin.f32 v25, v10;
	v10 =	vmax.f32 v25, v10;
	v12 =	vsub.f32 v61, v14  }
0x320: {  	v59 =	vmin.f32 v49, v10;
	v10 =	vmax.f32 v49, v10;
	v11 =	vsub.f32 v61, v11  }
0x321: {  	v49 =	vimm.s32 $0x0;
	v19 =	vmin.f32 v15, v10;
	v58 =	vmax.f32 v12, $0.0e+00  }
0x322: {  	v15 =	vimm.s32 $0x0;
	v11 =	vmax.f32 v11, $0.0e+00;
	v60 =	vmax.f32 v23, v58  }
0x323: {  	v13 =	vmax.f32 v62, v11;
	v12 =	vmin.f32 v62, v11;
	v62 =	vmin.f32 v44, v43  }
0x324: {  	v53 =	vmax.f32 v51, v60;
	v10 =	vmax.f32 v20, v13;
	v13 =	vmin.f32 v20, v13  }
0x325: {  	v14 =	vmin.f32 v21, v10;
	v11 =	vmax.f32 v21, v10;
	v10 =	vimm.s32 $0x7F7FFFFF  }
0x326: {  	v16 =	vmin.f32 v63, v11;
	v11 =	vmax.f32 v63, v11;
	v18 =	vsub.s32 v10, v15  }
0x327: {  	v17 =	vmin.f32 v57, v11;
	v11 =	vmax.f32 v57, v11;
	v20 =	vshrl.u32 v18, $0x1  }
0x328: {  	v18 =	vmin.f32 v59, v11;
	v21 =	vmax.f32 v59, v11;
	v11 =	vadd.s32 v15, v20  }
0x329: {  	v19 =	vmin.f32 v19, v21;
	vm0 =	vge.s32 v11, v12;
	vm1 =	vge.s32 v11, v13  }
0x32a: {  	vm15 =	vge.s32 v11, v14;
	v20 =	vsel vm0, $0x1, v0;
	v21 =	vsel vm1, $0x1, v0  }
0x32b: {  	vm0 =	vge.s32 v11, v16;
	v20 =	vadd.s32 v21, v20;
	v21 =	vsel vm15, $0x1, v0  }
0x32c: {  	vm1 =	vge.s32 v11, v17;
	v20 =	vadd.s32 v21, v20;
	v21 =	vsel vm0, $0x1, v0  }
0x32d: {  	vm0 =	vge.s32 v11, v18;
	v20 =	vadd.s32 v21, v20;
	v21 =	vsel vm1, $0x1, v0  }
0x32e: {  	v20 =	vadd.s32 v21, v20;
	v21 =	vsel vm0, $0x1, v0;
	vm0 =	vge.s32 v11, v19  }
0x32f: {  	v61 =	vmax.f32 v22, v53;
	v20 =	vadd.s32 v21, v20;
	v21 =	vsel vm0, $0x1, v0  }
0x330: {  	v41 =	vmin.f32 v23, v58;
	v54 =	vmax.f32 v48, v61;
	v20 =	vadd.s32 v21, v20  }
0x331: {  	v42 =	vmin.f32 v51, v60;
	v43 =	vmin.f32 v22, v53;
	v55 =	vmax.f32 v52, v54;
	(xrf0) =	vadd.scan.msk.s32 $0xffff, v20  }
0x332: {  	v44 =	vmin.f32 v48, v61;
	v46 =	vmin.f32 v52, v54;
	v63 =	vmax.f32 v62, v55  }
0x333: {  	v47 =	vmin.f32 v62, v55;
	v9 =	vmin.f32 v9, v63;
	vm1 =	vge.s32 v11, v42  }
0x334: {  	vm15 =	vge.s32 v11, v44;
	vm0 =	vge.s32 v11, v41;
	v21 =	vsel vm1, $0x1, v0  }
0x335: {  	vm1 =	vge.s32 v11, v47;
	v20 =	vsel vm0, $0x1, v0;
	vm0 =	vge.s32 v11, v43  }
0x336: {  	v20 =	vadd.s32 v21, v20;
	v21 =	vsel vm0, $0x1, v0;
	vm0 =	vge.s32 v11, v46  }
0x337: {  	v20 =	vadd.s32 v21, v20;
	v21 =	vsel vm15, $0x1, v0;
	v23 =	vsel vm0, $0x1, v0;
	v22, _, _ =	vpop (xrf0)  }
0x338: {  	v21 =	vadd.s32 v21, v20;
	v20 =	vadd.s32 $0x1, v11;
	v22 =	vperm.xlane v22, v1  }
0x339: {  	v21 =	vadd.s32 v23, v21;
	v23 =	vsel vm1, $0x1, v0;
	vm1 =	vge.s32 v11, v9  }
0x33a: {  	s0 =	simm.s32 $0x1E;
	v48 =	vmovc v11;
	v21 =	vadd.s32 v23, v21;
	vm0 =	vgt.s32 v22, $0x13;
	v22 =	vsel vm1, $0x1, v0  }
.LBB2_36:
0x33b: {  	p0 =	sne.s32 s0, $0x1;
	s0 =	sadd.s32 $0xFFFFFFFF, s0;
	v15 =	vsel vm0, v15, v20;
	v10 =	vsel vm0, v11, v10;
	v11 =	vadd.s32 v22, v21  }
0x33c: {  	v20 =	vsub.s32 v10, v15;
	(xrf0) =	vadd.scan.msk.s32 $0xffff, v11  }
0x33d: {  	v11 =	vshrl.u32 v20, $0x1  }
0x33e: {  	v20 =	vadd.s32 $0x1, v48;
	v11 =	vadd.s32 v15, v11  }
0x33f: {  	vm0 =	vge.s32 v11, v12;
	vm1 =	vge.s32 v11, v13;
	vm15 =	vge.s32 v11, v14  }
0x340: {  	v21 =	vsel vm0, $0x1, v0;
	v22 =	vsel vm1, $0x1, v0;
	vm0 =	vge.s32 v11, v16  }
0x341: {  	vm1 =	vge.s32 v11, v17;
	v21 =	vadd.s32 v22, v21;
	v22 =	vsel vm15, $0x1, v0  }
0x342: {  	v21 =	vadd.s32 v22, v21;
	v22 =	vsel vm0, $0x1, v0;
	vm0 =	vge.s32 v11, v18;
	v23, _, _ =	vpop (xrf0)  }
0x343: {  	v21 =	vadd.s32 v22, v21;
	v22 =	vsel vm1, $0x1, v0;
	v23 =	vperm.xlane v23, v1  }
0x344: {  	v21 =	vadd.s32 v22, v21;
	v22 =	vsel vm0, $0x1, v0;
	vm0 =	vge.s32 v11, v19  }
0x345: {  	v21 =	vadd.s32 v22, v21;
	v22 =	vsel vm0, $0x1, v0;
	vm0 =	vgt.s32 v23, $0x13  }
0x346: {  	v21 =	vadd.s32 v22, v21;
	v49 =	vsel vm0, v49, v20;
	v45 =	vsel vm0, v48, v45  }
0x347: {  	v20 =	vsub.s32 v45, v49;
	(xrf0) =	vadd.scan.msk.s32 $0xffff, v21  }
0x348: {  	v20 =	vshrl.u32 v20, $0x1  }
0x349: {  	v48 =	vadd.s32 v49, v20;
	v20 =	vadd.s32 $0x1, v11  }
0x34a: {  	vm0 =	vge.s32 v48, v41;
	vm1 =	vge.s32 v48, v42;
	vm15 =	vge.s32 v48, v44  }
0x34b: {  	v21 =	vsel vm0, $0x1, v0;
	v22 =	vsel vm1, $0x1, v0;
	vm0 =	vge.s32 v48, v43  }
.Ltmp19:
0x34c: {  	v21 =	vadd.s32 v22, v21;
	v22 =	vsel vm0, $0x1, v0;
	vm0 =	vge.s32 v48, v46;
	(pc) =	sbr.rel @p0 .LBB2_36-.Ltmp19, $4  }
0x34d: {  	vm1 =	vge.s32 v48, v47;
	v21 =	vadd.s32 v22, v21;
	v22 =	vsel vm15, $0x1, v0;
	v23, _, _ =	vpop (xrf0)  }
0x34e: {  	v23 =	vperm.xlane v23, v1;
	v21 =	vadd.s32 v22, v21;
	v22 =	vsel vm0, $0x1, v0  }
0x34f: {  	v21 =	vadd.s32 v22, v21;
	v22 =	vsel vm1, $0x1, v0;
	vm1 =	vge.s32 v48, v9  }
0x350: {  	vm0 =	vgt.s32 v23, $0x13;
	v21 =	vadd.s32 v22, v21;
	v22 =	vsel vm1, $0x1, v0  }
0x351: {  	s1 =	simm.s32 $0x0  }
0x352: {  	v9 =	vld [tilespmem:s1+$0x4000]  }
0x353: {  	v13 =	vld [tilespmem:s1+$0x5000]  }
0x354: {  	v12 =	vadd.s32 v22, v21  }
0x355: {  	(xrf0) =	vadd.scan.msk.s32 $0xffff, v12;
	v12 =	vld [tilespmem:s1+$0x6000];
	_ =	sdelay $0x2  }
0x356: {  	v14 =	vmul.f32 v9, v34;
	v15 =	vmul.f32 v13, v35  }
0x357: {  	v9 =	vmul.f32 v9, v40;
	v13 =	vmul.f32 v13, v38  }
0x358: {  	s0 =	simm.s32 $0x10;
	v17 =	vld [tilespmem:s1+$0x3000];
	v14 =	vadd.f32 v15, v14;
	v15 =	vmul.f32 v12, v36  }
0x359: {  	v19 =	vld [tilespmem:s0+$0x5000];
	v9 =	vadd.f32 v13, v9;
	v12 =	vmul.f32 v12, v39  }
0x35a: {  	v18 =	vld [tilespmem:s0+$0x4000];
	v16, _, _ =	vpop (xrf0);
	v13 =	vadd.f32 v15, v14  }
0x35b: {  	v21 =	vld [tilespmem:s0+$0x6000];
	v16 =	vperm.xlane v16, v1;
	v12 =	vadd.f32 v12, v9  }
0x35c: {  	v20 =	vld [tilespmem:s1+$0x2000];
	v13 =	vsub.f32 v33, v13  }
0x35d: {  	vm1 =	vgt.s32 v16, $0x13;
	v9 =	vsel vm0, v11, v10;
	v15 =	vld [tilespmem:s1+$0x0];
	v11 =	vsub.f32 v37, v12  }
0x35e: {  	v22 =	vmul.f32 v19, v35;
	v16 =	vld [tilespmem:s1+$0x1000];
	v10 =	vsel vm1, v48, v45;
	v12 =	vsub.f32 v17, v13  }
0x35f: {  	v13 =	vmul.f32 v18, v40;
	v11 =	vsub.f32 v17, v11;
	v17 =	vmul.f32 v19, v38  }
0x360: {  	v23 =	vmul.f32 v21, v36;
	v18 =	vmul.f32 v18, v34;
	vm15 =	vle.f32 v12, v10;
	v12 =	vld [tilespmem:s0+$0x0]  }
0x361: {  	v46 =	vmul.f32 v21, v39;
	v14 =	vimm.f32 $-3.399999950e+38;
	v45 =	vadd.f32 v17, v13;
	v13 =	vld [tilespmem:s0+$0x1000]  }
0x362: {  	v18 =	vadd.f32 v22, v18;
	vm0 =	vle.f32 v11, v9;
	v17 =	vimm.f32 $-3.399999950e+38  }
0x363: {  	v19 =	vnsel vm15, $0xFF7FC99E, v20;
	v22 =	vnsel vm0, $0xFF7FC99E, v15;
	v43 =	vnsel vm0, $0xFF7FC99E, v16  }
0x364: {  	v21 =	vld [tilespmem:s0+$0x3000];
	s1 =	simm.s32 $0x20;
	v42 =	vnsel vm0, $0xFF7FC99E, v20;
	v20 =	vimm.f32 $-3.399999950e+38;
	v11 =	vmax.f32 v14, v19  }
0x365: {  	s2 =	simm.s32 $0xC0;
	v41 =	vld [tilespmem:s1+$0x4000];
	v44 =	vadd.f32 v23, v18;
	v19 =	vimm.f32 $-3.399999950e+38;
	v18 =	vimm.f32 $-3.399999950e+38  }
.LBB2_38:
0x366: {  	p0 =	sne.s32 s2, $0x3FC0;
	v23 =	vld [tilespmem:s1+$0x5000];
	v24 =	vadd.f32 v46, v45;
	v25 =	vnsel vm15, $0xFF7FC99E, v15;
	v45 =	vnsel vm15, $0xFF7FC99E, v16;
	v15 =	vmovc v12;
	v16 =	vmovc v13  }
0x367: {  	v14 =	vmax.f32 v14, v22;
	v17 =	vmax.f32 v17, v43;
	v47 =	vld [tilespmem:s0+$0x2000];
	v13 =	vsub.f32 v33, v44;
	s0 =	smov.u32 s1  }
0x368: {  	v19 =	vmax.f32 v19, v42;
	v20 =	vmax.f32 v20, v25;
	v22 =	vld [tilespmem:s0+$0x6000];
	v24 =	vsub.f32 v37, v24  }
0x369: {  	v18 =	vmax.f32 v18, v45;
	v12 =	vld [tilespmem:s0+$0x0];
	v25 =	vsub.f32 v21, v13  }
0x36a: {  	v13 =	vld [tilespmem:s0+$0x1000];
	v42 =	vmul.f32 v41, v40;
	v21 =	vsub.f32 v21, v24  }
.Ltmp20:
0x36b: {  	v24 =	vmul.f32 v41, v34;
	v41 =	vmul.f32 v23, v35;
	vm15 =	vle.f32 v25, v10;
	(pc) =	sbr.rel @p0 .LBB2_38-.Ltmp20, $4  }
0x36c: {  	v23 =	vmul.f32 v23, v38;
	vm0 =	vle.f32 v21, v9;
	v21 =	vnsel vm15, $0xFF7FC99E, v47  }
0x36d: {  	v24 =	vadd.f32 v41, v24;
	v25 =	vmul.f32 v22, v36;
	v11 =	vmax.f32 v11, v21  }
0x36e: {  	s1 =	sshra.s32 s2, $0x2;
	v45 =	vadd.f32 v23, v42;
	v46 =	vmul.f32 v22, v39;
	v22 =	vnsel vm0, $0xFF7FC99E, v15;
	v21 =	vld [tilespmem:s0+$0x3000]  }
0x36f: {  	s2 =	sadd.s32 $0x40, s2;
	v43 =	vnsel vm0, $0xFF7FC99E, v16;
	v42 =	vnsel vm0, $0xFF7FC99E, v47;
	v41 =	vld [tilespmem:s1+$0x4000];
	v44 =	vadd.f32 v25, v24  }
0x370: {  	(v2sf) =	vpush v8, $0xA  }
0x371: {  	(v2sf) =	vpush v8, $0xB  }
0x372: {  	(v2sf) =	vpush v7, $0xA  }
0x373: {  	(v2sf) =	vpush v7, $0xB  }
0x374: {  	v24 =	vadd.f32 v46, v45;
	(v2sf) =	vpush v6, $0xA  }
0x375: {  	v15 =	vnsel vm15, $0xFF7FC99E, v15;
	v16 =	vnsel vm15, $0xFF7FC99E, v16;
	(v2sf) =	vpush v6, $0xB  }
0x376: {  	v23 =	vld [tilespmem:s1+$0x5000];
	v14 =	vmax.f32 v14, v22;
	v17 =	vmax.f32 v17, v43;
	v19 =	vmax.f32 v19, v42  }
0x377: {  	v50 =	vld [tilespmem:s1+$0x6000];
	v49 =	vimm.f32 $3.399999950e+38;
	v48 =	vimm.f32 $3.399999950e+38;
	v25 =	vsub.f32 v33, v44  }
0x378: {  	v51 =	vld [tilespmem:s0+$0x2000];
	v15 =	vmax.f32 v20, v15;
	v22 =	vsub.f32 v37, v24;
	(v2sf) =	vpush v5, $0xA  }
0x379: {  	v16 =	vmax.f32 v18, v16;
	v20 =	vsub.f32 v21, v25;
	(v2sf) =	vpush v5, $0xB  }
0x37a: {  	v18 =	vmul.f32 v41, v34;
	v53 =	vmul.f32 v41, v40;
	v21 =	vsub.f32 v21, v22  }
0x37b: {  	v52 =	vmul.f32 v23, v35;
	v22 =	vmul.f32 v23, v38;
	vm0 =	vle.f32 v20, v10  }
0x37c: {  	v20 =	vmul.f32 v50, v36;
	v55 =	vmul.f32 v50, v39;
	v50 =	vimm.f32 $3.399999950e+38  }
0x37d: {  	v23 =	vnsel vm0, $0xFF7FC99E, v51;
	vm1 =	vle.f32 v21, v9;
	v18 =	vadd.f32 v52, v18  }
0x37e: {  	v22 =	vadd.f32 v22, v53;
	v11 =	vmax.f32 v11, v23;
	v21 =	vnsel vm1, $0xFF7FC99E, v12  }
0x37f: {  	v54 =	vld [tilespmem:s1+$0x3000];
	s2 =	simm.s32 $0x0;
	v23 =	vnsel vm1, $0xFF7FC99E, v13;
	v57 =	vnsel vm1, $0xFF7FC99E, v51;
	v12 =	vnsel vm0, $0xFF7FC99E, v12;
	s24 =	spop (v2sf)  }
0x380: {  	v56 =	vld [tilespmem:s2+$0x5000];
	v13 =	vnsel vm0, $0xFF7FC99E, v13;
	v53 =	vimm.f32 $3.399999950e+38;
	v18 =	vadd.f32 v20, v18;
	s3 =	spop (v2sf)  }
0x381: {  	v51 =	vimm.f32 $3.399999950e+38;
	v52 =	vimm.f32 $3.399999950e+38;
	v20 =	vld [tilespmem:s2+$0x4000];
	v22 =	vadd.f32 v55, v22;
	s4 =	spop (v2sf)  }
0x382: {  	v58 =	vld [tilespmem:s1+$0x2000];
	v14 =	vmax.f32 v14, v21;
	v17 =	vmax.f32 v17, v23;
	v18 =	vsub.f32 v33, v18;
	s3 =	smul.f32 $-2.000000000e+00, s3;
	s5 =	spop (v2sf)  }
0x383: {  	v19 =	vmax.f32 v19, v57;
	v12 =	vmax.f32 v15, v12;
	v21 =	vsub.f32 v37, v22;
	v22 =	vld [tilespmem:s2+$0x6000];
	s6 =	spop (v2sf);
	s5 =	smul.f32 $-2.000000000e+00, s5  }
0x384: {  	v23 =	vld [tilespmem:s1+$0x1000];
	v13 =	vmax.f32 v16, v13;
	v55 =	vimm.f32 $3.399999950e+38;
	v18 =	vsub.f32 v54, v18;
	s7 =	spop (v2sf)  }
0x385: {  	v59 =	vld [tilespmem:s1+$0x0];
	v21 =	vsub.f32 v54, v21;
	v40 =	vmov s3;
	s25 =	smul.f32 $-2.000000000e+00, s7;
	v41 =	vmov s5  }
0x386: {  	v54 =	vimm.f32 $3.399999950e+38;
	v15 =	vmul.f32 v20, v40;
	v60 =	vmul.f32 v56, v41  }
0x387: {  	vm0 =	vle.f32 v18, v10;
	vm1 =	vle.f32 v21, v9;
	s26 =	spop (v2sf);
	v42 =	vmov s25  }
0x388: {  	v9 =	vnsel vm0, $0xFF7FC99E, v58;
	s0 =	smul.f32 $-2.000000000e+00, s24;
	s28 =	spop (v2sf);
	v10 =	vadd.f32 v60, v15;
	v15 =	vmul.f32 v22, v42  }
0x389: {  	v16 =	vnsel vm1, $0xFF7FC99E, v23;
	v18 =	vnsel vm1, $0xFF7FC99E, v58;
	v33 =	vmax.f32 v11, v9;
	v11 =	vld [tilespmem:s2+$0x3000];
	s4 =	smul.f32 $-2.000000000e+00, s4;
	s1 =	ssub.f32 $0.0e+00, s28  }
0x38a: {  	s30 =	simm.s32 $0x10;
	v21 =	vnsel vm0, $0xFF7FC99E, v59;
	v23 =	vnsel vm0, $0xFF7FC99E, v23;
	v10 =	vadd.f32 v15, v10  }
0x38b: {  	v61 =	vld [tilespmem:s30+$0x4000];
	v46 =	vmov s0;
	s29 =	smul.f32 $-2.000000000e+00, s6;
	v44 =	vmov s4;
	v39 =	vmov s1  }
0x38c: {  	v62 =	vld [tilespmem:s30+$0x5000];
	v15 =	vmul.f32 v20, v46;
	v20 =	vmul.f32 v56, v44;
	v10 =	vsub.f32 v39, v10  }
0x38d: {  	v9 =	vnsel vm1, $0xFF7FC99E, v59;
	v35 =	vmax.f32 v19, v18;
	v45 =	vmov s29  }
0x38e: {  	v22 =	vmul.f32 v22, v45;
	v20 =	vadd.f32 v20, v15;
	v10 =	vsub.f32 v11, v10  }
0x38f: {  	v36 =	vmax.f32 v12, v21;
	v34 =	vmax.f32 v13, v23;
	v38 =	vmax.f32 v14, v9;
	s31 =	ssub.f32 $0.0e+00, s26  }
0x390: {  	v12 =	vmul.f32 v61, v40;
	v9 =	vadd.f32 v22, v20;
	v18 =	vmax.f32 v10, $0.0e+00;
	v10 =	vld [tilespmem:s30+$0x6000]  }
0x391: {  	v13 =	vmul.f32 v62, v41;
	v43 =	vmov s31;
	v15 =	vimm.f32 $3.399999950e+38  }
0x392: {  	v37 =	vmax.f32 v17, v16;
	v9 =	vsub.f32 v43, v9;
	v19 =	vmax.f32 v15, v18  }
0x393: {  	v21 =	vmul.f32 v61, v46;
	v12 =	vadd.f32 v13, v12;
	v47 =	vmax.f32 v15, v19  }
0x394: {  	v56 =	vimm.f32 $3.399999950e+38;
	v11 =	vsub.f32 v11, v9;
	v16 =	vmax.f32 v15, v47  }
0x395: {  	v22 =	vmul.f32 v62, v44;
	v17 =	vmax.f32 v15, v16;
	v13 =	vmul.f32 v10, v42  }
0x396: {  	v20 =	vld [tilespmem:s30+$0x3000];
	v11 =	vmax.f32 v11, $0.0e+00;
	v14 =	vmax.f32 v15, v17;
	v23 =	vmul.f32 v10, v45  }
0x397: {  	v10 =	vmin.f32 v15, v11;
	v9 =	vmax.f32 v15, v14;
	v12 =	vadd.f32 v13, v12  }
0x398: {  	v9 =	vmin.f32 v15, v9;
	v13 =	vadd.f32 v22, v21;
	v21 =	vmax.f32 v15, v11  }
0x399: {  	v11 =	vmin.f32 v15, v21;
	v21 =	vmax.f32 v15, v21;
	v63 =	vsub.f32 v39, v12  }
0x39a: {  	s0 =	simm.s32 $0x20;
	v22 =	vadd.f32 v23, v13;
	v12 =	vmin.f32 v15, v21;
	v21 =	vmax.f32 v15, v21  }
0x39b: {  	s1 =	simm.s32 $0xC0;
	v13 =	vmin.f32 v15, v21;
	v23 =	vmax.f32 v15, v21;
	v21 =	vld [tilespmem:s0+$0x4000];
	v57 =	vsub.f32 v20, v63  }
.LBB2_40:
0x39c: {  	p0 =	sne.s32 s1, $0x3FC0;
	v24 =	vld [tilespmem:s0+$0x5000];
	v22 =	vsub.f32 v43, v22;
	v25 =	vmax.f32 v15, v23;
	v15 =	vmin.f32 v15, v23  }
0x39d: {  	v56 =	vmin.f32 v56, v18;
	v55 =	vmin.f32 v55, v25;
	v18 =	vmax.f32 v57, $0.0e+00  }
0x39e: {  	v53 =	vmin.f32 v53, v19;
	v23 =	vld [tilespmem:s0+$0x6000];
	v22 =	vsub.f32 v20, v22;
	v19 =	vmax.f32 v56, v18  }
0x39f: {  	v54 =	vmin.f32 v54, v47;
	v25 =	vmax.f32 v49, v25;
	v49 =	vmovc v55;
	v47 =	vmax.f32 v53, v19  }
0x3a0: {  	v51 =	vmin.f32 v51, v16;
	v20 =	vmul.f32 v21, v40;
	v16 =	vmax.f32 v54, v47  }
0x3a1: {  	v52 =	vmin.f32 v52, v17;
	v57 =	vmul.f32 v24, v41;
	v17 =	vmax.f32 v51, v16  }
0x3a2: {  	v50 =	vmin.f32 v50, v14;
	v21 =	vmul.f32 v21, v46;
	v14 =	vmax.f32 v52, v17  }
0x3a3: {  	v57 =	vadd.f32 v57, v20;
	v58 =	vmul.f32 v23, v42;
	v59 =	vmax.f32 v50, v14  }
0x3a4: {  	v24 =	vmul.f32 v24, v44;
	v23 =	vmul.f32 v23, v45;
	v20 =	vld [tilespmem:s0+$0x3000];
	v9 =	vmin.f32 v9, v59  }
.Ltmp21:
0x3a5: {  	v48 =	vmin.f32 v48, v25;
	v22 =	vmax.f32 v22, $0.0e+00;
	v57 =	vadd.f32 v58, v57;
	(pc) =	sbr.rel @p0 .LBB2_40-.Ltmp21, $4  }
0x3a6: {  	v21 =	vadd.f32 v24, v21;
	v24 =	vmax.f32 v10, v22;
	v10 =	vmin.f32 v10, v22  }
0x3a7: {  	v25 =	vsub.f32 v39, v57;
	v57 =	vmax.f32 v11, v24;
	v11 =	vmin.f32 v11, v24  }
0x3a8: {  	s0 =	sshra.s32 s1, $0x2;
	v22 =	vadd.f32 v23, v21;
	v24 =	vmax.f32 v12, v57;
	v12 =	vmin.f32 v12, v57  }
0x3a9: {  	s1 =	sadd.s32 $0x40, s1;
	v21 =	vld [tilespmem:s0+$0x4000];
	v57 =	vsub.f32 v20, v25;
	v23 =	vmax.f32 v13, v24;
	v13 =	vmin.f32 v13, v24  }
0x3aa: {  	v22 =	vsub.f32 v43, v22;
	v25 =	vmin.f32 v15, v23;
	v15 =	vmax.f32 v15, v23  }
0x3ab: {  	v18 =	vmin.f32 v56, v18;
	v19 =	vmin.f32 v53, v19;
	v47 =	vmin.f32 v54, v47  }
0x3ac: {  	v24 =	vld [tilespmem:s0+$0x5000];
	v16 =	vmin.f32 v51, v16;
	v17 =	vmin.f32 v52, v17;
	v50 =	vmin.f32 v50, v14  }
0x3ad: {  	v56 =	vld [tilespmem:s0+$0x6000];
	v23 =	vmax.f32 v57, $0.0e+00;
	v55 =	vmin.f32 v55, v15;
	v15 =	vmax.f32 v49, v15  }
0x3ae: {  	v57 =	vmax.f32 v18, v23;
	v20 =	vsub.f32 v20, v22;
	v15 =	vmin.f32 v48, v15  }
0x3af: {  	v23 =	vmin.f32 v18, v23;
	v22 =	vmax.f32 v19, v57;
	v57 =	vmin.f32 v19, v57  }
0x3b0: {  	v60 =	vmul.f32 v21, v40;
	v54 =	vmax.f32 v47, v22;
	v21 =	vmul.f32 v21, v46  }
0x3b1: {  	v20 =	vmax.f32 v20, $0.0e+00;
	v22 =	vmin.f32 v47, v22;
	v61 =	vmul.f32 v24, v41  }
0x3b2: {  	v58 =	vmax.f32 v16, v54;
	v62 =	vmul.f32 v56, v42;
	v24 =	vmul.f32 v24, v44  }
0x3b3: {  	v56 =	vmul.f32 v56, v45;
	v49 =	vmax.f32 v17, v58;
	v14 =	vadd.f32 v61, v60  }
0x3b4: {  	v21 =	vadd.f32 v24, v21;
	v24 =	vmin.f32 v10, v20;
	v10 =	vmax.f32 v10, v20  }
0x3b5: {  	v63 =	vld [tilespmem:s0+$0x3000];
	v20 =	vmin.f32 v11, v10;
	v10 =	vmax.f32 v11, v10;
	v14 =	vadd.f32 v62, v14  }
0x3b6: {  	v11 =	vadd.f32 v56, v21;
	v21 =	vmin.f32 v12, v10;
	v10 =	vmax.f32 v12, v10  }
0x3b7: {  	v54 =	vmin.f32 v16, v54;
	v52 =	vmax.f32 v50, v49;
	v48 =	vmin.f32 v13, v10  }
0x3b8: {  	v10 =	vmax.f32 v13, v10;
	v14 =	vsub.f32 v39, v14;
	v11 =	vsub.f32 v43, v11  }
0x3b9: {  	v58 =	vmin.f32 v17, v58;
	v9 =	vmin.f32 v9, v52;
	v51 =	vmin.f32 v25, v10  }
0x3ba: {  	v10 =	vmax.f32 v25, v10;
	v12 =	vsub.f32 v63, v14;
	v11 =	vsub.f32 v63, v11  }
0x3bb: {  	v62 =	vmin.f32 v50, v49;
	v27 =	vmin.f32 v55, v10;
	v10 =	vmax.f32 v55, v10  }
0x3bc: {  	v19 =	vmin.f32 v15, v10;
	v25 =	vmax.f32 v12, $0.0e+00;
	v11 =	vmax.f32 v11, $0.0e+00  }
0x3bd: {  	v15 =	vimm.s32 $0x0;
	v53 =	vmax.f32 v23, v25;
	v13 =	vmax.f32 v24, v11  }
0x3be: {  	v12 =	vmin.f32 v24, v11;
	v47 =	vmin.f32 v23, v25;
	v59 =	vmax.f32 v57, v53  }
0x3bf: {  	v10 =	vmax.f32 v20, v13;
	v13 =	vmin.f32 v20, v13;
	v55 =	vmax.f32 v22, v59  }
0x3c0: {  	v14 =	vmin.f32 v21, v10;
	v11 =	vmax.f32 v21, v10;
	v10 =	vimm.s32 $0x7F7FFFFF  }
0x3c1: {  	v16 =	vmin.f32 v48, v11;
	v11 =	vmax.f32 v48, v11;
	v18 =	vsub.s32 v10, v15  }
0x3c2: {  	v17 =	vmin.f32 v51, v11;
	v11 =	vmax.f32 v51, v11;
	v20 =	vshrl.u32 v18, $0x1  }
0x3c3: {  	v18 =	vmin.f32 v27, v11;
	v21 =	vmax.f32 v27, v11;
	v11 =	vadd.s32 v15, v20  }
0x3c4: {  	v19 =	vmin.f32 v19, v21;
	vm0 =	vge.s32 v11, v12;
	vm1 =	vge.s32 v11, v13  }
0x3c5: {  	vm15 =	vge.s32 v11, v14;
	v20 =	vsel vm0, $0x1, v0;
	v21 =	vsel vm1, $0x1, v0  }
0x3c6: {  	vm0 =	vge.s32 v11, v16;
	v20 =	vadd.s32 v21, v20;
	v21 =	vsel vm15, $0x1, v0  }
0x3c7: {  	vm1 =	vge.s32 v11, v17;
	v20 =	vadd.s32 v21, v20;
	v21 =	vsel vm0, $0x1, v0  }
0x3c8: {  	vm0 =	vge.s32 v11, v18;
	v20 =	vadd.s32 v21, v20;
	v21 =	vsel vm1, $0x1, v0  }
0x3c9: {  	v20 =	vadd.s32 v21, v20;
	v21 =	vsel vm0, $0x1, v0;
	vm0 =	vge.s32 v11, v19  }
0x3ca: {  	v49 =	vmin.f32 v22, v59;
	v20 =	vadd.s32 v21, v20;
	v21 =	vsel vm0, $0x1, v0  }
0x3cb: {  	v60 =	vmax.f32 v54, v55;
	v48 =	vmin.f32 v57, v53;
	v20 =	vadd.s32 v21, v20  }
0x3cc: {  	v50 =	vmin.f32 v54, v55;
	v55 =	vimm.s32 $0x0;
	v61 =	vmax.f32 v58, v60;
	(xrf0) =	vadd.scan.msk.s32 $0xffff, v20  }
0x3cd: {  	v52 =	vmin.f32 v58, v60;
	v51 =	vimm.s32 $0x7F7FFFFF;
	v63 =	vmax.f32 v62, v61  }
0x3ce: {  	v53 =	vmin.f32 v62, v61;
	v9 =	vmin.f32 v9, v63;
	vm1 =	vge.s32 v11, v48  }
0x3cf: {  	vm15 =	vge.s32 v11, v50;
	vm0 =	vge.s32 v11, v47;
	v21 =	vsel vm1, $0x1, v0  }
0x3d0: {  	vm1 =	vge.s32 v11, v53;
	v20 =	vsel vm0, $0x1, v0;
	vm0 =	vge.s32 v11, v49  }
0x3d1: {  	v20 =	vadd.s32 v21, v20;
	v21 =	vsel vm0, $0x1, v0;
	vm0 =	vge.s32 v11, v52  }
0x3d2: {  	v20 =	vadd.s32 v21, v20;
	v21 =	vsel vm15, $0x1, v0;
	v23 =	vsel vm0, $0x1, v0;
	v22, _, _ =	vpop (xrf0)  }
0x3d3: {  	v21 =	vadd.s32 v21, v20;
	v20 =	vadd.s32 $0x1, v11;
	v22 =	vperm.xlane v22, v1  }
0x3d4: {  	v21 =	vadd.s32 v23, v21;
	v23 =	vsel vm1, $0x1, v0;
	vm1 =	vge.s32 v11, v9  }
0x3d5: {  	s0 =	simm.s32 $0x1E;
	v54 =	vmovc v11;
	v21 =	vadd.s32 v23, v21;
	vm0 =	vgt.s32 v22, $0x13;
	v22 =	vsel vm1, $0x1, v0  }
.LBB2_42:
0x3d6: {  	p0 =	sne.s32 s0, $0x1;
	s0 =	sadd.s32 $0xFFFFFFFF, s0;
	v15 =	vsel vm0, v15, v20;
	v10 =	vsel vm0, v11, v10;
	v11 =	vadd.s32 v22, v21  }
0x3d7: {  	v20 =	vsub.s32 v10, v15;
	(xrf0) =	vadd.scan.msk.s32 $0xffff, v11  }
0x3d8: {  	v11 =	vshrl.u32 v20, $0x1  }
0x3d9: {  	v20 =	vadd.s32 $0x1, v54;
	v11 =	vadd.s32 v15, v11  }
0x3da: {  	vm0 =	vge.s32 v11, v12;
	vm1 =	vge.s32 v11, v13;
	vm15 =	vge.s32 v11, v14  }
0x3db: {  	v21 =	vsel vm0, $0x1, v0;
	v22 =	vsel vm1, $0x1, v0;
	vm0 =	vge.s32 v11, v16  }
0x3dc: {  	vm1 =	vge.s32 v11, v17;
	v21 =	vadd.s32 v22, v21;
	v22 =	vsel vm15, $0x1, v0  }
0x3dd: {  	v21 =	vadd.s32 v22, v21;
	v22 =	vsel vm0, $0x1, v0;
	vm0 =	vge.s32 v11, v18;
	v23, _, _ =	vpop (xrf0)  }
0x3de: {  	v21 =	vadd.s32 v22, v21;
	v22 =	vsel vm1, $0x1, v0;
	v23 =	vperm.xlane v23, v1  }
0x3df: {  	v21 =	vadd.s32 v22, v21;
	v22 =	vsel vm0, $0x1, v0;
	vm0 =	vge.s32 v11, v19  }
0x3e0: {  	v21 =	vadd.s32 v22, v21;
	v22 =	vsel vm0, $0x1, v0;
	vm0 =	vgt.s32 v23, $0x13  }
0x3e1: {  	v21 =	vadd.s32 v22, v21;
	v55 =	vsel vm0, v55, v20;
	v51 =	vsel vm0, v54, v51  }
0x3e2: {  	v20 =	vsub.s32 v51, v55;
	(xrf0) =	vadd.scan.msk.s32 $0xffff, v21  }
0x3e3: {  	v20 =	vshrl.u32 v20, $0x1  }
0x3e4: {  	v54 =	vadd.s32 v55, v20;
	v20 =	vadd.s32 $0x1, v11  }
0x3e5: {  	vm0 =	vge.s32 v54, v47;
	vm1 =	vge.s32 v54, v48;
	vm15 =	vge.s32 v54, v50  }
0x3e6: {  	v21 =	vsel vm0, $0x1, v0;
	v22 =	vsel vm1, $0x1, v0;
	vm0 =	vge.s32 v54, v49  }
.Ltmp22:
0x3e7: {  	v21 =	vadd.s32 v22, v21;
	v22 =	vsel vm0, $0x1, v0;
	vm0 =	vge.s32 v54, v52;
	(pc) =	sbr.rel @p0 .LBB2_42-.Ltmp22, $4  }
0x3e8: {  	vm1 =	vge.s32 v54, v53;
	v21 =	vadd.s32 v22, v21;
	v22 =	vsel vm15, $0x1, v0;
	v23, _, _ =	vpop (xrf0)  }
0x3e9: {  	v23 =	vperm.xlane v23, v1;
	v21 =	vadd.s32 v22, v21;
	v22 =	vsel vm0, $0x1, v0  }
0x3ea: {  	v21 =	vadd.s32 v22, v21;
	v22 =	vsel vm1, $0x1, v0;
	vm1 =	vge.s32 v54, v9  }
0x3eb: {  	vm0 =	vgt.s32 v23, $0x13;
	v21 =	vadd.s32 v22, v21;
	v22 =	vsel vm1, $0x1, v0  }
0x3ec: {  	s1 =	simm.s32 $0x0  }
0x3ed: {  	v9 =	vld [tilespmem:s1+$0x4000]  }
0x3ee: {  	v13 =	vld [tilespmem:s1+$0x5000]  }
0x3ef: {  	v12 =	vadd.s32 v22, v21  }
0x3f0: {  	(xrf0) =	vadd.scan.msk.s32 $0xffff, v12;
	v12 =	vld [tilespmem:s1+$0x6000];
	_ =	sdelay $0x2  }
0x3f1: {  	v14 =	vmul.f32 v9, v40;
	v15 =	vmul.f32 v13, v41  }
0x3f2: {  	v9 =	vmul.f32 v9, v46;
	v13 =	vmul.f32 v13, v44  }
0x3f3: {  	s0 =	simm.s32 $0x10;
	v17 =	vld [tilespmem:s1+$0x3000];
	v14 =	vadd.f32 v15, v14;
	v15 =	vmul.f32 v12, v42  }
0x3f4: {  	v19 =	vld [tilespmem:s0+$0x5000];
	v9 =	vadd.f32 v13, v9;
	v12 =	vmul.f32 v12, v45  }
0x3f5: {  	v18 =	vld [tilespmem:s0+$0x4000];
	v16, _, _ =	vpop (xrf0);
	v13 =	vadd.f32 v15, v14  }
0x3f6: {  	v21 =	vld [tilespmem:s0+$0x6000];
	v16 =	vperm.xlane v16, v1;
	v12 =	vadd.f32 v12, v9  }
0x3f7: {  	v20 =	vld [tilespmem:s1+$0x2000];
	v13 =	vsub.f32 v39, v13  }
0x3f8: {  	vm1 =	vgt.s32 v16, $0x13;
	v9 =	vsel vm0, v11, v10;
	v15 =	vld [tilespmem:s1+$0x0];
	v11 =	vsub.f32 v43, v12  }
0x3f9: {  	v22 =	vmul.f32 v19, v41;
	v16 =	vld [tilespmem:s1+$0x1000];
	v10 =	vsel vm1, v54, v51;
	v12 =	vsub.f32 v17, v13  }
0x3fa: {  	v13 =	vmul.f32 v18, v46;
	v11 =	vsub.f32 v17, v11;
	v17 =	vmul.f32 v19, v44  }
0x3fb: {  	v23 =	vmul.f32 v21, v42;
	v18 =	vmul.f32 v18, v40;
	vm15 =	vle.f32 v12, v10;
	v12 =	vld [tilespmem:s0+$0x0]  }
0x3fc: {  	v52 =	vmul.f32 v21, v45;
	v14 =	vimm.f32 $-3.399999950e+38;
	v51 =	vadd.f32 v17, v13;
	v13 =	vld [tilespmem:s0+$0x1000]  }
0x3fd: {  	v18 =	vadd.f32 v22, v18;
	vm0 =	vle.f32 v11, v9;
	v17 =	vimm.f32 $-3.399999950e+38  }
0x3fe: {  	v19 =	vnsel vm15, $0xFF7FC99E, v20;
	v22 =	vnsel vm0, $0xFF7FC99E, v15;
	v49 =	vnsel vm0, $0xFF7FC99E, v16  }
0x3ff: {  	v21 =	vld [tilespmem:s0+$0x3000];
	s1 =	simm.s32 $0x20;
	v48 =	vnsel vm0, $0xFF7FC99E, v20;
	v20 =	vimm.f32 $-3.399999950e+38;
	v11 =	vmax.f32 v14, v19  }
0x400: {  	s2 =	simm.s32 $0xC0;
	v47 =	vld [tilespmem:s1+$0x4000];
	v50 =	vadd.f32 v23, v18;
	v19 =	vimm.f32 $-3.399999950e+38;
	v18 =	vimm.f32 $-3.399999950e+38  }
.LBB2_44:
0x401: {  	p0 =	sne.s32 s2, $0x3FC0;
	v23 =	vld [tilespmem:s1+$0x5000];
	v24 =	vadd.f32 v52, v51;
	v25 =	vnsel vm15, $0xFF7FC99E, v15;
	v51 =	vnsel vm15, $0xFF7FC99E, v16;
	v15 =	vmovc v12;
	v16 =	vmovc v13  }
0x402: {  	v14 =	vmax.f32 v14, v22;
	v17 =	vmax.f32 v17, v49;
	v53 =	vld [tilespmem:s0+$0x2000];
	v13 =	vsub.f32 v39, v50;
	s0 =	smov.u32 s1  }
0x403: {  	v19 =	vmax.f32 v19, v48;
	v20 =	vmax.f32 v20, v25;
	v22 =	vld [tilespmem:s0+$0x6000];
	v24 =	vsub.f32 v43, v24  }
0x404: {  	v18 =	vmax.f32 v18, v51;
	v12 =	vld [tilespmem:s0+$0x0];
	v25 =	vsub.f32 v21, v13  }
0x405: {  	v13 =	vld [tilespmem:s0+$0x1000];
	v48 =	vmul.f32 v47, v46;
	v21 =	vsub.f32 v21, v24  }
.Ltmp23:
0x406: {  	v24 =	vmul.f32 v47, v40;
	v47 =	vmul.f32 v23, v41;
	vm15 =	vle.f32 v25, v10;
	(pc) =	sbr.rel @p0 .LBB2_44-.Ltmp23, $4  }
0x407: {  	v23 =	vmul.f32 v23, v44;
	vm0 =	vle.f32 v21, v9;
	v21 =	vnsel vm15, $0xFF7FC99E, v53  }
0x408: {  	v24 =	vadd.f32 v47, v24;
	v25 =	vmul.f32 v22, v42;
	v11 =	vmax.f32 v11, v21  }
0x409: {  	s1 =	sshra.s32 s2, $0x2;
	v51 =	vadd.f32 v23, v48;
	v52 =	vmul.f32 v22, v45;
	v22 =	vnsel vm0, $0xFF7FC99E, v15;
	v21 =	vld [tilespmem:s0+$0x3000]  }
0x40a: {  	s2 =	sadd.s32 $0x40, s2;
	v49 =	vnsel vm0, $0xFF7FC99E, v16;
	v48 =	vnsel vm0, $0xFF7FC99E, v53;
	v47 =	vld [tilespmem:s1+$0x4000];
	v50 =	vadd.f32 v25, v24  }
0x40b: {  	(v2sf) =	vpush v8, $0xC  }
0x40c: {  	(v2sf) =	vpush v8, $0xD  }
0x40d: {  	(v2sf) =	vpush v7, $0xC  }
0x40e: {  	(v2sf) =	vpush v7, $0xD  }
0x40f: {  	v23 =	vld [tilespmem:s1+$0x5000];
	v24 =	vadd.f32 v52, v51;
	(v2sf) =	vpush v6, $0xC  }
0x410: {  	v15 =	vnsel vm15, $0xFF7FC99E, v15;
	v16 =	vnsel vm15, $0xFF7FC99E, v16;
	(v2sf) =	vpush v6, $0xD  }
0x411: {  	v62 =	vld [tilespmem:s1+$0x6000];
	v14 =	vmax.f32 v14, v22;
	v17 =	vmax.f32 v17, v49;
	v25 =	vsub.f32 v39, v50  }
0x412: {  	v63 =	vld [tilespmem:s0+$0x2000];
	v19 =	vmax.f32 v19, v48;
	v15 =	vmax.f32 v20, v15;
	v22 =	vsub.f32 v43, v24  }
0x413: {  	v16 =	vmax.f32 v18, v16;
	v20 =	vsub.f32 v21, v25;
	(v2sf) =	vpush v5, $0xC  }
0x414: {  	v18 =	vmul.f32 v47, v40;
	v52 =	vmul.f32 v23, v41;
	(v2sf) =	vpush v5, $0xD  }
0x415: {  	v53 =	vmul.f32 v47, v46;
	v21 =	vsub.f32 v21, v22;
	v22 =	vmul.f32 v23, v44  }
0x416: {  	vm0 =	vle.f32 v20, v10;
	v20 =	vmul.f32 v62, v42;
	v18 =	vadd.f32 v52, v18  }
0x417: {  	v54 =	vld [tilespmem:s1+$0x3000];
	v55 =	vmul.f32 v62, v45;
	v23 =	vnsel vm0, $0xFF7FC99E, v63;
	v22 =	vadd.f32 v22, v53  }
0x418: {  	vm1 =	vle.f32 v21, v9;
	v11 =	vmax.f32 v11, v23;
	v18 =	vadd.f32 v20, v18  }
0x419: {  	s2 =	simm.s32 $0x0;
	v58 =	vld [tilespmem:s1+$0x2000];
	v21 =	vnsel vm1, $0xFF7FC99E, v12;
	v23 =	vnsel vm1, $0xFF7FC99E, v13;
	v22 =	vadd.f32 v55, v22  }
0x41a: {  	v56 =	vld [tilespmem:s2+$0x5000];
	v57 =	vnsel vm1, $0xFF7FC99E, v63;
	v12 =	vnsel vm0, $0xFF7FC99E, v12;
	v18 =	vsub.f32 v39, v18;
	s24 =	spop (v2sf)  }
0x41b: {  	v14 =	vmax.f32 v14, v21;
	v17 =	vmax.f32 v17, v23;
	v23 =	vld [tilespmem:s1+$0x1000];
	v21 =	vsub.f32 v43, v22;
	s3 =	spop (v2sf)  }
0x41c: {  	v13 =	vnsel vm0, $0xFF7FC99E, v13;
	v19 =	vmax.f32 v19, v57;
	v20 =	vld [tilespmem:s2+$0x4000];
	v18 =	vsub.f32 v54, v18;
	s4 =	spop (v2sf)  }
0x41d: {  	v59 =	vld [tilespmem:s1+$0x0];
	v12 =	vmax.f32 v15, v12;
	v13 =	vmax.f32 v16, v13;
	v21 =	vsub.f32 v54, v21;
	s3 =	smul.f32 $-2.000000000e+00, s3;
	s5 =	spop (v2sf)  }
0x41e: {  	v57 =	vimm.f32 $3.399999950e+38;
	v55 =	vimm.f32 $3.399999950e+38;
	v22 =	vld [tilespmem:s2+$0x6000];
	vm0 =	vle.f32 v18, v10;
	s6 =	spop (v2sf);
	s5 =	smul.f32 $-2.000000000e+00, s5  }
0x41f: {  	v54 =	vimm.f32 $3.399999950e+38;
	vm1 =	vle.f32 v21, v9;
	v9 =	vnsel vm0, $0xFF7FC99E, v58;
	s7 =	spop (v2sf)  }
0x420: {  	v16 =	vnsel vm1, $0xFF7FC99E, v23;
	v46 =	vmov s3;
	s25 =	smul.f32 $-2.000000000e+00, s7;
	v47 =	vmov s5  }
0x421: {  	v18 =	vnsel vm1, $0xFF7FC99E, v58;
	v15 =	vmul.f32 v20, v46;
	v60 =	vmul.f32 v56, v47  }
0x422: {  	v21 =	vnsel vm0, $0xFF7FC99E, v59;
	v23 =	vnsel vm0, $0xFF7FC99E, v23;
	s26 =	spop (v2sf);
	v48 =	vmov s25  }
0x423: {  	s0 =	smul.f32 $-2.000000000e+00, s24;
	v58 =	vimm.f32 $3.399999950e+38;
	s28 =	spop (v2sf);
	v10 =	vadd.f32 v60, v15;
	v15 =	vmul.f32 v22, v48  }
0x424: {  	s30 =	simm.s32 $0x10;
	v39 =	vmax.f32 v11, v9;
	v9 =	vnsel vm1, $0xFF7FC99E, v59;
	v11 =	vld [tilespmem:s2+$0x3000];
	v43 =	vmax.f32 v17, v16;
	s4 =	smul.f32 $-2.000000000e+00, s4;
	s1 =	ssub.f32 $0.0e+00, s28  }
0x425: {  	v61 =	vld [tilespmem:s30+$0x4000];
	v42 =	vmax.f32 v19, v18;
	v41 =	vmax.f32 v12, v21;
	v10 =	vadd.f32 v15, v10  }
0x426: {  	v62 =	vld [tilespmem:s30+$0x5000];
	v52 =	vmov s0;
	s29 =	smul.f32 $-2.000000000e+00, s6;
	v50 =	vmov s4;
	v45 =	vmov s1  }
0x427: {  	v15 =	vmul.f32 v20, v52;
	v20 =	vmul.f32 v56, v50;
	v10 =	vsub.f32 v45, v10  }
0x428: {  	v40 =	vmax.f32 v13, v23;
	v59 =	vimm.f32 $3.399999950e+38;
	v51 =	vmov s29  }
0x429: {  	v22 =	vmul.f32 v22, v51;
	v20 =	vadd.f32 v20, v15;
	v10 =	vsub.f32 v11, v10  }
0x42a: {  	v44 =	vmax.f32 v14, v9;
	v21 =	vmul.f32 v61, v52;
	v12 =	vmul.f32 v61, v46;
	s31 =	ssub.f32 $0.0e+00, s26  }
0x42b: {  	v13 =	vmul.f32 v62, v47;
	v9 =	vadd.f32 v22, v20;
	v18 =	vmax.f32 v10, $0.0e+00;
	v10 =	vld [tilespmem:s30+$0x6000]  }
0x42c: {  	v61 =	vimm.f32 $3.399999950e+38;
	v49 =	vmov s31;
	v15 =	vimm.f32 $3.399999950e+38  }
0x42d: {  	v12 =	vadd.f32 v13, v12;
	v9 =	vsub.f32 v49, v9;
	v19 =	vmax.f32 v15, v18  }
0x42e: {  	v60 =	vimm.f32 $3.399999950e+38;
	v56 =	vimm.f32 $3.399999950e+38;
	v53 =	vmax.f32 v15, v19  }
0x42f: {  	v22 =	vmul.f32 v62, v50;
	v11 =	vsub.f32 v11, v9;
	v16 =	vmax.f32 v15, v53  }
0x430: {  	v62 =	vimm.f32 $3.399999950e+38;
	v17 =	vmax.f32 v15, v16;
	v13 =	vmul.f32 v10, v48  }
0x431: {  	v20 =	vld [tilespmem:s30+$0x3000];
	v11 =	vmax.f32 v11, $0.0e+00;
	v14 =	vmax.f32 v15, v17;
	v23 =	vmul.f32 v10, v51  }
0x432: {  	v10 =	vmin.f32 v15, v11;
	v9 =	vmax.f32 v15, v14;
	v12 =	vadd.f32 v13, v12  }
0x433: {  	v9 =	vmin.f32 v15, v9;
	v13 =	vadd.f32 v22, v21;
	v21 =	vmax.f32 v15, v11  }
0x434: {  	v11 =	vmin.f32 v15, v21;
	v21 =	vmax.f32 v15, v21;
	v63 =	vsub.f32 v45, v12  }
0x435: {  	s0 =	simm.s32 $0x20;
	v22 =	vadd.f32 v23, v13;
	v12 =	vmin.f32 v15, v21;
	v21 =	vmax.f32 v15, v21  }
0x436: {  	s1 =	simm.s32 $0xC0;
	v13 =	vmin.f32 v15, v21;
	v23 =	vmax.f32 v15, v21;
	v21 =	vld [tilespmem:s0+$0x4000];
	v63 =	vsub.f32 v20, v63  }
.LBB2_46:
0x437: {  	p0 =	sne.s32 s1, $0x3FC0;
	v24 =	vld [tilespmem:s0+$0x5000];
	v22 =	vsub.f32 v49, v22;
	v25 =	vmax.f32 v15, v23;
	v15 =	vmin.f32 v15, v23  }
0x438: {  	v62 =	vmin.f32 v62, v18;
	v61 =	vmin.f32 v61, v25;
	v18 =	vmax.f32 v63, $0.0e+00  }
0x439: {  	v59 =	vmin.f32 v59, v19;
	v23 =	vld [tilespmem:s0+$0x6000];
	v22 =	vsub.f32 v20, v22;
	v19 =	vmax.f32 v62, v18  }
0x43a: {  	v60 =	vmin.f32 v60, v53;
	v25 =	vmax.f32 v55, v25;
	v55 =	vmovc v61;
	v53 =	vmax.f32 v59, v19  }
0x43b: {  	v57 =	vmin.f32 v57, v16;
	v20 =	vmul.f32 v21, v46;
	v16 =	vmax.f32 v60, v53  }
0x43c: {  	v58 =	vmin.f32 v58, v17;
	v63 =	vmul.f32 v24, v47;
	v17 =	vmax.f32 v57, v16  }
0x43d: {  	v56 =	vmin.f32 v56, v14;
	v21 =	vmul.f32 v21, v52;
	v14 =	vmax.f32 v58, v17  }
0x43e: {  	v63 =	vadd.f32 v63, v20;
	v26 =	vmul.f32 v23, v48;
	v27 =	vmax.f32 v56, v14  }
0x43f: {  	v24 =	vmul.f32 v24, v50;
	v23 =	vmul.f32 v23, v51;
	v20 =	vld [tilespmem:s0+$0x3000];
	v9 =	vmin.f32 v9, v27  }
.Ltmp24:
0x440: {  	v54 =	vmin.f32 v54, v25;
	v22 =	vmax.f32 v22, $0.0e+00;
	v26 =	vadd.f32 v26, v63;
	(pc) =	sbr.rel @p0 .LBB2_46-.Ltmp24, $4  }
0x441: {  	v21 =	vadd.f32 v24, v21;
	v24 =	vmax.f32 v10, v22;
	v10 =	vmin.f32 v10, v22  }
0x442: {  	v25 =	vsub.f32 v45, v26;
	v26 =	vmax.f32 v11, v24;
	v11 =	vmin.f32 v11, v24  }
0x443: {  	s0 =	sshra.s32 s1, $0x2;
	v22 =	vadd.f32 v23, v21;
	v24 =	vmax.f32 v12, v26;
	v12 =	vmin.f32 v12, v26  }
0x444: {  	s1 =	sadd.s32 $0x40, s1;
	v21 =	vld [tilespmem:s0+$0x4000];
	v63 =	vsub.f32 v20, v25;
	v23 =	vmax.f32 v13, v24;
	v13 =	vmin.f32 v13, v24  }
0x445: {  	v22 =	vsub.f32 v49, v22;
	v25 =	vmin.f32 v15, v23;
	v15 =	vmax.f32 v15, v23  }
0x446: {  	v18 =	vmin.f32 v62, v18;
	v19 =	vmin.f32 v59, v19;
	v53 =	vmin.f32 v60, v53  }
0x447: {  	v24 =	vld [tilespmem:s0+$0x5000];
	v16 =	vmin.f32 v57, v16;
	v17 =	vmin.f32 v58, v17;
	v56 =	vmin.f32 v56, v14  }
0x448: {  	v23 =	vmax.f32 v63, $0.0e+00;
	v26 =	vmin.f32 v61, v15;
	v15 =	vmax.f32 v55, v15  }
0x449: {  	v27 =	vld [tilespmem:s0+$0x6000];
	v61 =	vmax.f32 v18, v23;
	v20 =	vsub.f32 v20, v22;
	v15 =	vmin.f32 v54, v15  }
0x44a: {  	v23 =	vmin.f32 v18, v23;
	v22 =	vmax.f32 v19, v61;
	v61 =	vmin.f32 v19, v61  }
0x44b: {  	v59 =	vmul.f32 v21, v46;
	v60 =	vmax.f32 v53, v22;
	v21 =	vmul.f32 v21, v52  }
0x44c: {  	v20 =	vmax.f32 v20, $0.0e+00;
	v57 =	vmul.f32 v24, v47;
	v62 =	vmax.f32 v16, v60  }
0x44d: {  	v22 =	vmin.f32 v53, v22;
	v24 =	vmul.f32 v24, v50;
	v55 =	vmax.f32 v17, v62  }
0x44e: {  	v14 =	vadd.f32 v57, v59;
	v57 =	vmul.f32 v27, v48;
	v27 =	vmul.f32 v27, v51  }
0x44f: {  	v21 =	vadd.f32 v24, v21;
	v24 =	vmin.f32 v10, v20;
	v10 =	vmax.f32 v10, v20  }
0x450: {  	v63 =	vld [tilespmem:s0+$0x3000];
	v20 =	vmin.f32 v11, v10;
	v10 =	vmax.f32 v11, v10;
	v14 =	vadd.f32 v57, v14  }
0x451: {  	v11 =	vadd.f32 v27, v21;
	v21 =	vmin.f32 v12, v10;
	v10 =	vmax.f32 v12, v10  }
0x452: {  	v27 =	vmin.f32 v13, v10;
	v10 =	vmax.f32 v13, v10;
	v14 =	vsub.f32 v45, v14  }
0x453: {  	v11 =	vsub.f32 v49, v11;
	v54 =	vmin.f32 v25, v10;
	v10 =	vmax.f32 v25, v10  }
0x454: {  	v60 =	vmin.f32 v16, v60;
	v58 =	vmax.f32 v56, v55;
	v57 =	vmin.f32 v26, v10  }
0x455: {  	v10 =	vmax.f32 v26, v10;
	v12 =	vsub.f32 v63, v14;
	v11 =	vsub.f32 v63, v11  }
0x456: {  	v62 =	vmin.f32 v17, v62;
	v9 =	vmin.f32 v9, v58;
	v19 =	vmin.f32 v15, v10  }
0x457: {  	v15 =	vimm.s32 $0x0;
	v25 =	vmax.f32 v12, $0.0e+00;
	v11 =	vmax.f32 v11, $0.0e+00  }
0x458: {  	v59 =	vmax.f32 v23, v25;
	v13 =	vmax.f32 v24, v11;
	v12 =	vmin.f32 v24, v11  }
0x459: {  	v24 =	vmin.f32 v56, v55;
	v53 =	vmin.f32 v23, v25;
	v63 =	vmax.f32 v61, v59  }
0x45a: {  	v10 =	vmax.f32 v20, v13;
	v13 =	vmin.f32 v20, v13;
	v26 =	vmax.f32 v22, v63  }
0x45b: {  	v14 =	vmin.f32 v21, v10;
	v11 =	vmax.f32 v21, v10;
	v10 =	vimm.s32 $0x7F7FFFFF  }
0x45c: {  	v16 =	vmin.f32 v27, v11;
	v11 =	vmax.f32 v27, v11;
	v18 =	vsub.s32 v10, v15  }
0x45d: {  	v17 =	vmin.f32 v54, v11;
	v11 =	vmax.f32 v54, v11;
	v20 =	vshrl.u32 v18, $0x1  }
0x45e: {  	v18 =	vmin.f32 v57, v11;
	v21 =	vmax.f32 v57, v11;
	v11 =	vadd.s32 v15, v20  }
0x45f: {  	v19 =	vmin.f32 v19, v21;
	vm0 =	vge.s32 v11, v12;
	vm1 =	vge.s32 v11, v13  }
0x460: {  	vm15 =	vge.s32 v11, v14;
	v20 =	vsel vm0, $0x1, v0;
	v21 =	vsel vm1, $0x1, v0  }
0x461: {  	vm0 =	vge.s32 v11, v16;
	v20 =	vadd.s32 v21, v20;
	v21 =	vsel vm15, $0x1, v0  }
0x462: {  	vm1 =	vge.s32 v11, v17;
	v20 =	vadd.s32 v21, v20;
	v21 =	vsel vm0, $0x1, v0  }
0x463: {  	vm0 =	vge.s32 v11, v18;
	v20 =	vadd.s32 v21, v20;
	v21 =	vsel vm1, $0x1, v0  }
0x464: {  	v20 =	vadd.s32 v21, v20;
	v21 =	vsel vm0, $0x1, v0;
	vm0 =	vge.s32 v11, v19  }
0x465: {  	v55 =	vmin.f32 v22, v63;
	v20 =	vadd.s32 v21, v20;
	v21 =	vsel vm0, $0x1, v0  }
0x466: {  	v28 =	vmax.f32 v60, v26;
	v56 =	vmin.f32 v60, v26;
	v20 =	vadd.s32 v21, v20  }
0x467: {  	v29 =	vmax.f32 v62, v28;
	v54 =	vmin.f32 v61, v59;
	v61 =	vimm.s32 $0x0;
	(xrf0) =	vadd.scan.msk.s32 $0xffff, v20  }
0x468: {  	v58 =	vmax.f32 v24, v29;
	v59 =	vmin.f32 v24, v29;
	v57 =	vimm.s32 $0x7F7FFFFF  }
0x469: {  	v9 =	vmin.f32 v9, v58;
	v58 =	vmin.f32 v62, v28;
	vm1 =	vge.s32 v11, v54  }
0x46a: {  	vm15 =	vge.s32 v11, v56;
	vm0 =	vge.s32 v11, v53;
	v21 =	vsel vm1, $0x1, v0  }
0x46b: {  	vm1 =	vge.s32 v11, v59;
	v20 =	vsel vm0, $0x1, v0;
	vm0 =	vge.s32 v11, v55  }
0x46c: {  	v20 =	vadd.s32 v21, v20;
	v21 =	vsel vm0, $0x1, v0;
	vm0 =	vge.s32 v11, v58  }
0x46d: {  	v20 =	vadd.s32 v21, v20;
	v21 =	vsel vm15, $0x1, v0;
	v23 =	vsel vm0, $0x1, v0;
	v22, _, _ =	vpop (xrf0)  }
0x46e: {  	v21 =	vadd.s32 v21, v20;
	v20 =	vadd.s32 $0x1, v11;
	v22 =	vperm.xlane v22, v1  }
0x46f: {  	v21 =	vadd.s32 v23, v21;
	v23 =	vsel vm1, $0x1, v0;
	vm1 =	vge.s32 v11, v9  }
0x470: {  	s0 =	simm.s32 $0x1E;
	v60 =	vmovc v11;
	v21 =	vadd.s32 v23, v21;
	vm0 =	vgt.s32 v22, $0x13;
	v22 =	vsel vm1, $0x1, v0  }
.LBB2_48:
0x471: {  	p0 =	sne.s32 s0, $0x1;
	s0 =	sadd.s32 $0xFFFFFFFF, s0;
	v15 =	vsel vm0, v15, v20;
	v10 =	vsel vm0, v11, v10;
	v11 =	vadd.s32 v22, v21  }
0x472: {  	v20 =	vsub.s32 v10, v15;
	(xrf0) =	vadd.scan.msk.s32 $0xffff, v11  }
0x473: {  	v11 =	vshrl.u32 v20, $0x1  }
0x474: {  	v20 =	vadd.s32 $0x1, v60;
	v11 =	vadd.s32 v15, v11  }
0x475: {  	vm0 =	vge.s32 v11, v12;
	vm1 =	vge.s32 v11, v13;
	vm15 =	vge.s32 v11, v14  }
0x476: {  	v21 =	vsel vm0, $0x1, v0;
	v22 =	vsel vm1, $0x1, v0;
	vm0 =	vge.s32 v11, v16  }
0x477: {  	vm1 =	vge.s32 v11, v17;
	v21 =	vadd.s32 v22, v21;
	v22 =	vsel vm15, $0x1, v0  }
0x478: {  	v21 =	vadd.s32 v22, v21;
	v22 =	vsel vm0, $0x1, v0;
	vm0 =	vge.s32 v11, v18;
	v23, _, _ =	vpop (xrf0)  }
0x479: {  	v21 =	vadd.s32 v22, v21;
	v22 =	vsel vm1, $0x1, v0;
	v23 =	vperm.xlane v23, v1  }
0x47a: {  	v21 =	vadd.s32 v22, v21;
	v22 =	vsel vm0, $0x1, v0;
	vm0 =	vge.s32 v11, v19  }
0x47b: {  	v21 =	vadd.s32 v22, v21;
	v22 =	vsel vm0, $0x1, v0;
	vm0 =	vgt.s32 v23, $0x13  }
0x47c: {  	v21 =	vadd.s32 v22, v21;
	v61 =	vsel vm0, v61, v20;
	v57 =	vsel vm0, v60, v57  }
0x47d: {  	v20 =	vsub.s32 v57, v61;
	(xrf0) =	vadd.scan.msk.s32 $0xffff, v21  }
0x47e: {  	v20 =	vshrl.u32 v20, $0x1  }
0x47f: {  	v60 =	vadd.s32 v61, v20;
	v20 =	vadd.s32 $0x1, v11  }
0x480: {  	vm0 =	vge.s32 v60, v53;
	vm1 =	vge.s32 v60, v54;
	vm15 =	vge.s32 v60, v56  }
0x481: {  	v21 =	vsel vm0, $0x1, v0;
	v22 =	vsel vm1, $0x1, v0;
	vm0 =	vge.s32 v60, v55  }
.Ltmp25:
0x482: {  	v21 =	vadd.s32 v22, v21;
	v22 =	vsel vm0, $0x1, v0;
	vm0 =	vge.s32 v60, v58;
	(pc) =	sbr.rel @p0 .LBB2_48-.Ltmp25, $4  }
0x483: {  	vm1 =	vge.s32 v60, v59;
	v21 =	vadd.s32 v22, v21;
	v22 =	vsel vm15, $0x1, v0;
	v23, _, _ =	vpop (xrf0)  }
0x484: {  	v23 =	vperm.xlane v23, v1;
	v21 =	vadd.s32 v22, v21;
	v22 =	vsel vm0, $0x1, v0  }
0x485: {  	v21 =	vadd.s32 v22, v21;
	v22 =	vsel vm1, $0x1, v0;
	vm1 =	vge.s32 v60, v9  }
0x486: {  	vm0 =	vgt.s32 v23, $0x13;
	v21 =	vadd.s32 v22, v21;
	v22 =	vsel vm1, $0x1, v0  }
0x487: {  	s1 =	simm.s32 $0x0  }
0x488: {  	v9 =	vld [tilespmem:s1+$0x4000]  }
0x489: {  	v13 =	vld [tilespmem:s1+$0x5000]  }
0x48a: {  	v12 =	vadd.s32 v22, v21  }
0x48b: {  	(xrf0) =	vadd.scan.msk.s32 $0xffff, v12;
	v12 =	vld [tilespmem:s1+$0x6000];
	_ =	sdelay $0x2  }
0x48c: {  	v14 =	vmul.f32 v9, v46;
	v15 =	vmul.f32 v13, v47  }
0x48d: {  	v9 =	vmul.f32 v9, v52;
	v13 =	vmul.f32 v13, v50  }
0x48e: {  	s0 =	simm.s32 $0x10;
	v17 =	vld [tilespmem:s1+$0x3000];
	v14 =	vadd.f32 v15, v14;
	v15 =	vmul.f32 v12, v48  }
0x48f: {  	v19 =	vld [tilespmem:s0+$0x5000];
	v9 =	vadd.f32 v13, v9;
	v12 =	vmul.f32 v12, v51  }
0x490: {  	v18 =	vld [tilespmem:s0+$0x4000];
	v16, _, _ =	vpop (xrf0);
	v13 =	vadd.f32 v15, v14  }
0x491: {  	v21 =	vld [tilespmem:s0+$0x6000];
	v16 =	vperm.xlane v16, v1;
	v12 =	vadd.f32 v12, v9  }
0x492: {  	v20 =	vld [tilespmem:s1+$0x2000];
	v13 =	vsub.f32 v45, v13  }
0x493: {  	vm1 =	vgt.s32 v16, $0x13;
	v9 =	vsel vm0, v11, v10;
	v15 =	vld [tilespmem:s1+$0x0];
	v11 =	vsub.f32 v49, v12  }
0x494: {  	v22 =	vmul.f32 v19, v47;
	v16 =	vld [tilespmem:s1+$0x1000];
	v10 =	vsel vm1, v60, v57;
	v12 =	vsub.f32 v17, v13  }
0x495: {  	v13 =	vmul.f32 v18, v52;
	v11 =	vsub.f32 v17, v11;
	v17 =	vmul.f32 v19, v50  }
0x496: {  	v23 =	vmul.f32 v21, v48;
	v18 =	vmul.f32 v18, v46;
	vm15 =	vle.f32 v12, v10;
	v12 =	vld [tilespmem:s0+$0x0]  }
0x497: {  	v58 =	vmul.f32 v21, v51;
	v14 =	vimm.f32 $-3.399999950e+38;
	v57 =	vadd.f32 v17, v13;
	v13 =	vld [tilespmem:s0+$0x1000]  }
0x498: {  	v18 =	vadd.f32 v22, v18;
	vm0 =	vle.f32 v11, v9;
	v17 =	vimm.f32 $-3.399999950e+38  }
0x499: {  	v19 =	vnsel vm15, $0xFF7FC99E, v20;
	v22 =	vnsel vm0, $0xFF7FC99E, v15;
	v55 =	vnsel vm0, $0xFF7FC99E, v16  }
0x49a: {  	v21 =	vld [tilespmem:s0+$0x3000];
	s1 =	simm.s32 $0x20;
	v54 =	vnsel vm0, $0xFF7FC99E, v20;
	v20 =	vimm.f32 $-3.399999950e+38;
	v11 =	vmax.f32 v14, v19  }
0x49b: {  	s2 =	simm.s32 $0xC0;
	v53 =	vld [tilespmem:s1+$0x4000];
	v56 =	vadd.f32 v23, v18;
	v19 =	vimm.f32 $-3.399999950e+38;
	v18 =	vimm.f32 $-3.399999950e+38  }
.LBB2_50:
0x49c: {  	p0 =	sne.s32 s2, $0x3FC0;
	v23 =	vld [tilespmem:s1+$0x5000];
	v24 =	vadd.f32 v58, v57;
	v25 =	vnsel vm15, $0xFF7FC99E, v15;
	v26 =	vnsel vm15, $0xFF7FC99E, v16;
	v15 =	vmovc v12;
	v16 =	vmovc v13  }
0x49d: {  	v14 =	vmax.f32 v14, v22;
	v17 =	vmax.f32 v17, v55;
	v27 =	vld [tilespmem:s0+$0x2000];
	v13 =	vsub.f32 v45, v56;
	s0 =	smov.u32 s1  }
0x49e: {  	v19 =	vmax.f32 v19, v54;
	v20 =	vmax.f32 v20, v25;
	v22 =	vld [tilespmem:s0+$0x6000];
	v24 =	vsub.f32 v49, v24  }
0x49f: {  	v18 =	vmax.f32 v18, v26;
	v12 =	vld [tilespmem:s0+$0x0];
	v25 =	vsub.f32 v21, v13  }
0x4a0: {  	v13 =	vld [tilespmem:s0+$0x1000];
	v26 =	vmul.f32 v53, v52;
	v21 =	vsub.f32 v21, v24  }
.Ltmp26:
0x4a1: {  	v24 =	vmul.f32 v53, v46;
	v28 =	vmul.f32 v23, v47;
	vm15 =	vle.f32 v25, v10;
	(pc) =	sbr.rel @p0 .LBB2_50-.Ltmp26, $4  }
0x4a2: {  	v23 =	vmul.f32 v23, v50;
	vm0 =	vle.f32 v21, v9;
	v21 =	vnsel vm15, $0xFF7FC99E, v27  }
0x4a3: {  	v24 =	vadd.f32 v28, v24;
	v25 =	vmul.f32 v22, v48;
	v11 =	vmax.f32 v11, v21  }
0x4a4: {  	s1 =	sshra.s32 s2, $0x2;
	v57 =	vadd.f32 v23, v26;
	v58 =	vmul.f32 v22, v51;
	v22 =	vnsel vm0, $0xFF7FC99E, v15;
	v21 =	vld [tilespmem:s0+$0x3000]  }
0x4a5: {  	s2 =	sadd.s32 $0x40, s2;
	v55 =	vnsel vm0, $0xFF7FC99E, v16;
	v54 =	vnsel vm0, $0xFF7FC99E, v27;
	v53 =	vld [tilespmem:s1+$0x4000];
	v56 =	vadd.f32 v25, v24  }
0x4a6: {  	(v2sf) =	vpush v8, $0xE  }
0x4a7: {  	(v2sf) =	vpush v8, $0xF  }
0x4a8: {  	(v2sf) =	vpush v7, $0xE  }
0x4a9: {  	(v2sf) =	vpush v7, $0xF  }
0x4aa: {  	(v2sf) =	vpush v6, $0xE  }
0x4ab: {  	(v2sf) =	vpush v6, $0xF  }
0x4ac: {  	v14 =	vmax.f32 v14, v22;
	v17 =	vmax.f32 v17, v55;
	v19 =	vmax.f32 v19, v54  }
0x4ad: {  	v63 =	vimm.f32 $3.399999950e+38;
	v61 =	vimm.f32 $3.399999950e+38;
	v62 =	vimm.f32 $3.399999950e+38;
	v6 =	vld [tilespmem:s1+$0x5000]  }
0x4ae: {  	v59 =	vimm.f32 $3.399999950e+38;
	v60 =	vimm.f32 $3.399999950e+38;
	(v2sf) =	vpush v5, $0xE  }
0x4af: {  	v23 =	vld [tilespmem:s1+$0x6000];
	v8 =	vnsel vm15, $0xFF7FC99E, v15;
	v7 =	vadd.f32 v58, v57;
	(v2sf) =	vpush v5, $0xF  }
0x4b0: {  	v15 =	vnsel vm15, $0xFF7FC99E, v16;
	v16 =	vsub.f32 v45, v56;
	v56 =	vimm.f32 $3.399999950e+38  }
0x4b1: {  	v8 =	vmax.f32 v20, v8;
	v15 =	vmax.f32 v18, v15;
	v7 =	vsub.f32 v49, v7;
	v5 =	vld [tilespmem:s0+$0x2000]  }
0x4b2: {  	v16 =	vsub.f32 v21, v16;
	v18 =	vmul.f32 v53, v46;
	v20 =	vmul.f32 v6, v47  }
0x4b3: {  	v22 =	vmul.f32 v53, v52;
	v7 =	vsub.f32 v21, v7;
	v6 =	vmul.f32 v6, v50  }
0x4b4: {  	vm0 =	vle.f32 v16, v10;
	v16 =	vadd.f32 v20, v18;
	v18 =	vmul.f32 v23, v48  }
0x4b5: {  	s2 =	simm.s32 $0x0;
	v21 =	vld [tilespmem:s1+$0x3000];
	vm1 =	vle.f32 v7, v9;
	v6 =	vadd.f32 v6, v22;
	v22 =	vmul.f32 v23, v51;
	s24 =	spop (v2sf)  }
0x4b6: {  	v20 =	vnsel vm0, $0xFF7FC99E, v5;
	v5 =	vnsel vm1, $0xFF7FC99E, v5;
	v7 =	vadd.f32 v18, v16;
	v16 =	vld [tilespmem:s2+$0x4000];
	s3 =	spop (v2sf)  }
0x4b7: {  	v11 =	vmax.f32 v11, v20;
	v20 =	vnsel vm1, $0xFF7FC99E, v13;
	v6 =	vadd.f32 v22, v6;
	v22 =	vld [tilespmem:s2+$0x5000];
	s4 =	spop (v2sf)  }
0x4b8: {  	v13 =	vnsel vm0, $0xFF7FC99E, v13;
	v19 =	vmax.f32 v19, v5;
	v18 =	vnsel vm1, $0xFF7FC99E, v12;
	s3 =	smul.f32 $-2.000000000e+00, s3;
	s5 =	spop (v2sf)  }
0x4b9: {  	v12 =	vnsel vm0, $0xFF7FC99E, v12;
	v14 =	vmax.f32 v14, v18;
	v18 =	vld [tilespmem:s2+$0x6000];
	v7 =	vsub.f32 v45, v7;
	s6 =	spop (v2sf);
	s5 =	smul.f32 $-2.000000000e+00, s5  }
0x4ba: {  	v23 =	vld [tilespmem:s1+$0x2000];
	v17 =	vmax.f32 v17, v20;
	v8 =	vmax.f32 v8, v12;
	v6 =	vsub.f32 v49, v6;
	s0 =	smul.f32 $-2.000000000e+00, s24;
	s7 =	spop (v2sf)  }
0x4bb: {  	v20 =	vld [tilespmem:s1+$0x1000];
	v5 =	vsub.f32 v21, v7;
	v47 =	vmov s3;
	s25 =	smul.f32 $-2.000000000e+00, s7;
	v46 =	vmov s5  }
0x4bc: {  	v6 =	vsub.f32 v21, v6;
	v12 =	vmul.f32 v16, v47;
	v21 =	vmul.f32 v22, v46  }
0x4bd: {  	s4 =	smul.f32 $-2.000000000e+00, s4;
	v52 =	vmov s0;
	vm0 =	vle.f32 v5, v10;
	s26 =	spop (v2sf);
	v7 =	vmov s25  }
0x4be: {  	v24 =	vld [tilespmem:s1+$0x0];
	vm1 =	vle.f32 v6, v9;
	s28 =	spop (v2sf);
	v6 =	vadd.f32 v21, v12;
	v9 =	vmul.f32 v18, v7  }
0x4bf: {  	v10 =	vmax.f32 v15, v13;
	v53 =	vmov s4;
	v16 =	vmul.f32 v16, v52;
	s1 =	ssub.f32 $0.0e+00, s28;
	v12 =	vld [tilespmem:s2+$0x3000]  }
0x4c0: {  	v5 =	vnsel vm0, $0xFF7FC99E, v23;
	v13 =	vnsel vm1, $0xFF7FC99E, v20;
	v9 =	vadd.f32 v9, v6  }
0x4c1: {  	s29 =	smul.f32 $-2.000000000e+00, s6;
	v15 =	vnsel vm1, $0xFF7FC99E, v23;
	v20 =	vnsel vm0, $0xFF7FC99E, v20;
	v6 =	vmov s1  }
0x4c2: {  	s30 =	simm.s32 $0x10;
	v5 =	vmax.f32 v11, v5;
	v21 =	vmul.f32 v22, v53;
	v9 =	vsub.f32 v6, v9  }
0x4c3: {  	v11 =	vnsel vm1, $0xFF7FC99E, v24;
	v54 =	vmov s29;
	v22 =	vnsel vm0, $0xFF7FC99E, v24;
	v24 =	vld [tilespmem:s30+$0x5000]  }
0x4c4: {  	v23 =	vld [tilespmem:s30+$0x4000];
	v18 =	vmul.f32 v18, v54;
	v16 =	vadd.f32 v21, v16;
	v9 =	vsub.f32 v12, v9  }
0x4c5: {  	v49 =	vmax.f32 v17, v13;
	v48 =	vmax.f32 v19, v15;
	s31 =	ssub.f32 $0.0e+00, s26;
	v15 =	vimm.f32 $3.399999950e+38  }
0x4c6: {  	v50 =	vmax.f32 v14, v11;
	v11 =	vadd.f32 v18, v16;
	v18 =	vmax.f32 v9, $0.0e+00;
	v9 =	vld [tilespmem:s30+$0x6000]  }
0x4c7: {  	v51 =	vmov s31;
	v45 =	vmax.f32 v8, v22;
	v8 =	vmax.f32 v10, v20  }
0x4c8: {  	v13 =	vmul.f32 v24, v46;
	v10 =	vsub.f32 v51, v11;
	v19 =	vmax.f32 v15, v18  }
0x4c9: {  	v22 =	vmul.f32 v24, v53;
	v11 =	vmul.f32 v23, v47;
	v55 =	vmax.f32 v15, v19  }
0x4ca: {  	v10 =	vsub.f32 v12, v10;
	v12 =	vmul.f32 v23, v52;
	v16 =	vmax.f32 v15, v55  }
0x4cb: {  	v11 =	vadd.f32 v13, v11;
	v17 =	vmax.f32 v15, v16;
	v13 =	vmul.f32 v9, v7  }
0x4cc: {  	v57 =	vimm.f32 $3.399999950e+38;
	v58 =	vimm.f32 $3.399999950e+38;
	v21 =	vld [tilespmem:s30+$0x3000];
	v14 =	vmax.f32 v15, v17  }
0x4cd: {  	v12 =	vadd.f32 v22, v12;
	v20 =	vmax.f32 v15, v14;
	v11 =	vadd.f32 v13, v11  }
0x4ce: {  	v23 =	vmul.f32 v9, v54;
	v9 =	vmin.f32 v15, v20;
	v13 =	vmax.f32 v10, $0.0e+00  }
0x4cf: {  	v10 =	vmin.f32 v15, v13;
	v13 =	vmax.f32 v15, v13;
	v20 =	vsub.f32 v6, v11  }
0x4d0: {  	v23 =	vadd.f32 v23, v12;
	v11 =	vmin.f32 v15, v13;
	v13 =	vmax.f32 v15, v13  }
0x4d1: {  	s0 =	simm.s32 $0x20;
	v12 =	vmin.f32 v15, v13;
	v22 =	vmax.f32 v15, v13;
	v24 =	vsub.f32 v21, v20  }
0x4d2: {  	s1 =	simm.s32 $0xC0;
	v13 =	vmin.f32 v15, v22;
	v25 =	vmax.f32 v15, v22;
	v20 =	vimm.f32 $3.399999950e+38;
	v22 =	vld [tilespmem:s0+$0x4000]  }
.LBB2_52:
0x4d3: {  	p0 =	sne.s32 s1, $0x3FC0;
	v26 =	vld [tilespmem:s0+$0x5000];
	v23 =	vsub.f32 v51, v23;
	v27 =	vmax.f32 v15, v25;
	v15 =	vmin.f32 v15, v25  }
0x4d4: {  	v20 =	vmin.f32 v20, v18;
	v63 =	vmin.f32 v63, v27;
	v18 =	vmax.f32 v24, $0.0e+00  }
0x4d5: {  	v61 =	vmin.f32 v61, v19;
	v24 =	vld [tilespmem:s0+$0x6000];
	v23 =	vsub.f32 v21, v23;
	v19 =	vmax.f32 v20, v18  }
0x4d6: {  	v62 =	vmin.f32 v62, v55;
	v25 =	vmax.f32 v57, v27;
	v57 =	vmovc v63;
	v55 =	vmax.f32 v61, v19  }
0x4d7: {  	v59 =	vmin.f32 v59, v16;
	v21 =	vmul.f32 v22, v47;
	v16 =	vmax.f32 v62, v55  }
0x4d8: {  	v60 =	vmin.f32 v60, v17;
	v27 =	vmul.f32 v26, v46;
	v17 =	vmax.f32 v59, v16  }
0x4d9: {  	v58 =	vmin.f32 v58, v14;
	v22 =	vmul.f32 v22, v52;
	v14 =	vmax.f32 v60, v17  }
0x4da: {  	v27 =	vadd.f32 v27, v21;
	v28 =	vmul.f32 v24, v7;
	v29 =	vmax.f32 v58, v14  }
0x4db: {  	v26 =	vmul.f32 v26, v53;
	v24 =	vmul.f32 v24, v54;
	v21 =	vld [tilespmem:s0+$0x3000];
	v9 =	vmin.f32 v9, v29  }
.Ltmp27:
0x4dc: {  	v56 =	vmin.f32 v56, v25;
	v23 =	vmax.f32 v23, $0.0e+00;
	v27 =	vadd.f32 v28, v27;
	(pc) =	sbr.rel @p0 .LBB2_52-.Ltmp27, $4  }
0x4dd: {  	v25 =	vmax.f32 v10, v23;
	v10 =	vmin.f32 v10, v23;
	v22 =	vadd.f32 v26, v22  }
0x4de: {  	v26 =	vsub.f32 v6, v27;
	v27 =	vmax.f32 v11, v25;
	v11 =	vmin.f32 v11, v25  }
0x4df: {  	s0 =	sshra.s32 s1, $0x2;
	v23 =	vadd.f32 v24, v22;
	v28 =	vmax.f32 v12, v27;
	v12 =	vmin.f32 v12, v27  }
0x4e0: {  	s1 =	sadd.s32 $0x40, s1;
	v22 =	vld [tilespmem:s0+$0x4000];
	v24 =	vsub.f32 v21, v26;
	v25 =	vmax.f32 v13, v28;
	v13 =	vmin.f32 v13, v28  }
0x4e1: {  	v23 =	vsub.f32 v51, v23;
	v27 =	vmin.f32 v15, v25;
	v15 =	vmax.f32 v15, v25  }
0x4e2: {  	v26 =	vld [tilespmem:s0+$0x5000];
	v18 =	vmin.f32 v20, v18;
	v19 =	vmin.f32 v61, v19;
	v29 =	vmin.f32 v62, v55  }
0x4e3: {  	v16 =	vmin.f32 v59, v16;
	v17 =	vmin.f32 v60, v17;
	v58 =	vmin.f32 v58, v14  }
0x4e4: {  	v24 =	vmax.f32 v24, $0.0e+00;
	v20 =	vmin.f32 v63, v15;
	v15 =	vmax.f32 v57, v15  }
0x4e5: {  	v25 =	vld [tilespmem:s0+$0x6000];
	v28 =	vmax.f32 v18, v24;
	v21 =	vsub.f32 v21, v23;
	v15 =	vmin.f32 v56, v15  }
0x4e6: {  	v24 =	vmin.f32 v18, v24;
	v23 =	vmax.f32 v19, v28;
	v28 =	vmin.f32 v19, v28  }
0x4e7: {  	v55 =	vmul.f32 v22, v47;
	v61 =	vmax.f32 v29, v23;
	v59 =	vmul.f32 v26, v46  }
0x4e8: {  	v22 =	vmul.f32 v22, v52;
	v21 =	vmax.f32 v21, $0.0e+00;
	v62 =	vmax.f32 v16, v61  }
0x4e9: {  	v26 =	vmul.f32 v26, v53;
	v57 =	vmax.f32 v17, v62;
	v14 =	vadd.f32 v59, v55  }
0x4ea: {  	v55 =	vmul.f32 v25, v7;
	v59 =	vmax.f32 v58, v57;
	v25 =	vmul.f32 v25, v54  }
0x4eb: {  	v22 =	vadd.f32 v26, v22;
	v26 =	vmin.f32 v10, v21;
	v10 =	vmax.f32 v10, v21  }
0x4ec: {  	v60 =	vld [tilespmem:s0+$0x3000];
	v21 =	vmin.f32 v11, v10;
	v10 =	vmax.f32 v11, v10;
	v14 =	vadd.f32 v55, v14  }
0x4ed: {  	v11 =	vadd.f32 v25, v22;
	v22 =	vmin.f32 v12, v10;
	v10 =	vmax.f32 v12, v10  }
0x4ee: {  	v25 =	vmin.f32 v13, v10;
	v10 =	vmax.f32 v13, v10;
	v14 =	vsub.f32 v6, v14  }
0x4ef: {  	v11 =	vsub.f32 v51, v11;
	v55 =	vmin.f32 v27, v10;
	v10 =	vmax.f32 v27, v10  }
0x4f0: {  	v62 =	vmin.f32 v17, v62;
	v9 =	vmin.f32 v9, v59;
	v56 =	vmin.f32 v20, v10  }
0x4f1: {  	v10 =	vmax.f32 v20, v10;
	v12 =	vsub.f32 v60, v14;
	v11 =	vsub.f32 v60, v11  }
0x4f2: {  	v20 =	vmin.f32 v29, v23;
	v29 =	vmin.f32 v16, v61;
	v19 =	vmin.f32 v15, v10  }
0x4f3: {  	v15 =	vimm.s32 $0x0;
	v27 =	vmax.f32 v12, $0.0e+00;
	v11 =	vmax.f32 v11, $0.0e+00  }
0x4f4: {  	v60 =	vmax.f32 v24, v27;
	v13 =	vmax.f32 v26, v11;
	v12 =	vmin.f32 v26, v11  }
0x4f5: {  	v63 =	vmax.f32 v28, v60;
	v10 =	vmax.f32 v21, v13;
	v13 =	vmin.f32 v21, v13  }
0x4f6: {  	v23 =	vmax.f32 v20, v63;
	v14 =	vmin.f32 v22, v10;
	v11 =	vmax.f32 v22, v10  }
0x4f7: {  	v10 =	vimm.s32 $0x7F7FFFFF;
	v61 =	vmax.f32 v29, v23;
	v16 =	vmin.f32 v25, v11  }
0x4f8: {  	v11 =	vmax.f32 v25, v11;
	v18 =	vsub.s32 v10, v15;
	v25 =	vmin.f32 v58, v57  }
0x4f9: {  	v17 =	vmin.f32 v55, v11;
	v11 =	vmax.f32 v55, v11;
	v21 =	vshrl.u32 v18, $0x1  }
0x4fa: {  	v18 =	vmin.f32 v56, v11;
	v22 =	vmax.f32 v56, v11;
	v11 =	vadd.s32 v15, v21  }
0x4fb: {  	v19 =	vmin.f32 v19, v22;
	vm0 =	vge.s32 v11, v12;
	vm1 =	vge.s32 v11, v13  }
0x4fc: {  	vm15 =	vge.s32 v11, v14;
	v21 =	vsel vm0, $0x1, v0;
	v22 =	vsel vm1, $0x1, v0  }
0x4fd: {  	vm0 =	vge.s32 v11, v16;
	v21 =	vadd.s32 v22, v21;
	v22 =	vsel vm15, $0x1, v0  }
0x4fe: {  	vm1 =	vge.s32 v11, v17;
	v21 =	vadd.s32 v22, v21;
	v22 =	vsel vm0, $0x1, v0  }
0x4ff: {  	vm0 =	vge.s32 v11, v18;
	v21 =	vadd.s32 v22, v21;
	v22 =	vsel vm1, $0x1, v0  }
0x500: {  	v21 =	vadd.s32 v22, v21;
	v22 =	vsel vm0, $0x1, v0;
	vm0 =	vge.s32 v11, v19  }
0x501: {  	v57 =	vmin.f32 v20, v63;
	v21 =	vadd.s32 v22, v21;
	v22 =	vsel vm0, $0x1, v0  }
0x502: {  	v58 =	vmin.f32 v29, v23;
	v30 =	vmax.f32 v62, v61;
	v21 =	vadd.s32 v22, v21  }
0x503: {  	v63 =	vimm.s32 $0x0;
	v55 =	vmin.f32 v24, v27;
	v59 =	vmax.f32 v25, v30;
	(xrf0) =	vadd.scan.msk.s32 $0xffff, v21  }
0x504: {  	v56 =	vmin.f32 v28, v60;
	v60 =	vmin.f32 v62, v61;
	v61 =	vmin.f32 v25, v30  }
0x505: {  	v9 =	vmin.f32 v9, v59;
	v59 =	vimm.s32 $0x7F7FFFFF;
	vm0 =	vge.s32 v11, v55  }
0x506: {  	vm15 =	vge.s32 v11, v58;
	vm1 =	vge.s32 v11, v56;
	v20 =	vsel vm0, $0x1, v0  }
0x507: {  	vm0 =	vge.s32 v11, v57;
	v21 =	vsel vm1, $0x1, v0;
	vm1 =	vge.s32 v11, v61  }
0x508: {  	v20 =	vadd.s32 v21, v20;
	v21 =	vsel vm0, $0x1, v0;
	vm0 =	vge.s32 v11, v60  }
0x509: {  	v20 =	vadd.s32 v21, v20;
	v21 =	vsel vm15, $0x1, v0;
	v23 =	vsel vm0, $0x1, v0;
	v22, _, _ =	vpop (xrf0)  }
0x50a: {  	v21 =	vadd.s32 v21, v20;
	v20 =	vadd.s32 $0x1, v11;
	v22 =	vperm.xlane v22, v1  }
0x50b: {  	v21 =	vadd.s32 v23, v21;
	v23 =	vsel vm1, $0x1, v0;
	vm1 =	vge.s32 v11, v9  }
0x50c: {  	s0 =	simm.s32 $0x1E;
	v62 =	vmovc v11;
	v21 =	vadd.s32 v23, v21;
	vm0 =	vgt.s32 v22, $0x13;
	v22 =	vsel vm1, $0x1, v0  }
.LBB2_54:
0x50d: {  	p0 =	sne.s32 s0, $0x1;
	s0 =	sadd.s32 $0xFFFFFFFF, s0;
	v15 =	vsel vm0, v15, v20;
	v10 =	vsel vm0, v11, v10;
	v11 =	vadd.s32 v22, v21  }
0x50e: {  	v20 =	vsub.s32 v10, v15;
	(xrf0) =	vadd.scan.msk.s32 $0xffff, v11  }
0x50f: {  	v11 =	vshrl.u32 v20, $0x1  }
0x510: {  	v20 =	vadd.s32 $0x1, v62;
	v11 =	vadd.s32 v15, v11  }
0x511: {  	vm0 =	vge.s32 v11, v12;
	vm1 =	vge.s32 v11, v13;
	vm15 =	vge.s32 v11, v14  }
0x512: {  	v21 =	vsel vm0, $0x1, v0;
	v22 =	vsel vm1, $0x1, v0;
	vm0 =	vge.s32 v11, v16  }
0x513: {  	vm1 =	vge.s32 v11, v17;
	v21 =	vadd.s32 v22, v21;
	v22 =	vsel vm15, $0x1, v0  }
0x514: {  	v21 =	vadd.s32 v22, v21;
	v22 =	vsel vm0, $0x1, v0;
	vm0 =	vge.s32 v11, v18;
	v23, _, _ =	vpop (xrf0)  }
0x515: {  	v21 =	vadd.s32 v22, v21;
	v22 =	vsel vm1, $0x1, v0;
	v23 =	vperm.xlane v23, v1  }
0x516: {  	v21 =	vadd.s32 v22, v21;
	v22 =	vsel vm0, $0x1, v0;
	vm0 =	vge.s32 v11, v19  }
0x517: {  	v21 =	vadd.s32 v22, v21;
	v22 =	vsel vm0, $0x1, v0;
	vm0 =	vgt.s32 v23, $0x13  }
0x518: {  	v21 =	vadd.s32 v22, v21;
	v63 =	vsel vm0, v63, v20;
	v59 =	vsel vm0, v62, v59  }
0x519: {  	v20 =	vsub.s32 v59, v63;
	(xrf0) =	vadd.scan.msk.s32 $0xffff, v21  }
0x51a: {  	v20 =	vshrl.u32 v20, $0x1  }
0x51b: {  	v62 =	vadd.s32 v63, v20;
	v20 =	vadd.s32 $0x1, v11  }
0x51c: {  	vm0 =	vge.s32 v62, v55;
	vm1 =	vge.s32 v62, v56;
	vm15 =	vge.s32 v62, v58  }
0x51d: {  	v21 =	vsel vm0, $0x1, v0;
	v22 =	vsel vm1, $0x1, v0;
	vm0 =	vge.s32 v62, v57  }
.Ltmp28:
0x51e: {  	v21 =	vadd.s32 v22, v21;
	v22 =	vsel vm0, $0x1, v0;
	vm0 =	vge.s32 v62, v60;
	(pc) =	sbr.rel @p0 .LBB2_54-.Ltmp28, $4  }
0x51f: {  	vm1 =	vge.s32 v62, v61;
	v21 =	vadd.s32 v22, v21;
	v22 =	vsel vm15, $0x1, v0;
	v23, _, _ =	vpop (xrf0)  }
0x520: {  	v23 =	vperm.xlane v23, v1;
	v21 =	vadd.s32 v22, v21;
	v22 =	vsel vm0, $0x1, v0  }
0x521: {  	v21 =	vadd.s32 v22, v21;
	v22 =	vsel vm1, $0x1, v0;
	vm1 =	vge.s32 v62, v9  }
0x522: {  	vm0 =	vgt.s32 v23, $0x13;
	v21 =	vadd.s32 v22, v21;
	v22 =	vsel vm1, $0x1, v0  }
0x523: {  	s0 =	simm.s32 $0x0  }
0x524: {  	v9 =	vld [tilespmem:s0+$0x4000]  }
0x525: {  	v13 =	vld [tilespmem:s0+$0x5000]  }
0x526: {  	v12 =	vadd.s32 v22, v21  }
0x527: {  	(xrf0) =	vadd.scan.msk.s32 $0xffff, v12;
	v12 =	vld [tilespmem:s0+$0x6000];
	_ =	sdelay $0x2  }
0x528: {  	v14 =	vmul.f32 v9, v47;
	v15 =	vmul.f32 v13, v46  }
0x529: {  	s21 =	simm.s32 $0x10;
	v9 =	vmul.f32 v9, v52;
	v13 =	vmul.f32 v13, v53  }
0x52a: {  	v18 =	vld [tilespmem:s21+$0x4000];
	v14 =	vadd.f32 v15, v14;
	v15 =	vmul.f32 v12, v7  }
0x52b: {  	v17 =	vld [tilespmem:s0+$0x3000];
	v9 =	vadd.f32 v13, v9;
	v12 =	vmul.f32 v12, v54  }
0x52c: {  	v16, _, _ =	vpop (xrf0);
	v13 =	vadd.f32 v15, v14;
	v14 =	vld [tilespmem:s21+$0x5000]  }
0x52d: {  	v63 =	vsel vm0, v11, v10;
	v20 =	vld [tilespmem:s0+$0x2000];
	v16 =	vperm.xlane v16, v1;
	v9 =	vadd.f32 v12, v9  }
0x52e: {  	v61 =	vimm.f32 $-3.399999950e+38;
	v60 =	vimm.f32 $-3.399999950e+38;
	v10 =	vld [tilespmem:s0+$0x0];
	v12 =	vsub.f32 v6, v13  }
0x52f: {  	vm1 =	vgt.s32 v16, $0x13;
	v16 =	vmul.f32 v18, v52;
	v13 =	vld [tilespmem:s21+$0x6000];
	v11 =	vsub.f32 v51, v9  }
0x530: {  	v57 =	vld [tilespmem:s21+$0x0];
	v18 =	vmul.f32 v18, v47;
	v58 =	vsel vm1, v62, v59;
	v15 =	vsub.f32 v17, v12  }
0x531: {  	v59 =	vimm.f32 $-3.399999950e+38;
	v12 =	vld [tilespmem:s0+$0x1000];
	v11 =	vsub.f32 v17, v11;
	v19 =	vmul.f32 v14, v46  }
0x532: {  	v56 =	vld [tilespmem:s21+$0x1000];
	v9 =	vimm.f32 $-3.399999950e+38;
	v14 =	vmul.f32 v14, v53;
	vm15 =	vle.f32 v15, v58  }
0x533: {  	vm0 =	vle.f32 v11, v63;
	v15 =	vnsel vm15, $0xFF7FC99E, v20;
	v17 =	vadd.f32 v19, v18  }
0x534: {  	v62 =	vmul.f32 v13, v7;
	v18 =	vadd.f32 v14, v16;
	v19 =	vmul.f32 v13, v54  }
0x535: {  	s22 =	simm.s32 $0x20;
	v14 =	vld [tilespmem:s21+$0x3000];
	v11 =	vnsel vm0, $0xFF7FC99E, v20;
	v55 =	vmax.f32 v9, v15;
	v15 =	vnsel vm0, $0xFF7FC99E, v10  }
0x536: {  	s0 =	simm.s32 $0xC0;
	v16 =	vadd.f32 v62, v17;
	v13 =	vnsel vm0, $0xFF7FC99E, v12;
	v62 =	vimm.f32 $-3.399999950e+38;
	v17 =	vld [tilespmem:s22+$0x4000]  }
.LBB2_56:
0x537: {  	p0 =	sne.s32 s0, $0x3FC0;
	v20 =	vld [tilespmem:s22+$0x5000];
	v18 =	vadd.f32 v19, v18;
	v19 =	vnsel vm15, $0xFF7FC99E, v10;
	v21 =	vnsel vm15, $0xFF7FC99E, v12;
	v10 =	vmovc v57;
	v12 =	vmovc v56  }
0x538: {  	v9 =	vmax.f32 v9, v15;
	v62 =	vmax.f32 v62, v13;
	v22 =	vld [tilespmem:s21+$0x2000];
	v16 =	vsub.f32 v6, v16;
	s21 =	smov.u32 s22  }
0x539: {  	v61 =	vmax.f32 v61, v11;
	v60 =	vmax.f32 v60, v19;
	v13 =	vld [tilespmem:s21+$0x6000];
	v15 =	vsub.f32 v51, v18  }
0x53a: {  	v59 =	vmax.f32 v59, v21;
	v57 =	vld [tilespmem:s21+$0x0];
	v11 =	vsub.f32 v14, v16  }
0x53b: {  	v56 =	vld [tilespmem:s21+$0x1000];
	v16 =	vmul.f32 v17, v52;
	v14 =	vsub.f32 v14, v15  }
.Ltmp29:
0x53c: {  	v15 =	vmul.f32 v17, v47;
	v17 =	vmul.f32 v20, v46;
	vm15 =	vle.f32 v11, v58;
	(pc) =	sbr.rel @p0 .LBB2_56-.Ltmp29, $4  }
0x53d: {  	v11 =	vmul.f32 v20, v53;
	vm0 =	vle.f32 v14, v63;
	v14 =	vnsel vm15, $0xFF7FC99E, v22  }
0x53e: {  	v20 =	vadd.f32 v17, v15;
	v21 =	vmul.f32 v13, v7;
	v55 =	vmax.f32 v55, v14  }
0x53f: {  	s22 =	sshra.s32 s0, $0x2;
	v18 =	vadd.f32 v11, v16;
	v19 =	vmul.f32 v13, v54;
	v15 =	vnsel vm0, $0xFF7FC99E, v10;
	v14 =	vld [tilespmem:s21+$0x3000]  }
0x540: {  	s0 =	sadd.s32 $0x40, s0;
	v13 =	vnsel vm0, $0xFF7FC99E, v12;
	v11 =	vnsel vm0, $0xFF7FC99E, v22;
	v17 =	vld [tilespmem:s22+$0x4000];
	v16 =	vadd.f32 v21, v20  }
0x541: {  	v20 =	vld [tilespmem:$0x1FFB0];
	_ =	sdelay $0x1  }
0x542: {  	v30 =	vld [tilespmem:$0x1FFC0];
	_ =	sdelay $0x1  }
0x543: {  	v24 =	vld [tilespmem:$0x1FFD0]  }
0x544: {  	(xrf0) =	vmax.scan.msk.f32 $0xffff, v20  }
0x545: {  	v25 =	vld [tilespmem:$0x1FFE0]  }
0x546: {  	(xrf0) =	vmax.scan.msk.f32 $0xffff, v30  }
0x547: {  	v27 =	vld [tilespmem:$0x1FFF0]  }
0x548: {  	(xrf0) =	vmax.scan.msk.f32 $0xffff, v24  }
0x549: {  	v29 =	vld [tilespmem:$0x1FFA0]  }
0x54a: {  	(xrf0) =	vmax.scan.msk.f32 $0xffff, v25;
	v26, _, _ =	vpop (xrf0)  }
0x54b: {  	v24 =	vld [tilespmem:$0x1FF50];
	(v2sf) =	vpush v26, $0xF  }
0x54c: {  	(xrf0) =	vmax.scan.msk.f32 $0xffff, v27;
	v28, _, _ =	vpop (xrf0);
	(v2sf) =	vpush v4, $0x0  }
0x54d: {  	v26 =	vld [tilespmem:$0x1FF60];
	(v2sf) =	vpush v28, $0xF  }
0x54e: {  	(xrf0) =	vmax.scan.msk.f32 $0xffff, v29;
	v30, _, _ =	vpop (xrf0);
	(v2sf) =	vpush v3, $0x0  }
0x54f: {  	v28 =	vld [tilespmem:$0x1FF70];
	(v2sf) =	vpush v30, $0xF  }
0x550: {  	(xrf0) =	vmax.scan.msk.f32 $0xffff, v24;
	v25, _, _ =	vpop (xrf0);
	(v2sf) =	vpush v2, $0x0  }
0x551: {  	v30 =	vld [tilespmem:$0x1FF80];
	(v2sf) =	vpush v25, $0xF  }
0x552: {  	(xrf0) =	vmax.scan.msk.f32 $0xffff, v26;
	v27, _, _ =	vpop (xrf0);
	(v2sf) =	vpush v4, $0x1  }
0x553: {  	v25 =	vld [tilespmem:$0x1FF90];
	(v2sf) =	vpush v27, $0xF  }
0x554: {  	v29, _, _ =	vpop (xrf0);
	(xrf0) =	vmax.scan.msk.f32 $0xffff, v28;
	(v2sf) =	vpush v3, $0x1  }
0x555: {  	v27 =	vld [tilespmem:$0x1FF40];
	(v2sf) =	vpush v29, $0xF  }
0x556: {  	v24, _, _ =	vpop (xrf0);
	(xrf0) =	vmax.scan.msk.f32 $0xffff, v30;
	(v2sf) =	vpush v2, $0x1  }
0x557: {  	v29 =	vld [tilespmem:$0x1FEF0];
	(v2sf) =	vpush v24, $0xF  }
0x558: {  	(xrf0) =	vmax.scan.msk.f32 $0xffff, v25;
	v26, _, _ =	vpop (xrf0);
	(v2sf) =	vpush v4, $0x2  }
0x559: {  	v24 =	vld [tilespmem:$0x1FF00];
	(v2sf) =	vpush v26, $0xF  }
0x55a: {  	(xrf0) =	vmax.scan.msk.f32 $0xffff, v27;
	v28, _, _ =	vpop (xrf0);
	s4 =	spop (v2sf);
	(v2sf) =	vpush v3, $0x2  }
0x55b: {  	v26 =	vld [tilespmem:$0x1FF10];
	(v2sf) =	vpush v28, $0xF;
	s14 =	spop (v2sf)  }
0x55c: {  	(xrf0) =	vmax.scan.msk.f32 $0xffff, v29;
	v30, _, _ =	vpop (xrf0);
	s0 =	spop (v2sf);
	(v2sf) =	vpush v2, $0x2  }
0x55d: {  	(v2sf) =	vpush v30, $0xF;
	s10 =	spop (v2sf)  }
0x55e: {  	v28 =	vld [tilespmem:$0x1FF20];
	(xrf0) =	vmax.scan.msk.f32 $0xffff, v24;
	v25, _, _ =	vpop (xrf0);
	s5 =	spop (v2sf);
	(v2sf) =	vpush v4, $0x3  }
0x55f: {  	(v2sf) =	vpush v25, $0xF;
	s15 =	spop (v2sf)  }
0x560: {  	(xrf0) =	vmax.scan.msk.f32 $0xffff, v26;
	v27, _, _ =	vpop (xrf0);
	s1 =	spop (v2sf);
	(v2sf) =	vpush v3, $0x3  }
0x561: {  	v30 =	vld [tilespmem:$0x1FF30];
	(v2sf) =	vpush v27, $0xF;
	s11 =	spop (v2sf)  }
0x562: {  	v29, _, _ =	vpop (xrf0);
	s6 =	spop (v2sf);
	(v2sf) =	vpush v2, $0x3  }
0x563: {  	(xrf0) =	vmax.scan.msk.f32 $0xffff, v28;
	(v2sf) =	vpush v29, $0xF;
	s16 =	spop (v2sf)  }
0x564: {  	s4 =	ssub.f32 s4, s14;
	v25 =	vld [tilespmem:$0x1FEE0];
	v24, _, _ =	vpop (xrf0);
	s2 =	spop (v2sf);
	(v2sf) =	vpush v4, $0x4  }
0x565: {  	(v2sf) =	vpush v24, $0xF;
	s12 =	spop (v2sf)  }
0x566: {  	[smem:$0x7DE] =	sst s4;
	(xrf0) =	vmax.scan.msk.f32 $0xffff, v30;
	v26, _, _ =	vpop (xrf0);
	s7 =	spop (v2sf);
	(v2sf) =	vpush v3, $0x4  }
0x567: {  	s5 =	ssub.f32 s5, s15;
	(v2sf) =	vpush v26, $0xF;
	s17 =	spop (v2sf)  }
0x568: {  	s0 =	ssub.f32 s0, s10;
	s3 =	spop (v2sf);
	(v2sf) =	vpush v2, $0x4  }
0x569: {  	[smem:$0x7E7] =	sst s5;
	(xrf0) =	vmax.scan.msk.f32 $0xffff, v25;
	v27, _, _ =	vpop (xrf0);
	s13 =	spop (v2sf)  }
0x56a: {  	s14 =	ssub.f32 s1, s11;
	(v2sf) =	vpush v27, $0xF;
	s8 =	spop (v2sf)  }
0x56b: {  	s16 =	ssub.f32 s6, s16;
	(v2sf) =	vpush v4, $0x5;
	s19 =	spop (v2sf)  }
0x56c: {  	v29 =	vld [tilespmem:$0x1FEB0];
	[smem:$0x7E1] =	sst s14;
	(xrf0) =	vmax.scan.msk.f32 $0xffff, v32;
	v28, _, _ =	vpop (xrf0);
	s9 =	spop (v2sf)  }
0x56d: {  	[smem:$0x7E6] =	sst s16;
	(v2sf) =	vpush v28, $0xF;
	s20 =	spop (v2sf)  }
0x56e: {  	s1 =	ssub.f32 s7, s17;
	s18 =	spop (v2sf)  }
0x56f: {  	(xrf0) =	vmax.scan.msk.f32 $0xffff, v31;
	v31 =	vld [tilespmem:$0x1FEC0];
	v30, _, _ =	vpop (xrf0);
	s3 =	ssub.f32 s3, s13;
	(v2sf) =	vpush v3, $0x5;
	s23 =	spop (v2sf)  }
0x570: {  	[smem:$0x7E5] =	sst s1;
	(v2sf) =	vpush v30, $0xF;
	s24 =	spop (v2sf)  }
0x571: {  	(xrf0) =	vmax.scan.msk.f32 $0xffff, v29;
	[smem:$0x7EA] =	sst s3;
	s25 =	spop (v2sf)  }
0x572: {  	v24 =	vld [tilespmem:$0x1FED0];
	v32, _, _ =	vpop (xrf0);
	s5 =	ssub.f32 s8, s19;
	(v2sf) =	vpush v2, $0x5;
	s26 =	spop (v2sf)  }
0x573: {  	(v2sf) =	vpush v32, $0xF;
	s8 =	ssub.f32 s18, s23;
	s28 =	spop (v2sf)  }
0x574: {  	(xrf0) =	vmax.scan.msk.f32 $0xffff, v31;
	[smem:$0x7EF] =	sst s5;
	(v2sf) =	vpush v4, $0x6;
	s30 =	spop (v2sf)  }
0x575: {  	v26 =	vld [tilespmem:$0x1FEA0];
	v25, _, _ =	vpop (xrf0);
	[smem:$0x7EE] =	sst s8;
	s31 =	spop (v2sf)  }
0x576: {  	(v2sf) =	vpush v25, $0xF;
	s19 =	ssub.f32 s26, s28;
	s29 =	spop (v2sf)  }
0x577: {  	(xrf0) =	vmax.scan.msk.f32 $0xffff, v24;
	v27, _, _ =	vpop (xrf0);
	(v2sf) =	vpush v3, $0x6;
	[dreg:$0xf] =	wrdreg s29;
	s29 =	spop (v2sf)  }
0x578: {  	(v2sf) =	vpush v27, $0xF;
	[dreg:$0x10] =	wrdreg s29  }
0x579: {  	s29 =	spop (v2sf);
	s14 =	rddreg [dreg:$0xf]  }
0x57a: {  	(xrf0) =	vmax.scan.msk.f32 $0xffff, v26;
	v28, _, _ =	vpop (xrf0);
	(v2sf) =	vpush v2, $0x6;
	[dreg:$0x11] =	wrdreg s29;
	s29 =	spop (v2sf)  }
0x57b: {  	(v2sf) =	vpush v28, $0xF;
	[dreg:$0x12] =	wrdreg s29  }
0x57c: {  	(xrf0) =	vmax.scan.msk.f32 $0xffff, v38;
	s29 =	spop (v2sf);
	s17 =	rddreg [dreg:$0x11]  }
0x57d: {  	v29, _, _ =	vpop (xrf0);
	(v2sf) =	vpush v4, $0x7;
	[dreg:$0x13] =	wrdreg s29  }
0x57e: {  	(xrf0) =	vmax.scan.msk.f32 $0xffff, v37;
	(v2sf) =	vpush v29, $0xF;
	s29 =	spop (v2sf);
	s18 =	rddreg [dreg:$0x12]  }
0x57f: {  	[dreg:$0x14] =	wrdreg s29;
	s29 =	spop (v2sf)  }
0x580: {  	(xrf0) =	vmax.scan.msk.f32 $0xffff, v35;
	v30, _, _ =	vpop (xrf0);
	(v2sf) =	vpush v3, $0x7;
	[dreg:$0x15] =	wrdreg s29  }
0x581: {  	(v2sf) =	vpush v30, $0xF;
	s29 =	spop (v2sf);
	s23 =	rddreg [dreg:$0x14]  }
0x582: {  	(xrf0) =	vmax.scan.msk.f32 $0xffff, v36;
	v31, _, _ =	vpop (xrf0);
	(v2sf) =	vpush v2, $0x7;
	[dreg:$0x16] =	wrdreg s29;
	s29 =	spop (v2sf)  }
0x583: {  	(v2sf) =	vpush v31, $0xF;
	[dreg:$0x17] =	wrdreg s29;
	s29 =	spop (v2sf)  }
0x584: {  	(xrf0) =	vmax.scan.msk.f32 $0xffff, v34;
	v32, _, _ =	vpop (xrf0);
	(v2sf) =	vpush v4, $0x8;
	[dreg:$0x18] =	wrdreg s29  }
0x585: {  	(v2sf) =	vpush v32, $0xF;
	s29 =	spop (v2sf);
	s26 =	rddreg [dreg:$0x17]  }
0x586: {  	(xrf0) =	vmax.scan.msk.f32 $0xffff, v33;
	v34, _, _ =	vpop (xrf0);
	(v2sf) =	vpush v3, $0x8;
	[dreg:$0x19] =	wrdreg s29;
	s29 =	spop (v2sf)  }
0x587: {  	(v2sf) =	vpush v34, $0xF;
	[dreg:$0x1a] =	wrdreg s29;
	s29 =	spop (v2sf)  }
0x588: {  	(xrf0) =	vmax.scan.msk.f32 $0xffff, v44;
	v21, _, _ =	vpop (xrf0);
	(v2sf) =	vpush v2, $0x8;
	[dreg:$0x1b] =	wrdreg s29  }
0x589: {  	(v2sf) =	vpush v21, $0xF;
	s29 =	spop (v2sf);
	s3 =	rddreg [dreg:$0x1a]  }
0x58a: {  	(xrf0) =	vmax.scan.msk.f32 $0xffff, v43;
	v22, _, _ =	vpop (xrf0);
	(v2sf) =	vpush v4, $0x9;
	[dreg:$0x1c] =	wrdreg s29;
	s29 =	spop (v2sf)  }
0x58b: {  	(v2sf) =	vpush v22, $0xF;
	[dreg:$0x1d] =	wrdreg s29  }
0x58c: {  	v37, _, _ =	vpop (xrf0);
	(v2sf) =	vpush v3, $0x9;
	s29 =	spop (v2sf);
	s5 =	rddreg [dreg:$0x1c]  }
0x58d: {  	(xrf0) =	vmax.scan.msk.f32 $0xffff, v42;
	(v2sf) =	vpush v37, $0xF;
	[dreg:$0x1e] =	wrdreg s29;
	s29 =	spop (v2sf)  }
0x58e: {  	v35 =	vld [tilespmem:s22+$0x5000];
	v42, _, _ =	vpop (xrf0);
	(v2sf) =	vpush v2, $0x9;
	[dreg:$0x1f] =	wrdreg s29  }
0x58f: {  	(v2sf) =	vpush v42, $0xF;
	s29 =	spop (v2sf);
	s8 =	rddreg [dreg:$0x1e]  }
0x590: {  	v24, _, _ =	vpop (xrf0);
	[smem:$0x7CD] =	sst s29;
	(v2sf) =	vpush v4, $0xA;
	s29 =	spop (v2sf)  }
0x591: {  	(xrf0) =	vmax.scan.msk.f32 $0xffff, v41;
	[smem:$0x7CE] =	sst s29;
	(v2sf) =	vpush v24, $0xF;
	s29 =	spop (v2sf)  }
0x592: {  	v36 =	vld [tilespmem:s22+$0x6000];
	[smem:$0x7CF] =	sst s29;
	(v2sf) =	vpush v3, $0xA;
	s29 =	spop (v2sf)  }
0x593: {  	v23 =	vmul.f32 v35, v53;
	v53, _, _ =	vpop (xrf0);
	[smem:$0x7D0] =	sst s29;
	s29 =	spop (v2sf)  }
0x594: {  	(v2sf) =	vpush v53, $0xF;
	[smem:$0x7D1] =	sst s29;
	s29 =	spop (v2sf)  }
0x595: {  	(v2sf) =	vpush v2, $0xA;
	[smem:$0x7D2] =	sst s29;
	s29 =	spop (v2sf)  }
0x596: {  	v25 =	vld [tilespmem:s22+$0x0];
	[smem:$0x7D3] =	sst s29;
	s29 =	spop (v2sf)  }
0x597: {  	v27 =	vld [tilespmem:s22+$0x1000];
	v43 =	vmul.f32 v36, v54;
	(xrf0) =	vmax.scan.msk.f32 $0xffff, v40;
	v54, _, _ =	vpop (xrf0);
	[smem:$0x7D4] =	sst s29;
	s29 =	spop (v2sf)  }
0x598: {  	v28 =	vld [tilespmem:s22+$0x2000];
	(v2sf) =	vpush v54, $0xF;
	[smem:$0x7D5] =	sst s29;
	s29 =	spop (v2sf)  }
0x599: {  	v44 =	vld [tilespmem:s22+$0x3000];
	[smem:$0x7D6] =	sst s29;
	s22 =	spop (v2sf)  }
0x59a: {  	[smem:$0x7D7] =	sst s22;
	s29 =	spop (v2sf)  }
0x59b: {  	[smem:$0x7D8] =	sst s29;
	s22 =	spop (v2sf)  }
0x59c: {  	(v2sf) =	vpush v4, $0xB;
	[smem:$0x7D9] =	sst s22;
	s29 =	spop (v2sf)  }
0x59d: {  	v26, _, _ =	vpop (xrf0);
	[smem:$0x7DA] =	sst s29;
	s22 =	spop (v2sf)  }
0x59e: {  	(v2sf) =	vpush v26, $0xF;
	[smem:$0x7DB] =	sst s22;
	s29 =	spop (v2sf)  }
0x59f: {  	[smem:$0x7DC] =	sst s29;
	s22 =	spop (v2sf)  }
0x5a0: {  	[smem:$0x7DD] =	sst s22;
	s29 =	spop (v2sf)  }
0x5a1: {  	[smem:$0x7DF] =	sst s29;
	s22 =	spop (v2sf)  }
0x5a2: {  	[smem:$0x7E0] =	sst s22  }
0x5a3: {  	s29 =	spop (v2sf);
	s22 =	ssub.f32 s2, s12  }
0x5a4: {  	(xrf0) =	vmax.scan.msk.f32 $0xffff, v39;
	[smem:$0x7E3] =	sst s29;
	s4 =	spop (v2sf)  }
0x5a5: {  	[smem:$0x7E4] =	sst s4  }
0x5a6: {  	[smem:$0x7EB] =	sst s22  }
0x5a7: {  	(v2sf) =	vpush v3, $0xB;
	s10 =	spop (v2sf);
	s22 =	rddreg [dreg:$0x13]  }
0x5a8: {  	[smem:$0x7E8] =	sst s10  }
0x5a9: {  	s10 =	ssub.f32 s24, s25  }
0x5aa: {  	v38 =	vmul.f32 v17, v52;
	v29, _, _ =	vpop (xrf0);
	s24 =	rddreg [dreg:$0x15]  }
0x5ab: {  	v52 =	vmul.f32 v17, v47;
	v20 =	vmul.f32 v35, v46;
	(xrf0) =	vmax.scan.msk.f32 $0xffff, v50;
	(v2sf) =	vpush v29, $0xF;
	s15 =	spop (v2sf);
	s25 =	rddreg [dreg:$0x16]  }
0x5ac: {  	[smem:$0x7E9] =	sst s15  }
0x5ad: {  	v17 =	vadd.f32 v20, v52;
	v20 =	vld [tilespmem:s21+$0x2000];
	s21 =	spop (v2sf);
	s15 =	rddreg [dreg:$0x10]  }
0x5ae: {  	(xrf0) =	vmax.scan.msk.f32 $0xffff, v49;
	[smem:$0x7EC] =	sst s21  }
0x5af: {  	(v2sf) =	vpush v2, $0xB;
	[smem:$0x7F2] =	sst s10  }
0x5b0: {  	s21 =	ssub.f32 s14, s15  }
0x5b1: {  	v34, _, _ =	vpop (xrf0);
	s14 =	ssub.f32 s17, s18  }
0x5b2: {  	(v2sf) =	vpush v34, $0xF;
	s17 =	ssub.f32 s22, s23  }
0x5b3: {  	(xrf0) =	vmax.scan.msk.f32 $0xffff, v48;
	(v2sf) =	vpush v4, $0xC;
	s18 =	ssub.f32 s24, s25  }
0x5b4: {  	v18 =	vadd.f32 v19, v18;
	v37, _, _ =	vpop (xrf0);
	s15 =	sld [smem:$0x7CE]  }
0x5b5: {  	v22 =	vadd.f32 v23, v38;
	(v2sf) =	vpush v37, $0xF;
	s23 =	sld [smem:$0x7CF]  }
0x5b6: {  	v7 =	vmul.f32 v36, v7;
	s29 =	spop (v2sf);
	s24 =	sld [smem:$0x7D0]  }
0x5b7: {  	v18 =	vsub.f32 v51, v18;
	v22 =	vadd.f32 v43, v22;
	[smem:$0x7ED] =	sst s29  }
0x5b8: {  	v7 =	vadd.f32 v7, v17;
	(xrf0) =	vmax.scan.msk.f32 $0xffff, v45;
	(v2sf) =	vpush v3, $0xC;
	s29 =	ssub.f32 s9, s20  }
0x5b9: {  	v18 =	vsub.f32 v14, v18;
	v22 =	vsub.f32 v51, v22;
	v41, _, _ =	vpop (xrf0);
	s20 =	ssub.f32 s30, s31  }
0x5ba: {  	v33 =	vsub.f32 v6, v7;
	(v2sf) =	vpush v41, $0xF;
	s2 =	spop (v2sf);
	s30 =	rddreg [dreg:$0x18]  }
0x5bb: {  	vm0 =	vle.f32 v18, v63;
	v24 =	vsub.f32 v44, v22;
	(v2sf) =	vpush v2, $0xC;
	[smem:$0x7F0] =	sst s2  }
0x5bc: {  	v9 =	vmax.f32 v9, v15;
	v16 =	vsub.f32 v6, v16;
	v31 =	vnsel vm0, $0xFF7FC99E, v57;
	(xrf0) =	vmax.scan.msk.f32 $0xffff, v8;
	s10 =	ssub.f32 s26, s30  }
0x5bd: {  	v32 =	vnsel vm0, $0xFF7FC99E, v56;
	v6 =	vsub.f32 v44, v33;
	vm1 =	vle.f32 v24, v63;
	s2 =	rddreg [dreg:$0x19]  }
0x5be: {  	v35 =	vnsel vm0, $0xFF7FC99E, v20;
	v40 =	vmax.f32 v9, v31;
	(xrf0) =	vmax.scan.msk.f32 $0xffff, v5;
	v45, _, _ =	vpop (xrf0);
	v36 =	vnsel vm1, $0xFF7FC99E, v25;
	s4 =	spop (v2sf);
	s30 =	sld [smem:$0x7D1]  }
0x5bf: {  	vm0 =	vle.f32 v6, v58;
	v6 =	vmax.f32 v40, v36;
	(v2sf) =	vpush v45, $0xF;
	[smem:$0x7F1] =	sst s4  }
0x5c0: {  	v42 =	vmax.f32 v62, v13;
	(xrf0) =	vmax.scan.msk.f32 $0xffff, v6;
	s4 =	rddreg [dreg:$0x1b]  }
0x5c1: {  	v44 =	vmax.f32 v42, v32;
	v38 =	vnsel vm1, $0xFF7FC99E, v27;
	s6 =	spop (v2sf);
	s15 =	ssub.f32 s15, s23  }
0x5c2: {  	v48, _, _ =	vpop (xrf0);
	v7 =	vmax.f32 v44, v38;
	(v2sf) =	vpush v4, $0xD;
	[smem:$0x7F3] =	sst s6;
	s7 =	spop (v2sf)  }
0x5c3: {  	(xrf0) =	vmax.scan.msk.f32 $0xffff, v7;
	(v2sf) =	vpush v48, $0xF;
	[smem:$0x7F4] =	sst s7  }
0x5c4: {  	v10 =	vnsel vm15, $0xFF7FC99E, v10;
	v12 =	vnsel vm15, $0xFF7FC99E, v12;
	v51, _, _ =	vpop (xrf0);
	(v2sf) =	vpush v3, $0xD;
	s9 =	spop (v2sf);
	s7 =	rddreg [dreg:$0x1d]  }
0x5c5: {  	v30 =	vsub.f32 v14, v16;
	v43 =	vmax.f32 v61, v11;
	(v2sf) =	vpush v51, $0xF;
	[smem:$0x7F5] =	sst s9  }
0x5c6: {  	v5 =	vmax.f32 v43, v35;
	v39 =	vnsel vm1, $0xFF7FC99E, v28;
	v54, _, _ =	vpop (xrf0);
	(v2sf) =	vpush v2, $0xD;
	s7 =	ssub.f32 s7, s8  }
0x5c7: {  	vm15 =	vle.f32 v30, v58;
	v5 =	vmax.f32 v5, v39;
	(v2sf) =	vpush v54, $0xF;
	s11 =	spop (v2sf);
	s9 =	rddreg [dreg:$0x1f]  }
0x5c8: {  	v47 =	vmax.f32 v59, v12;
	v46 =	vmax.f32 v60, v10;
	v49 =	vnsel vm15, $0xFF7FC99E, v57;
	(xrf0) =	vmax.scan.msk.f32 $0xffff, v5;
	[smem:$0x7F6] =	sst s11  }
0x5c9: {  	v50 =	vnsel vm0, $0xFF7FC99E, v25;
	v7 =	vmax.f32 v46, v49;
	v59, _, _ =	vpop (xrf0);
	(v2sf) =	vpush v4, $0xE;
	s12 =	spop (v2sf);
	s11 =	sld [smem:$0x7CD]  }
0x5ca: {  	v52 =	vnsel vm15, $0xFF7FC99E, v56;
	v7 =	vmax.f32 v7, v50;
	(v2sf) =	vpush v59, $0xF;
	[smem:$0x7F7] =	sst s12;
	s13 =	spop (v2sf)  }
0x5cb: {  	v53 =	vnsel vm0, $0xFF7FC99E, v27;
	v5 =	vmax.f32 v47, v52;
	(xrf0) =	vmax.scan.msk.f32 $0xffff, v7;
	[smem:$0x7F8] =	sst s13  }
0x5cc: {  	v56 =	vnsel vm15, $0xFF7FC99E, v20;
	v5 =	vmax.f32 v5, v53;
	s13 =	ssub.f32 s2, s3  }
0x5cd: {  	v58 =	vmax.f32 v55, v56;
	v57 =	vnsel vm0, $0xFF7FC99E, v28;
	(xrf0) =	vmax.scan.msk.f32 $0xffff, v5;
	s2 =	sld [smem:$0x7D2]  }
0x5ce: {  	v6 =	vmax.f32 v58, v57;
	v60, _, _ =	vpop (xrf0);
	(v2sf) =	vpush v3, $0xE;
	s16 =	spop (v2sf);
	s3 =	sld [smem:$0x7D3]  }
0x5cf: {  	(xrf0) =	vmax.scan.msk.f32 $0xffff, v6;
	(v2sf) =	vpush v60, $0xF;
	[smem:$0x7F9] =	sst s16  }
0x5d0: {  	s16 =	ssub.f32 s4, s5  }
0x5d1: {  	v61, _, _ =	vpop (xrf0);
	(v2sf) =	vpush v2, $0xE;
	s28 =	spop (v2sf);
	s11 =	ssub.f32 s9, s11  }
0x5d2: {  	(v2sf) =	vpush v61, $0xF;
	s5 =	ssub.f32 s24, s30;
	s31 =	spop (v2sf)  }
0x5d3: {  	v62, _, _ =	vpop (xrf0);
	(v2sf) =	vpush v4, $0xF;
	s4 =	sld [smem:$0x7D4];
	s25 =	spop (v2sf)  }
0x5d4: {  	(v2sf) =	vpush v62, $0xF;
	s9 =	sld [smem:$0x7D6];
	s1 =	spop (v2sf)  }
0x5d5: {  	(v2sf) =	vpush v3, $0xF;
	v3, _, _ =	vpop (xrf0);
	s30 =	sld [smem:$0x7D7];
	s26 =	spop (v2sf)  }
0x5d6: {  	(v2sf) =	vpush v3, $0xF;
	s8 =	ssub.f32 s2, s3;
	s6 =	spop (v2sf)  }
0x5d7: {  	(v2sf) =	vpush v2, $0xF;
	[smem:$0x7FB] =	sst s6  }
0x5d8: {  	s22 =	spop (v2sf);
	s6 =	sld [smem:$0x7D5]  }
0x5d9: {  	[smem:$0x7FA] =	sst s1;
	s12 =	spop (v2sf)  }
0x5da: {  	[smem:$0x7FC] =	sst s12  }
0x5db: {  	s12 =	ssub.f32 s4, s6  }
0x5dc: {  	s4 =	ssub.f32 s9, s30  }
0x5dd: {  	s23 =	spop (v2sf);
	s6 =	sld [smem:$0x7D9]  }
0x5de: {  	s1 =	spop (v2sf);
	s9 =	sld [smem:$0x7DA]  }
0x5df: {  	[smem:$0x7FD] =	sst s1  }
0x5e0: {  	s24 =	spop (v2sf);
	s1 =	sld [smem:$0x7D8]  }
0x5e1: {  	s30 =	sld [smem:$0x7DB];
	s3 =	spop (v2sf)  }
0x5e2: {  	[smem:$0x7E2] =	sst s0;
	s2 =	spop (v2sf)  }
0x5e3: {  	s6 =	ssub.f32 s1, s6;
	s1 =	spop (v2sf)  }
0x5e4: {  	s9 =	ssub.f32 s9, s30;
	s30 =	spop (v2sf)  }
0x5e5: {  	s2 =	ssub.f32 s3, s2;
	s3 =	spop (v2sf)  }
0x5e6: {  	s0 =	ssub.f32 s1, s30;
	s30 =	spop (v2sf)  }
0x5e7: {  	s1 =	ssub.f32 s3, s30  }
0x5e8: {  	s3 =	sld [smem:$0x7DC]  }
0x5e9: {  	s30 =	sld [smem:$0x7DD];
	_ =	sdelay $0x2  }
0x5ea: {  	v2 =	vmov s2;
	s2 =	ssub.f32 s3, s30  }
0x5eb: {  	s30 =	sld [smem:$0x7DE];
	_ =	sdelay $0x1  }
0x5ec: {  	vm0 =	vcmask $0x300;
	s3 =	sld [smem:$0x7DF]  }
0x5ed: {  	v2 =	vsel vm0, s30, v2;
	s30 =	sld [smem:$0x7E0];
	_ =	sdelay $0x2  }
0x5ee: {  	v3 =	vmov s0;
	s0 =	ssub.f32 s3, s30  }
0x5ef: {  	s30 =	sld [smem:$0x7E1];
	_ =	sdelay $0x1  }
0x5f0: {  	vm1 =	vcmask $0x704  }
0x5f1: {  	v2 =	vsel vm1, s30, v2;
	s30 =	sld [smem:$0x7E2];
	_ =	sdelay $0x1  }
0x5f2: {  	s3 =	sld [smem:$0x7E3]  }
0x5f3: {  	v3 =	vsel vm0, s30, v3;
	s30 =	sld [smem:$0x7E4];
	_ =	sdelay $0x2  }
0x5f4: {  	v63 =	vmov s1;
	s1 =	ssub.f32 s3, s30  }
0x5f5: {  	s30 =	sld [smem:$0x7E5];
	_ =	sdelay $0x2  }
0x5f6: {  	v2 =	vsel vm2, s30, v2;
	s30 =	sld [smem:$0x7E6];
	_ =	sdelay $0x2  }
0x5f7: {  	v3 =	vsel vm1, s30, v3;
	s30 =	sld [smem:$0x7E7];
	_ =	sdelay $0x1  }
0x5f8: {  	s3 =	sld [smem:$0x7E8]  }
0x5f9: {  	v4 =	vsel vm0, s30, v63;
	s30 =	sld [smem:$0x7E9];
	_ =	sdelay $0x2  }
0x5fa: {  	s3 =	ssub.f32 s3, s30  }
0x5fb: {  	s30 =	sld [smem:$0x7EA];
	_ =	sdelay $0x2  }
0x5fc: {  	v3 =	vsel vm2, s30, v3;
	s30 =	sld [smem:$0x7EB];
	_ =	sdelay $0x1  }
0x5fd: {  	v2 =	vsel vm3, s29, v2;
	s29 =	sld [smem:$0x7EC]  }
0x5fe: {  	v4 =	vsel vm1, s30, v4;
	s30 =	sld [smem:$0x7ED];
	_ =	sdelay $0x2  }
0x5ff: {  	s29 =	ssub.f32 s29, s30  }
0x600: {  	s30 =	sld [smem:$0x7EE];
	_ =	sdelay $0x2  }
0x601: {  	v3 =	vsel vm3, s30, v3;
	s30 =	sld [smem:$0x7EF];
	_ =	sdelay $0x1  }
0x602: {  	v2 =	vsel vm4, s19, v2;
	s19 =	sld [smem:$0x7F0]  }
0x603: {  	v4 =	vsel vm2, s30, v4;
	s30 =	sld [smem:$0x7F1];
	_ =	sdelay $0x2  }
0x604: {  	s19 =	ssub.f32 s19, s30  }
0x605: {  	s30 =	sld [smem:$0x7F2]  }
0x606: {  	v3 =	vsel vm4, s20, v3;
	s20 =	sld [smem:$0x7F3]  }
0x607: {  	v3 =	vsel vm5, s17, v3;
	s17 =	sld [smem:$0x7F5]  }
0x608: {  	v4 =	vsel vm3, s30, v4;
	s30 =	sld [smem:$0x7F4]  }
0x609: {  	v4 =	vsel vm4, s21, v4;
	s21 =	sld [smem:$0x7F7]  }
0x60a: {  	v4 =	vsel vm5, s18, v4;
	s18 =	ssub.f32 s31, s25  }
0x60b: {  	s25 =	sld [smem:$0x7FC]  }
0x60c: {  	v2 =	vsel vm5, s14, v2;
	s14 =	ssub.f32 s20, s30  }
0x60d: {  	s20 =	sld [smem:$0x7F6]  }
0x60e: {  	s30 =	sld [smem:$0x7F8]  }
0x60f: {  	s31 =	rddreg [dreg:$0xc]  }
0x610: {  	v2 =	vsel vm6, s10, v2;
	s10 =	ssub.f32 s17, s20  }
0x611: {  	v2 =	vsel vm7, s7, v2;
	v3 =	vsel vm6, s13, v3;
	s7 =	ssub.f32 s21, s30  }
0x612: {  	v3 =	vsel vm7, s11, v3;
	v4 =	vsel vm6, s16, v4;
	s17 =	sld [smem:$0x7F9]  }
0x613: {  	v3 =	vsel vm8, s8, v3;
	v4 =	vsel vm7, s15, v4;
	s20 =	sld [smem:$0x7FA]  }
0x614: {  	v3 =	vsel vm9, s6, v3;
	v4 =	vsel vm8, s12, v4;
	s21 =	sld [smem:$0x7FB]  }
0x615: {  	v3 =	vsel vm10, s0, v3;
	v4 =	vsel vm9, s9, v4;
	s30 =	rddreg [dreg:$0xe]  }
0x616: {  	v2 =	vsel vm8, s5, v2;
	v3 =	vsel vm11, s29, v3;
	v4 =	vsel vm10, s1, v4;
	s1 =	ssub.f32 s25, s23  }
0x617: {  	v2 =	vsel vm9, s4, v2;
	v3 =	vsel vm12, s10, v3;
	s5 =	ssub.f32 s17, s28  }
0x618: {  	v2 =	vsel vm10, s2, v2;
	s2 =	ssub.f32 s20, s26;
	v3 =	vsel vm13, s18, v3  }
0x619: {  	v2 =	vsel vm11, s3, v2;
	s26 =	sld [smem:$0x7FD];
	v3 =	vsel vm14, s1, v3;
	s1 =	sadd.s32 $0x1, s31  }
0x61a: {  	v2 =	vsel vm12, s14, v2;
	s0 =	ssub.f32 s21, s22;
	p0 =	sne.s32 s1, $0x80  }
.Ltmp30:
0x61b: {  	v4 =	vsel vm11, s19, v4;
	s28 =	rddreg [dreg:$0xd];
	v2 =	vsel vm13, s5, v2;
	(pc) =	sbr.rel @p0 .LBB2_4-.Ltmp30, $4  }
.Ltmp31:
0x61c: {  	v4 =	vsel vm12, s7, v4;
	s29 =	sand.u32 $0x780, s28;
	s3 =	ssub.f32 s26, s24;
	v2 =	vsel vm14, s0, v2;
	(pc) =	sbr.rel @!p0 .LBB2_58-.Ltmp31, $4  }
0x61d: {  	v4 =	vsel vm13, s2, v4;
	s0 =	sor.u32 s30, s29;
	[tilespmem:s28+$0x7000] =	vst v2  }
0x61e: {  	v2 =	vsel vm14, s3, v4;
	[tilespmem:s0+$0x7800] =	vst v3  }
0x61f: {  	[tilespmem:s0+$0x8000] =	vst v2  }
0x620: {  	_ = 	snop  }
.LBB2_5:
.Ltmp32:
0x621: {  	v30 =	vimm.f32 $3.399999950e+38;
	v32 =	vimm.f32 $3.399999950e+38;
	(pc) =	sbr.rel .LBB2_11-.Ltmp32, $4  }
0x622: {  	v36 =	vimm.f32 $3.399999950e+38;
	v37 =	vimm.f32 $3.399999950e+38;
	v34 =	vimm.f32 $3.399999950e+38  }
0x623: {  	v35 =	vimm.f32 $3.399999950e+38;
	v39 =	vimm.f32 $3.399999950e+38;
	v38 =	vimm.f32 $3.399999950e+38  }
0x624: {  	v18 =	vimm.f32 $3.399999950e+38;
	v33 =	vimm.f32 $3.399999950e+38;
	v19 =	vimm.f32 $3.399999950e+38  }
0x625: {  	v22 =	vimm.f32 $3.399999950e+38;
	v24 =	vimm.f32 $3.399999950e+38;
	v25 =	vimm.f32 $3.399999950e+38  }
.LBB2_7:
.Ltmp33:
0x626: {  	v30 =	vimm.f32 $3.399999950e+38;
	v32 =	vimm.f32 $3.399999950e+38;
	(pc) =	sbr.rel .LBB2_11-.Ltmp33, $4  }
0x627: {  	v36 =	vimm.f32 $3.399999950e+38;
	v37 =	vimm.f32 $3.399999950e+38;
	v34 =	vimm.f32 $3.399999950e+38  }
0x628: {  	v35 =	vimm.f32 $3.399999950e+38;
	v39 =	vimm.f32 $3.399999950e+38;
	v38 =	vimm.f32 $3.399999950e+38  }
0x629: {  	v18 =	vimm.f32 $3.399999950e+38;
	v33 =	vimm.f32 $3.399999950e+38;
	v19 =	vimm.f32 $3.399999950e+38  }
0x62a: {  	v22 =	vimm.f32 $3.399999950e+38;
	v24 =	vimm.f32 $3.399999950e+38;
	v25 =	vimm.f32 $3.399999950e+38  }
.LBB2_9:
.Ltmp34:
0x62b: {  	(pc) =	sbr.rel .LBB2_11-.Ltmp34, $4  }
0x62c: {  	v30 =	vimm.f32 $3.399999950e+38  }
0x62d: {  	v32 =	vimm.f32 $3.399999950e+38;
	v36 =	vimm.f32 $3.399999950e+38;
	v37 =	vimm.f32 $3.399999950e+38  }
0x62e: {  	v40 =	vimm.f32 $3.399999950e+38;
	v34 =	vimm.f32 $3.399999950e+38;
	v35 =	vimm.f32 $3.399999950e+38  }
0x62f: {  	v39 =	vimm.f32 $3.399999950e+38;
	v38 =	vimm.f32 $3.399999950e+38;
	v33 =	vimm.f32 $3.399999950e+38  }
.LBB2_59:
0x630: {  	_ =	sfence.sel $0x180000  }
0x631: {  	[bflag:$0x0] =	sbarrier.arrive $0xFFFF  }
0x632: {  	_ =	strace $0x90000047  }
0x633: {  	s0 =	stileid.u32;
	[bflag:$0x2] =	sbarrier.arrive $0xFFFF  }
0x634: {  	p0 =	sne.s32 s0, $0x0;
	s0 =	rddreg [dreg:$0x2]  }
0x635: {  	s0 =	sadd.s32 @!p0 $0x100000, s0  }
0x636: {  	[sflag:s0] =	ssyncadd.tile.s32 @!p0 $0x1;
	_ =	shalt  }
.Lfunc_end2:
_tile_overlayer_lowered:
.L_overlay_start_2:
0x637: {  	(tag) =	ssettag $0x2  }
0x638: {  	s0 =	rddreg [dreg:$0x0];
	s2 =	stileid.u32  }
0x639: {  	s1 =	rddreg [dreg:$0x1];
	p0 =	sne.s32 s2, $0x0  }
0x63a: {  	s3 =	rddreg [dreg:$0x2];
	[bflag:$0x3] =	sbarrier.arrive $0xFFFF;
	s2 =	simm.s32 @!p0 $0x1C01  }
0x63b: {  	[timem:s3], [sflag:s2] =	dma.local @!p0 [hbm:s0], s1  }
0x63c: {  	s0 =	simm.s32 @!p0 $0x1  }
0x63d: {  	_ =	swait.ge @!p0 [sflag:s0], s1  }
0x63e: {  	s1 =	ssub.s32 @!p0 $0x0, s1;
	[sflag:s0] =	ssyncset.done @!p0 $0x0  }
0x63f: {  	[sflag:s0] =	ssyncadd.s32 @!p0 s1  }
0x640: {  	[bflag:$0x3] =	sbarrier.arrive $0xFFFF  }
0x641: {  	_ =	shalt  }

</sc_bundles>
